<compile_context>
chip_gen: v7x
topology: tpu7x:2x2x1
jax: 0.10.2.dev20260603
libtpu: 0.0.44.dev20260713+nightly
codegen_flags: <defaults>
</compile_context>

<pallas_src>
import functools

import jax
import jax.numpy as jnp
from jax.experimental import pallas as pl
from jax.experimental.pallas import tpu as pltpu

_ALPHA = 0.25
_GAMMA = 1.5
_CLS_EPS = 0.0001
_NEG_THR = 0.4
_POS_THR = 0.5

_LANES = 128
_NB = 4096


def _body(cls_ref, reg_ref, anc_ref, ann_ref, cls_out, reg_out, acc_ref,
          *, n_blocks, batch, n_boxes, n_cls, gb):
    j = pl.program_id(0)
    b = pl.program_id(1)

    @pl.when(j == 0)
    def _init():
        acc_ref[b, 0] = 0.0
        acc_ref[b, 1] = 0.0
        acc_ref[b, 2] = 0.0

    ax1 = anc_ref[0]
    ay1 = anc_ref[1]
    ax2 = anc_ref[2]
    ay2 = anc_ref[3]
    aw = ax2 - ax1
    ah = ay2 - ay1
    acx = ax1 + 0.5 * aw
    acy = ay1 + 0.5 * ah
    area_a = aw * ah

    best = jnp.full_like(ax1, -1.0)
    gx1 = jnp.zeros_like(ax1)
    gy1 = jnp.zeros_like(ax1)
    gx2 = jnp.zeros_like(ax1)
    gy2 = jnp.zeros_like(ax1)
    gcl = jnp.zeros_like(ax1)
    for mm in range(n_boxes):
        sx1 = ann_ref[0, 0, mm]
        sy1 = ann_ref[0, 1, mm]
        sx2 = ann_ref[0, 2, mm]
        sy2 = ann_ref[0, 3, mm]
        scl = ann_ref[0, 4, mm]
        iw = jnp.maximum(jnp.minimum(ax2, sx2) - jnp.maximum(ax1, sx1), 0.0)
        ih = jnp.maximum(jnp.minimum(ay2, sy2) - jnp.maximum(ay1, sy1), 0.0)
        inter = iw * ih
        ua = jnp.maximum(area_a + (sx2 - sx1) * (sy2 - sy1) - inter, 1e-8)
        iou = inter / ua
        upd = iou > best
        best = jnp.where(upd, iou, best)
        gx1 = jnp.where(upd, sx1, gx1)
        gy1 = jnp.where(upd, sy1, gy1)
        gx2 = jnp.where(upd, sx2, gx2)
        gy2 = jnp.where(upd, sy2, gy2)
        gcl = jnp.where(upd, scl, gcl)

    positive = best >= _POS_THR
    include = positive | (best < _NEG_THR)
    pos_f = positive.astype(jnp.float32)
    inc_f = include.astype(jnp.float32)
    cstar = gcl.astype(jnp.int32)

    s_acc = [jnp.zeros_like(ax1) for _ in range(4)]
    p_sel = jnp.zeros_like(ax1)
    for cc in range(n_cls):
        pc = jnp.clip(cls_ref[0, cc], _CLS_EPS, 1.0 - _CLS_EPS)
        s_acc[cc % 4] += (pc * jnp.sqrt(pc)) * (-jnp.log(1.0 - pc))
        p_sel = jnp.where(cstar == cc, pc, p_sel)
    s = ((s_acc[0] + s_acc[1]) + (s_acc[2] + s_acc[3])) * (1.0 - _ALPHA)

    q_sel = 1.0 - p_sel
    f1_sel = _ALPHA * (q_sel * jnp.sqrt(q_sel)) * (-jnp.log(p_sel))
    f0_sel = (1.0 - _ALPHA) * (p_sel * jnp.sqrt(p_sel)) * (-jnp.log(q_sel))

    cls_contrib = jnp.sum(s * inc_f + pos_f * (f1_sel - f0_sel))
    npos_blk = jnp.sum(pos_f)

    r0 = reg_ref[0, 0]
    r1 = reg_ref[0, 1]
    r2 = reg_ref[0, 2]
    r3 = reg_ref[0, 3]
    gw = gx2 - gx1
    gh = gy2 - gy1
    gcx = gx1 + 0.5 * gw
    gcy = gy1 + 0.5 * gh
    gw = jnp.maximum(gw, 1.0)
    gh = jnp.maximum(gh, 1.0)
    t0 = ((gcx - acx) / aw) / 0.1
    t1 = ((gcy - acy) / ah) / 0.1
    t2 = jnp.log(gw / aw) / 0.2
    t3 = jnp.log(gh / ah) / 0.2

    def _smooth_l1(t, rr):
        d = jnp.abs(t - rr)
        return jnp.where(d <= 1.0 / 9.0, 0.5 * 9.0 * d * d, d - 0.5 / 9.0)

    rl = (_smooth_l1(t0, r0) + _smooth_l1(t1, r1)
          + _smooth_l1(t2, r2) + _smooth_l1(t3, r3))
    reg_contrib = jnp.sum(rl * pos_f)

    acc_ref[b, 0] += cls_contrib
    acc_ref[b, 1] += reg_contrib
    acc_ref[b, 2] += npos_blk

    @pl.when((j == n_blocks - 1) & (b == batch - 1))
    def _finalize():
        cls_tot = 0.0
        reg_tot = 0.0
        for bb in range(batch):
            npos = acc_ref[bb, 2]
            den = jnp.maximum(npos, 1.0)
            cls_tot += acc_ref[bb, 0] / den
            reg_tot += jnp.where(npos > 0.0,
                                 acc_ref[bb, 1] / (4.0 * den), 0.0)
        cls_out[0, 0] = cls_tot / batch
        reg_out[0, 0] = reg_tot / batch


def kernel(classifications, regressions, anchors, annotations):
    batch, n, c = classifications.shape
    m = annotations.shape[1]
    nb = _NB
    g = n // _LANES
    gb = nb // _LANES
    n_blocks = n // nb

    cls_t = (jnp.transpose(classifications, (0, 2, 1))
             .reshape(batch, c, g, _LANES))
    reg_t = jnp.transpose(regressions, (0, 2, 1)).reshape(batch, 4, g, _LANES)
    anc_t = jnp.transpose(anchors[0], (1, 0)).reshape(4, g, _LANES)
    ann_t = jnp.transpose(annotations, (0, 2, 1))

    grid = (n_blocks, batch)
    body = functools.partial(_body, n_blocks=n_blocks, batch=batch,
                             n_boxes=m, n_cls=c, gb=gb)
    cls_out, reg_out = pl.pallas_call(
        body,
        grid=grid,
        in_specs=[
            pl.BlockSpec((1, c, gb, _LANES), lambda j, b: (b, 0, j, 0)),
            pl.BlockSpec((1, 4, gb, _LANES), lambda j, b: (b, 0, j, 0)),
            pl.BlockSpec((4, gb, _LANES), lambda j, b: (0, j, 0)),
            pl.BlockSpec((1, 5, m), lambda j, b: (b, 0, 0),
                         memory_space=pltpu.SMEM),
        ],
        out_specs=[
            pl.BlockSpec(memory_space=pltpu.SMEM),
            pl.BlockSpec(memory_space=pltpu.SMEM),
        ],
        out_shape=[
            jax.ShapeDtypeStruct((1, 1), jnp.float32),
            jax.ShapeDtypeStruct((1, 1), jnp.float32),
        ],
        scratch_shapes=[pltpu.SMEM((batch, 4), jnp.float32)],
        compiler_params=pltpu.CompilerParams(
            dimension_semantics=("arbitrary", "arbitrary")),
    )(cls_t, reg_t, anc_t, ann_t)
    return cls_out.reshape(1), reg_out.reshape(1)

# --- scband reference (transcript-rebuilt; emitter-appended) ---
"""Pipeline reference for scband-focal-loss-79774722556466 (READ-ONLY COPY).

The authoritative reference and input builder live on the scoring server;
editing this copy changes nothing except your own understanding.
"""

import jax, jax.numpy as jnp
import numpy as np

ALPHA, GAMMA, CLS_EPS, NEG_THR, POS_THR = 0.25, 1.5, 0.0001, 0.4, 0.5
B, N, C, M = 8, 98304, 80, 32


def setup_inputs(seed: int = 0):
    key = jax.random.key(seed)
    k1, k2, k3, k4, k5, k6, k7 = jax.random.split(key, 7)
    classifications = jax.random.uniform(k1, (B, N, C), minval=0.02, maxval=0.98, dtype=jnp.float32)
    regressions = jax.random.normal(k2, (B, N, 4), dtype=jnp.float32)
    # valid xyxy anchors (same for every batch element, as the module assumes)
    ctr = jax.random.uniform(k3, (N, 2), minval=32.0, maxval=992.0)
    wh = jax.random.uniform(k4, (N, 2), minval=16.0, maxval=128.0)
    anchor = jnp.concatenate([ctr - 0.5 * wh, ctr + 0.5 * wh], axis=1)
    anchors = jnp.broadcast_to(anchor[None], (B, N, 4)).astype(jnp.float32)
    # valid xyxyc annotations, class in [0, C)
    gctr = jax.random.uniform(k5, (B, M, 2), minval=64.0, maxval=960.0)
    gwh = jax.random.uniform(k6, (B, M, 2), minval=24.0, maxval=160.0)
    gcls = jax.random.randint(k7, (B, M, 1), 0, C).astype(jnp.float32)
    annotations = jnp.concatenate([gctr - 0.5 * gwh, gctr + 0.5 * gwh, gcls], axis=2).astype(jnp.float32)
    return {"classifications": classifications, "regressions": regressions, "anchors": anchors, "annotations": annotations}


def calc_iou(a, b):
    area_a = (a[:, 2] - a[:, 0]) * (a[:, 3] - a[:, 1])
    area_b = (b[:, 2] - b[:, 0]) * (b[:, 3] - b[:, 1])
    iw = jnp.minimum(a[:, 2][:, None], b[None, :, 2]) - jnp.maximum(a[:, 0][:, None], b[None, :, 0])
    ih = jnp.minimum(a[:, 3][:, None], b[None, :, 3]) - jnp.maximum(a[:, 1][:, None], b[None, :, 1])
    iw = jnp.maximum(iw, 0.0)
    ih = jnp.maximum(ih, 0.0)
    inter = iw * ih
    ua = jnp.maximum(area_a[:, None] + area_b[None, :] - inter, 1e-8)
    return inter / ua


def reference(classifications, regressions, anchors, annotations):
    anchor = anchors[0]
    aw = anchor[:, 2] - anchor[:, 0]
    ah = anchor[:, 3] - anchor[:, 1]
    acx = anchor[:, 0] + 0.5 * aw
    acy = anchor[:, 1] + 0.5 * ah
    cls_losses = []
    reg_losses = []
    for j in range(classifications.shape[0]):
        classification = jnp.clip(classifications[j], CLS_EPS, 1.0 - CLS_EPS)
        regression = regressions[j]
        bbox = annotations[j]
        valid = bbox[:, 4] != -1
        any_valid = jnp.any(valid)
        IoU = calc_iou(anchor, bbox[:, :4])
        IoU = jnp.where(valid[None, :], IoU, -1.0)
        IoU_max = jnp.max(IoU, axis=1)
        IoU_argmax = jnp.argmax(IoU, axis=1)
        targets = -jnp.ones_like(classification)
        targets = jnp.where((IoU_max < NEG_THR)[:, None], 0.0, targets)
        positive = IoU_max >= POS_THR
        num_pos = positive.sum()
        assigned = bbox[IoU_argmax]
        targets = jnp.where(positive[:, None], 0.0, targets)
        onehot = jax.nn.one_hot(assigned[:, 4].astype(jnp.int32), classification.shape[1])
        targets = jnp.where(positive[:, None] & (onehot == 1.0), 1.0, targets)
        alpha_factor = jnp.where(targets == 1.0, ALPHA, 1.0 - ALPHA)
        focal_weight = jnp.where(targets == 1.0, 1.0 - classification, classification)
        focal_weight = alpha_factor * focal_weight ** GAMMA
        bce = -(targets * jnp.log(classification) + (1.0 - targets) * jnp.log(1.0 - classification))
        cls_loss = jnp.where(targets != -1.0, focal_weight * bce, 0.0)
        cls_losses.append(jnp.where(any_valid, cls_loss.sum() / jnp.maximum(num_pos.astype(jnp.float32), 1.0), jnp.float32(0.0)))
        gw = assigned[:, 2] - assigned[:, 0]
        gh = assigned[:, 3] - assigned[:, 1]
        gcx = assigned[:, 0] + 0.5 * gw
        gcy = assigned[:, 1] + 0.5 * gh
        gw = jnp.maximum(gw, 1.0)
        gh = jnp.maximum(gh, 1.0)
        t = jnp.stack([(gcx - acx) / aw, (gcy - acy) / ah, jnp.log(gw / aw), jnp.log(gh / ah)]).T
        t = t / jnp.array([[0.1, 0.1, 0.2, 0.2]], dtype=jnp.float32)
        diff = jnp.abs(t - regression)
        rl = jnp.where(diff <= 1.0 / 9.0, 0.5 * 9.0 * diff ** 2, diff - 0.5 / 9.0)
        rl_sum = jnp.where(positive[:, None], rl, 0.0).sum()
        rl_mean = rl_sum / (4.0 * jnp.maximum(num_pos.astype(jnp.float32), 1.0))
        reg_losses.append(jnp.where(num_pos > 0, rl_mean, jnp.float32(0.0)))
    return (jnp.mean(jnp.stack(cls_losses), axis=0, keepdims=True), jnp.mean(jnp.stack(reg_losses), axis=0, keepdims=True))

if __name__ == "__main__":
    import jax
    _d = setup_inputs()
    print(jax.jit(kernel)(*tuple(_d.values())))

</pallas_src>

<mosaic_0001>
module attributes {stable_mosaic.version = 14 : i64} {
  func.func @_body(%arg0: i32, %arg1: i32, %arg2: memref<1x80x32x128xf32, #tpu.memory_space<vmem>>, %arg3: memref<1x4x32x128xf32, #tpu.memory_space<vmem>>, %arg4: memref<4x32x128xf32, #tpu.memory_space<vmem>>, %arg5: memref<1x5x32xf32, #tpu.memory_space<smem>>, %arg6: memref<1x1xf32, #tpu.memory_space<smem>>, %arg7: memref<1x1xf32, #tpu.memory_space<smem>>, %arg8: memref<8x4xf32, #tpu.memory_space<smem>>) attributes {dimension_semantics = [#tpu.dimension_semantics<arbitrary>, #tpu.dimension_semantics<arbitrary>], iteration_bounds = array<i64: 24, 8>, scalar_prefetch = 0 : i64, scratch_operands = 1 : i64, tpu.core_type = #tpu.core_type<tc>, window_params = [{transform_indices = @transform_0, window_bounds = array<i64: 1, 80, 32, 128>}, {transform_indices = @transform_1, window_bounds = array<i64: 1, 4, 32, 128>}, {transform_indices = @transform_2, window_bounds = array<i64: 4, 32, 128>}, {transform_indices = @transform_3, window_bounds = array<i64: 1, 5, 32>}, {transform_indices = @transform_4, window_bounds = array<i64: 1, 1>}, {transform_indices = @transform_5, window_bounds = array<i64: 1, 1>}]} {
    %eq3A = arith.constant 0 : i32
    %eq3A_0 = arith.cmpi eq, %arg0, %eq3A : i32
    %convert_element_type3A = arith.extui %eq3A_0 : i1 to i32
    %cond3A = arith.constant 0 : i32
    %cond3A_1 = arith.cmpi ne, %convert_element_type3A, %cond3A : i32
    scf.if %cond3A_1 {
      %swap3A_4286 = arith.constant 0.000000e+00 : f32
      %swap3A_4287 = arith.index_cast %arg1 : i32 to index
      %swap3A_4288 = arith.constant 0 : index
      %swap3A_4289 = memref.load %arg8[%swap3A_4287, %swap3A_4288] : memref<8x4xf32, #tpu.memory_space<smem>>
      memref.store %swap3A_4286, %arg8[%swap3A_4287, %swap3A_4288] : memref<8x4xf32, #tpu.memory_space<smem>>
      %swap3A_4290 = arith.constant 0.000000e+00 : f32
      %swap3A_4291 = arith.index_cast %arg1 : i32 to index
      %swap3A_4292 = arith.constant 1 : index
      %swap3A_4293 = memref.load %arg8[%swap3A_4291, %swap3A_4292] : memref<8x4xf32, #tpu.memory_space<smem>>
      memref.store %swap3A_4290, %arg8[%swap3A_4291, %swap3A_4292] : memref<8x4xf32, #tpu.memory_space<smem>>
      %swap3A_4294 = arith.constant 0.000000e+00 : f32
      %swap3A_4295 = arith.index_cast %arg1 : i32 to index
      %swap3A_4296 = arith.constant 2 : index
      %swap3A_4297 = memref.load %arg8[%swap3A_4295, %swap3A_4296] : memref<8x4xf32, #tpu.memory_space<smem>>
      memref.store %swap3A_4294, %arg8[%swap3A_4295, %swap3A_4296] : memref<8x4xf32, #tpu.memory_space<smem>>
    } else {
    }
    %get3A = arith.constant 0 : index
    %get3A_2 = arith.constant 0 : index
    %get3A_3 = arith.constant 0 : index
    %get3A_4 = vector.load %arg4[%get3A, %get3A_2, %get3A_3] : memref<4x32x128xf32, #tpu.memory_space<vmem>>, vector<1x32x128xf32>
    %get3A_5 = vector.shape_cast %get3A_4 : vector<1x32x128xf32> to vector<32x128xf32>
    %get3A_6 = arith.constant 1 : index
    %get3A_7 = arith.constant 0 : index
    %get3A_8 = arith.constant 0 : index
    %get3A_9 = vector.load %arg4[%get3A_6, %get3A_7, %get3A_8] : memref<4x32x128xf32, #tpu.memory_space<vmem>>, vector<1x32x128xf32>
    %get3A_10 = vector.shape_cast %get3A_9 : vector<1x32x128xf32> to vector<32x128xf32>
    %get3A_11 = arith.constant 2 : index
    %get3A_12 = arith.constant 0 : index
    %get3A_13 = arith.constant 0 : index
    %get3A_14 = vector.load %arg4[%get3A_11, %get3A_12, %get3A_13] : memref<4x32x128xf32, #tpu.memory_space<vmem>>, vector<1x32x128xf32>
    %get3A_15 = vector.shape_cast %get3A_14 : vector<1x32x128xf32> to vector<32x128xf32>
    %get3A_16 = arith.constant 3 : index
    %get3A_17 = arith.constant 0 : index
    %get3A_18 = arith.constant 0 : index
    %get3A_19 = vector.load %arg4[%get3A_16, %get3A_17, %get3A_18] : memref<4x32x128xf32, #tpu.memory_space<vmem>>, vector<1x32x128xf32>
    %get3A_20 = vector.shape_cast %get3A_19 : vector<1x32x128xf32> to vector<32x128xf32>
    %sub3A = arith.subf %get3A_15, %get3A_5 : vector<32x128xf32>
    %sub3A_21 = arith.subf %get3A_20, %get3A_10 : vector<32x128xf32>
    %mul3A = arith.constant 5.000000e-01 : f32
    %mul3A_22 = vector.broadcast %mul3A : f32 to vector<32x128xf32>
    %mul3A_23 = arith.mulf %mul3A_22, %sub3A : vector<32x128xf32>
    %add3A = arith.addf %get3A_5, %mul3A_23 : vector<32x128xf32>
    %mul3A_24 = arith.constant 5.000000e-01 : f32
    %mul3A_25 = vector.broadcast %mul3A_24 : f32 to vector<32x128xf32>
    %mul3A_26 = arith.mulf %mul3A_25, %sub3A_21 : vector<32x128xf32>
    %add3A_27 = arith.addf %get3A_10, %mul3A_26 : vector<32x128xf32>
    %mul3A_28 = arith.mulf %sub3A, %sub3A_21 : vector<32x128xf32>
    %broadcast_in_dim3A = arith.constant -1.000000e+00 : f32
    %broadcast_in_dim3A_29 = vector.broadcast %broadcast_in_dim3A : f32 to vector<32x128xf32>
    %broadcast_in_dim3A_30 = arith.constant 0.000000e+00 : f32
    %broadcast_in_dim3A_31 = vector.broadcast %broadcast_in_dim3A_30 : f32 to vector<32x128xf32>
    %broadcast_in_dim3A_32 = arith.constant 0.000000e+00 : f32
    %broadcast_in_dim3A_33 = vector.broadcast %broadcast_in_dim3A_32 : f32 to vector<32x128xf32>
    %broadcast_in_dim3A_34 = arith.constant 0.000000e+00 : f32
    %broadcast_in_dim3A_35 = vector.broadcast %broadcast_in_dim3A_34 : f32 to vector<32x128xf32>
    %broadcast_in_dim3A_36 = arith.constant 0.000000e+00 : f32
    %broadcast_in_dim3A_37 = vector.broadcast %broadcast_in_dim3A_36 : f32 to vector<32x128xf32>
    %broadcast_in_dim3A_38 = arith.constant 0.000000e+00 : f32
    %broadcast_in_dim3A_39 = vector.broadcast %broadcast_in_dim3A_38 : f32 to vector<32x128xf32>
    %get3A_40 = arith.constant 0 : index
    %get3A_41 = arith.constant 0 : index
    %get3A_42 = arith.constant 0 : index
    %get3A_43 = memref.load %arg5[%get3A_40, %get3A_41, %get3A_42] : memref<1x5x32xf32, #tpu.memory_space<smem>>
    %get3A_44 = arith.constant 0 : index
    %get3A_45 = arith.constant 1 : index
    %get3A_46 = arith.constant 0 : index
    %get3A_47 = memref.load %arg5[%get3A_44, %get3A_45, %get3A_46] : memref<1x5x32xf32, #tpu.memory_space<smem>>
    %get3A_48 = arith.constant 0 : index
    %get3A_49 = arith.constant 2 : index
    %get3A_50 = arith.constant 0 : index
    %get3A_51 = memref.load %arg5[%get3A_48, %get3A_49, %get3A_50] : memref<1x5x32xf32, #tpu.memory_space<smem>>
    %get3A_52 = arith.constant 0 : index
    %get3A_53 = arith.constant 3 : index
    %get3A_54 = arith.constant 0 : index
    %get3A_55 = memref.load %arg5[%get3A_52, %get3A_53, %get3A_54] : memref<1x5x32xf32, #tpu.memory_space<smem>>
    %get3A_56 = arith.constant 0 : index
    %get3A_57 = arith.constant 4 : index
    %get3A_58 = arith.constant 0 : index
    %get3A_59 = memref.load %arg5[%get3A_56, %get3A_57, %get3A_58] : memref<1x5x32xf32, #tpu.memory_space<smem>>
    %min3A = vector.broadcast %get3A_51 : f32 to vector<32x128xf32>
    %min3A_60 = arith.minimumf %get3A_15, %min3A : vector<32x128xf32>
    %max3A = vector.broadcast %get3A_43 : f32 to vector<32x128xf32>
    %max3A_61 = arith.maximumf %get3A_5, %max3A : vector<32x128xf32>
    %sub3A_62 = arith.subf %min3A_60, %max3A_61 : vector<32x128xf32>
    %max3A_63 = arith.constant 0.000000e+00 : f32
    %max3A_64 = vector.broadcast %max3A_63 : f32 to vector<32x128xf32>
    %max3A_65 = arith.maximumf %sub3A_62, %max3A_64 : vector<32x128xf32>
    %min3A_66 = vector.broadcast %get3A_55 : f32 to vector<32x128xf32>
    %min3A_67 = arith.minimumf %get3A_20, %min3A_66 : vector<32x128xf32>
    %max3A_68 = vector.broadcast %get3A_47 : f32 to vector<32x128xf32>
    %max3A_69 = arith.maximumf %get3A_10, %max3A_68 : vector<32x128xf32>
    %sub3A_70 = arith.subf %min3A_67, %max3A_69 : vector<32x128xf32>
    %max3A_71 = arith.constant 0.000000e+00 : f32
    %max3A_72 = vector.broadcast %max3A_71 : f32 to vector<32x128xf32>
    %max3A_73 = arith.maximumf %sub3A_70, %max3A_72 : vector<32x128xf32>
    %mul3A_74 = arith.mulf %max3A_65, %max3A_73 : vector<32x128xf32>
    %sub3A_75 = arith.subf %get3A_51, %get3A_43 : f32
    %sub3A_76 = arith.subf %get3A_55, %get3A_47 : f32
    %mul3A_77 = arith.mulf %sub3A_75, %sub3A_76 : f32
    %add3A_78 = vector.broadcast %mul3A_77 : f32 to vector<32x128xf32>
    %add3A_79 = arith.addf %mul3A_28, %add3A_78 : vector<32x128xf32>
    %sub3A_80 = arith.subf %add3A_79, %mul3A_74 : vector<32x128xf32>
    %max3A_81 = arith.constant 9.99999993E-9 : f32
    %max3A_82 = vector.broadcast %max3A_81 : f32 to vector<32x128xf32>
    %max3A_83 = arith.maximumf %sub3A_80, %max3A_82 : vector<32x128xf32>
    %div3A = arith.divf %mul3A_74, %max3A_83 : vector<32x128xf32>
    %gt3A = arith.cmpf ogt, %div3A, %broadcast_in_dim3A_29 : vector<32x128xf32>
    %select_n3A = arith.select %gt3A, %div3A, %broadcast_in_dim3A_29 : vector<32x128xi1>, vector<32x128xf32>
    %broadcast_in_dim3A_84 = vector.broadcast %get3A_43 : f32 to vector<32x128xf32>
    %select_n3A_85 = arith.select %gt3A, %broadcast_in_dim3A_84, %broadcast_in_dim3A_31 : vector<32x128xi1>, vector<32x128xf32>
    %broadcast_in_dim3A_86 = vector.broadcast %get3A_47 : f32 to vector<32x128xf32>
    %select_n3A_87 = arith.select %gt3A, %broadcast_in_dim3A_86, %broadcast_in_dim3A_33 : vector<32x128xi1>, vector<32x128xf32>
    %broadcast_in_dim3A_88 = vector.broadcast %get3A_51 : f32 to vector<32x128xf32>
    %select_n3A_89 = arith.select %gt3A, %broadcast_in_dim3A_88, %broadcast_in_dim3A_35 : vector<32x128xi1>, vector<32x128xf32>
    %broadcast_in_dim3A_90 = vector.broadcast %get3A_55 : f32 to vector<32x128xf32>
    %select_n3A_91 = arith.select %gt3A, %broadcast_in_dim3A_90, %broadcast_in_dim3A_37 : vector<32x128xi1>, vector<32x128xf32>
    %broadcast_in_dim3A_92 = vector.broadcast %get3A_59 : f32 to vector<32x128xf32>
    %select_n3A_93 = arith.select %gt3A, %broadcast_in_dim3A_92, %broadcast_in_dim3A_39 : vector<32x128xi1>, vector<32x128xf32>
    %get3A_94 = arith.constant 0 : index
    %get3A_95 = arith.constant 0 : index
    %get3A_96 = arith.constant 1 : index
    %get3A_97 = memref.load %arg5[%get3A_94, %get3A_95, %get3A_96] : memref<1x5x32xf32, #tpu.memory_space<smem>>
    %get3A_98 = arith.constant 0 : index
    %get3A_99 = arith.constant 1 : index
    %get3A_100 = arith.constant 1 : index
    %get3A_101 = memref.load %arg5[%get3A_98, %get3A_99, %get3A_100] : memref<1x5x32xf32, #tpu.memory_space<smem>>
    %get3A_102 = arith.constant 0 : index
    %get3A_103 = arith.constant 2 : index
    %get3A_104 = arith.constant 1 : index
    %get3A_105 = memref.load %arg5[%get3A_102, %get3A_103, %get3A_104] : memref<1x5x32xf32, #tpu.memory_space<smem>>
    %get3A_106 = arith.constant 0 : index
    %get3A_107 = arith.constant 3 : index
    %get3A_108 = arith.constant 1 : index
    %get3A_109 = memref.load %arg5[%get3A_106, %get3A_107, %get3A_108] : memref<1x5x32xf32, #tpu.memory_space<smem>>
    %get3A_110 = arith.constant 0 : index
    %get3A_111 = arith.constant 4 : index
    %get3A_112 = arith.constant 1 : index
    %get3A_113 = memref.load %arg5[%get3A_110, %get3A_111, %get3A_112] : memref<1x5x32xf32, #tpu.memory_space<smem>>
    %min3A_114 = vector.broadcast %get3A_105 : f32 to vector<32x128xf32>
    %min3A_115 = arith.minimumf %get3A_15, %min3A_114 : vector<32x128xf32>
    %max3A_116 = vector.broadcast %get3A_97 : f32 to vector<32x128xf32>
    %max3A_117 = arith.maximumf %get3A_5, %max3A_116 : vector<32x128xf32>
    %sub3A_118 = arith.subf %min3A_115, %max3A_117 : vector<32x128xf32>
    %max3A_119 = arith.constant 0.000000e+00 : f32
    %max3A_120 = vector.broadcast %max3A_119 : f32 to vector<32x128xf32>
    %max3A_121 = arith.maximumf %sub3A_118, %max3A_120 : vector<32x128xf32>
    %min3A_122 = vector.broadcast %get3A_109 : f32 to vector<32x128xf32>
    %min3A_123 = arith.minimumf %get3A_20, %min3A_122 : vector<32x128xf32>
    %max3A_124 = vector.broadcast %get3A_101 : f32 to vector<32x128xf32>
    %max3A_125 = arith.maximumf %get3A_10, %max3A_124 : vector<32x128xf32>
    %sub3A_126 = arith.subf %min3A_123, %max3A_125 : vector<32x128xf32>
    %max3A_127 = arith.constant 0.000000e+00 : f32
    %max3A_128 = vector.broadcast %max3A_127 : f32 to vector<32x128xf32>
    %max3A_129 = arith.maximumf %sub3A_126, %max3A_128 : vector<32x128xf32>
    %mul3A_130 = arith.mulf %max3A_121, %max3A_129 : vector<32x128xf32>
    %sub3A_131 = arith.subf %get3A_105, %get3A_97 : f32
    %sub3A_132 = arith.subf %get3A_109, %get3A_101 : f32
    %mul3A_133 = arith.mulf %sub3A_131, %sub3A_132 : f32
    %add3A_134 = vector.broadcast %mul3A_133 : f32 to vector<32x128xf32>
    %add3A_135 = arith.addf %mul3A_28, %add3A_134 : vector<32x128xf32>
    %sub3A_136 = arith.subf %add3A_135, %mul3A_130 : vector<32x128xf32>
    %max3A_137 = arith.constant 9.99999993E-9 : f32
    %max3A_138 = vector.broadcast %max3A_137 : f32 to vector<32x128xf32>
    %max3A_139 = arith.maximumf %sub3A_136, %max3A_138 : vector<32x128xf32>
    %div3A_140 = arith.divf %mul3A_130, %max3A_139 : vector<32x128xf32>
    %gt3A_141 = arith.cmpf ogt, %div3A_140, %select_n3A : vector<32x128xf32>
    %select_n3A_142 = arith.select %gt3A_141, %div3A_140, %select_n3A : vector<32x128xi1>, vector<32x128xf32>
    %broadcast_in_dim3A_143 = vector.broadcast %get3A_97 : f32 to vector<32x128xf32>
    %select_n3A_144 = arith.select %gt3A_141, %broadcast_in_dim3A_143, %select_n3A_85 : vector<32x128xi1>, vector<32x128xf32>
    %broadcast_in_dim3A_145 = vector.broadcast %get3A_101 : f32 to vector<32x128xf32>
    %select_n3A_146 = arith.select %gt3A_141, %broadcast_in_dim3A_145, %select_n3A_87 : vector<32x128xi1>, vector<32x128xf32>
    %broadcast_in_dim3A_147 = vector.broadcast %get3A_105 : f32 to vector<32x128xf32>
    %select_n3A_148 = arith.select %gt3A_141, %broadcast_in_dim3A_147, %select_n3A_89 : vector<32x128xi1>, vector<32x128xf32>
    %broadcast_in_dim3A_149 = vector.broadcast %get3A_109 : f32 to vector<32x128xf32>
    %select_n3A_150 = arith.select %gt3A_141, %broadcast_in_dim3A_149, %select_n3A_91 : vector<32x128xi1>, vector<32x128xf32>
    %broadcast_in_dim3A_151 = vector.broadcast %get3A_113 : f32 to vector<32x128xf32>
    %select_n3A_152 = arith.select %gt3A_141, %broadcast_in_dim3A_151, %select_n3A_93 : vector<32x128xi1>, vector<32x128xf32>
    %get3A_153 = arith.constant 0 : index
    %get3A_154 = arith.constant 0 : index
    %get3A_155 = arith.constant 2 : index
    %get3A_156 = memref.load %arg5[%get3A_153, %get3A_154, %get3A_155] : memref<1x5x32xf32, #tpu.memory_space<smem>>
    %get3A_157 = arith.constant 0 : index
    %get3A_158 = arith.constant 1 : index
    %get3A_159 = arith.constant 2 : index
    %get3A_160 = memref.load %arg5[%get3A_157, %get3A_158, %get3A_159] : memref<1x5x32xf32, #tpu.memory_space<smem>>
    %get3A_161 = arith.constant 0 : index
    %get3A_162 = arith.constant 2 : index
    %get3A_163 = arith.constant 2 : index
    %get3A_164 = memref.load %arg5[%get3A_161, %get3A_162, %get3A_163] : memref<1x5x32xf32, #tpu.memory_space<smem>>
    %get3A_165 = arith.constant 0 : index
    %get3A_166 = arith.constant 3 : index
    %get3A_167 = arith.constant 2 : index
    %get3A_168 = memref.load %arg5[%get3A_165, %get3A_166, %get3A_167] : memref<1x5x32xf32, #tpu.memory_space<smem>>
    %get3A_169 = arith.constant 0 : index
    %get3A_170 = arith.constant 4 : index
    %get3A_171 = arith.constant 2 : index
    %get3A_172 = memref.load %arg5[%get3A_169, %get3A_170, %get3A_171] : memref<1x5x32xf32, #tpu.memory_space<smem>>
    %min3A_173 = vector.broadcast %get3A_164 : f32 to vector<32x128xf32>
    %min3A_174 = arith.minimumf %get3A_15, %min3A_173 : vector<32x128xf32>
    %max3A_175 = vector.broadcast %get3A_156 : f32 to vector<32x128xf32>
    %max3A_176 = arith.maximumf %get3A_5, %max3A_175 : vector<32x128xf32>
    %sub3A_177 = arith.subf %min3A_174, %max3A_176 : vector<32x128xf32>
    %max3A_178 = arith.constant 0.000000e+00 : f32
    %max3A_179 = vector.broadcast %max3A_178 : f32 to vector<32x128xf32>
    %max3A_180 = arith.maximumf %sub3A_177, %max3A_179 : vector<32x128xf32>
    %min3A_181 = vector.broadcast %get3A_168 : f32 to vector<32x128xf32>
    %min3A_182 = arith.minimumf %get3A_20, %min3A_181 : vector<32x128xf32>
    %max3A_183 = vector.broadcast %get3A_160 : f32 to vector<32x128xf32>
    %max3A_184 = arith.maximumf %get3A_10, %max3A_183 : vector<32x128xf32>
    %sub3A_185 = arith.subf %min3A_182, %max3A_184 : vector<32x128xf32>
    %max3A_186 = arith.constant 0.000000e+00 : f32
    %max3A_187 = vector.broadcast %max3A_186 : f32 to vector<32x128xf32>
    %max3A_188 = arith.maximumf %sub3A_185, %max3A_187 : vector<32x128xf32>
    %mul3A_189 = arith.mulf %max3A_180, %max3A_188 : vector<32x128xf32>
    %sub3A_190 = arith.subf %get3A_164, %get3A_156 : f32
    %sub3A_191 = arith.subf %get3A_168, %get3A_160 : f32
    %mul3A_192 = arith.mulf %sub3A_190, %sub3A_191 : f32
    %add3A_193 = vector.broadcast %mul3A_192 : f32 to vector<32x128xf32>
    %add3A_194 = arith.addf %mul3A_28, %add3A_193 : vector<32x128xf32>
    %sub3A_195 = arith.subf %add3A_194, %mul3A_189 : vector<32x128xf32>
    %max3A_196 = arith.constant 9.99999993E-9 : f32
    %max3A_197 = vector.broadcast %max3A_196 : f32 to vector<32x128xf32>
    %max3A_198 = arith.maximumf %sub3A_195, %max3A_197 : vector<32x128xf32>
    %div3A_199 = arith.divf %mul3A_189, %max3A_198 : vector<32x128xf32>
    %gt3A_200 = arith.cmpf ogt, %div3A_199, %select_n3A_142 : vector<32x128xf32>
    %select_n3A_201 = arith.select %gt3A_200, %div3A_199, %select_n3A_142 : vector<32x128xi1>, vector<32x128xf32>
    %broadcast_in_dim3A_202 = vector.broadcast %get3A_156 : f32 to vector<32x128xf32>
    %select_n3A_203 = arith.select %gt3A_200, %broadcast_in_dim3A_202, %select_n3A_144 : vector<32x128xi1>, vector<32x128xf32>
    %broadcast_in_dim3A_204 = vector.broadcast %get3A_160 : f32 to vector<32x128xf32>
    %select_n3A_205 = arith.select %gt3A_200, %broadcast_in_dim3A_204, %select_n3A_146 : vector<32x128xi1>, vector<32x128xf32>
    %broadcast_in_dim3A_206 = vector.broadcast %get3A_164 : f32 to vector<32x128xf32>
    %select_n3A_207 = arith.select %gt3A_200, %broadcast_in_dim3A_206, %select_n3A_148 : vector<32x128xi1>, vector<32x128xf32>
    %broadcast_in_dim3A_208 = vector.broadcast %get3A_168 : f32 to vector<32x128xf32>
    %select_n3A_209 = arith.select %gt3A_200, %broadcast_in_dim3A_208, %select_n3A_150 : vector<32x128xi1>, vector<32x128xf32>
    %broadcast_in_dim3A_210 = vector.broadcast %get3A_172 : f32 to vector<32x128xf32>
    %select_n3A_211 = arith.select %gt3A_200, %broadcast_in_dim3A_210, %select_n3A_152 : vector<32x128xi1>, vector<32x128xf32>
    %get3A_212 = arith.constant 0 : index
    %get3A_213 = arith.constant 0 : index
    %get3A_214 = arith.constant 3 : index
    %get3A_215 = memref.load %arg5[%get3A_212, %get3A_213, %get3A_214] : memref<1x5x32xf32, #tpu.memory_space<smem>>
    %get3A_216 = arith.constant 0 : index
    %get3A_217 = arith.constant 1 : index
    %get3A_218 = arith.constant 3 : index
    %get3A_219 = memref.load %arg5[%get3A_216, %get3A_217, %get3A_218] : memref<1x5x32xf32, #tpu.memory_space<smem>>
    %get3A_220 = arith.constant 0 : index
    %get3A_221 = arith.constant 2 : index
    %get3A_222 = arith.constant 3 : index
    %get3A_223 = memref.load %arg5[%get3A_220, %get3A_221, %get3A_222] : memref<1x5x32xf32, #tpu.memory_space<smem>>
    %get3A_224 = arith.constant 0 : index
    %get3A_225 = arith.constant 3 : index
    %get3A_226 = arith.constant 3 : index
    %get3A_227 = memref.load %arg5[%get3A_224, %get3A_225, %get3A_226] : memref<1x5x32xf32, #tpu.memory_space<smem>>
    %get3A_228 = arith.constant 0 : index
    %get3A_229 = arith.constant 4 : index
    %get3A_230 = arith.constant 3 : index
    %get3A_231 = memref.load %arg5[%get3A_228, %get3A_229, %get3A_230] : memref<1x5x32xf32, #tpu.memory_space<smem>>
    %min3A_232 = vector.broadcast %get3A_223 : f32 to vector<32x128xf32>
    %min3A_233 = arith.minimumf %get3A_15, %min3A_232 : vector<32x128xf32>
    %max3A_234 = vector.broadcast %get3A_215 : f32 to vector<32x128xf32>
    %max3A_235 = arith.maximumf %get3A_5, %max3A_234 : vector<32x128xf32>
    %sub3A_236 = arith.subf %min3A_233, %max3A_235 : vector<32x128xf32>
    %max3A_237 = arith.constant 0.000000e+00 : f32
    %max3A_238 = vector.broadcast %max3A_237 : f32 to vector<32x128xf32>
    %max3A_239 = arith.maximumf %sub3A_236, %max3A_238 : vector<32x128xf32>
    %min3A_240 = vector.broadcast %get3A_227 : f32 to vector<32x128xf32>
    %min3A_241 = arith.minimumf %get3A_20, %min3A_240 : vector<32x128xf32>
    %max3A_242 = vector.broadcast %get3A_219 : f32 to vector<32x128xf32>
    %max3A_243 = arith.maximumf %get3A_10, %max3A_242 : vector<32x128xf32>
    %sub3A_244 = arith.subf %min3A_241, %max3A_243 : vector<32x128xf32>
    %max3A_245 = arith.constant 0.000000e+00 : f32
    %max3A_246 = vector.broadcast %max3A_245 : f32 to vector<32x128xf32>
    %max3A_247 = arith.maximumf %sub3A_244, %max3A_246 : vector<32x128xf32>
    %mul3A_248 = arith.mulf %max3A_239, %max3A_247 : vector<32x128xf32>
    %sub3A_249 = arith.subf %get3A_223, %get3A_215 : f32
    %sub3A_250 = arith.subf %get3A_227, %get3A_219 : f32
    %mul3A_251 = arith.mulf %sub3A_249, %sub3A_250 : f32
    %add3A_252 = vector.broadcast %mul3A_251 : f32 to vector<32x128xf32>
    %add3A_253 = arith.addf %mul3A_28, %add3A_252 : vector<32x128xf32>
    %sub3A_254 = arith.subf %add3A_253, %mul3A_248 : vector<32x128xf32>
    %max3A_255 = arith.constant 9.99999993E-9 : f32
    %max3A_256 = vector.broadcast %max3A_255 : f32 to vector<32x128xf32>
    %max3A_257 = arith.maximumf %sub3A_254, %max3A_256 : vector<32x128xf32>
    %div3A_258 = arith.divf %mul3A_248, %max3A_257 : vector<32x128xf32>
    %gt3A_259 = arith.cmpf ogt, %div3A_258, %select_n3A_201 : vector<32x128xf32>
    %select_n3A_260 = arith.select %gt3A_259, %div3A_258, %select_n3A_201 : vector<32x128xi1>, vector<32x128xf32>
    %broadcast_in_dim3A_261 = vector.broadcast %get3A_215 : f32 to vector<32x128xf32>
    %select_n3A_262 = arith.select %gt3A_259, %broadcast_in_dim3A_261, %select_n3A_203 : vector<32x128xi1>, vector<32x128xf32>
    %broadcast_in_dim3A_263 = vector.broadcast %get3A_219 : f32 to vector<32x128xf32>
    %select_n3A_264 = arith.select %gt3A_259, %broadcast_in_dim3A_263, %select_n3A_205 : vector<32x128xi1>, vector<32x128xf32>
    %broadcast_in_dim3A_265 = vector.broadcast %get3A_223 : f32 to vector<32x128xf32>
    %select_n3A_266 = arith.select %gt3A_259, %broadcast_in_dim3A_265, %select_n3A_207 : vector<32x128xi1>, vector<32x128xf32>
    %broadcast_in_dim3A_267 = vector.broadcast %get3A_227 : f32 to vector<32x128xf32>
    %select_n3A_268 = arith.select %gt3A_259, %broadcast_in_dim3A_267, %select_n3A_209 : vector<32x128xi1>, vector<32x128xf32>
    %broadcast_in_dim3A_269 = vector.broadcast %get3A_231 : f32 to vector<32x128xf32>
    %select_n3A_270 = arith.select %gt3A_259, %broadcast_in_dim3A_269, %select_n3A_211 : vector<32x128xi1>, vector<32x128xf32>
    %get3A_271 = arith.constant 0 : index
    %get3A_272 = arith.constant 0 : index
    %get3A_273 = arith.constant 4 : index
    %get3A_274 = memref.load %arg5[%get3A_271, %get3A_272, %get3A_273] : memref<1x5x32xf32, #tpu.memory_space<smem>>
    %get3A_275 = arith.constant 0 : index
    %get3A_276 = arith.constant 1 : index
    %get3A_277 = arith.constant 4 : index
    %get3A_278 = memref.load %arg5[%get3A_275, %get3A_276, %get3A_277] : memref<1x5x32xf32, #tpu.memory_space<smem>>
    %get3A_279 = arith.constant 0 : index
    %get3A_280 = arith.constant 2 : index
    %get3A_281 = arith.constant 4 : index
    %get3A_282 = memref.load %arg5[%get3A_279, %get3A_280, %get3A_281] : memref<1x5x32xf32, #tpu.memory_space<smem>>
    %get3A_283 = arith.constant 0 : index
    %get3A_284 = arith.constant 3 : index
    %get3A_285 = arith.constant 4 : index
    %get3A_286 = memref.load %arg5[%get3A_283, %get3A_284, %get3A_285] : memref<1x5x32xf32, #tpu.memory_space<smem>>
    %get3A_287 = arith.constant 0 : index
    %get3A_288 = arith.constant 4 : index
    %get3A_289 = arith.constant 4 : index
    %get3A_290 = memref.load %arg5[%get3A_287, %get3A_288, %get3A_289] : memref<1x5x32xf32, #tpu.memory_space<smem>>
    %min3A_291 = vector.broadcast %get3A_282 : f32 to vector<32x128xf32>
    %min3A_292 = arith.minimumf %get3A_15, %min3A_291 : vector<32x128xf32>
    %max3A_293 = vector.broadcast %get3A_274 : f32 to vector<32x128xf32>
    %max3A_294 = arith.maximumf %get3A_5, %max3A_293 : vector<32x128xf32>
    %sub3A_295 = arith.subf %min3A_292, %max3A_294 : vector<32x128xf32>
    %max3A_296 = arith.constant 0.000000e+00 : f32
    %max3A_297 = vector.broadcast %max3A_296 : f32 to vector<32x128xf32>
    %max3A_298 = arith.maximumf %sub3A_295, %max3A_297 : vector<32x128xf32>
    %min3A_299 = vector.broadcast %get3A_286 : f32 to vector<32x128xf32>
    %min3A_300 = arith.minimumf %get3A_20, %min3A_299 : vector<32x128xf32>
    %max3A_301 = vector.broadcast %get3A_278 : f32 to vector<32x128xf32>
    %max3A_302 = arith.maximumf %get3A_10, %max3A_301 : vector<32x128xf32>
    %sub3A_303 = arith.subf %min3A_300, %max3A_302 : vector<32x128xf32>
    %max3A_304 = arith.constant 0.000000e+00 : f32
    %max3A_305 = vector.broadcast %max3A_304 : f32 to vector<32x128xf32>
    %max3A_306 = arith.maximumf %sub3A_303, %max3A_305 : vector<32x128xf32>
    %mul3A_307 = arith.mulf %max3A_298, %max3A_306 : vector<32x128xf32>
    %sub3A_308 = arith.subf %get3A_282, %get3A_274 : f32
    %sub3A_309 = arith.subf %get3A_286, %get3A_278 : f32
    %mul3A_310 = arith.mulf %sub3A_308, %sub3A_309 : f32
    %add3A_311 = vector.broadcast %mul3A_310 : f32 to vector<32x128xf32>
    %add3A_312 = arith.addf %mul3A_28, %add3A_311 : vector<32x128xf32>
    %sub3A_313 = arith.subf %add3A_312, %mul3A_307 : vector<32x128xf32>
    %max3A_314 = arith.constant 9.99999993E-9 : f32
    %max3A_315 = vector.broadcast %max3A_314 : f32 to vector<32x128xf32>
    %max3A_316 = arith.maximumf %sub3A_313, %max3A_315 : vector<32x128xf32>
    %div3A_317 = arith.divf %mul3A_307, %max3A_316 : vector<32x128xf32>
    %gt3A_318 = arith.cmpf ogt, %div3A_317, %select_n3A_260 : vector<32x128xf32>
    %select_n3A_319 = arith.select %gt3A_318, %div3A_317, %select_n3A_260 : vector<32x128xi1>, vector<32x128xf32>
    %broadcast_in_dim3A_320 = vector.broadcast %get3A_274 : f32 to vector<32x128xf32>
    %select_n3A_321 = arith.select %gt3A_318, %broadcast_in_dim3A_320, %select_n3A_262 : vector<32x128xi1>, vector<32x128xf32>
    %broadcast_in_dim3A_322 = vector.broadcast %get3A_278 : f32 to vector<32x128xf32>
    %select_n3A_323 = arith.select %gt3A_318, %broadcast_in_dim3A_322, %select_n3A_264 : vector<32x128xi1>, vector<32x128xf32>
    %broadcast_in_dim3A_324 = vector.broadcast %get3A_282 : f32 to vector<32x128xf32>
    %select_n3A_325 = arith.select %gt3A_318, %broadcast_in_dim3A_324, %select_n3A_266 : vector<32x128xi1>, vector<32x128xf32>
    %broadcast_in_dim3A_326 = vector.broadcast %get3A_286 : f32 to vector<32x128xf32>
    %select_n3A_327 = arith.select %gt3A_318, %broadcast_in_dim3A_326, %select_n3A_268 : vector<32x128xi1>, vector<32x128xf32>
    %broadcast_in_dim3A_328 = vector.broadcast %get3A_290 : f32 to vector<32x128xf32>
    %select_n3A_329 = arith.select %gt3A_318, %broadcast_in_dim3A_328, %select_n3A_270 : vector<32x128xi1>, vector<32x128xf32>
    %get3A_330 = arith.constant 0 : index
    %get3A_331 = arith.constant 0 : index
    %get3A_332 = arith.constant 5 : index
    %get3A_333 = memref.load %arg5[%get3A_330, %get3A_331, %get3A_332] : memref<1x5x32xf32, #tpu.memory_space<smem>>
    %get3A_334 = arith.constant 0 : index
    %get3A_335 = arith.constant 1 : index
    %get3A_336 = arith.constant 5 : index
    %get3A_337 = memref.load %arg5[%get3A_334, %get3A_335, %get3A_336] : memref<1x5x32xf32, #tpu.memory_space<smem>>
    %get3A_338 = arith.constant 0 : index
    %get3A_339 = arith.constant 2 : index
    %get3A_340 = arith.constant 5 : index
    %get3A_341 = memref.load %arg5[%get3A_338, %get3A_339, %get3A_340] : memref<1x5x32xf32, #tpu.memory_space<smem>>
    %get3A_342 = arith.constant 0 : index
    %get3A_343 = arith.constant 3 : index
    %get3A_344 = arith.constant 5 : index
    %get3A_345 = memref.load %arg5[%get3A_342, %get3A_343, %get3A_344] : memref<1x5x32xf32, #tpu.memory_space<smem>>
    %get3A_346 = arith.constant 0 : index
    %get3A_347 = arith.constant 4 : index
    %get3A_348 = arith.constant 5 : index
    %get3A_349 = memref.load %arg5[%get3A_346, %get3A_347, %get3A_348] : memref<1x5x32xf32, #tpu.memory_space<smem>>
    %min3A_350 = vector.broadcast %get3A_341 : f32 to vector<32x128xf32>
    %min3A_351 = arith.minimumf %get3A_15, %min3A_350 : vector<32x128xf32>
    %max3A_352 = vector.broadcast %get3A_333 : f32 to vector<32x128xf32>
    %max3A_353 = arith.maximumf %get3A_5, %max3A_352 : vector<32x128xf32>
    %sub3A_354 = arith.subf %min3A_351, %max3A_353 : vector<32x128xf32>
    %max3A_355 = arith.constant 0.000000e+00 : f32
    %max3A_356 = vector.broadcast %max3A_355 : f32 to vector<32x128xf32>
    %max3A_357 = arith.maximumf %sub3A_354, %max3A_356 : vector<32x128xf32>
    %min3A_358 = vector.broadcast %get3A_345 : f32 to vector<32x128xf32>
    %min3A_359 = arith.minimumf %get3A_20, %min3A_358 : vector<32x128xf32>
    %max3A_360 = vector.broadcast %get3A_337 : f32 to vector<32x128xf32>
    %max3A_361 = arith.maximumf %get3A_10, %max3A_360 : vector<32x128xf32>
    %sub3A_362 = arith.subf %min3A_359, %max3A_361 : vector<32x128xf32>
    %max3A_363 = arith.constant 0.000000e+00 : f32
    %max3A_364 = vector.broadcast %max3A_363 : f32 to vector<32x128xf32>
    %max3A_365 = arith.maximumf %sub3A_362, %max3A_364 : vector<32x128xf32>
    %mul3A_366 = arith.mulf %max3A_357, %max3A_365 : vector<32x128xf32>
    %sub3A_367 = arith.subf %get3A_341, %get3A_333 : f32
    %sub3A_368 = arith.subf %get3A_345, %get3A_337 : f32
    %mul3A_369 = arith.mulf %sub3A_367, %sub3A_368 : f32
    %add3A_370 = vector.broadcast %mul3A_369 : f32 to vector<32x128xf32>
    %add3A_371 = arith.addf %mul3A_28, %add3A_370 : vector<32x128xf32>
    %sub3A_372 = arith.subf %add3A_371, %mul3A_366 : vector<32x128xf32>
    %max3A_373 = arith.constant 9.99999993E-9 : f32
    %max3A_374 = vector.broadcast %max3A_373 : f32 to vector<32x128xf32>
    %max3A_375 = arith.maximumf %sub3A_372, %max3A_374 : vector<32x128xf32>
    %div3A_376 = arith.divf %mul3A_366, %max3A_375 : vector<32x128xf32>
    %gt3A_377 = arith.cmpf ogt, %div3A_376, %select_n3A_319 : vector<32x128xf32>
    %select_n3A_378 = arith.select %gt3A_377, %div3A_376, %select_n3A_319 : vector<32x128xi1>, vector<32x128xf32>
    %broadcast_in_dim3A_379 = vector.broadcast %get3A_333 : f32 to vector<32x128xf32>
    %select_n3A_380 = arith.select %gt3A_377, %broadcast_in_dim3A_379, %select_n3A_321 : vector<32x128xi1>, vector<32x128xf32>
    %broadcast_in_dim3A_381 = vector.broadcast %get3A_337 : f32 to vector<32x128xf32>
    %select_n3A_382 = arith.select %gt3A_377, %broadcast_in_dim3A_381, %select_n3A_323 : vector<32x128xi1>, vector<32x128xf32>
    %broadcast_in_dim3A_383 = vector.broadcast %get3A_341 : f32 to vector<32x128xf32>
    %select_n3A_384 = arith.select %gt3A_377, %broadcast_in_dim3A_383, %select_n3A_325 : vector<32x128xi1>, vector<32x128xf32>
    %broadcast_in_dim3A_385 = vector.broadcast %get3A_345 : f32 to vector<32x128xf32>
    %select_n3A_386 = arith.select %gt3A_377, %broadcast_in_dim3A_385, %select_n3A_327 : vector<32x128xi1>, vector<32x128xf32>
    %broadcast_in_dim3A_387 = vector.broadcast %get3A_349 : f32 to vector<32x128xf32>
    %select_n3A_388 = arith.select %gt3A_377, %broadcast_in_dim3A_387, %select_n3A_329 : vector<32x128xi1>, vector<32x128xf32>
    %get3A_389 = arith.constant 0 : index
    %get3A_390 = arith.constant 0 : index
    %get3A_391 = arith.constant 6 : index
    %get3A_392 = memref.load %arg5[%get3A_389, %get3A_390, %get3A_391] : memref<1x5x32xf32, #tpu.memory_space<smem>>
    %get3A_393 = arith.constant 0 : index
    %get3A_394 = arith.constant 1 : index
    %get3A_395 = arith.constant 6 : index
    %get3A_396 = memref.load %arg5[%get3A_393, %get3A_394, %get3A_395] : memref<1x5x32xf32, #tpu.memory_space<smem>>
    %get3A_397 = arith.constant 0 : index
    %get3A_398 = arith.constant 2 : index
    %get3A_399 = arith.constant 6 : index
    %get3A_400 = memref.load %arg5[%get3A_397, %get3A_398, %get3A_399] : memref<1x5x32xf32, #tpu.memory_space<smem>>
    %get3A_401 = arith.constant 0 : index
    %get3A_402 = arith.constant 3 : index
    %get3A_403 = arith.constant 6 : index
    %get3A_404 = memref.load %arg5[%get3A_401, %get3A_402, %get3A_403] : memref<1x5x32xf32, #tpu.memory_space<smem>>
    %get3A_405 = arith.constant 0 : index
    %get3A_406 = arith.constant 4 : index
    %get3A_407 = arith.constant 6 : index
    %get3A_408 = memref.load %arg5[%get3A_405, %get3A_406, %get3A_407] : memref<1x5x32xf32, #tpu.memory_space<smem>>
    %min3A_409 = vector.broadcast %get3A_400 : f32 to vector<32x128xf32>
    %min3A_410 = arith.minimumf %get3A_15, %min3A_409 : vector<32x128xf32>
    %max3A_411 = vector.broadcast %get3A_392 : f32 to vector<32x128xf32>
    %max3A_412 = arith.maximumf %get3A_5, %max3A_411 : vector<32x128xf32>
    %sub3A_413 = arith.subf %min3A_410, %max3A_412 : vector<32x128xf32>
    %max3A_414 = arith.constant 0.000000e+00 : f32
    %max3A_415 = vector.broadcast %max3A_414 : f32 to vector<32x128xf32>
    %max3A_416 = arith.maximumf %sub3A_413, %max3A_415 : vector<32x128xf32>
    %min3A_417 = vector.broadcast %get3A_404 : f32 to vector<32x128xf32>
    %min3A_418 = arith.minimumf %get3A_20, %min3A_417 : vector<32x128xf32>
    %max3A_419 = vector.broadcast %get3A_396 : f32 to vector<32x128xf32>
    %max3A_420 = arith.maximumf %get3A_10, %max3A_419 : vector<32x128xf32>
    %sub3A_421 = arith.subf %min3A_418, %max3A_420 : vector<32x128xf32>
    %max3A_422 = arith.constant 0.000000e+00 : f32
    %max3A_423 = vector.broadcast %max3A_422 : f32 to vector<32x128xf32>
    %max3A_424 = arith.maximumf %sub3A_421, %max3A_423 : vector<32x128xf32>
    %mul3A_425 = arith.mulf %max3A_416, %max3A_424 : vector<32x128xf32>
    %sub3A_426 = arith.subf %get3A_400, %get3A_392 : f32
    %sub3A_427 = arith.subf %get3A_404, %get3A_396 : f32
    %mul3A_428 = arith.mulf %sub3A_426, %sub3A_427 : f32
    %add3A_429 = vector.broadcast %mul3A_428 : f32 to vector<32x128xf32>
    %add3A_430 = arith.addf %mul3A_28, %add3A_429 : vector<32x128xf32>
    %sub3A_431 = arith.subf %add3A_430, %mul3A_425 : vector<32x128xf32>
    %max3A_432 = arith.constant 9.99999993E-9 : f32
    %max3A_433 = vector.broadcast %max3A_432 : f32 to vector<32x128xf32>
    %max3A_434 = arith.maximumf %sub3A_431, %max3A_433 : vector<32x128xf32>
    %div3A_435 = arith.divf %mul3A_425, %max3A_434 : vector<32x128xf32>
    %gt3A_436 = arith.cmpf ogt, %div3A_435, %select_n3A_378 : vector<32x128xf32>
    %select_n3A_437 = arith.select %gt3A_436, %div3A_435, %select_n3A_378 : vector<32x128xi1>, vector<32x128xf32>
    %broadcast_in_dim3A_438 = vector.broadcast %get3A_392 : f32 to vector<32x128xf32>
    %select_n3A_439 = arith.select %gt3A_436, %broadcast_in_dim3A_438, %select_n3A_380 : vector<32x128xi1>, vector<32x128xf32>
    %broadcast_in_dim3A_440 = vector.broadcast %get3A_396 : f32 to vector<32x128xf32>
    %select_n3A_441 = arith.select %gt3A_436, %broadcast_in_dim3A_440, %select_n3A_382 : vector<32x128xi1>, vector<32x128xf32>
    %broadcast_in_dim3A_442 = vector.broadcast %get3A_400 : f32 to vector<32x128xf32>
    %select_n3A_443 = arith.select %gt3A_436, %broadcast_in_dim3A_442, %select_n3A_384 : vector<32x128xi1>, vector<32x128xf32>
    %broadcast_in_dim3A_444 = vector.broadcast %get3A_404 : f32 to vector<32x128xf32>
    %select_n3A_445 = arith.select %gt3A_436, %broadcast_in_dim3A_444, %select_n3A_386 : vector<32x128xi1>, vector<32x128xf32>
    %broadcast_in_dim3A_446 = vector.broadcast %get3A_408 : f32 to vector<32x128xf32>
    %select_n3A_447 = arith.select %gt3A_436, %broadcast_in_dim3A_446, %select_n3A_388 : vector<32x128xi1>, vector<32x128xf32>
    %get3A_448 = arith.constant 0 : index
    %get3A_449 = arith.constant 0 : index
    %get3A_450 = arith.constant 7 : index
    %get3A_451 = memref.load %arg5[%get3A_448, %get3A_449, %get3A_450] : memref<1x5x32xf32, #tpu.memory_space<smem>>
    %get3A_452 = arith.constant 0 : index
    %get3A_453 = arith.constant 1 : index
    %get3A_454 = arith.constant 7 : index
    %get3A_455 = memref.load %arg5[%get3A_452, %get3A_453, %get3A_454] : memref<1x5x32xf32, #tpu.memory_space<smem>>
    %get3A_456 = arith.constant 0 : index
    %get3A_457 = arith.constant 2 : index
    %get3A_458 = arith.constant 7 : index
    %get3A_459 = memref.load %arg5[%get3A_456, %get3A_457, %get3A_458] : memref<1x5x32xf32, #tpu.memory_space<smem>>
    %get3A_460 = arith.constant 0 : index
    %get3A_461 = arith.constant 3 : index
    %get3A_462 = arith.constant 7 : index
    %get3A_463 = memref.load %arg5[%get3A_460, %get3A_461, %get3A_462] : memref<1x5x32xf32, #tpu.memory_space<smem>>
    %get3A_464 = arith.constant 0 : index
    %get3A_465 = arith.constant 4 : index
    %get3A_466 = arith.constant 7 : index
    %get3A_467 = memref.load %arg5[%get3A_464, %get3A_465, %get3A_466] : memref<1x5x32xf32, #tpu.memory_space<smem>>
    %min3A_468 = vector.broadcast %get3A_459 : f32 to vector<32x128xf32>
    %min3A_469 = arith.minimumf %get3A_15, %min3A_468 : vector<32x128xf32>
    %max3A_470 = vector.broadcast %get3A_451 : f32 to vector<32x128xf32>
    %max3A_471 = arith.maximumf %get3A_5, %max3A_470 : vector<32x128xf32>
    %sub3A_472 = arith.subf %min3A_469, %max3A_471 : vector<32x128xf32>
    %max3A_473 = arith.constant 0.000000e+00 : f32
    %max3A_474 = vector.broadcast %max3A_473 : f32 to vector<32x128xf32>
    %max3A_475 = arith.maximumf %sub3A_472, %max3A_474 : vector<32x128xf32>
    %min3A_476 = vector.broadcast %get3A_463 : f32 to vector<32x128xf32>
    %min3A_477 = arith.minimumf %get3A_20, %min3A_476 : vector<32x128xf32>
    %max3A_478 = vector.broadcast %get3A_455 : f32 to vector<32x128xf32>
    %max3A_479 = arith.maximumf %get3A_10, %max3A_478 : vector<32x128xf32>
    %sub3A_480 = arith.subf %min3A_477, %max3A_479 : vector<32x128xf32>
    %max3A_481 = arith.constant 0.000000e+00 : f32
    %max3A_482 = vector.broadcast %max3A_481 : f32 to vector<32x128xf32>
    %max3A_483 = arith.maximumf %sub3A_480, %max3A_482 : vector<32x128xf32>
    %mul3A_484 = arith.mulf %max3A_475, %max3A_483 : vector<32x128xf32>
    %sub3A_485 = arith.subf %get3A_459, %get3A_451 : f32
    %sub3A_486 = arith.subf %get3A_463, %get3A_455 : f32
    %mul3A_487 = arith.mulf %sub3A_485, %sub3A_486 : f32
    %add3A_488 = vector.broadcast %mul3A_487 : f32 to vector<32x128xf32>
    %add3A_489 = arith.addf %mul3A_28, %add3A_488 : vector<32x128xf32>
    %sub3A_490 = arith.subf %add3A_489, %mul3A_484 : vector<32x128xf32>
    %max3A_491 = arith.constant 9.99999993E-9 : f32
    %max3A_492 = vector.broadcast %max3A_491 : f32 to vector<32x128xf32>
    %max3A_493 = arith.maximumf %sub3A_490, %max3A_492 : vector<32x128xf32>
    %div3A_494 = arith.divf %mul3A_484, %max3A_493 : vector<32x128xf32>
    %gt3A_495 = arith.cmpf ogt, %div3A_494, %select_n3A_437 : vector<32x128xf32>
    %select_n3A_496 = arith.select %gt3A_495, %div3A_494, %select_n3A_437 : vector<32x128xi1>, vector<32x128xf32>
    %broadcast_in_dim3A_497 = vector.broadcast %get3A_451 : f32 to vector<32x128xf32>
    %select_n3A_498 = arith.select %gt3A_495, %broadcast_in_dim3A_497, %select_n3A_439 : vector<32x128xi1>, vector<32x128xf32>
    %broadcast_in_dim3A_499 = vector.broadcast %get3A_455 : f32 to vector<32x128xf32>
    %select_n3A_500 = arith.select %gt3A_495, %broadcast_in_dim3A_499, %select_n3A_441 : vector<32x128xi1>, vector<32x128xf32>
    %broadcast_in_dim3A_501 = vector.broadcast %get3A_459 : f32 to vector<32x128xf32>
    %select_n3A_502 = arith.select %gt3A_495, %broadcast_in_dim3A_501, %select_n3A_443 : vector<32x128xi1>, vector<32x128xf32>
    %broadcast_in_dim3A_503 = vector.broadcast %get3A_463 : f32 to vector<32x128xf32>
    %select_n3A_504 = arith.select %gt3A_495, %broadcast_in_dim3A_503, %select_n3A_445 : vector<32x128xi1>, vector<32x128xf32>
    %broadcast_in_dim3A_505 = vector.broadcast %get3A_467 : f32 to vector<32x128xf32>
    %select_n3A_506 = arith.select %gt3A_495, %broadcast_in_dim3A_505, %select_n3A_447 : vector<32x128xi1>, vector<32x128xf32>
    %get3A_507 = arith.constant 0 : index
    %get3A_508 = arith.constant 0 : index
    %get3A_509 = arith.constant 8 : index
    %get3A_510 = memref.load %arg5[%get3A_507, %get3A_508, %get3A_509] : memref<1x5x32xf32, #tpu.memory_space<smem>>
    %get3A_511 = arith.constant 0 : index
    %get3A_512 = arith.constant 1 : index
    %get3A_513 = arith.constant 8 : index
    %get3A_514 = memref.load %arg5[%get3A_511, %get3A_512, %get3A_513] : memref<1x5x32xf32, #tpu.memory_space<smem>>
    %get3A_515 = arith.constant 0 : index
    %get3A_516 = arith.constant 2 : index
    %get3A_517 = arith.constant 8 : index
    %get3A_518 = memref.load %arg5[%get3A_515, %get3A_516, %get3A_517] : memref<1x5x32xf32, #tpu.memory_space<smem>>
    %get3A_519 = arith.constant 0 : index
    %get3A_520 = arith.constant 3 : index
    %get3A_521 = arith.constant 8 : index
    %get3A_522 = memref.load %arg5[%get3A_519, %get3A_520, %get3A_521] : memref<1x5x32xf32, #tpu.memory_space<smem>>
    %get3A_523 = arith.constant 0 : index
    %get3A_524 = arith.constant 4 : index
    %get3A_525 = arith.constant 8 : index
    %get3A_526 = memref.load %arg5[%get3A_523, %get3A_524, %get3A_525] : memref<1x5x32xf32, #tpu.memory_space<smem>>
    %min3A_527 = vector.broadcast %get3A_518 : f32 to vector<32x128xf32>
    %min3A_528 = arith.minimumf %get3A_15, %min3A_527 : vector<32x128xf32>
    %max3A_529 = vector.broadcast %get3A_510 : f32 to vector<32x128xf32>
    %max3A_530 = arith.maximumf %get3A_5, %max3A_529 : vector<32x128xf32>
    %sub3A_531 = arith.subf %min3A_528, %max3A_530 : vector<32x128xf32>
    %max3A_532 = arith.constant 0.000000e+00 : f32
    %max3A_533 = vector.broadcast %max3A_532 : f32 to vector<32x128xf32>
    %max3A_534 = arith.maximumf %sub3A_531, %max3A_533 : vector<32x128xf32>
    %min3A_535 = vector.broadcast %get3A_522 : f32 to vector<32x128xf32>
    %min3A_536 = arith.minimumf %get3A_20, %min3A_535 : vector<32x128xf32>
    %max3A_537 = vector.broadcast %get3A_514 : f32 to vector<32x128xf32>
    %max3A_538 = arith.maximumf %get3A_10, %max3A_537 : vector<32x128xf32>
    %sub3A_539 = arith.subf %min3A_536, %max3A_538 : vector<32x128xf32>
    %max3A_540 = arith.constant 0.000000e+00 : f32
    %max3A_541 = vector.broadcast %max3A_540 : f32 to vector<32x128xf32>
    %max3A_542 = arith.maximumf %sub3A_539, %max3A_541 : vector<32x128xf32>
    %mul3A_543 = arith.mulf %max3A_534, %max3A_542 : vector<32x128xf32>
    %sub3A_544 = arith.subf %get3A_518, %get3A_510 : f32
    %sub3A_545 = arith.subf %get3A_522, %get3A_514 : f32
    %mul3A_546 = arith.mulf %sub3A_544, %sub3A_545 : f32
    %add3A_547 = vector.broadcast %mul3A_546 : f32 to vector<32x128xf32>
    %add3A_548 = arith.addf %mul3A_28, %add3A_547 : vector<32x128xf32>
    %sub3A_549 = arith.subf %add3A_548, %mul3A_543 : vector<32x128xf32>
    %max3A_550 = arith.constant 9.99999993E-9 : f32
    %max3A_551 = vector.broadcast %max3A_550 : f32 to vector<32x128xf32>
    %max3A_552 = arith.maximumf %sub3A_549, %max3A_551 : vector<32x128xf32>
    %div3A_553 = arith.divf %mul3A_543, %max3A_552 : vector<32x128xf32>
    %gt3A_554 = arith.cmpf ogt, %div3A_553, %select_n3A_496 : vector<32x128xf32>
    %select_n3A_555 = arith.select %gt3A_554, %div3A_553, %select_n3A_496 : vector<32x128xi1>, vector<32x128xf32>
    %broadcast_in_dim3A_556 = vector.broadcast %get3A_510 : f32 to vector<32x128xf32>
    %select_n3A_557 = arith.select %gt3A_554, %broadcast_in_dim3A_556, %select_n3A_498 : vector<32x128xi1>, vector<32x128xf32>
    %broadcast_in_dim3A_558 = vector.broadcast %get3A_514 : f32 to vector<32x128xf32>
    %select_n3A_559 = arith.select %gt3A_554, %broadcast_in_dim3A_558, %select_n3A_500 : vector<32x128xi1>, vector<32x128xf32>
    %broadcast_in_dim3A_560 = vector.broadcast %get3A_518 : f32 to vector<32x128xf32>
    %select_n3A_561 = arith.select %gt3A_554, %broadcast_in_dim3A_560, %select_n3A_502 : vector<32x128xi1>, vector<32x128xf32>
    %broadcast_in_dim3A_562 = vector.broadcast %get3A_522 : f32 to vector<32x128xf32>
    %select_n3A_563 = arith.select %gt3A_554, %broadcast_in_dim3A_562, %select_n3A_504 : vector<32x128xi1>, vector<32x128xf32>
    %broadcast_in_dim3A_564 = vector.broadcast %get3A_526 : f32 to vector<32x128xf32>
    %select_n3A_565 = arith.select %gt3A_554, %broadcast_in_dim3A_564, %select_n3A_506 : vector<32x128xi1>, vector<32x128xf32>
    %get3A_566 = arith.constant 0 : index
    %get3A_567 = arith.constant 0 : index
    %get3A_568 = arith.constant 9 : index
    %get3A_569 = memref.load %arg5[%get3A_566, %get3A_567, %get3A_568] : memref<1x5x32xf32, #tpu.memory_space<smem>>
    %get3A_570 = arith.constant 0 : index
    %get3A_571 = arith.constant 1 : index
    %get3A_572 = arith.constant 9 : index
    %get3A_573 = memref.load %arg5[%get3A_570, %get3A_571, %get3A_572] : memref<1x5x32xf32, #tpu.memory_space<smem>>
    %get3A_574 = arith.constant 0 : index
    %get3A_575 = arith.constant 2 : index
    %get3A_576 = arith.constant 9 : index
    %get3A_577 = memref.load %arg5[%get3A_574, %get3A_575, %get3A_576] : memref<1x5x32xf32, #tpu.memory_space<smem>>
    %get3A_578 = arith.constant 0 : index
    %get3A_579 = arith.constant 3 : index
    %get3A_580 = arith.constant 9 : index
    %get3A_581 = memref.load %arg5[%get3A_578, %get3A_579, %get3A_580] : memref<1x5x32xf32, #tpu.memory_space<smem>>
    %get3A_582 = arith.constant 0 : index
    %get3A_583 = arith.constant 4 : index
    %get3A_584 = arith.constant 9 : index
    %get3A_585 = memref.load %arg5[%get3A_582, %get3A_583, %get3A_584] : memref<1x5x32xf32, #tpu.memory_space<smem>>
    %min3A_586 = vector.broadcast %get3A_577 : f32 to vector<32x128xf32>
    %min3A_587 = arith.minimumf %get3A_15, %min3A_586 : vector<32x128xf32>
    %max3A_588 = vector.broadcast %get3A_569 : f32 to vector<32x128xf32>
    %max3A_589 = arith.maximumf %get3A_5, %max3A_588 : vector<32x128xf32>
    %sub3A_590 = arith.subf %min3A_587, %max3A_589 : vector<32x128xf32>
    %max3A_591 = arith.constant 0.000000e+00 : f32
    %max3A_592 = vector.broadcast %max3A_591 : f32 to vector<32x128xf32>
    %max3A_593 = arith.maximumf %sub3A_590, %max3A_592 : vector<32x128xf32>
    %min3A_594 = vector.broadcast %get3A_581 : f32 to vector<32x128xf32>
    %min3A_595 = arith.minimumf %get3A_20, %min3A_594 : vector<32x128xf32>
    %max3A_596 = vector.broadcast %get3A_573 : f32 to vector<32x128xf32>
    %max3A_597 = arith.maximumf %get3A_10, %max3A_596 : vector<32x128xf32>
    %sub3A_598 = arith.subf %min3A_595, %max3A_597 : vector<32x128xf32>
    %max3A_599 = arith.constant 0.000000e+00 : f32
    %max3A_600 = vector.broadcast %max3A_599 : f32 to vector<32x128xf32>
    %max3A_601 = arith.maximumf %sub3A_598, %max3A_600 : vector<32x128xf32>
    %mul3A_602 = arith.mulf %max3A_593, %max3A_601 : vector<32x128xf32>
    %sub3A_603 = arith.subf %get3A_577, %get3A_569 : f32
    %sub3A_604 = arith.subf %get3A_581, %get3A_573 : f32
    %mul3A_605 = arith.mulf %sub3A_603, %sub3A_604 : f32
    %add3A_606 = vector.broadcast %mul3A_605 : f32 to vector<32x128xf32>
    %add3A_607 = arith.addf %mul3A_28, %add3A_606 : vector<32x128xf32>
    %sub3A_608 = arith.subf %add3A_607, %mul3A_602 : vector<32x128xf32>
    %max3A_609 = arith.constant 9.99999993E-9 : f32
    %max3A_610 = vector.broadcast %max3A_609 : f32 to vector<32x128xf32>
    %max3A_611 = arith.maximumf %sub3A_608, %max3A_610 : vector<32x128xf32>
    %div3A_612 = arith.divf %mul3A_602, %max3A_611 : vector<32x128xf32>
    %gt3A_613 = arith.cmpf ogt, %div3A_612, %select_n3A_555 : vector<32x128xf32>
    %select_n3A_614 = arith.select %gt3A_613, %div3A_612, %select_n3A_555 : vector<32x128xi1>, vector<32x128xf32>
    %broadcast_in_dim3A_615 = vector.broadcast %get3A_569 : f32 to vector<32x128xf32>
    %select_n3A_616 = arith.select %gt3A_613, %broadcast_in_dim3A_615, %select_n3A_557 : vector<32x128xi1>, vector<32x128xf32>
    %broadcast_in_dim3A_617 = vector.broadcast %get3A_573 : f32 to vector<32x128xf32>
    %select_n3A_618 = arith.select %gt3A_613, %broadcast_in_dim3A_617, %select_n3A_559 : vector<32x128xi1>, vector<32x128xf32>
    %broadcast_in_dim3A_619 = vector.broadcast %get3A_577 : f32 to vector<32x128xf32>
    %select_n3A_620 = arith.select %gt3A_613, %broadcast_in_dim3A_619, %select_n3A_561 : vector<32x128xi1>, vector<32x128xf32>
    %broadcast_in_dim3A_621 = vector.broadcast %get3A_581 : f32 to vector<32x128xf32>
    %select_n3A_622 = arith.select %gt3A_613, %broadcast_in_dim3A_621, %select_n3A_563 : vector<32x128xi1>, vector<32x128xf32>
    %broadcast_in_dim3A_623 = vector.broadcast %get3A_585 : f32 to vector<32x128xf32>
    %select_n3A_624 = arith.select %gt3A_613, %broadcast_in_dim3A_623, %select_n3A_565 : vector<32x128xi1>, vector<32x128xf32>
    %get3A_625 = arith.constant 0 : index
    %get3A_626 = arith.constant 0 : index
    %get3A_627 = arith.constant 10 : index
    %get3A_628 = memref.load %arg5[%get3A_625, %get3A_626, %get3A_627] : memref<1x5x32xf32, #tpu.memory_space<smem>>
    %get3A_629 = arith.constant 0 : index
    %get3A_630 = arith.constant 1 : index
    %get3A_631 = arith.constant 10 : index
    %get3A_632 = memref.load %arg5[%get3A_629, %get3A_630, %get3A_631] : memref<1x5x32xf32, #tpu.memory_space<smem>>
    %get3A_633 = arith.constant 0 : index
    %get3A_634 = arith.constant 2 : index
    %get3A_635 = arith.constant 10 : index
    %get3A_636 = memref.load %arg5[%get3A_633, %get3A_634, %get3A_635] : memref<1x5x32xf32, #tpu.memory_space<smem>>
    %get3A_637 = arith.constant 0 : index
    %get3A_638 = arith.constant 3 : index
    %get3A_639 = arith.constant 10 : index
    %get3A_640 = memref.load %arg5[%get3A_637, %get3A_638, %get3A_639] : memref<1x5x32xf32, #tpu.memory_space<smem>>
    %get3A_641 = arith.constant 0 : index
    %get3A_642 = arith.constant 4 : index
    %get3A_643 = arith.constant 10 : index
    %get3A_644 = memref.load %arg5[%get3A_641, %get3A_642, %get3A_643] : memref<1x5x32xf32, #tpu.memory_space<smem>>
    %min3A_645 = vector.broadcast %get3A_636 : f32 to vector<32x128xf32>
    %min3A_646 = arith.minimumf %get3A_15, %min3A_645 : vector<32x128xf32>
    %max3A_647 = vector.broadcast %get3A_628 : f32 to vector<32x128xf32>
    %max3A_648 = arith.maximumf %get3A_5, %max3A_647 : vector<32x128xf32>
    %sub3A_649 = arith.subf %min3A_646, %max3A_648 : vector<32x128xf32>
    %max3A_650 = arith.constant 0.000000e+00 : f32
    %max3A_651 = vector.broadcast %max3A_650 : f32 to vector<32x128xf32>
    %max3A_652 = arith.maximumf %sub3A_649, %max3A_651 : vector<32x128xf32>
    %min3A_653 = vector.broadcast %get3A_640 : f32 to vector<32x128xf32>
    %min3A_654 = arith.minimumf %get3A_20, %min3A_653 : vector<32x128xf32>
    %max3A_655 = vector.broadcast %get3A_632 : f32 to vector<32x128xf32>
    %max3A_656 = arith.maximumf %get3A_10, %max3A_655 : vector<32x128xf32>
    %sub3A_657 = arith.subf %min3A_654, %max3A_656 : vector<32x128xf32>
    %max3A_658 = arith.constant 0.000000e+00 : f32
    %max3A_659 = vector.broadcast %max3A_658 : f32 to vector<32x128xf32>
    %max3A_660 = arith.maximumf %sub3A_657, %max3A_659 : vector<32x128xf32>
    %mul3A_661 = arith.mulf %max3A_652, %max3A_660 : vector<32x128xf32>
    %sub3A_662 = arith.subf %get3A_636, %get3A_628 : f32
    %sub3A_663 = arith.subf %get3A_640, %get3A_632 : f32
    %mul3A_664 = arith.mulf %sub3A_662, %sub3A_663 : f32
    %add3A_665 = vector.broadcast %mul3A_664 : f32 to vector<32x128xf32>
    %add3A_666 = arith.addf %mul3A_28, %add3A_665 : vector<32x128xf32>
    %sub3A_667 = arith.subf %add3A_666, %mul3A_661 : vector<32x128xf32>
    %max3A_668 = arith.constant 9.99999993E-9 : f32
    %max3A_669 = vector.broadcast %max3A_668 : f32 to vector<32x128xf32>
    %max3A_670 = arith.maximumf %sub3A_667, %max3A_669 : vector<32x128xf32>
    %div3A_671 = arith.divf %mul3A_661, %max3A_670 : vector<32x128xf32>
    %gt3A_672 = arith.cmpf ogt, %div3A_671, %select_n3A_614 : vector<32x128xf32>
    %select_n3A_673 = arith.select %gt3A_672, %div3A_671, %select_n3A_614 : vector<32x128xi1>, vector<32x128xf32>
    %broadcast_in_dim3A_674 = vector.broadcast %get3A_628 : f32 to vector<32x128xf32>
    %select_n3A_675 = arith.select %gt3A_672, %broadcast_in_dim3A_674, %select_n3A_616 : vector<32x128xi1>, vector<32x128xf32>
    %broadcast_in_dim3A_676 = vector.broadcast %get3A_632 : f32 to vector<32x128xf32>
    %select_n3A_677 = arith.select %gt3A_672, %broadcast_in_dim3A_676, %select_n3A_618 : vector<32x128xi1>, vector<32x128xf32>
    %broadcast_in_dim3A_678 = vector.broadcast %get3A_636 : f32 to vector<32x128xf32>
    %select_n3A_679 = arith.select %gt3A_672, %broadcast_in_dim3A_678, %select_n3A_620 : vector<32x128xi1>, vector<32x128xf32>
    %broadcast_in_dim3A_680 = vector.broadcast %get3A_640 : f32 to vector<32x128xf32>
    %select_n3A_681 = arith.select %gt3A_672, %broadcast_in_dim3A_680, %select_n3A_622 : vector<32x128xi1>, vector<32x128xf32>
    %broadcast_in_dim3A_682 = vector.broadcast %get3A_644 : f32 to vector<32x128xf32>
    %select_n3A_683 = arith.select %gt3A_672, %broadcast_in_dim3A_682, %select_n3A_624 : vector<32x128xi1>, vector<32x128xf32>
    %get3A_684 = arith.constant 0 : index
    %get3A_685 = arith.constant 0 : index
    %get3A_686 = arith.constant 11 : index
    %get3A_687 = memref.load %arg5[%get3A_684, %get3A_685, %get3A_686] : memref<1x5x32xf32, #tpu.memory_space<smem>>
    %get3A_688 = arith.constant 0 : index
    %get3A_689 = arith.constant 1 : index
    %get3A_690 = arith.constant 11 : index
    %get3A_691 = memref.load %arg5[%get3A_688, %get3A_689, %get3A_690] : memref<1x5x32xf32, #tpu.memory_space<smem>>
    %get3A_692 = arith.constant 0 : index
    %get3A_693 = arith.constant 2 : index
    %get3A_694 = arith.constant 11 : index
    %get3A_695 = memref.load %arg5[%get3A_692, %get3A_693, %get3A_694] : memref<1x5x32xf32, #tpu.memory_space<smem>>
    %get3A_696 = arith.constant 0 : index
    %get3A_697 = arith.constant 3 : index
    %get3A_698 = arith.constant 11 : index
    %get3A_699 = memref.load %arg5[%get3A_696, %get3A_697, %get3A_698] : memref<1x5x32xf32, #tpu.memory_space<smem>>
    %get3A_700 = arith.constant 0 : index
    %get3A_701 = arith.constant 4 : index
    %get3A_702 = arith.constant 11 : index
    %get3A_703 = memref.load %arg5[%get3A_700, %get3A_701, %get3A_702] : memref<1x5x32xf32, #tpu.memory_space<smem>>
    %min3A_704 = vector.broadcast %get3A_695 : f32 to vector<32x128xf32>
    %min3A_705 = arith.minimumf %get3A_15, %min3A_704 : vector<32x128xf32>
    %max3A_706 = vector.broadcast %get3A_687 : f32 to vector<32x128xf32>
    %max3A_707 = arith.maximumf %get3A_5, %max3A_706 : vector<32x128xf32>
    %sub3A_708 = arith.subf %min3A_705, %max3A_707 : vector<32x128xf32>
    %max3A_709 = arith.constant 0.000000e+00 : f32
    %max3A_710 = vector.broadcast %max3A_709 : f32 to vector<32x128xf32>
    %max3A_711 = arith.maximumf %sub3A_708, %max3A_710 : vector<32x128xf32>
    %min3A_712 = vector.broadcast %get3A_699 : f32 to vector<32x128xf32>
    %min3A_713 = arith.minimumf %get3A_20, %min3A_712 : vector<32x128xf32>
    %max3A_714 = vector.broadcast %get3A_691 : f32 to vector<32x128xf32>
    %max3A_715 = arith.maximumf %get3A_10, %max3A_714 : vector<32x128xf32>
    %sub3A_716 = arith.subf %min3A_713, %max3A_715 : vector<32x128xf32>
    %max3A_717 = arith.constant 0.000000e+00 : f32
    %max3A_718 = vector.broadcast %max3A_717 : f32 to vector<32x128xf32>
    %max3A_719 = arith.maximumf %sub3A_716, %max3A_718 : vector<32x128xf32>
    %mul3A_720 = arith.mulf %max3A_711, %max3A_719 : vector<32x128xf32>
    %sub3A_721 = arith.subf %get3A_695, %get3A_687 : f32
    %sub3A_722 = arith.subf %get3A_699, %get3A_691 : f32
    %mul3A_723 = arith.mulf %sub3A_721, %sub3A_722 : f32
    %add3A_724 = vector.broadcast %mul3A_723 : f32 to vector<32x128xf32>
    %add3A_725 = arith.addf %mul3A_28, %add3A_724 : vector<32x128xf32>
    %sub3A_726 = arith.subf %add3A_725, %mul3A_720 : vector<32x128xf32>
    %max3A_727 = arith.constant 9.99999993E-9 : f32
    %max3A_728 = vector.broadcast %max3A_727 : f32 to vector<32x128xf32>
    %max3A_729 = arith.maximumf %sub3A_726, %max3A_728 : vector<32x128xf32>
    %div3A_730 = arith.divf %mul3A_720, %max3A_729 : vector<32x128xf32>
    %gt3A_731 = arith.cmpf ogt, %div3A_730, %select_n3A_673 : vector<32x128xf32>
    %select_n3A_732 = arith.select %gt3A_731, %div3A_730, %select_n3A_673 : vector<32x128xi1>, vector<32x128xf32>
    %broadcast_in_dim3A_733 = vector.broadcast %get3A_687 : f32 to vector<32x128xf32>
    %select_n3A_734 = arith.select %gt3A_731, %broadcast_in_dim3A_733, %select_n3A_675 : vector<32x128xi1>, vector<32x128xf32>
    %broadcast_in_dim3A_735 = vector.broadcast %get3A_691 : f32 to vector<32x128xf32>
    %select_n3A_736 = arith.select %gt3A_731, %broadcast_in_dim3A_735, %select_n3A_677 : vector<32x128xi1>, vector<32x128xf32>
    %broadcast_in_dim3A_737 = vector.broadcast %get3A_695 : f32 to vector<32x128xf32>
    %select_n3A_738 = arith.select %gt3A_731, %broadcast_in_dim3A_737, %select_n3A_679 : vector<32x128xi1>, vector<32x128xf32>
    %broadcast_in_dim3A_739 = vector.broadcast %get3A_699 : f32 to vector<32x128xf32>
    %select_n3A_740 = arith.select %gt3A_731, %broadcast_in_dim3A_739, %select_n3A_681 : vector<32x128xi1>, vector<32x128xf32>
    %broadcast_in_dim3A_741 = vector.broadcast %get3A_703 : f32 to vector<32x128xf32>
    %select_n3A_742 = arith.select %gt3A_731, %broadcast_in_dim3A_741, %select_n3A_683 : vector<32x128xi1>, vector<32x128xf32>
    %get3A_743 = arith.constant 0 : index
    %get3A_744 = arith.constant 0 : index
    %get3A_745 = arith.constant 12 : index
    %get3A_746 = memref.load %arg5[%get3A_743, %get3A_744, %get3A_745] : memref<1x5x32xf32, #tpu.memory_space<smem>>
    %get3A_747 = arith.constant 0 : index
    %get3A_748 = arith.constant 1 : index
    %get3A_749 = arith.constant 12 : index
    %get3A_750 = memref.load %arg5[%get3A_747, %get3A_748, %get3A_749] : memref<1x5x32xf32, #tpu.memory_space<smem>>
    %get3A_751 = arith.constant 0 : index
    %get3A_752 = arith.constant 2 : index
    %get3A_753 = arith.constant 12 : index
    %get3A_754 = memref.load %arg5[%get3A_751, %get3A_752, %get3A_753] : memref<1x5x32xf32, #tpu.memory_space<smem>>
    %get3A_755 = arith.constant 0 : index
    %get3A_756 = arith.constant 3 : index
    %get3A_757 = arith.constant 12 : index
    %get3A_758 = memref.load %arg5[%get3A_755, %get3A_756, %get3A_757] : memref<1x5x32xf32, #tpu.memory_space<smem>>
    %get3A_759 = arith.constant 0 : index
    %get3A_760 = arith.constant 4 : index
    %get3A_761 = arith.constant 12 : index
    %get3A_762 = memref.load %arg5[%get3A_759, %get3A_760, %get3A_761] : memref<1x5x32xf32, #tpu.memory_space<smem>>
    %min3A_763 = vector.broadcast %get3A_754 : f32 to vector<32x128xf32>
    %min3A_764 = arith.minimumf %get3A_15, %min3A_763 : vector<32x128xf32>
    %max3A_765 = vector.broadcast %get3A_746 : f32 to vector<32x128xf32>
    %max3A_766 = arith.maximumf %get3A_5, %max3A_765 : vector<32x128xf32>
    %sub3A_767 = arith.subf %min3A_764, %max3A_766 : vector<32x128xf32>
    %max3A_768 = arith.constant 0.000000e+00 : f32
    %max3A_769 = vector.broadcast %max3A_768 : f32 to vector<32x128xf32>
    %max3A_770 = arith.maximumf %sub3A_767, %max3A_769 : vector<32x128xf32>
    %min3A_771 = vector.broadcast %get3A_758 : f32 to vector<32x128xf32>
    %min3A_772 = arith.minimumf %get3A_20, %min3A_771 : vector<32x128xf32>
    %max3A_773 = vector.broadcast %get3A_750 : f32 to vector<32x128xf32>
    %max3A_774 = arith.maximumf %get3A_10, %max3A_773 : vector<32x128xf32>
    %sub3A_775 = arith.subf %min3A_772, %max3A_774 : vector<32x128xf32>
    %max3A_776 = arith.constant 0.000000e+00 : f32
    %max3A_777 = vector.broadcast %max3A_776 : f32 to vector<32x128xf32>
    %max3A_778 = arith.maximumf %sub3A_775, %max3A_777 : vector<32x128xf32>
    %mul3A_779 = arith.mulf %max3A_770, %max3A_778 : vector<32x128xf32>
    %sub3A_780 = arith.subf %get3A_754, %get3A_746 : f32
    %sub3A_781 = arith.subf %get3A_758, %get3A_750 : f32
    %mul3A_782 = arith.mulf %sub3A_780, %sub3A_781 : f32
    %add3A_783 = vector.broadcast %mul3A_782 : f32 to vector<32x128xf32>
    %add3A_784 = arith.addf %mul3A_28, %add3A_783 : vector<32x128xf32>
    %sub3A_785 = arith.subf %add3A_784, %mul3A_779 : vector<32x128xf32>
    %max3A_786 = arith.constant 9.99999993E-9 : f32
    %max3A_787 = vector.broadcast %max3A_786 : f32 to vector<32x128xf32>
    %max3A_788 = arith.maximumf %sub3A_785, %max3A_787 : vector<32x128xf32>
    %div3A_789 = arith.divf %mul3A_779, %max3A_788 : vector<32x128xf32>
    %gt3A_790 = arith.cmpf ogt, %div3A_789, %select_n3A_732 : vector<32x128xf32>
    %select_n3A_791 = arith.select %gt3A_790, %div3A_789, %select_n3A_732 : vector<32x128xi1>, vector<32x128xf32>
    %broadcast_in_dim3A_792 = vector.broadcast %get3A_746 : f32 to vector<32x128xf32>
    %select_n3A_793 = arith.select %gt3A_790, %broadcast_in_dim3A_792, %select_n3A_734 : vector<32x128xi1>, vector<32x128xf32>
    %broadcast_in_dim3A_794 = vector.broadcast %get3A_750 : f32 to vector<32x128xf32>
    %select_n3A_795 = arith.select %gt3A_790, %broadcast_in_dim3A_794, %select_n3A_736 : vector<32x128xi1>, vector<32x128xf32>
    %broadcast_in_dim3A_796 = vector.broadcast %get3A_754 : f32 to vector<32x128xf32>
    %select_n3A_797 = arith.select %gt3A_790, %broadcast_in_dim3A_796, %select_n3A_738 : vector<32x128xi1>, vector<32x128xf32>
    %broadcast_in_dim3A_798 = vector.broadcast %get3A_758 : f32 to vector<32x128xf32>
    %select_n3A_799 = arith.select %gt3A_790, %broadcast_in_dim3A_798, %select_n3A_740 : vector<32x128xi1>, vector<32x128xf32>
    %broadcast_in_dim3A_800 = vector.broadcast %get3A_762 : f32 to vector<32x128xf32>
    %select_n3A_801 = arith.select %gt3A_790, %broadcast_in_dim3A_800, %select_n3A_742 : vector<32x128xi1>, vector<32x128xf32>
    %get3A_802 = arith.constant 0 : index
    %get3A_803 = arith.constant 0 : index
    %get3A_804 = arith.constant 13 : index
    %get3A_805 = memref.load %arg5[%get3A_802, %get3A_803, %get3A_804] : memref<1x5x32xf32, #tpu.memory_space<smem>>
    %get3A_806 = arith.constant 0 : index
    %get3A_807 = arith.constant 1 : index
    %get3A_808 = arith.constant 13 : index
    %get3A_809 = memref.load %arg5[%get3A_806, %get3A_807, %get3A_808] : memref<1x5x32xf32, #tpu.memory_space<smem>>
    %get3A_810 = arith.constant 0 : index
    %get3A_811 = arith.constant 2 : index
    %get3A_812 = arith.constant 13 : index
    %get3A_813 = memref.load %arg5[%get3A_810, %get3A_811, %get3A_812] : memref<1x5x32xf32, #tpu.memory_space<smem>>
    %get3A_814 = arith.constant 0 : index
    %get3A_815 = arith.constant 3 : index
    %get3A_816 = arith.constant 13 : index
    %get3A_817 = memref.load %arg5[%get3A_814, %get3A_815, %get3A_816] : memref<1x5x32xf32, #tpu.memory_space<smem>>
    %get3A_818 = arith.constant 0 : index
    %get3A_819 = arith.constant 4 : index
    %get3A_820 = arith.constant 13 : index
    %get3A_821 = memref.load %arg5[%get3A_818, %get3A_819, %get3A_820] : memref<1x5x32xf32, #tpu.memory_space<smem>>
    %min3A_822 = vector.broadcast %get3A_813 : f32 to vector<32x128xf32>
    %min3A_823 = arith.minimumf %get3A_15, %min3A_822 : vector<32x128xf32>
    %max3A_824 = vector.broadcast %get3A_805 : f32 to vector<32x128xf32>
    %max3A_825 = arith.maximumf %get3A_5, %max3A_824 : vector<32x128xf32>
    %sub3A_826 = arith.subf %min3A_823, %max3A_825 : vector<32x128xf32>
    %max3A_827 = arith.constant 0.000000e+00 : f32
    %max3A_828 = vector.broadcast %max3A_827 : f32 to vector<32x128xf32>
    %max3A_829 = arith.maximumf %sub3A_826, %max3A_828 : vector<32x128xf32>
    %min3A_830 = vector.broadcast %get3A_817 : f32 to vector<32x128xf32>
    %min3A_831 = arith.minimumf %get3A_20, %min3A_830 : vector<32x128xf32>
    %max3A_832 = vector.broadcast %get3A_809 : f32 to vector<32x128xf32>
    %max3A_833 = arith.maximumf %get3A_10, %max3A_832 : vector<32x128xf32>
    %sub3A_834 = arith.subf %min3A_831, %max3A_833 : vector<32x128xf32>
    %max3A_835 = arith.constant 0.000000e+00 : f32
    %max3A_836 = vector.broadcast %max3A_835 : f32 to vector<32x128xf32>
    %max3A_837 = arith.maximumf %sub3A_834, %max3A_836 : vector<32x128xf32>
    %mul3A_838 = arith.mulf %max3A_829, %max3A_837 : vector<32x128xf32>
    %sub3A_839 = arith.subf %get3A_813, %get3A_805 : f32
    %sub3A_840 = arith.subf %get3A_817, %get3A_809 : f32
    %mul3A_841 = arith.mulf %sub3A_839, %sub3A_840 : f32
    %add3A_842 = vector.broadcast %mul3A_841 : f32 to vector<32x128xf32>
    %add3A_843 = arith.addf %mul3A_28, %add3A_842 : vector<32x128xf32>
    %sub3A_844 = arith.subf %add3A_843, %mul3A_838 : vector<32x128xf32>
    %max3A_845 = arith.constant 9.99999993E-9 : f32
    %max3A_846 = vector.broadcast %max3A_845 : f32 to vector<32x128xf32>
    %max3A_847 = arith.maximumf %sub3A_844, %max3A_846 : vector<32x128xf32>
    %div3A_848 = arith.divf %mul3A_838, %max3A_847 : vector<32x128xf32>
    %gt3A_849 = arith.cmpf ogt, %div3A_848, %select_n3A_791 : vector<32x128xf32>
    %select_n3A_850 = arith.select %gt3A_849, %div3A_848, %select_n3A_791 : vector<32x128xi1>, vector<32x128xf32>
    %broadcast_in_dim3A_851 = vector.broadcast %get3A_805 : f32 to vector<32x128xf32>
    %select_n3A_852 = arith.select %gt3A_849, %broadcast_in_dim3A_851, %select_n3A_793 : vector<32x128xi1>, vector<32x128xf32>
    %broadcast_in_dim3A_853 = vector.broadcast %get3A_809 : f32 to vector<32x128xf32>
    %select_n3A_854 = arith.select %gt3A_849, %broadcast_in_dim3A_853, %select_n3A_795 : vector<32x128xi1>, vector<32x128xf32>
    %broadcast_in_dim3A_855 = vector.broadcast %get3A_813 : f32 to vector<32x128xf32>
    %select_n3A_856 = arith.select %gt3A_849, %broadcast_in_dim3A_855, %select_n3A_797 : vector<32x128xi1>, vector<32x128xf32>
    %broadcast_in_dim3A_857 = vector.broadcast %get3A_817 : f32 to vector<32x128xf32>
    %select_n3A_858 = arith.select %gt3A_849, %broadcast_in_dim3A_857, %select_n3A_799 : vector<32x128xi1>, vector<32x128xf32>
    %broadcast_in_dim3A_859 = vector.broadcast %get3A_821 : f32 to vector<32x128xf32>
    %select_n3A_860 = arith.select %gt3A_849, %broadcast_in_dim3A_859, %select_n3A_801 : vector<32x128xi1>, vector<32x128xf32>
    %get3A_861 = arith.constant 0 : index
    %get3A_862 = arith.constant 0 : index
    %get3A_863 = arith.constant 14 : index
    %get3A_864 = memref.load %arg5[%get3A_861, %get3A_862, %get3A_863] : memref<1x5x32xf32, #tpu.memory_space<smem>>
    %get3A_865 = arith.constant 0 : index
    %get3A_866 = arith.constant 1 : index
    %get3A_867 = arith.constant 14 : index
    %get3A_868 = memref.load %arg5[%get3A_865, %get3A_866, %get3A_867] : memref<1x5x32xf32, #tpu.memory_space<smem>>
    %get3A_869 = arith.constant 0 : index
    %get3A_870 = arith.constant 2 : index
    %get3A_871 = arith.constant 14 : index
    %get3A_872 = memref.load %arg5[%get3A_869, %get3A_870, %get3A_871] : memref<1x5x32xf32, #tpu.memory_space<smem>>
    %get3A_873 = arith.constant 0 : index
    %get3A_874 = arith.constant 3 : index
    %get3A_875 = arith.constant 14 : index
    %get3A_876 = memref.load %arg5[%get3A_873, %get3A_874, %get3A_875] : memref<1x5x32xf32, #tpu.memory_space<smem>>
    %get3A_877 = arith.constant 0 : index
    %get3A_878 = arith.constant 4 : index
    %get3A_879 = arith.constant 14 : index
    %get3A_880 = memref.load %arg5[%get3A_877, %get3A_878, %get3A_879] : memref<1x5x32xf32, #tpu.memory_space<smem>>
    %min3A_881 = vector.broadcast %get3A_872 : f32 to vector<32x128xf32>
    %min3A_882 = arith.minimumf %get3A_15, %min3A_881 : vector<32x128xf32>
    %max3A_883 = vector.broadcast %get3A_864 : f32 to vector<32x128xf32>
    %max3A_884 = arith.maximumf %get3A_5, %max3A_883 : vector<32x128xf32>
    %sub3A_885 = arith.subf %min3A_882, %max3A_884 : vector<32x128xf32>
    %max3A_886 = arith.constant 0.000000e+00 : f32
    %max3A_887 = vector.broadcast %max3A_886 : f32 to vector<32x128xf32>
    %max3A_888 = arith.maximumf %sub3A_885, %max3A_887 : vector<32x128xf32>
    %min3A_889 = vector.broadcast %get3A_876 : f32 to vector<32x128xf32>
    %min3A_890 = arith.minimumf %get3A_20, %min3A_889 : vector<32x128xf32>
    %max3A_891 = vector.broadcast %get3A_868 : f32 to vector<32x128xf32>
    %max3A_892 = arith.maximumf %get3A_10, %max3A_891 : vector<32x128xf32>
    %sub3A_893 = arith.subf %min3A_890, %max3A_892 : vector<32x128xf32>
    %max3A_894 = arith.constant 0.000000e+00 : f32
    %max3A_895 = vector.broadcast %max3A_894 : f32 to vector<32x128xf32>
    %max3A_896 = arith.maximumf %sub3A_893, %max3A_895 : vector<32x128xf32>
    %mul3A_897 = arith.mulf %max3A_888, %max3A_896 : vector<32x128xf32>
    %sub3A_898 = arith.subf %get3A_872, %get3A_864 : f32
    %sub3A_899 = arith.subf %get3A_876, %get3A_868 : f32
    %mul3A_900 = arith.mulf %sub3A_898, %sub3A_899 : f32
    %add3A_901 = vector.broadcast %mul3A_900 : f32 to vector<32x128xf32>
    %add3A_902 = arith.addf %mul3A_28, %add3A_901 : vector<32x128xf32>
    %sub3A_903 = arith.subf %add3A_902, %mul3A_897 : vector<32x128xf32>
    %max3A_904 = arith.constant 9.99999993E-9 : f32
    %max3A_905 = vector.broadcast %max3A_904 : f32 to vector<32x128xf32>
    %max3A_906 = arith.maximumf %sub3A_903, %max3A_905 : vector<32x128xf32>
    %div3A_907 = arith.divf %mul3A_897, %max3A_906 : vector<32x128xf32>
    %gt3A_908 = arith.cmpf ogt, %div3A_907, %select_n3A_850 : vector<32x128xf32>
    %select_n3A_909 = arith.select %gt3A_908, %div3A_907, %select_n3A_850 : vector<32x128xi1>, vector<32x128xf32>
    %broadcast_in_dim3A_910 = vector.broadcast %get3A_864 : f32 to vector<32x128xf32>
    %select_n3A_911 = arith.select %gt3A_908, %broadcast_in_dim3A_910, %select_n3A_852 : vector<32x128xi1>, vector<32x128xf32>
    %broadcast_in_dim3A_912 = vector.broadcast %get3A_868 : f32 to vector<32x128xf32>
    %select_n3A_913 = arith.select %gt3A_908, %broadcast_in_dim3A_912, %select_n3A_854 : vector<32x128xi1>, vector<32x128xf32>
    %broadcast_in_dim3A_914 = vector.broadcast %get3A_872 : f32 to vector<32x128xf32>
    %select_n3A_915 = arith.select %gt3A_908, %broadcast_in_dim3A_914, %select_n3A_856 : vector<32x128xi1>, vector<32x128xf32>
    %broadcast_in_dim3A_916 = vector.broadcast %get3A_876 : f32 to vector<32x128xf32>
    %select_n3A_917 = arith.select %gt3A_908, %broadcast_in_dim3A_916, %select_n3A_858 : vector<32x128xi1>, vector<32x128xf32>
    %broadcast_in_dim3A_918 = vector.broadcast %get3A_880 : f32 to vector<32x128xf32>
    %select_n3A_919 = arith.select %gt3A_908, %broadcast_in_dim3A_918, %select_n3A_860 : vector<32x128xi1>, vector<32x128xf32>
    %get3A_920 = arith.constant 0 : index
    %get3A_921 = arith.constant 0 : index
    %get3A_922 = arith.constant 15 : index
    %get3A_923 = memref.load %arg5[%get3A_920, %get3A_921, %get3A_922] : memref<1x5x32xf32, #tpu.memory_space<smem>>
    %get3A_924 = arith.constant 0 : index
    %get3A_925 = arith.constant 1 : index
    %get3A_926 = arith.constant 15 : index
    %get3A_927 = memref.load %arg5[%get3A_924, %get3A_925, %get3A_926] : memref<1x5x32xf32, #tpu.memory_space<smem>>
    %get3A_928 = arith.constant 0 : index
    %get3A_929 = arith.constant 2 : index
    %get3A_930 = arith.constant 15 : index
    %get3A_931 = memref.load %arg5[%get3A_928, %get3A_929, %get3A_930] : memref<1x5x32xf32, #tpu.memory_space<smem>>
    %get3A_932 = arith.constant 0 : index
    %get3A_933 = arith.constant 3 : index
    %get3A_934 = arith.constant 15 : index
    %get3A_935 = memref.load %arg5[%get3A_932, %get3A_933, %get3A_934] : memref<1x5x32xf32, #tpu.memory_space<smem>>
    %get3A_936 = arith.constant 0 : index
    %get3A_937 = arith.constant 4 : index
    %get3A_938 = arith.constant 15 : index
    %get3A_939 = memref.load %arg5[%get3A_936, %get3A_937, %get3A_938] : memref<1x5x32xf32, #tpu.memory_space<smem>>
    %min3A_940 = vector.broadcast %get3A_931 : f32 to vector<32x128xf32>
    %min3A_941 = arith.minimumf %get3A_15, %min3A_940 : vector<32x128xf32>
    %max3A_942 = vector.broadcast %get3A_923 : f32 to vector<32x128xf32>
    %max3A_943 = arith.maximumf %get3A_5, %max3A_942 : vector<32x128xf32>
    %sub3A_944 = arith.subf %min3A_941, %max3A_943 : vector<32x128xf32>
    %max3A_945 = arith.constant 0.000000e+00 : f32
    %max3A_946 = vector.broadcast %max3A_945 : f32 to vector<32x128xf32>
    %max3A_947 = arith.maximumf %sub3A_944, %max3A_946 : vector<32x128xf32>
    %min3A_948 = vector.broadcast %get3A_935 : f32 to vector<32x128xf32>
    %min3A_949 = arith.minimumf %get3A_20, %min3A_948 : vector<32x128xf32>
    %max3A_950 = vector.broadcast %get3A_927 : f32 to vector<32x128xf32>
    %max3A_951 = arith.maximumf %get3A_10, %max3A_950 : vector<32x128xf32>
    %sub3A_952 = arith.subf %min3A_949, %max3A_951 : vector<32x128xf32>
    %max3A_953 = arith.constant 0.000000e+00 : f32
    %max3A_954 = vector.broadcast %max3A_953 : f32 to vector<32x128xf32>
    %max3A_955 = arith.maximumf %sub3A_952, %max3A_954 : vector<32x128xf32>
    %mul3A_956 = arith.mulf %max3A_947, %max3A_955 : vector<32x128xf32>
    %sub3A_957 = arith.subf %get3A_931, %get3A_923 : f32
    %sub3A_958 = arith.subf %get3A_935, %get3A_927 : f32
    %mul3A_959 = arith.mulf %sub3A_957, %sub3A_958 : f32
    %add3A_960 = vector.broadcast %mul3A_959 : f32 to vector<32x128xf32>
    %add3A_961 = arith.addf %mul3A_28, %add3A_960 : vector<32x128xf32>
    %sub3A_962 = arith.subf %add3A_961, %mul3A_956 : vector<32x128xf32>
    %max3A_963 = arith.constant 9.99999993E-9 : f32
    %max3A_964 = vector.broadcast %max3A_963 : f32 to vector<32x128xf32>
    %max3A_965 = arith.maximumf %sub3A_962, %max3A_964 : vector<32x128xf32>
    %div3A_966 = arith.divf %mul3A_956, %max3A_965 : vector<32x128xf32>
    %gt3A_967 = arith.cmpf ogt, %div3A_966, %select_n3A_909 : vector<32x128xf32>
    %select_n3A_968 = arith.select %gt3A_967, %div3A_966, %select_n3A_909 : vector<32x128xi1>, vector<32x128xf32>
    %broadcast_in_dim3A_969 = vector.broadcast %get3A_923 : f32 to vector<32x128xf32>
    %select_n3A_970 = arith.select %gt3A_967, %broadcast_in_dim3A_969, %select_n3A_911 : vector<32x128xi1>, vector<32x128xf32>
    %broadcast_in_dim3A_971 = vector.broadcast %get3A_927 : f32 to vector<32x128xf32>
    %select_n3A_972 = arith.select %gt3A_967, %broadcast_in_dim3A_971, %select_n3A_913 : vector<32x128xi1>, vector<32x128xf32>
    %broadcast_in_dim3A_973 = vector.broadcast %get3A_931 : f32 to vector<32x128xf32>
    %select_n3A_974 = arith.select %gt3A_967, %broadcast_in_dim3A_973, %select_n3A_915 : vector<32x128xi1>, vector<32x128xf32>
    %broadcast_in_dim3A_975 = vector.broadcast %get3A_935 : f32 to vector<32x128xf32>
    %select_n3A_976 = arith.select %gt3A_967, %broadcast_in_dim3A_975, %select_n3A_917 : vector<32x128xi1>, vector<32x128xf32>
    %broadcast_in_dim3A_977 = vector.broadcast %get3A_939 : f32 to vector<32x128xf32>
    %select_n3A_978 = arith.select %gt3A_967, %broadcast_in_dim3A_977, %select_n3A_919 : vector<32x128xi1>, vector<32x128xf32>
    %get3A_979 = arith.constant 0 : index
    %get3A_980 = arith.constant 0 : index
    %get3A_981 = arith.constant 16 : index
    %get3A_982 = memref.load %arg5[%get3A_979, %get3A_980, %get3A_981] : memref<1x5x32xf32, #tpu.memory_space<smem>>
    %get3A_983 = arith.constant 0 : index
    %get3A_984 = arith.constant 1 : index
    %get3A_985 = arith.constant 16 : index
    %get3A_986 = memref.load %arg5[%get3A_983, %get3A_984, %get3A_985] : memref<1x5x32xf32, #tpu.memory_space<smem>>
    %get3A_987 = arith.constant 0 : index
    %get3A_988 = arith.constant 2 : index
    %get3A_989 = arith.constant 16 : index
    %get3A_990 = memref.load %arg5[%get3A_987, %get3A_988, %get3A_989] : memref<1x5x32xf32, #tpu.memory_space<smem>>
    %get3A_991 = arith.constant 0 : index
    %get3A_992 = arith.constant 3 : index
    %get3A_993 = arith.constant 16 : index
    %get3A_994 = memref.load %arg5[%get3A_991, %get3A_992, %get3A_993] : memref<1x5x32xf32, #tpu.memory_space<smem>>
    %get3A_995 = arith.constant 0 : index
    %get3A_996 = arith.constant 4 : index
    %get3A_997 = arith.constant 16 : index
    %get3A_998 = memref.load %arg5[%get3A_995, %get3A_996, %get3A_997] : memref<1x5x32xf32, #tpu.memory_space<smem>>
    %min3A_999 = vector.broadcast %get3A_990 : f32 to vector<32x128xf32>
    %min3A_1000 = arith.minimumf %get3A_15, %min3A_999 : vector<32x128xf32>
    %max3A_1001 = vector.broadcast %get3A_982 : f32 to vector<32x128xf32>
    %max3A_1002 = arith.maximumf %get3A_5, %max3A_1001 : vector<32x128xf32>
    %sub3A_1003 = arith.subf %min3A_1000, %max3A_1002 : vector<32x128xf32>
    %max3A_1004 = arith.constant 0.000000e+00 : f32
    %max3A_1005 = vector.broadcast %max3A_1004 : f32 to vector<32x128xf32>
    %max3A_1006 = arith.maximumf %sub3A_1003, %max3A_1005 : vector<32x128xf32>
    %min3A_1007 = vector.broadcast %get3A_994 : f32 to vector<32x128xf32>
    %min3A_1008 = arith.minimumf %get3A_20, %min3A_1007 : vector<32x128xf32>
    %max3A_1009 = vector.broadcast %get3A_986 : f32 to vector<32x128xf32>
    %max3A_1010 = arith.maximumf %get3A_10, %max3A_1009 : vector<32x128xf32>
    %sub3A_1011 = arith.subf %min3A_1008, %max3A_1010 : vector<32x128xf32>
    %max3A_1012 = arith.constant 0.000000e+00 : f32
    %max3A_1013 = vector.broadcast %max3A_1012 : f32 to vector<32x128xf32>
    %max3A_1014 = arith.maximumf %sub3A_1011, %max3A_1013 : vector<32x128xf32>
    %mul3A_1015 = arith.mulf %max3A_1006, %max3A_1014 : vector<32x128xf32>
    %sub3A_1016 = arith.subf %get3A_990, %get3A_982 : f32
    %sub3A_1017 = arith.subf %get3A_994, %get3A_986 : f32
    %mul3A_1018 = arith.mulf %sub3A_1016, %sub3A_1017 : f32
    %add3A_1019 = vector.broadcast %mul3A_1018 : f32 to vector<32x128xf32>
    %add3A_1020 = arith.addf %mul3A_28, %add3A_1019 : vector<32x128xf32>
    %sub3A_1021 = arith.subf %add3A_1020, %mul3A_1015 : vector<32x128xf32>
    %max3A_1022 = arith.constant 9.99999993E-9 : f32
    %max3A_1023 = vector.broadcast %max3A_1022 : f32 to vector<32x128xf32>
    %max3A_1024 = arith.maximumf %sub3A_1021, %max3A_1023 : vector<32x128xf32>
    %div3A_1025 = arith.divf %mul3A_1015, %max3A_1024 : vector<32x128xf32>
    %gt3A_1026 = arith.cmpf ogt, %div3A_1025, %select_n3A_968 : vector<32x128xf32>
    %select_n3A_1027 = arith.select %gt3A_1026, %div3A_1025, %select_n3A_968 : vector<32x128xi1>, vector<32x128xf32>
    %broadcast_in_dim3A_1028 = vector.broadcast %get3A_982 : f32 to vector<32x128xf32>
    %select_n3A_1029 = arith.select %gt3A_1026, %broadcast_in_dim3A_1028, %select_n3A_970 : vector<32x128xi1>, vector<32x128xf32>
    %broadcast_in_dim3A_1030 = vector.broadcast %get3A_986 : f32 to vector<32x128xf32>
    %select_n3A_1031 = arith.select %gt3A_1026, %broadcast_in_dim3A_1030, %select_n3A_972 : vector<32x128xi1>, vector<32x128xf32>
    %broadcast_in_dim3A_1032 = vector.broadcast %get3A_990 : f32 to vector<32x128xf32>
    %select_n3A_1033 = arith.select %gt3A_1026, %broadcast_in_dim3A_1032, %select_n3A_974 : vector<32x128xi1>, vector<32x128xf32>
    %broadcast_in_dim3A_1034 = vector.broadcast %get3A_994 : f32 to vector<32x128xf32>
    %select_n3A_1035 = arith.select %gt3A_1026, %broadcast_in_dim3A_1034, %select_n3A_976 : vector<32x128xi1>, vector<32x128xf32>
    %broadcast_in_dim3A_1036 = vector.broadcast %get3A_998 : f32 to vector<32x128xf32>
    %select_n3A_1037 = arith.select %gt3A_1026, %broadcast_in_dim3A_1036, %select_n3A_978 : vector<32x128xi1>, vector<32x128xf32>
    %get3A_1038 = arith.constant 0 : index
    %get3A_1039 = arith.constant 0 : index
    %get3A_1040 = arith.constant 17 : index
    %get3A_1041 = memref.load %arg5[%get3A_1038, %get3A_1039, %get3A_1040] : memref<1x5x32xf32, #tpu.memory_space<smem>>
    %get3A_1042 = arith.constant 0 : index
    %get3A_1043 = arith.constant 1 : index
    %get3A_1044 = arith.constant 17 : index
    %get3A_1045 = memref.load %arg5[%get3A_1042, %get3A_1043, %get3A_1044] : memref<1x5x32xf32, #tpu.memory_space<smem>>
    %get3A_1046 = arith.constant 0 : index
    %get3A_1047 = arith.constant 2 : index
    %get3A_1048 = arith.constant 17 : index
    %get3A_1049 = memref.load %arg5[%get3A_1046, %get3A_1047, %get3A_1048] : memref<1x5x32xf32, #tpu.memory_space<smem>>
    %get3A_1050 = arith.constant 0 : index
    %get3A_1051 = arith.constant 3 : index
    %get3A_1052 = arith.constant 17 : index
    %get3A_1053 = memref.load %arg5[%get3A_1050, %get3A_1051, %get3A_1052] : memref<1x5x32xf32, #tpu.memory_space<smem>>
    %get3A_1054 = arith.constant 0 : index
    %get3A_1055 = arith.constant 4 : index
    %get3A_1056 = arith.constant 17 : index
    %get3A_1057 = memref.load %arg5[%get3A_1054, %get3A_1055, %get3A_1056] : memref<1x5x32xf32, #tpu.memory_space<smem>>
    %min3A_1058 = vector.broadcast %get3A_1049 : f32 to vector<32x128xf32>
    %min3A_1059 = arith.minimumf %get3A_15, %min3A_1058 : vector<32x128xf32>
    %max3A_1060 = vector.broadcast %get3A_1041 : f32 to vector<32x128xf32>
    %max3A_1061 = arith.maximumf %get3A_5, %max3A_1060 : vector<32x128xf32>
    %sub3A_1062 = arith.subf %min3A_1059, %max3A_1061 : vector<32x128xf32>
    %max3A_1063 = arith.constant 0.000000e+00 : f32
    %max3A_1064 = vector.broadcast %max3A_1063 : f32 to vector<32x128xf32>
    %max3A_1065 = arith.maximumf %sub3A_1062, %max3A_1064 : vector<32x128xf32>
    %min3A_1066 = vector.broadcast %get3A_1053 : f32 to vector<32x128xf32>
    %min3A_1067 = arith.minimumf %get3A_20, %min3A_1066 : vector<32x128xf32>
    %max3A_1068 = vector.broadcast %get3A_1045 : f32 to vector<32x128xf32>
    %max3A_1069 = arith.maximumf %get3A_10, %max3A_1068 : vector<32x128xf32>
    %sub3A_1070 = arith.subf %min3A_1067, %max3A_1069 : vector<32x128xf32>
    %max3A_1071 = arith.constant 0.000000e+00 : f32
    %max3A_1072 = vector.broadcast %max3A_1071 : f32 to vector<32x128xf32>
    %max3A_1073 = arith.maximumf %sub3A_1070, %max3A_1072 : vector<32x128xf32>
    %mul3A_1074 = arith.mulf %max3A_1065, %max3A_1073 : vector<32x128xf32>
    %sub3A_1075 = arith.subf %get3A_1049, %get3A_1041 : f32
    %sub3A_1076 = arith.subf %get3A_1053, %get3A_1045 : f32
    %mul3A_1077 = arith.mulf %sub3A_1075, %sub3A_1076 : f32
    %add3A_1078 = vector.broadcast %mul3A_1077 : f32 to vector<32x128xf32>
    %add3A_1079 = arith.addf %mul3A_28, %add3A_1078 : vector<32x128xf32>
    %sub3A_1080 = arith.subf %add3A_1079, %mul3A_1074 : vector<32x128xf32>
    %max3A_1081 = arith.constant 9.99999993E-9 : f32
    %max3A_1082 = vector.broadcast %max3A_1081 : f32 to vector<32x128xf32>
    %max3A_1083 = arith.maximumf %sub3A_1080, %max3A_1082 : vector<32x128xf32>
    %div3A_1084 = arith.divf %mul3A_1074, %max3A_1083 : vector<32x128xf32>
    %gt3A_1085 = arith.cmpf ogt, %div3A_1084, %select_n3A_1027 : vector<32x128xf32>
    %select_n3A_1086 = arith.select %gt3A_1085, %div3A_1084, %select_n3A_1027 : vector<32x128xi1>, vector<32x128xf32>
    %broadcast_in_dim3A_1087 = vector.broadcast %get3A_1041 : f32 to vector<32x128xf32>
    %select_n3A_1088 = arith.select %gt3A_1085, %broadcast_in_dim3A_1087, %select_n3A_1029 : vector<32x128xi1>, vector<32x128xf32>
    %broadcast_in_dim3A_1089 = vector.broadcast %get3A_1045 : f32 to vector<32x128xf32>
    %select_n3A_1090 = arith.select %gt3A_1085, %broadcast_in_dim3A_1089, %select_n3A_1031 : vector<32x128xi1>, vector<32x128xf32>
    %broadcast_in_dim3A_1091 = vector.broadcast %get3A_1049 : f32 to vector<32x128xf32>
    %select_n3A_1092 = arith.select %gt3A_1085, %broadcast_in_dim3A_1091, %select_n3A_1033 : vector<32x128xi1>, vector<32x128xf32>
    %broadcast_in_dim3A_1093 = vector.broadcast %get3A_1053 : f32 to vector<32x128xf32>
    %select_n3A_1094 = arith.select %gt3A_1085, %broadcast_in_dim3A_1093, %select_n3A_1035 : vector<32x128xi1>, vector<32x128xf32>
    %broadcast_in_dim3A_1095 = vector.broadcast %get3A_1057 : f32 to vector<32x128xf32>
    %select_n3A_1096 = arith.select %gt3A_1085, %broadcast_in_dim3A_1095, %select_n3A_1037 : vector<32x128xi1>, vector<32x128xf32>
    %get3A_1097 = arith.constant 0 : index
    %get3A_1098 = arith.constant 0 : index
    %get3A_1099 = arith.constant 18 : index
    %get3A_1100 = memref.load %arg5[%get3A_1097, %get3A_1098, %get3A_1099] : memref<1x5x32xf32, #tpu.memory_space<smem>>
    %get3A_1101 = arith.constant 0 : index
    %get3A_1102 = arith.constant 1 : index
    %get3A_1103 = arith.constant 18 : index
    %get3A_1104 = memref.load %arg5[%get3A_1101, %get3A_1102, %get3A_1103] : memref<1x5x32xf32, #tpu.memory_space<smem>>
    %get3A_1105 = arith.constant 0 : index
    %get3A_1106 = arith.constant 2 : index
    %get3A_1107 = arith.constant 18 : index
    %get3A_1108 = memref.load %arg5[%get3A_1105, %get3A_1106, %get3A_1107] : memref<1x5x32xf32, #tpu.memory_space<smem>>
    %get3A_1109 = arith.constant 0 : index
    %get3A_1110 = arith.constant 3 : index
    %get3A_1111 = arith.constant 18 : index
    %get3A_1112 = memref.load %arg5[%get3A_1109, %get3A_1110, %get3A_1111] : memref<1x5x32xf32, #tpu.memory_space<smem>>
    %get3A_1113 = arith.constant 0 : index
    %get3A_1114 = arith.constant 4 : index
    %get3A_1115 = arith.constant 18 : index
    %get3A_1116 = memref.load %arg5[%get3A_1113, %get3A_1114, %get3A_1115] : memref<1x5x32xf32, #tpu.memory_space<smem>>
    %min3A_1117 = vector.broadcast %get3A_1108 : f32 to vector<32x128xf32>
    %min3A_1118 = arith.minimumf %get3A_15, %min3A_1117 : vector<32x128xf32>
    %max3A_1119 = vector.broadcast %get3A_1100 : f32 to vector<32x128xf32>
    %max3A_1120 = arith.maximumf %get3A_5, %max3A_1119 : vector<32x128xf32>
    %sub3A_1121 = arith.subf %min3A_1118, %max3A_1120 : vector<32x128xf32>
    %max3A_1122 = arith.constant 0.000000e+00 : f32
    %max3A_1123 = vector.broadcast %max3A_1122 : f32 to vector<32x128xf32>
    %max3A_1124 = arith.maximumf %sub3A_1121, %max3A_1123 : vector<32x128xf32>
    %min3A_1125 = vector.broadcast %get3A_1112 : f32 to vector<32x128xf32>
    %min3A_1126 = arith.minimumf %get3A_20, %min3A_1125 : vector<32x128xf32>
    %max3A_1127 = vector.broadcast %get3A_1104 : f32 to vector<32x128xf32>
    %max3A_1128 = arith.maximumf %get3A_10, %max3A_1127 : vector<32x128xf32>
    %sub3A_1129 = arith.subf %min3A_1126, %max3A_1128 : vector<32x128xf32>
    %max3A_1130 = arith.constant 0.000000e+00 : f32
    %max3A_1131 = vector.broadcast %max3A_1130 : f32 to vector<32x128xf32>
    %max3A_1132 = arith.maximumf %sub3A_1129, %max3A_1131 : vector<32x128xf32>
    %mul3A_1133 = arith.mulf %max3A_1124, %max3A_1132 : vector<32x128xf32>
    %sub3A_1134 = arith.subf %get3A_1108, %get3A_1100 : f32
    %sub3A_1135 = arith.subf %get3A_1112, %get3A_1104 : f32
    %mul3A_1136 = arith.mulf %sub3A_1134, %sub3A_1135 : f32
    %add3A_1137 = vector.broadcast %mul3A_1136 : f32 to vector<32x128xf32>
    %add3A_1138 = arith.addf %mul3A_28, %add3A_1137 : vector<32x128xf32>
    %sub3A_1139 = arith.subf %add3A_1138, %mul3A_1133 : vector<32x128xf32>
    %max3A_1140 = arith.constant 9.99999993E-9 : f32
    %max3A_1141 = vector.broadcast %max3A_1140 : f32 to vector<32x128xf32>
    %max3A_1142 = arith.maximumf %sub3A_1139, %max3A_1141 : vector<32x128xf32>
    %div3A_1143 = arith.divf %mul3A_1133, %max3A_1142 : vector<32x128xf32>
    %gt3A_1144 = arith.cmpf ogt, %div3A_1143, %select_n3A_1086 : vector<32x128xf32>
    %select_n3A_1145 = arith.select %gt3A_1144, %div3A_1143, %select_n3A_1086 : vector<32x128xi1>, vector<32x128xf32>
    %broadcast_in_dim3A_1146 = vector.broadcast %get3A_1100 : f32 to vector<32x128xf32>
    %select_n3A_1147 = arith.select %gt3A_1144, %broadcast_in_dim3A_1146, %select_n3A_1088 : vector<32x128xi1>, vector<32x128xf32>
    %broadcast_in_dim3A_1148 = vector.broadcast %get3A_1104 : f32 to vector<32x128xf32>
    %select_n3A_1149 = arith.select %gt3A_1144, %broadcast_in_dim3A_1148, %select_n3A_1090 : vector<32x128xi1>, vector<32x128xf32>
    %broadcast_in_dim3A_1150 = vector.broadcast %get3A_1108 : f32 to vector<32x128xf32>
    %select_n3A_1151 = arith.select %gt3A_1144, %broadcast_in_dim3A_1150, %select_n3A_1092 : vector<32x128xi1>, vector<32x128xf32>
    %broadcast_in_dim3A_1152 = vector.broadcast %get3A_1112 : f32 to vector<32x128xf32>
    %select_n3A_1153 = arith.select %gt3A_1144, %broadcast_in_dim3A_1152, %select_n3A_1094 : vector<32x128xi1>, vector<32x128xf32>
    %broadcast_in_dim3A_1154 = vector.broadcast %get3A_1116 : f32 to vector<32x128xf32>
    %select_n3A_1155 = arith.select %gt3A_1144, %broadcast_in_dim3A_1154, %select_n3A_1096 : vector<32x128xi1>, vector<32x128xf32>
    %get3A_1156 = arith.constant 0 : index
    %get3A_1157 = arith.constant 0 : index
    %get3A_1158 = arith.constant 19 : index
    %get3A_1159 = memref.load %arg5[%get3A_1156, %get3A_1157, %get3A_1158] : memref<1x5x32xf32, #tpu.memory_space<smem>>
    %get3A_1160 = arith.constant 0 : index
    %get3A_1161 = arith.constant 1 : index
    %get3A_1162 = arith.constant 19 : index
    %get3A_1163 = memref.load %arg5[%get3A_1160, %get3A_1161, %get3A_1162] : memref<1x5x32xf32, #tpu.memory_space<smem>>
    %get3A_1164 = arith.constant 0 : index
    %get3A_1165 = arith.constant 2 : index
    %get3A_1166 = arith.constant 19 : index
    %get3A_1167 = memref.load %arg5[%get3A_1164, %get3A_1165, %get3A_1166] : memref<1x5x32xf32, #tpu.memory_space<smem>>
    %get3A_1168 = arith.constant 0 : index
    %get3A_1169 = arith.constant 3 : index
    %get3A_1170 = arith.constant 19 : index
    %get3A_1171 = memref.load %arg5[%get3A_1168, %get3A_1169, %get3A_1170] : memref<1x5x32xf32, #tpu.memory_space<smem>>
    %get3A_1172 = arith.constant 0 : index
    %get3A_1173 = arith.constant 4 : index
    %get3A_1174 = arith.constant 19 : index
    %get3A_1175 = memref.load %arg5[%get3A_1172, %get3A_1173, %get3A_1174] : memref<1x5x32xf32, #tpu.memory_space<smem>>
    %min3A_1176 = vector.broadcast %get3A_1167 : f32 to vector<32x128xf32>
    %min3A_1177 = arith.minimumf %get3A_15, %min3A_1176 : vector<32x128xf32>
    %max3A_1178 = vector.broadcast %get3A_1159 : f32 to vector<32x128xf32>
    %max3A_1179 = arith.maximumf %get3A_5, %max3A_1178 : vector<32x128xf32>
    %sub3A_1180 = arith.subf %min3A_1177, %max3A_1179 : vector<32x128xf32>
    %max3A_1181 = arith.constant 0.000000e+00 : f32
    %max3A_1182 = vector.broadcast %max3A_1181 : f32 to vector<32x128xf32>
    %max3A_1183 = arith.maximumf %sub3A_1180, %max3A_1182 : vector<32x128xf32>
    %min3A_1184 = vector.broadcast %get3A_1171 : f32 to vector<32x128xf32>
    %min3A_1185 = arith.minimumf %get3A_20, %min3A_1184 : vector<32x128xf32>
    %max3A_1186 = vector.broadcast %get3A_1163 : f32 to vector<32x128xf32>
    %max3A_1187 = arith.maximumf %get3A_10, %max3A_1186 : vector<32x128xf32>
    %sub3A_1188 = arith.subf %min3A_1185, %max3A_1187 : vector<32x128xf32>
    %max3A_1189 = arith.constant 0.000000e+00 : f32
    %max3A_1190 = vector.broadcast %max3A_1189 : f32 to vector<32x128xf32>
    %max3A_1191 = arith.maximumf %sub3A_1188, %max3A_1190 : vector<32x128xf32>
    %mul3A_1192 = arith.mulf %max3A_1183, %max3A_1191 : vector<32x128xf32>
    %sub3A_1193 = arith.subf %get3A_1167, %get3A_1159 : f32
    %sub3A_1194 = arith.subf %get3A_1171, %get3A_1163 : f32
    %mul3A_1195 = arith.mulf %sub3A_1193, %sub3A_1194 : f32
    %add3A_1196 = vector.broadcast %mul3A_1195 : f32 to vector<32x128xf32>
    %add3A_1197 = arith.addf %mul3A_28, %add3A_1196 : vector<32x128xf32>
    %sub3A_1198 = arith.subf %add3A_1197, %mul3A_1192 : vector<32x128xf32>
    %max3A_1199 = arith.constant 9.99999993E-9 : f32
    %max3A_1200 = vector.broadcast %max3A_1199 : f32 to vector<32x128xf32>
    %max3A_1201 = arith.maximumf %sub3A_1198, %max3A_1200 : vector<32x128xf32>
    %div3A_1202 = arith.divf %mul3A_1192, %max3A_1201 : vector<32x128xf32>
    %gt3A_1203 = arith.cmpf ogt, %div3A_1202, %select_n3A_1145 : vector<32x128xf32>
    %select_n3A_1204 = arith.select %gt3A_1203, %div3A_1202, %select_n3A_1145 : vector<32x128xi1>, vector<32x128xf32>
    %broadcast_in_dim3A_1205 = vector.broadcast %get3A_1159 : f32 to vector<32x128xf32>
    %select_n3A_1206 = arith.select %gt3A_1203, %broadcast_in_dim3A_1205, %select_n3A_1147 : vector<32x128xi1>, vector<32x128xf32>
    %broadcast_in_dim3A_1207 = vector.broadcast %get3A_1163 : f32 to vector<32x128xf32>
    %select_n3A_1208 = arith.select %gt3A_1203, %broadcast_in_dim3A_1207, %select_n3A_1149 : vector<32x128xi1>, vector<32x128xf32>
    %broadcast_in_dim3A_1209 = vector.broadcast %get3A_1167 : f32 to vector<32x128xf32>
    %select_n3A_1210 = arith.select %gt3A_1203, %broadcast_in_dim3A_1209, %select_n3A_1151 : vector<32x128xi1>, vector<32x128xf32>
    %broadcast_in_dim3A_1211 = vector.broadcast %get3A_1171 : f32 to vector<32x128xf32>
    %select_n3A_1212 = arith.select %gt3A_1203, %broadcast_in_dim3A_1211, %select_n3A_1153 : vector<32x128xi1>, vector<32x128xf32>
    %broadcast_in_dim3A_1213 = vector.broadcast %get3A_1175 : f32 to vector<32x128xf32>
    %select_n3A_1214 = arith.select %gt3A_1203, %broadcast_in_dim3A_1213, %select_n3A_1155 : vector<32x128xi1>, vector<32x128xf32>
    %get3A_1215 = arith.constant 0 : index
    %get3A_1216 = arith.constant 0 : index
    %get3A_1217 = arith.constant 20 : index
    %get3A_1218 = memref.load %arg5[%get3A_1215, %get3A_1216, %get3A_1217] : memref<1x5x32xf32, #tpu.memory_space<smem>>
    %get3A_1219 = arith.constant 0 : index
    %get3A_1220 = arith.constant 1 : index
    %get3A_1221 = arith.constant 20 : index
    %get3A_1222 = memref.load %arg5[%get3A_1219, %get3A_1220, %get3A_1221] : memref<1x5x32xf32, #tpu.memory_space<smem>>
    %get3A_1223 = arith.constant 0 : index
    %get3A_1224 = arith.constant 2 : index
    %get3A_1225 = arith.constant 20 : index
    %get3A_1226 = memref.load %arg5[%get3A_1223, %get3A_1224, %get3A_1225] : memref<1x5x32xf32, #tpu.memory_space<smem>>
    %get3A_1227 = arith.constant 0 : index
    %get3A_1228 = arith.constant 3 : index
    %get3A_1229 = arith.constant 20 : index
    %get3A_1230 = memref.load %arg5[%get3A_1227, %get3A_1228, %get3A_1229] : memref<1x5x32xf32, #tpu.memory_space<smem>>
    %get3A_1231 = arith.constant 0 : index
    %get3A_1232 = arith.constant 4 : index
    %get3A_1233 = arith.constant 20 : index
    %get3A_1234 = memref.load %arg5[%get3A_1231, %get3A_1232, %get3A_1233] : memref<1x5x32xf32, #tpu.memory_space<smem>>
    %min3A_1235 = vector.broadcast %get3A_1226 : f32 to vector<32x128xf32>
    %min3A_1236 = arith.minimumf %get3A_15, %min3A_1235 : vector<32x128xf32>
    %max3A_1237 = vector.broadcast %get3A_1218 : f32 to vector<32x128xf32>
    %max3A_1238 = arith.maximumf %get3A_5, %max3A_1237 : vector<32x128xf32>
    %sub3A_1239 = arith.subf %min3A_1236, %max3A_1238 : vector<32x128xf32>
    %max3A_1240 = arith.constant 0.000000e+00 : f32
    %max3A_1241 = vector.broadcast %max3A_1240 : f32 to vector<32x128xf32>
    %max3A_1242 = arith.maximumf %sub3A_1239, %max3A_1241 : vector<32x128xf32>
    %min3A_1243 = vector.broadcast %get3A_1230 : f32 to vector<32x128xf32>
    %min3A_1244 = arith.minimumf %get3A_20, %min3A_1243 : vector<32x128xf32>
    %max3A_1245 = vector.broadcast %get3A_1222 : f32 to vector<32x128xf32>
    %max3A_1246 = arith.maximumf %get3A_10, %max3A_1245 : vector<32x128xf32>
    %sub3A_1247 = arith.subf %min3A_1244, %max3A_1246 : vector<32x128xf32>
    %max3A_1248 = arith.constant 0.000000e+00 : f32
    %max3A_1249 = vector.broadcast %max3A_1248 : f32 to vector<32x128xf32>
    %max3A_1250 = arith.maximumf %sub3A_1247, %max3A_1249 : vector<32x128xf32>
    %mul3A_1251 = arith.mulf %max3A_1242, %max3A_1250 : vector<32x128xf32>
    %sub3A_1252 = arith.subf %get3A_1226, %get3A_1218 : f32
    %sub3A_1253 = arith.subf %get3A_1230, %get3A_1222 : f32
    %mul3A_1254 = arith.mulf %sub3A_1252, %sub3A_1253 : f32
    %add3A_1255 = vector.broadcast %mul3A_1254 : f32 to vector<32x128xf32>
    %add3A_1256 = arith.addf %mul3A_28, %add3A_1255 : vector<32x128xf32>
    %sub3A_1257 = arith.subf %add3A_1256, %mul3A_1251 : vector<32x128xf32>
    %max3A_1258 = arith.constant 9.99999993E-9 : f32
    %max3A_1259 = vector.broadcast %max3A_1258 : f32 to vector<32x128xf32>
    %max3A_1260 = arith.maximumf %sub3A_1257, %max3A_1259 : vector<32x128xf32>
    %div3A_1261 = arith.divf %mul3A_1251, %max3A_1260 : vector<32x128xf32>
    %gt3A_1262 = arith.cmpf ogt, %div3A_1261, %select_n3A_1204 : vector<32x128xf32>
    %select_n3A_1263 = arith.select %gt3A_1262, %div3A_1261, %select_n3A_1204 : vector<32x128xi1>, vector<32x128xf32>
    %broadcast_in_dim3A_1264 = vector.broadcast %get3A_1218 : f32 to vector<32x128xf32>
    %select_n3A_1265 = arith.select %gt3A_1262, %broadcast_in_dim3A_1264, %select_n3A_1206 : vector<32x128xi1>, vector<32x128xf32>
    %broadcast_in_dim3A_1266 = vector.broadcast %get3A_1222 : f32 to vector<32x128xf32>
    %select_n3A_1267 = arith.select %gt3A_1262, %broadcast_in_dim3A_1266, %select_n3A_1208 : vector<32x128xi1>, vector<32x128xf32>
    %broadcast_in_dim3A_1268 = vector.broadcast %get3A_1226 : f32 to vector<32x128xf32>
    %select_n3A_1269 = arith.select %gt3A_1262, %broadcast_in_dim3A_1268, %select_n3A_1210 : vector<32x128xi1>, vector<32x128xf32>
    %broadcast_in_dim3A_1270 = vector.broadcast %get3A_1230 : f32 to vector<32x128xf32>
    %select_n3A_1271 = arith.select %gt3A_1262, %broadcast_in_dim3A_1270, %select_n3A_1212 : vector<32x128xi1>, vector<32x128xf32>
    %broadcast_in_dim3A_1272 = vector.broadcast %get3A_1234 : f32 to vector<32x128xf32>
    %select_n3A_1273 = arith.select %gt3A_1262, %broadcast_in_dim3A_1272, %select_n3A_1214 : vector<32x128xi1>, vector<32x128xf32>
    %get3A_1274 = arith.constant 0 : index
    %get3A_1275 = arith.constant 0 : index
    %get3A_1276 = arith.constant 21 : index
    %get3A_1277 = memref.load %arg5[%get3A_1274, %get3A_1275, %get3A_1276] : memref<1x5x32xf32, #tpu.memory_space<smem>>
    %get3A_1278 = arith.constant 0 : index
    %get3A_1279 = arith.constant 1 : index
    %get3A_1280 = arith.constant 21 : index
    %get3A_1281 = memref.load %arg5[%get3A_1278, %get3A_1279, %get3A_1280] : memref<1x5x32xf32, #tpu.memory_space<smem>>
    %get3A_1282 = arith.constant 0 : index
    %get3A_1283 = arith.constant 2 : index
    %get3A_1284 = arith.constant 21 : index
    %get3A_1285 = memref.load %arg5[%get3A_1282, %get3A_1283, %get3A_1284] : memref<1x5x32xf32, #tpu.memory_space<smem>>
    %get3A_1286 = arith.constant 0 : index
    %get3A_1287 = arith.constant 3 : index
    %get3A_1288 = arith.constant 21 : index
    %get3A_1289 = memref.load %arg5[%get3A_1286, %get3A_1287, %get3A_1288] : memref<1x5x32xf32, #tpu.memory_space<smem>>
    %get3A_1290 = arith.constant 0 : index
    %get3A_1291 = arith.constant 4 : index
    %get3A_1292 = arith.constant 21 : index
    %get3A_1293 = memref.load %arg5[%get3A_1290, %get3A_1291, %get3A_1292] : memref<1x5x32xf32, #tpu.memory_space<smem>>
    %min3A_1294 = vector.broadcast %get3A_1285 : f32 to vector<32x128xf32>
    %min3A_1295 = arith.minimumf %get3A_15, %min3A_1294 : vector<32x128xf32>
    %max3A_1296 = vector.broadcast %get3A_1277 : f32 to vector<32x128xf32>
    %max3A_1297 = arith.maximumf %get3A_5, %max3A_1296 : vector<32x128xf32>
    %sub3A_1298 = arith.subf %min3A_1295, %max3A_1297 : vector<32x128xf32>
    %max3A_1299 = arith.constant 0.000000e+00 : f32
    %max3A_1300 = vector.broadcast %max3A_1299 : f32 to vector<32x128xf32>
    %max3A_1301 = arith.maximumf %sub3A_1298, %max3A_1300 : vector<32x128xf32>
    %min3A_1302 = vector.broadcast %get3A_1289 : f32 to vector<32x128xf32>
    %min3A_1303 = arith.minimumf %get3A_20, %min3A_1302 : vector<32x128xf32>
    %max3A_1304 = vector.broadcast %get3A_1281 : f32 to vector<32x128xf32>
    %max3A_1305 = arith.maximumf %get3A_10, %max3A_1304 : vector<32x128xf32>
    %sub3A_1306 = arith.subf %min3A_1303, %max3A_1305 : vector<32x128xf32>
    %max3A_1307 = arith.constant 0.000000e+00 : f32
    %max3A_1308 = vector.broadcast %max3A_1307 : f32 to vector<32x128xf32>
    %max3A_1309 = arith.maximumf %sub3A_1306, %max3A_1308 : vector<32x128xf32>
    %mul3A_1310 = arith.mulf %max3A_1301, %max3A_1309 : vector<32x128xf32>
    %sub3A_1311 = arith.subf %get3A_1285, %get3A_1277 : f32
    %sub3A_1312 = arith.subf %get3A_1289, %get3A_1281 : f32
    %mul3A_1313 = arith.mulf %sub3A_1311, %sub3A_1312 : f32
    %add3A_1314 = vector.broadcast %mul3A_1313 : f32 to vector<32x128xf32>
    %add3A_1315 = arith.addf %mul3A_28, %add3A_1314 : vector<32x128xf32>
    %sub3A_1316 = arith.subf %add3A_1315, %mul3A_1310 : vector<32x128xf32>
    %max3A_1317 = arith.constant 9.99999993E-9 : f32
    %max3A_1318 = vector.broadcast %max3A_1317 : f32 to vector<32x128xf32>
    %max3A_1319 = arith.maximumf %sub3A_1316, %max3A_1318 : vector<32x128xf32>
    %div3A_1320 = arith.divf %mul3A_1310, %max3A_1319 : vector<32x128xf32>
    %gt3A_1321 = arith.cmpf ogt, %div3A_1320, %select_n3A_1263 : vector<32x128xf32>
    %select_n3A_1322 = arith.select %gt3A_1321, %div3A_1320, %select_n3A_1263 : vector<32x128xi1>, vector<32x128xf32>
    %broadcast_in_dim3A_1323 = vector.broadcast %get3A_1277 : f32 to vector<32x128xf32>
    %select_n3A_1324 = arith.select %gt3A_1321, %broadcast_in_dim3A_1323, %select_n3A_1265 : vector<32x128xi1>, vector<32x128xf32>
    %broadcast_in_dim3A_1325 = vector.broadcast %get3A_1281 : f32 to vector<32x128xf32>
    %select_n3A_1326 = arith.select %gt3A_1321, %broadcast_in_dim3A_1325, %select_n3A_1267 : vector<32x128xi1>, vector<32x128xf32>
    %broadcast_in_dim3A_1327 = vector.broadcast %get3A_1285 : f32 to vector<32x128xf32>
    %select_n3A_1328 = arith.select %gt3A_1321, %broadcast_in_dim3A_1327, %select_n3A_1269 : vector<32x128xi1>, vector<32x128xf32>
    %broadcast_in_dim3A_1329 = vector.broadcast %get3A_1289 : f32 to vector<32x128xf32>
    %select_n3A_1330 = arith.select %gt3A_1321, %broadcast_in_dim3A_1329, %select_n3A_1271 : vector<32x128xi1>, vector<32x128xf32>
    %broadcast_in_dim3A_1331 = vector.broadcast %get3A_1293 : f32 to vector<32x128xf32>
    %select_n3A_1332 = arith.select %gt3A_1321, %broadcast_in_dim3A_1331, %select_n3A_1273 : vector<32x128xi1>, vector<32x128xf32>
    %get3A_1333 = arith.constant 0 : index
    %get3A_1334 = arith.constant 0 : index
    %get3A_1335 = arith.constant 22 : index
    %get3A_1336 = memref.load %arg5[%get3A_1333, %get3A_1334, %get3A_1335] : memref<1x5x32xf32, #tpu.memory_space<smem>>
    %get3A_1337 = arith.constant 0 : index
    %get3A_1338 = arith.constant 1 : index
    %get3A_1339 = arith.constant 22 : index
    %get3A_1340 = memref.load %arg5[%get3A_1337, %get3A_1338, %get3A_1339] : memref<1x5x32xf32, #tpu.memory_space<smem>>
    %get3A_1341 = arith.constant 0 : index
    %get3A_1342 = arith.constant 2 : index
    %get3A_1343 = arith.constant 22 : index
    %get3A_1344 = memref.load %arg5[%get3A_1341, %get3A_1342, %get3A_1343] : memref<1x5x32xf32, #tpu.memory_space<smem>>
    %get3A_1345 = arith.constant 0 : index
    %get3A_1346 = arith.constant 3 : index
    %get3A_1347 = arith.constant 22 : index
    %get3A_1348 = memref.load %arg5[%get3A_1345, %get3A_1346, %get3A_1347] : memref<1x5x32xf32, #tpu.memory_space<smem>>
    %get3A_1349 = arith.constant 0 : index
    %get3A_1350 = arith.constant 4 : index
    %get3A_1351 = arith.constant 22 : index
    %get3A_1352 = memref.load %arg5[%get3A_1349, %get3A_1350, %get3A_1351] : memref<1x5x32xf32, #tpu.memory_space<smem>>
    %min3A_1353 = vector.broadcast %get3A_1344 : f32 to vector<32x128xf32>
    %min3A_1354 = arith.minimumf %get3A_15, %min3A_1353 : vector<32x128xf32>
    %max3A_1355 = vector.broadcast %get3A_1336 : f32 to vector<32x128xf32>
    %max3A_1356 = arith.maximumf %get3A_5, %max3A_1355 : vector<32x128xf32>
    %sub3A_1357 = arith.subf %min3A_1354, %max3A_1356 : vector<32x128xf32>
    %max3A_1358 = arith.constant 0.000000e+00 : f32
    %max3A_1359 = vector.broadcast %max3A_1358 : f32 to vector<32x128xf32>
    %max3A_1360 = arith.maximumf %sub3A_1357, %max3A_1359 : vector<32x128xf32>
    %min3A_1361 = vector.broadcast %get3A_1348 : f32 to vector<32x128xf32>
    %min3A_1362 = arith.minimumf %get3A_20, %min3A_1361 : vector<32x128xf32>
    %max3A_1363 = vector.broadcast %get3A_1340 : f32 to vector<32x128xf32>
    %max3A_1364 = arith.maximumf %get3A_10, %max3A_1363 : vector<32x128xf32>
    %sub3A_1365 = arith.subf %min3A_1362, %max3A_1364 : vector<32x128xf32>
    %max3A_1366 = arith.constant 0.000000e+00 : f32
    %max3A_1367 = vector.broadcast %max3A_1366 : f32 to vector<32x128xf32>
    %max3A_1368 = arith.maximumf %sub3A_1365, %max3A_1367 : vector<32x128xf32>
    %mul3A_1369 = arith.mulf %max3A_1360, %max3A_1368 : vector<32x128xf32>
    %sub3A_1370 = arith.subf %get3A_1344, %get3A_1336 : f32
    %sub3A_1371 = arith.subf %get3A_1348, %get3A_1340 : f32
    %mul3A_1372 = arith.mulf %sub3A_1370, %sub3A_1371 : f32
    %add3A_1373 = vector.broadcast %mul3A_1372 : f32 to vector<32x128xf32>
    %add3A_1374 = arith.addf %mul3A_28, %add3A_1373 : vector<32x128xf32>
    %sub3A_1375 = arith.subf %add3A_1374, %mul3A_1369 : vector<32x128xf32>
    %max3A_1376 = arith.constant 9.99999993E-9 : f32
    %max3A_1377 = vector.broadcast %max3A_1376 : f32 to vector<32x128xf32>
    %max3A_1378 = arith.maximumf %sub3A_1375, %max3A_1377 : vector<32x128xf32>
    %div3A_1379 = arith.divf %mul3A_1369, %max3A_1378 : vector<32x128xf32>
    %gt3A_1380 = arith.cmpf ogt, %div3A_1379, %select_n3A_1322 : vector<32x128xf32>
    %select_n3A_1381 = arith.select %gt3A_1380, %div3A_1379, %select_n3A_1322 : vector<32x128xi1>, vector<32x128xf32>
    %broadcast_in_dim3A_1382 = vector.broadcast %get3A_1336 : f32 to vector<32x128xf32>
    %select_n3A_1383 = arith.select %gt3A_1380, %broadcast_in_dim3A_1382, %select_n3A_1324 : vector<32x128xi1>, vector<32x128xf32>
    %broadcast_in_dim3A_1384 = vector.broadcast %get3A_1340 : f32 to vector<32x128xf32>
    %select_n3A_1385 = arith.select %gt3A_1380, %broadcast_in_dim3A_1384, %select_n3A_1326 : vector<32x128xi1>, vector<32x128xf32>
    %broadcast_in_dim3A_1386 = vector.broadcast %get3A_1344 : f32 to vector<32x128xf32>
    %select_n3A_1387 = arith.select %gt3A_1380, %broadcast_in_dim3A_1386, %select_n3A_1328 : vector<32x128xi1>, vector<32x128xf32>
    %broadcast_in_dim3A_1388 = vector.broadcast %get3A_1348 : f32 to vector<32x128xf32>
    %select_n3A_1389 = arith.select %gt3A_1380, %broadcast_in_dim3A_1388, %select_n3A_1330 : vector<32x128xi1>, vector<32x128xf32>
    %broadcast_in_dim3A_1390 = vector.broadcast %get3A_1352 : f32 to vector<32x128xf32>
    %select_n3A_1391 = arith.select %gt3A_1380, %broadcast_in_dim3A_1390, %select_n3A_1332 : vector<32x128xi1>, vector<32x128xf32>
    %get3A_1392 = arith.constant 0 : index
    %get3A_1393 = arith.constant 0 : index
    %get3A_1394 = arith.constant 23 : index
    %get3A_1395 = memref.load %arg5[%get3A_1392, %get3A_1393, %get3A_1394] : memref<1x5x32xf32, #tpu.memory_space<smem>>
    %get3A_1396 = arith.constant 0 : index
    %get3A_1397 = arith.constant 1 : index
    %get3A_1398 = arith.constant 23 : index
    %get3A_1399 = memref.load %arg5[%get3A_1396, %get3A_1397, %get3A_1398] : memref<1x5x32xf32, #tpu.memory_space<smem>>
    %get3A_1400 = arith.constant 0 : index
    %get3A_1401 = arith.constant 2 : index
    %get3A_1402 = arith.constant 23 : index
    %get3A_1403 = memref.load %arg5[%get3A_1400, %get3A_1401, %get3A_1402] : memref<1x5x32xf32, #tpu.memory_space<smem>>
    %get3A_1404 = arith.constant 0 : index
    %get3A_1405 = arith.constant 3 : index
    %get3A_1406 = arith.constant 23 : index
    %get3A_1407 = memref.load %arg5[%get3A_1404, %get3A_1405, %get3A_1406] : memref<1x5x32xf32, #tpu.memory_space<smem>>
    %get3A_1408 = arith.constant 0 : index
    %get3A_1409 = arith.constant 4 : index
    %get3A_1410 = arith.constant 23 : index
    %get3A_1411 = memref.load %arg5[%get3A_1408, %get3A_1409, %get3A_1410] : memref<1x5x32xf32, #tpu.memory_space<smem>>
    %min3A_1412 = vector.broadcast %get3A_1403 : f32 to vector<32x128xf32>
    %min3A_1413 = arith.minimumf %get3A_15, %min3A_1412 : vector<32x128xf32>
    %max3A_1414 = vector.broadcast %get3A_1395 : f32 to vector<32x128xf32>
    %max3A_1415 = arith.maximumf %get3A_5, %max3A_1414 : vector<32x128xf32>
    %sub3A_1416 = arith.subf %min3A_1413, %max3A_1415 : vector<32x128xf32>
    %max3A_1417 = arith.constant 0.000000e+00 : f32
    %max3A_1418 = vector.broadcast %max3A_1417 : f32 to vector<32x128xf32>
    %max3A_1419 = arith.maximumf %sub3A_1416, %max3A_1418 : vector<32x128xf32>
    %min3A_1420 = vector.broadcast %get3A_1407 : f32 to vector<32x128xf32>
    %min3A_1421 = arith.minimumf %get3A_20, %min3A_1420 : vector<32x128xf32>
    %max3A_1422 = vector.broadcast %get3A_1399 : f32 to vector<32x128xf32>
    %max3A_1423 = arith.maximumf %get3A_10, %max3A_1422 : vector<32x128xf32>
    %sub3A_1424 = arith.subf %min3A_1421, %max3A_1423 : vector<32x128xf32>
    %max3A_1425 = arith.constant 0.000000e+00 : f32
    %max3A_1426 = vector.broadcast %max3A_1425 : f32 to vector<32x128xf32>
    %max3A_1427 = arith.maximumf %sub3A_1424, %max3A_1426 : vector<32x128xf32>
    %mul3A_1428 = arith.mulf %max3A_1419, %max3A_1427 : vector<32x128xf32>
    %sub3A_1429 = arith.subf %get3A_1403, %get3A_1395 : f32
    %sub3A_1430 = arith.subf %get3A_1407, %get3A_1399 : f32
    %mul3A_1431 = arith.mulf %sub3A_1429, %sub3A_1430 : f32
    %add3A_1432 = vector.broadcast %mul3A_1431 : f32 to vector<32x128xf32>
    %add3A_1433 = arith.addf %mul3A_28, %add3A_1432 : vector<32x128xf32>
    %sub3A_1434 = arith.subf %add3A_1433, %mul3A_1428 : vector<32x128xf32>
    %max3A_1435 = arith.constant 9.99999993E-9 : f32
    %max3A_1436 = vector.broadcast %max3A_1435 : f32 to vector<32x128xf32>
    %max3A_1437 = arith.maximumf %sub3A_1434, %max3A_1436 : vector<32x128xf32>
    %div3A_1438 = arith.divf %mul3A_1428, %max3A_1437 : vector<32x128xf32>
    %gt3A_1439 = arith.cmpf ogt, %div3A_1438, %select_n3A_1381 : vector<32x128xf32>
    %select_n3A_1440 = arith.select %gt3A_1439, %div3A_1438, %select_n3A_1381 : vector<32x128xi1>, vector<32x128xf32>
    %broadcast_in_dim3A_1441 = vector.broadcast %get3A_1395 : f32 to vector<32x128xf32>
    %select_n3A_1442 = arith.select %gt3A_1439, %broadcast_in_dim3A_1441, %select_n3A_1383 : vector<32x128xi1>, vector<32x128xf32>
    %broadcast_in_dim3A_1443 = vector.broadcast %get3A_1399 : f32 to vector<32x128xf32>
    %select_n3A_1444 = arith.select %gt3A_1439, %broadcast_in_dim3A_1443, %select_n3A_1385 : vector<32x128xi1>, vector<32x128xf32>
    %broadcast_in_dim3A_1445 = vector.broadcast %get3A_1403 : f32 to vector<32x128xf32>
    %select_n3A_1446 = arith.select %gt3A_1439, %broadcast_in_dim3A_1445, %select_n3A_1387 : vector<32x128xi1>, vector<32x128xf32>
    %broadcast_in_dim3A_1447 = vector.broadcast %get3A_1407 : f32 to vector<32x128xf32>
    %select_n3A_1448 = arith.select %gt3A_1439, %broadcast_in_dim3A_1447, %select_n3A_1389 : vector<32x128xi1>, vector<32x128xf32>
    %broadcast_in_dim3A_1449 = vector.broadcast %get3A_1411 : f32 to vector<32x128xf32>
    %select_n3A_1450 = arith.select %gt3A_1439, %broadcast_in_dim3A_1449, %select_n3A_1391 : vector<32x128xi1>, vector<32x128xf32>
    %get3A_1451 = arith.constant 0 : index
    %get3A_1452 = arith.constant 0 : index
    %get3A_1453 = arith.constant 24 : index
    %get3A_1454 = memref.load %arg5[%get3A_1451, %get3A_1452, %get3A_1453] : memref<1x5x32xf32, #tpu.memory_space<smem>>
    %get3A_1455 = arith.constant 0 : index
    %get3A_1456 = arith.constant 1 : index
    %get3A_1457 = arith.constant 24 : index
    %get3A_1458 = memref.load %arg5[%get3A_1455, %get3A_1456, %get3A_1457] : memref<1x5x32xf32, #tpu.memory_space<smem>>
    %get3A_1459 = arith.constant 0 : index
    %get3A_1460 = arith.constant 2 : index
    %get3A_1461 = arith.constant 24 : index
    %get3A_1462 = memref.load %arg5[%get3A_1459, %get3A_1460, %get3A_1461] : memref<1x5x32xf32, #tpu.memory_space<smem>>
    %get3A_1463 = arith.constant 0 : index
    %get3A_1464 = arith.constant 3 : index
    %get3A_1465 = arith.constant 24 : index
    %get3A_1466 = memref.load %arg5[%get3A_1463, %get3A_1464, %get3A_1465] : memref<1x5x32xf32, #tpu.memory_space<smem>>
    %get3A_1467 = arith.constant 0 : index
    %get3A_1468 = arith.constant 4 : index
    %get3A_1469 = arith.constant 24 : index
    %get3A_1470 = memref.load %arg5[%get3A_1467, %get3A_1468, %get3A_1469] : memref<1x5x32xf32, #tpu.memory_space<smem>>
    %min3A_1471 = vector.broadcast %get3A_1462 : f32 to vector<32x128xf32>
    %min3A_1472 = arith.minimumf %get3A_15, %min3A_1471 : vector<32x128xf32>
    %max3A_1473 = vector.broadcast %get3A_1454 : f32 to vector<32x128xf32>
    %max3A_1474 = arith.maximumf %get3A_5, %max3A_1473 : vector<32x128xf32>
    %sub3A_1475 = arith.subf %min3A_1472, %max3A_1474 : vector<32x128xf32>
    %max3A_1476 = arith.constant 0.000000e+00 : f32
    %max3A_1477 = vector.broadcast %max3A_1476 : f32 to vector<32x128xf32>
    %max3A_1478 = arith.maximumf %sub3A_1475, %max3A_1477 : vector<32x128xf32>
    %min3A_1479 = vector.broadcast %get3A_1466 : f32 to vector<32x128xf32>
    %min3A_1480 = arith.minimumf %get3A_20, %min3A_1479 : vector<32x128xf32>
    %max3A_1481 = vector.broadcast %get3A_1458 : f32 to vector<32x128xf32>
    %max3A_1482 = arith.maximumf %get3A_10, %max3A_1481 : vector<32x128xf32>
    %sub3A_1483 = arith.subf %min3A_1480, %max3A_1482 : vector<32x128xf32>
    %max3A_1484 = arith.constant 0.000000e+00 : f32
    %max3A_1485 = vector.broadcast %max3A_1484 : f32 to vector<32x128xf32>
    %max3A_1486 = arith.maximumf %sub3A_1483, %max3A_1485 : vector<32x128xf32>
    %mul3A_1487 = arith.mulf %max3A_1478, %max3A_1486 : vector<32x128xf32>
    %sub3A_1488 = arith.subf %get3A_1462, %get3A_1454 : f32
    %sub3A_1489 = arith.subf %get3A_1466, %get3A_1458 : f32
    %mul3A_1490 = arith.mulf %sub3A_1488, %sub3A_1489 : f32
    %add3A_1491 = vector.broadcast %mul3A_1490 : f32 to vector<32x128xf32>
    %add3A_1492 = arith.addf %mul3A_28, %add3A_1491 : vector<32x128xf32>
    %sub3A_1493 = arith.subf %add3A_1492, %mul3A_1487 : vector<32x128xf32>
    %max3A_1494 = arith.constant 9.99999993E-9 : f32
    %max3A_1495 = vector.broadcast %max3A_1494 : f32 to vector<32x128xf32>
    %max3A_1496 = arith.maximumf %sub3A_1493, %max3A_1495 : vector<32x128xf32>
    %div3A_1497 = arith.divf %mul3A_1487, %max3A_1496 : vector<32x128xf32>
    %gt3A_1498 = arith.cmpf ogt, %div3A_1497, %select_n3A_1440 : vector<32x128xf32>
    %select_n3A_1499 = arith.select %gt3A_1498, %div3A_1497, %select_n3A_1440 : vector<32x128xi1>, vector<32x128xf32>
    %broadcast_in_dim3A_1500 = vector.broadcast %get3A_1454 : f32 to vector<32x128xf32>
    %select_n3A_1501 = arith.select %gt3A_1498, %broadcast_in_dim3A_1500, %select_n3A_1442 : vector<32x128xi1>, vector<32x128xf32>
    %broadcast_in_dim3A_1502 = vector.broadcast %get3A_1458 : f32 to vector<32x128xf32>
    %select_n3A_1503 = arith.select %gt3A_1498, %broadcast_in_dim3A_1502, %select_n3A_1444 : vector<32x128xi1>, vector<32x128xf32>
    %broadcast_in_dim3A_1504 = vector.broadcast %get3A_1462 : f32 to vector<32x128xf32>
    %select_n3A_1505 = arith.select %gt3A_1498, %broadcast_in_dim3A_1504, %select_n3A_1446 : vector<32x128xi1>, vector<32x128xf32>
    %broadcast_in_dim3A_1506 = vector.broadcast %get3A_1466 : f32 to vector<32x128xf32>
    %select_n3A_1507 = arith.select %gt3A_1498, %broadcast_in_dim3A_1506, %select_n3A_1448 : vector<32x128xi1>, vector<32x128xf32>
    %broadcast_in_dim3A_1508 = vector.broadcast %get3A_1470 : f32 to vector<32x128xf32>
    %select_n3A_1509 = arith.select %gt3A_1498, %broadcast_in_dim3A_1508, %select_n3A_1450 : vector<32x128xi1>, vector<32x128xf32>
    %get3A_1510 = arith.constant 0 : index
    %get3A_1511 = arith.constant 0 : index
    %get3A_1512 = arith.constant 25 : index
    %get3A_1513 = memref.load %arg5[%get3A_1510, %get3A_1511, %get3A_1512] : memref<1x5x32xf32, #tpu.memory_space<smem>>
    %get3A_1514 = arith.constant 0 : index
    %get3A_1515 = arith.constant 1 : index
    %get3A_1516 = arith.constant 25 : index
    %get3A_1517 = memref.load %arg5[%get3A_1514, %get3A_1515, %get3A_1516] : memref<1x5x32xf32, #tpu.memory_space<smem>>
    %get3A_1518 = arith.constant 0 : index
    %get3A_1519 = arith.constant 2 : index
    %get3A_1520 = arith.constant 25 : index
    %get3A_1521 = memref.load %arg5[%get3A_1518, %get3A_1519, %get3A_1520] : memref<1x5x32xf32, #tpu.memory_space<smem>>
    %get3A_1522 = arith.constant 0 : index
    %get3A_1523 = arith.constant 3 : index
    %get3A_1524 = arith.constant 25 : index
    %get3A_1525 = memref.load %arg5[%get3A_1522, %get3A_1523, %get3A_1524] : memref<1x5x32xf32, #tpu.memory_space<smem>>
    %get3A_1526 = arith.constant 0 : index
    %get3A_1527 = arith.constant 4 : index
    %get3A_1528 = arith.constant 25 : index
    %get3A_1529 = memref.load %arg5[%get3A_1526, %get3A_1527, %get3A_1528] : memref<1x5x32xf32, #tpu.memory_space<smem>>
    %min3A_1530 = vector.broadcast %get3A_1521 : f32 to vector<32x128xf32>
    %min3A_1531 = arith.minimumf %get3A_15, %min3A_1530 : vector<32x128xf32>
    %max3A_1532 = vector.broadcast %get3A_1513 : f32 to vector<32x128xf32>
    %max3A_1533 = arith.maximumf %get3A_5, %max3A_1532 : vector<32x128xf32>
    %sub3A_1534 = arith.subf %min3A_1531, %max3A_1533 : vector<32x128xf32>
    %max3A_1535 = arith.constant 0.000000e+00 : f32
    %max3A_1536 = vector.broadcast %max3A_1535 : f32 to vector<32x128xf32>
    %max3A_1537 = arith.maximumf %sub3A_1534, %max3A_1536 : vector<32x128xf32>
    %min3A_1538 = vector.broadcast %get3A_1525 : f32 to vector<32x128xf32>
    %min3A_1539 = arith.minimumf %get3A_20, %min3A_1538 : vector<32x128xf32>
    %max3A_1540 = vector.broadcast %get3A_1517 : f32 to vector<32x128xf32>
    %max3A_1541 = arith.maximumf %get3A_10, %max3A_1540 : vector<32x128xf32>
    %sub3A_1542 = arith.subf %min3A_1539, %max3A_1541 : vector<32x128xf32>
    %max3A_1543 = arith.constant 0.000000e+00 : f32
    %max3A_1544 = vector.broadcast %max3A_1543 : f32 to vector<32x128xf32>
    %max3A_1545 = arith.maximumf %sub3A_1542, %max3A_1544 : vector<32x128xf32>
    %mul3A_1546 = arith.mulf %max3A_1537, %max3A_1545 : vector<32x128xf32>
    %sub3A_1547 = arith.subf %get3A_1521, %get3A_1513 : f32
    %sub3A_1548 = arith.subf %get3A_1525, %get3A_1517 : f32
    %mul3A_1549 = arith.mulf %sub3A_1547, %sub3A_1548 : f32
    %add3A_1550 = vector.broadcast %mul3A_1549 : f32 to vector<32x128xf32>
    %add3A_1551 = arith.addf %mul3A_28, %add3A_1550 : vector<32x128xf32>
    %sub3A_1552 = arith.subf %add3A_1551, %mul3A_1546 : vector<32x128xf32>
    %max3A_1553 = arith.constant 9.99999993E-9 : f32
    %max3A_1554 = vector.broadcast %max3A_1553 : f32 to vector<32x128xf32>
    %max3A_1555 = arith.maximumf %sub3A_1552, %max3A_1554 : vector<32x128xf32>
    %div3A_1556 = arith.divf %mul3A_1546, %max3A_1555 : vector<32x128xf32>
    %gt3A_1557 = arith.cmpf ogt, %div3A_1556, %select_n3A_1499 : vector<32x128xf32>
    %select_n3A_1558 = arith.select %gt3A_1557, %div3A_1556, %select_n3A_1499 : vector<32x128xi1>, vector<32x128xf32>
    %broadcast_in_dim3A_1559 = vector.broadcast %get3A_1513 : f32 to vector<32x128xf32>
    %select_n3A_1560 = arith.select %gt3A_1557, %broadcast_in_dim3A_1559, %select_n3A_1501 : vector<32x128xi1>, vector<32x128xf32>
    %broadcast_in_dim3A_1561 = vector.broadcast %get3A_1517 : f32 to vector<32x128xf32>
    %select_n3A_1562 = arith.select %gt3A_1557, %broadcast_in_dim3A_1561, %select_n3A_1503 : vector<32x128xi1>, vector<32x128xf32>
    %broadcast_in_dim3A_1563 = vector.broadcast %get3A_1521 : f32 to vector<32x128xf32>
    %select_n3A_1564 = arith.select %gt3A_1557, %broadcast_in_dim3A_1563, %select_n3A_1505 : vector<32x128xi1>, vector<32x128xf32>
    %broadcast_in_dim3A_1565 = vector.broadcast %get3A_1525 : f32 to vector<32x128xf32>
    %select_n3A_1566 = arith.select %gt3A_1557, %broadcast_in_dim3A_1565, %select_n3A_1507 : vector<32x128xi1>, vector<32x128xf32>
    %broadcast_in_dim3A_1567 = vector.broadcast %get3A_1529 : f32 to vector<32x128xf32>
    %select_n3A_1568 = arith.select %gt3A_1557, %broadcast_in_dim3A_1567, %select_n3A_1509 : vector<32x128xi1>, vector<32x128xf32>
    %get3A_1569 = arith.constant 0 : index
    %get3A_1570 = arith.constant 0 : index
    %get3A_1571 = arith.constant 26 : index
    %get3A_1572 = memref.load %arg5[%get3A_1569, %get3A_1570, %get3A_1571] : memref<1x5x32xf32, #tpu.memory_space<smem>>
    %get3A_1573 = arith.constant 0 : index
    %get3A_1574 = arith.constant 1 : index
    %get3A_1575 = arith.constant 26 : index
    %get3A_1576 = memref.load %arg5[%get3A_1573, %get3A_1574, %get3A_1575] : memref<1x5x32xf32, #tpu.memory_space<smem>>
    %get3A_1577 = arith.constant 0 : index
    %get3A_1578 = arith.constant 2 : index
    %get3A_1579 = arith.constant 26 : index
    %get3A_1580 = memref.load %arg5[%get3A_1577, %get3A_1578, %get3A_1579] : memref<1x5x32xf32, #tpu.memory_space<smem>>
    %get3A_1581 = arith.constant 0 : index
    %get3A_1582 = arith.constant 3 : index
    %get3A_1583 = arith.constant 26 : index
    %get3A_1584 = memref.load %arg5[%get3A_1581, %get3A_1582, %get3A_1583] : memref<1x5x32xf32, #tpu.memory_space<smem>>
    %get3A_1585 = arith.constant 0 : index
    %get3A_1586 = arith.constant 4 : index
    %get3A_1587 = arith.constant 26 : index
    %get3A_1588 = memref.load %arg5[%get3A_1585, %get3A_1586, %get3A_1587] : memref<1x5x32xf32, #tpu.memory_space<smem>>
    %min3A_1589 = vector.broadcast %get3A_1580 : f32 to vector<32x128xf32>
    %min3A_1590 = arith.minimumf %get3A_15, %min3A_1589 : vector<32x128xf32>
    %max3A_1591 = vector.broadcast %get3A_1572 : f32 to vector<32x128xf32>
    %max3A_1592 = arith.maximumf %get3A_5, %max3A_1591 : vector<32x128xf32>
    %sub3A_1593 = arith.subf %min3A_1590, %max3A_1592 : vector<32x128xf32>
    %max3A_1594 = arith.constant 0.000000e+00 : f32
    %max3A_1595 = vector.broadcast %max3A_1594 : f32 to vector<32x128xf32>
    %max3A_1596 = arith.maximumf %sub3A_1593, %max3A_1595 : vector<32x128xf32>
    %min3A_1597 = vector.broadcast %get3A_1584 : f32 to vector<32x128xf32>
    %min3A_1598 = arith.minimumf %get3A_20, %min3A_1597 : vector<32x128xf32>
    %max3A_1599 = vector.broadcast %get3A_1576 : f32 to vector<32x128xf32>
    %max3A_1600 = arith.maximumf %get3A_10, %max3A_1599 : vector<32x128xf32>
    %sub3A_1601 = arith.subf %min3A_1598, %max3A_1600 : vector<32x128xf32>
    %max3A_1602 = arith.constant 0.000000e+00 : f32
    %max3A_1603 = vector.broadcast %max3A_1602 : f32 to vector<32x128xf32>
    %max3A_1604 = arith.maximumf %sub3A_1601, %max3A_1603 : vector<32x128xf32>
    %mul3A_1605 = arith.mulf %max3A_1596, %max3A_1604 : vector<32x128xf32>
    %sub3A_1606 = arith.subf %get3A_1580, %get3A_1572 : f32
    %sub3A_1607 = arith.subf %get3A_1584, %get3A_1576 : f32
    %mul3A_1608 = arith.mulf %sub3A_1606, %sub3A_1607 : f32
    %add3A_1609 = vector.broadcast %mul3A_1608 : f32 to vector<32x128xf32>
    %add3A_1610 = arith.addf %mul3A_28, %add3A_1609 : vector<32x128xf32>
    %sub3A_1611 = arith.subf %add3A_1610, %mul3A_1605 : vector<32x128xf32>
    %max3A_1612 = arith.constant 9.99999993E-9 : f32
    %max3A_1613 = vector.broadcast %max3A_1612 : f32 to vector<32x128xf32>
    %max3A_1614 = arith.maximumf %sub3A_1611, %max3A_1613 : vector<32x128xf32>
    %div3A_1615 = arith.divf %mul3A_1605, %max3A_1614 : vector<32x128xf32>
    %gt3A_1616 = arith.cmpf ogt, %div3A_1615, %select_n3A_1558 : vector<32x128xf32>
    %select_n3A_1617 = arith.select %gt3A_1616, %div3A_1615, %select_n3A_1558 : vector<32x128xi1>, vector<32x128xf32>
    %broadcast_in_dim3A_1618 = vector.broadcast %get3A_1572 : f32 to vector<32x128xf32>
    %select_n3A_1619 = arith.select %gt3A_1616, %broadcast_in_dim3A_1618, %select_n3A_1560 : vector<32x128xi1>, vector<32x128xf32>
    %broadcast_in_dim3A_1620 = vector.broadcast %get3A_1576 : f32 to vector<32x128xf32>
    %select_n3A_1621 = arith.select %gt3A_1616, %broadcast_in_dim3A_1620, %select_n3A_1562 : vector<32x128xi1>, vector<32x128xf32>
    %broadcast_in_dim3A_1622 = vector.broadcast %get3A_1580 : f32 to vector<32x128xf32>
    %select_n3A_1623 = arith.select %gt3A_1616, %broadcast_in_dim3A_1622, %select_n3A_1564 : vector<32x128xi1>, vector<32x128xf32>
    %broadcast_in_dim3A_1624 = vector.broadcast %get3A_1584 : f32 to vector<32x128xf32>
    %select_n3A_1625 = arith.select %gt3A_1616, %broadcast_in_dim3A_1624, %select_n3A_1566 : vector<32x128xi1>, vector<32x128xf32>
    %broadcast_in_dim3A_1626 = vector.broadcast %get3A_1588 : f32 to vector<32x128xf32>
    %select_n3A_1627 = arith.select %gt3A_1616, %broadcast_in_dim3A_1626, %select_n3A_1568 : vector<32x128xi1>, vector<32x128xf32>
    %get3A_1628 = arith.constant 0 : index
    %get3A_1629 = arith.constant 0 : index
    %get3A_1630 = arith.constant 27 : index
    %get3A_1631 = memref.load %arg5[%get3A_1628, %get3A_1629, %get3A_1630] : memref<1x5x32xf32, #tpu.memory_space<smem>>
    %get3A_1632 = arith.constant 0 : index
    %get3A_1633 = arith.constant 1 : index
    %get3A_1634 = arith.constant 27 : index
    %get3A_1635 = memref.load %arg5[%get3A_1632, %get3A_1633, %get3A_1634] : memref<1x5x32xf32, #tpu.memory_space<smem>>
    %get3A_1636 = arith.constant 0 : index
    %get3A_1637 = arith.constant 2 : index
    %get3A_1638 = arith.constant 27 : index
    %get3A_1639 = memref.load %arg5[%get3A_1636, %get3A_1637, %get3A_1638] : memref<1x5x32xf32, #tpu.memory_space<smem>>
    %get3A_1640 = arith.constant 0 : index
    %get3A_1641 = arith.constant 3 : index
    %get3A_1642 = arith.constant 27 : index
    %get3A_1643 = memref.load %arg5[%get3A_1640, %get3A_1641, %get3A_1642] : memref<1x5x32xf32, #tpu.memory_space<smem>>
    %get3A_1644 = arith.constant 0 : index
    %get3A_1645 = arith.constant 4 : index
    %get3A_1646 = arith.constant 27 : index
    %get3A_1647 = memref.load %arg5[%get3A_1644, %get3A_1645, %get3A_1646] : memref<1x5x32xf32, #tpu.memory_space<smem>>
    %min3A_1648 = vector.broadcast %get3A_1639 : f32 to vector<32x128xf32>
    %min3A_1649 = arith.minimumf %get3A_15, %min3A_1648 : vector<32x128xf32>
    %max3A_1650 = vector.broadcast %get3A_1631 : f32 to vector<32x128xf32>
    %max3A_1651 = arith.maximumf %get3A_5, %max3A_1650 : vector<32x128xf32>
    %sub3A_1652 = arith.subf %min3A_1649, %max3A_1651 : vector<32x128xf32>
    %max3A_1653 = arith.constant 0.000000e+00 : f32
    %max3A_1654 = vector.broadcast %max3A_1653 : f32 to vector<32x128xf32>
    %max3A_1655 = arith.maximumf %sub3A_1652, %max3A_1654 : vector<32x128xf32>
    %min3A_1656 = vector.broadcast %get3A_1643 : f32 to vector<32x128xf32>
    %min3A_1657 = arith.minimumf %get3A_20, %min3A_1656 : vector<32x128xf32>
    %max3A_1658 = vector.broadcast %get3A_1635 : f32 to vector<32x128xf32>
    %max3A_1659 = arith.maximumf %get3A_10, %max3A_1658 : vector<32x128xf32>
    %sub3A_1660 = arith.subf %min3A_1657, %max3A_1659 : vector<32x128xf32>
    %max3A_1661 = arith.constant 0.000000e+00 : f32
    %max3A_1662 = vector.broadcast %max3A_1661 : f32 to vector<32x128xf32>
    %max3A_1663 = arith.maximumf %sub3A_1660, %max3A_1662 : vector<32x128xf32>
    %mul3A_1664 = arith.mulf %max3A_1655, %max3A_1663 : vector<32x128xf32>
    %sub3A_1665 = arith.subf %get3A_1639, %get3A_1631 : f32
    %sub3A_1666 = arith.subf %get3A_1643, %get3A_1635 : f32
    %mul3A_1667 = arith.mulf %sub3A_1665, %sub3A_1666 : f32
    %add3A_1668 = vector.broadcast %mul3A_1667 : f32 to vector<32x128xf32>
    %add3A_1669 = arith.addf %mul3A_28, %add3A_1668 : vector<32x128xf32>
    %sub3A_1670 = arith.subf %add3A_1669, %mul3A_1664 : vector<32x128xf32>
    %max3A_1671 = arith.constant 9.99999993E-9 : f32
    %max3A_1672 = vector.broadcast %max3A_1671 : f32 to vector<32x128xf32>
    %max3A_1673 = arith.maximumf %sub3A_1670, %max3A_1672 : vector<32x128xf32>
    %div3A_1674 = arith.divf %mul3A_1664, %max3A_1673 : vector<32x128xf32>
    %gt3A_1675 = arith.cmpf ogt, %div3A_1674, %select_n3A_1617 : vector<32x128xf32>
    %select_n3A_1676 = arith.select %gt3A_1675, %div3A_1674, %select_n3A_1617 : vector<32x128xi1>, vector<32x128xf32>
    %broadcast_in_dim3A_1677 = vector.broadcast %get3A_1631 : f32 to vector<32x128xf32>
    %select_n3A_1678 = arith.select %gt3A_1675, %broadcast_in_dim3A_1677, %select_n3A_1619 : vector<32x128xi1>, vector<32x128xf32>
    %broadcast_in_dim3A_1679 = vector.broadcast %get3A_1635 : f32 to vector<32x128xf32>
    %select_n3A_1680 = arith.select %gt3A_1675, %broadcast_in_dim3A_1679, %select_n3A_1621 : vector<32x128xi1>, vector<32x128xf32>
    %broadcast_in_dim3A_1681 = vector.broadcast %get3A_1639 : f32 to vector<32x128xf32>
    %select_n3A_1682 = arith.select %gt3A_1675, %broadcast_in_dim3A_1681, %select_n3A_1623 : vector<32x128xi1>, vector<32x128xf32>
    %broadcast_in_dim3A_1683 = vector.broadcast %get3A_1643 : f32 to vector<32x128xf32>
    %select_n3A_1684 = arith.select %gt3A_1675, %broadcast_in_dim3A_1683, %select_n3A_1625 : vector<32x128xi1>, vector<32x128xf32>
    %broadcast_in_dim3A_1685 = vector.broadcast %get3A_1647 : f32 to vector<32x128xf32>
    %select_n3A_1686 = arith.select %gt3A_1675, %broadcast_in_dim3A_1685, %select_n3A_1627 : vector<32x128xi1>, vector<32x128xf32>
    %get3A_1687 = arith.constant 0 : index
    %get3A_1688 = arith.constant 0 : index
    %get3A_1689 = arith.constant 28 : index
    %get3A_1690 = memref.load %arg5[%get3A_1687, %get3A_1688, %get3A_1689] : memref<1x5x32xf32, #tpu.memory_space<smem>>
    %get3A_1691 = arith.constant 0 : index
    %get3A_1692 = arith.constant 1 : index
    %get3A_1693 = arith.constant 28 : index
    %get3A_1694 = memref.load %arg5[%get3A_1691, %get3A_1692, %get3A_1693] : memref<1x5x32xf32, #tpu.memory_space<smem>>
    %get3A_1695 = arith.constant 0 : index
    %get3A_1696 = arith.constant 2 : index
    %get3A_1697 = arith.constant 28 : index
    %get3A_1698 = memref.load %arg5[%get3A_1695, %get3A_1696, %get3A_1697] : memref<1x5x32xf32, #tpu.memory_space<smem>>
    %get3A_1699 = arith.constant 0 : index
    %get3A_1700 = arith.constant 3 : index
    %get3A_1701 = arith.constant 28 : index
    %get3A_1702 = memref.load %arg5[%get3A_1699, %get3A_1700, %get3A_1701] : memref<1x5x32xf32, #tpu.memory_space<smem>>
    %get3A_1703 = arith.constant 0 : index
    %get3A_1704 = arith.constant 4 : index
    %get3A_1705 = arith.constant 28 : index
    %get3A_1706 = memref.load %arg5[%get3A_1703, %get3A_1704, %get3A_1705] : memref<1x5x32xf32, #tpu.memory_space<smem>>
    %min3A_1707 = vector.broadcast %get3A_1698 : f32 to vector<32x128xf32>
    %min3A_1708 = arith.minimumf %get3A_15, %min3A_1707 : vector<32x128xf32>
    %max3A_1709 = vector.broadcast %get3A_1690 : f32 to vector<32x128xf32>
    %max3A_1710 = arith.maximumf %get3A_5, %max3A_1709 : vector<32x128xf32>
    %sub3A_1711 = arith.subf %min3A_1708, %max3A_1710 : vector<32x128xf32>
    %max3A_1712 = arith.constant 0.000000e+00 : f32
    %max3A_1713 = vector.broadcast %max3A_1712 : f32 to vector<32x128xf32>
    %max3A_1714 = arith.maximumf %sub3A_1711, %max3A_1713 : vector<32x128xf32>
    %min3A_1715 = vector.broadcast %get3A_1702 : f32 to vector<32x128xf32>
    %min3A_1716 = arith.minimumf %get3A_20, %min3A_1715 : vector<32x128xf32>
    %max3A_1717 = vector.broadcast %get3A_1694 : f32 to vector<32x128xf32>
    %max3A_1718 = arith.maximumf %get3A_10, %max3A_1717 : vector<32x128xf32>
    %sub3A_1719 = arith.subf %min3A_1716, %max3A_1718 : vector<32x128xf32>
    %max3A_1720 = arith.constant 0.000000e+00 : f32
    %max3A_1721 = vector.broadcast %max3A_1720 : f32 to vector<32x128xf32>
    %max3A_1722 = arith.maximumf %sub3A_1719, %max3A_1721 : vector<32x128xf32>
    %mul3A_1723 = arith.mulf %max3A_1714, %max3A_1722 : vector<32x128xf32>
    %sub3A_1724 = arith.subf %get3A_1698, %get3A_1690 : f32
    %sub3A_1725 = arith.subf %get3A_1702, %get3A_1694 : f32
    %mul3A_1726 = arith.mulf %sub3A_1724, %sub3A_1725 : f32
    %add3A_1727 = vector.broadcast %mul3A_1726 : f32 to vector<32x128xf32>
    %add3A_1728 = arith.addf %mul3A_28, %add3A_1727 : vector<32x128xf32>
    %sub3A_1729 = arith.subf %add3A_1728, %mul3A_1723 : vector<32x128xf32>
    %max3A_1730 = arith.constant 9.99999993E-9 : f32
    %max3A_1731 = vector.broadcast %max3A_1730 : f32 to vector<32x128xf32>
    %max3A_1732 = arith.maximumf %sub3A_1729, %max3A_1731 : vector<32x128xf32>
    %div3A_1733 = arith.divf %mul3A_1723, %max3A_1732 : vector<32x128xf32>
    %gt3A_1734 = arith.cmpf ogt, %div3A_1733, %select_n3A_1676 : vector<32x128xf32>
    %select_n3A_1735 = arith.select %gt3A_1734, %div3A_1733, %select_n3A_1676 : vector<32x128xi1>, vector<32x128xf32>
    %broadcast_in_dim3A_1736 = vector.broadcast %get3A_1690 : f32 to vector<32x128xf32>
    %select_n3A_1737 = arith.select %gt3A_1734, %broadcast_in_dim3A_1736, %select_n3A_1678 : vector<32x128xi1>, vector<32x128xf32>
    %broadcast_in_dim3A_1738 = vector.broadcast %get3A_1694 : f32 to vector<32x128xf32>
    %select_n3A_1739 = arith.select %gt3A_1734, %broadcast_in_dim3A_1738, %select_n3A_1680 : vector<32x128xi1>, vector<32x128xf32>
    %broadcast_in_dim3A_1740 = vector.broadcast %get3A_1698 : f32 to vector<32x128xf32>
    %select_n3A_1741 = arith.select %gt3A_1734, %broadcast_in_dim3A_1740, %select_n3A_1682 : vector<32x128xi1>, vector<32x128xf32>
    %broadcast_in_dim3A_1742 = vector.broadcast %get3A_1702 : f32 to vector<32x128xf32>
    %select_n3A_1743 = arith.select %gt3A_1734, %broadcast_in_dim3A_1742, %select_n3A_1684 : vector<32x128xi1>, vector<32x128xf32>
    %broadcast_in_dim3A_1744 = vector.broadcast %get3A_1706 : f32 to vector<32x128xf32>
    %select_n3A_1745 = arith.select %gt3A_1734, %broadcast_in_dim3A_1744, %select_n3A_1686 : vector<32x128xi1>, vector<32x128xf32>
    %get3A_1746 = arith.constant 0 : index
    %get3A_1747 = arith.constant 0 : index
    %get3A_1748 = arith.constant 29 : index
    %get3A_1749 = memref.load %arg5[%get3A_1746, %get3A_1747, %get3A_1748] : memref<1x5x32xf32, #tpu.memory_space<smem>>
    %get3A_1750 = arith.constant 0 : index
    %get3A_1751 = arith.constant 1 : index
    %get3A_1752 = arith.constant 29 : index
    %get3A_1753 = memref.load %arg5[%get3A_1750, %get3A_1751, %get3A_1752] : memref<1x5x32xf32, #tpu.memory_space<smem>>
    %get3A_1754 = arith.constant 0 : index
    %get3A_1755 = arith.constant 2 : index
    %get3A_1756 = arith.constant 29 : index
    %get3A_1757 = memref.load %arg5[%get3A_1754, %get3A_1755, %get3A_1756] : memref<1x5x32xf32, #tpu.memory_space<smem>>
    %get3A_1758 = arith.constant 0 : index
    %get3A_1759 = arith.constant 3 : index
    %get3A_1760 = arith.constant 29 : index
    %get3A_1761 = memref.load %arg5[%get3A_1758, %get3A_1759, %get3A_1760] : memref<1x5x32xf32, #tpu.memory_space<smem>>
    %get3A_1762 = arith.constant 0 : index
    %get3A_1763 = arith.constant 4 : index
    %get3A_1764 = arith.constant 29 : index
    %get3A_1765 = memref.load %arg5[%get3A_1762, %get3A_1763, %get3A_1764] : memref<1x5x32xf32, #tpu.memory_space<smem>>
    %min3A_1766 = vector.broadcast %get3A_1757 : f32 to vector<32x128xf32>
    %min3A_1767 = arith.minimumf %get3A_15, %min3A_1766 : vector<32x128xf32>
    %max3A_1768 = vector.broadcast %get3A_1749 : f32 to vector<32x128xf32>
    %max3A_1769 = arith.maximumf %get3A_5, %max3A_1768 : vector<32x128xf32>
    %sub3A_1770 = arith.subf %min3A_1767, %max3A_1769 : vector<32x128xf32>
    %max3A_1771 = arith.constant 0.000000e+00 : f32
    %max3A_1772 = vector.broadcast %max3A_1771 : f32 to vector<32x128xf32>
    %max3A_1773 = arith.maximumf %sub3A_1770, %max3A_1772 : vector<32x128xf32>
    %min3A_1774 = vector.broadcast %get3A_1761 : f32 to vector<32x128xf32>
    %min3A_1775 = arith.minimumf %get3A_20, %min3A_1774 : vector<32x128xf32>
    %max3A_1776 = vector.broadcast %get3A_1753 : f32 to vector<32x128xf32>
    %max3A_1777 = arith.maximumf %get3A_10, %max3A_1776 : vector<32x128xf32>
    %sub3A_1778 = arith.subf %min3A_1775, %max3A_1777 : vector<32x128xf32>
    %max3A_1779 = arith.constant 0.000000e+00 : f32
    %max3A_1780 = vector.broadcast %max3A_1779 : f32 to vector<32x128xf32>
    %max3A_1781 = arith.maximumf %sub3A_1778, %max3A_1780 : vector<32x128xf32>
    %mul3A_1782 = arith.mulf %max3A_1773, %max3A_1781 : vector<32x128xf32>
    %sub3A_1783 = arith.subf %get3A_1757, %get3A_1749 : f32
    %sub3A_1784 = arith.subf %get3A_1761, %get3A_1753 : f32
    %mul3A_1785 = arith.mulf %sub3A_1783, %sub3A_1784 : f32
    %add3A_1786 = vector.broadcast %mul3A_1785 : f32 to vector<32x128xf32>
    %add3A_1787 = arith.addf %mul3A_28, %add3A_1786 : vector<32x128xf32>
    %sub3A_1788 = arith.subf %add3A_1787, %mul3A_1782 : vector<32x128xf32>
    %max3A_1789 = arith.constant 9.99999993E-9 : f32
    %max3A_1790 = vector.broadcast %max3A_1789 : f32 to vector<32x128xf32>
    %max3A_1791 = arith.maximumf %sub3A_1788, %max3A_1790 : vector<32x128xf32>
    %div3A_1792 = arith.divf %mul3A_1782, %max3A_1791 : vector<32x128xf32>
    %gt3A_1793 = arith.cmpf ogt, %div3A_1792, %select_n3A_1735 : vector<32x128xf32>
    %select_n3A_1794 = arith.select %gt3A_1793, %div3A_1792, %select_n3A_1735 : vector<32x128xi1>, vector<32x128xf32>
    %broadcast_in_dim3A_1795 = vector.broadcast %get3A_1749 : f32 to vector<32x128xf32>
    %select_n3A_1796 = arith.select %gt3A_1793, %broadcast_in_dim3A_1795, %select_n3A_1737 : vector<32x128xi1>, vector<32x128xf32>
    %broadcast_in_dim3A_1797 = vector.broadcast %get3A_1753 : f32 to vector<32x128xf32>
    %select_n3A_1798 = arith.select %gt3A_1793, %broadcast_in_dim3A_1797, %select_n3A_1739 : vector<32x128xi1>, vector<32x128xf32>
    %broadcast_in_dim3A_1799 = vector.broadcast %get3A_1757 : f32 to vector<32x128xf32>
    %select_n3A_1800 = arith.select %gt3A_1793, %broadcast_in_dim3A_1799, %select_n3A_1741 : vector<32x128xi1>, vector<32x128xf32>
    %broadcast_in_dim3A_1801 = vector.broadcast %get3A_1761 : f32 to vector<32x128xf32>
    %select_n3A_1802 = arith.select %gt3A_1793, %broadcast_in_dim3A_1801, %select_n3A_1743 : vector<32x128xi1>, vector<32x128xf32>
    %broadcast_in_dim3A_1803 = vector.broadcast %get3A_1765 : f32 to vector<32x128xf32>
    %select_n3A_1804 = arith.select %gt3A_1793, %broadcast_in_dim3A_1803, %select_n3A_1745 : vector<32x128xi1>, vector<32x128xf32>
    %get3A_1805 = arith.constant 0 : index
    %get3A_1806 = arith.constant 0 : index
    %get3A_1807 = arith.constant 30 : index
    %get3A_1808 = memref.load %arg5[%get3A_1805, %get3A_1806, %get3A_1807] : memref<1x5x32xf32, #tpu.memory_space<smem>>
    %get3A_1809 = arith.constant 0 : index
    %get3A_1810 = arith.constant 1 : index
    %get3A_1811 = arith.constant 30 : index
    %get3A_1812 = memref.load %arg5[%get3A_1809, %get3A_1810, %get3A_1811] : memref<1x5x32xf32, #tpu.memory_space<smem>>
    %get3A_1813 = arith.constant 0 : index
    %get3A_1814 = arith.constant 2 : index
    %get3A_1815 = arith.constant 30 : index
    %get3A_1816 = memref.load %arg5[%get3A_1813, %get3A_1814, %get3A_1815] : memref<1x5x32xf32, #tpu.memory_space<smem>>
    %get3A_1817 = arith.constant 0 : index
    %get3A_1818 = arith.constant 3 : index
    %get3A_1819 = arith.constant 30 : index
    %get3A_1820 = memref.load %arg5[%get3A_1817, %get3A_1818, %get3A_1819] : memref<1x5x32xf32, #tpu.memory_space<smem>>
    %get3A_1821 = arith.constant 0 : index
    %get3A_1822 = arith.constant 4 : index
    %get3A_1823 = arith.constant 30 : index
    %get3A_1824 = memref.load %arg5[%get3A_1821, %get3A_1822, %get3A_1823] : memref<1x5x32xf32, #tpu.memory_space<smem>>
    %min3A_1825 = vector.broadcast %get3A_1816 : f32 to vector<32x128xf32>
    %min3A_1826 = arith.minimumf %get3A_15, %min3A_1825 : vector<32x128xf32>
    %max3A_1827 = vector.broadcast %get3A_1808 : f32 to vector<32x128xf32>
    %max3A_1828 = arith.maximumf %get3A_5, %max3A_1827 : vector<32x128xf32>
    %sub3A_1829 = arith.subf %min3A_1826, %max3A_1828 : vector<32x128xf32>
    %max3A_1830 = arith.constant 0.000000e+00 : f32
    %max3A_1831 = vector.broadcast %max3A_1830 : f32 to vector<32x128xf32>
    %max3A_1832 = arith.maximumf %sub3A_1829, %max3A_1831 : vector<32x128xf32>
    %min3A_1833 = vector.broadcast %get3A_1820 : f32 to vector<32x128xf32>
    %min3A_1834 = arith.minimumf %get3A_20, %min3A_1833 : vector<32x128xf32>
    %max3A_1835 = vector.broadcast %get3A_1812 : f32 to vector<32x128xf32>
    %max3A_1836 = arith.maximumf %get3A_10, %max3A_1835 : vector<32x128xf32>
    %sub3A_1837 = arith.subf %min3A_1834, %max3A_1836 : vector<32x128xf32>
    %max3A_1838 = arith.constant 0.000000e+00 : f32
    %max3A_1839 = vector.broadcast %max3A_1838 : f32 to vector<32x128xf32>
    %max3A_1840 = arith.maximumf %sub3A_1837, %max3A_1839 : vector<32x128xf32>
    %mul3A_1841 = arith.mulf %max3A_1832, %max3A_1840 : vector<32x128xf32>
    %sub3A_1842 = arith.subf %get3A_1816, %get3A_1808 : f32
    %sub3A_1843 = arith.subf %get3A_1820, %get3A_1812 : f32
    %mul3A_1844 = arith.mulf %sub3A_1842, %sub3A_1843 : f32
    %add3A_1845 = vector.broadcast %mul3A_1844 : f32 to vector<32x128xf32>
    %add3A_1846 = arith.addf %mul3A_28, %add3A_1845 : vector<32x128xf32>
    %sub3A_1847 = arith.subf %add3A_1846, %mul3A_1841 : vector<32x128xf32>
    %max3A_1848 = arith.constant 9.99999993E-9 : f32
    %max3A_1849 = vector.broadcast %max3A_1848 : f32 to vector<32x128xf32>
    %max3A_1850 = arith.maximumf %sub3A_1847, %max3A_1849 : vector<32x128xf32>
    %div3A_1851 = arith.divf %mul3A_1841, %max3A_1850 : vector<32x128xf32>
    %gt3A_1852 = arith.cmpf ogt, %div3A_1851, %select_n3A_1794 : vector<32x128xf32>
    %select_n3A_1853 = arith.select %gt3A_1852, %div3A_1851, %select_n3A_1794 : vector<32x128xi1>, vector<32x128xf32>
    %broadcast_in_dim3A_1854 = vector.broadcast %get3A_1808 : f32 to vector<32x128xf32>
    %select_n3A_1855 = arith.select %gt3A_1852, %broadcast_in_dim3A_1854, %select_n3A_1796 : vector<32x128xi1>, vector<32x128xf32>
    %broadcast_in_dim3A_1856 = vector.broadcast %get3A_1812 : f32 to vector<32x128xf32>
    %select_n3A_1857 = arith.select %gt3A_1852, %broadcast_in_dim3A_1856, %select_n3A_1798 : vector<32x128xi1>, vector<32x128xf32>
    %broadcast_in_dim3A_1858 = vector.broadcast %get3A_1816 : f32 to vector<32x128xf32>
    %select_n3A_1859 = arith.select %gt3A_1852, %broadcast_in_dim3A_1858, %select_n3A_1800 : vector<32x128xi1>, vector<32x128xf32>
    %broadcast_in_dim3A_1860 = vector.broadcast %get3A_1820 : f32 to vector<32x128xf32>
    %select_n3A_1861 = arith.select %gt3A_1852, %broadcast_in_dim3A_1860, %select_n3A_1802 : vector<32x128xi1>, vector<32x128xf32>
    %broadcast_in_dim3A_1862 = vector.broadcast %get3A_1824 : f32 to vector<32x128xf32>
    %select_n3A_1863 = arith.select %gt3A_1852, %broadcast_in_dim3A_1862, %select_n3A_1804 : vector<32x128xi1>, vector<32x128xf32>
    %get3A_1864 = arith.constant 0 : index
    %get3A_1865 = arith.constant 0 : index
    %get3A_1866 = arith.constant 31 : index
    %get3A_1867 = memref.load %arg5[%get3A_1864, %get3A_1865, %get3A_1866] : memref<1x5x32xf32, #tpu.memory_space<smem>>
    %get3A_1868 = arith.constant 0 : index
    %get3A_1869 = arith.constant 1 : index
    %get3A_1870 = arith.constant 31 : index
    %get3A_1871 = memref.load %arg5[%get3A_1868, %get3A_1869, %get3A_1870] : memref<1x5x32xf32, #tpu.memory_space<smem>>
    %get3A_1872 = arith.constant 0 : index
    %get3A_1873 = arith.constant 2 : index
    %get3A_1874 = arith.constant 31 : index
    %get3A_1875 = memref.load %arg5[%get3A_1872, %get3A_1873, %get3A_1874] : memref<1x5x32xf32, #tpu.memory_space<smem>>
    %get3A_1876 = arith.constant 0 : index
    %get3A_1877 = arith.constant 3 : index
    %get3A_1878 = arith.constant 31 : index
    %get3A_1879 = memref.load %arg5[%get3A_1876, %get3A_1877, %get3A_1878] : memref<1x5x32xf32, #tpu.memory_space<smem>>
    %get3A_1880 = arith.constant 0 : index
    %get3A_1881 = arith.constant 4 : index
    %get3A_1882 = arith.constant 31 : index
    %get3A_1883 = memref.load %arg5[%get3A_1880, %get3A_1881, %get3A_1882] : memref<1x5x32xf32, #tpu.memory_space<smem>>
    %min3A_1884 = vector.broadcast %get3A_1875 : f32 to vector<32x128xf32>
    %min3A_1885 = arith.minimumf %get3A_15, %min3A_1884 : vector<32x128xf32>
    %max3A_1886 = vector.broadcast %get3A_1867 : f32 to vector<32x128xf32>
    %max3A_1887 = arith.maximumf %get3A_5, %max3A_1886 : vector<32x128xf32>
    %sub3A_1888 = arith.subf %min3A_1885, %max3A_1887 : vector<32x128xf32>
    %max3A_1889 = arith.constant 0.000000e+00 : f32
    %max3A_1890 = vector.broadcast %max3A_1889 : f32 to vector<32x128xf32>
    %max3A_1891 = arith.maximumf %sub3A_1888, %max3A_1890 : vector<32x128xf32>
    %min3A_1892 = vector.broadcast %get3A_1879 : f32 to vector<32x128xf32>
    %min3A_1893 = arith.minimumf %get3A_20, %min3A_1892 : vector<32x128xf32>
    %max3A_1894 = vector.broadcast %get3A_1871 : f32 to vector<32x128xf32>
    %max3A_1895 = arith.maximumf %get3A_10, %max3A_1894 : vector<32x128xf32>
    %sub3A_1896 = arith.subf %min3A_1893, %max3A_1895 : vector<32x128xf32>
    %max3A_1897 = arith.constant 0.000000e+00 : f32
    %max3A_1898 = vector.broadcast %max3A_1897 : f32 to vector<32x128xf32>
    %max3A_1899 = arith.maximumf %sub3A_1896, %max3A_1898 : vector<32x128xf32>
    %mul3A_1900 = arith.mulf %max3A_1891, %max3A_1899 : vector<32x128xf32>
    %sub3A_1901 = arith.subf %get3A_1875, %get3A_1867 : f32
    %sub3A_1902 = arith.subf %get3A_1879, %get3A_1871 : f32
    %mul3A_1903 = arith.mulf %sub3A_1901, %sub3A_1902 : f32
    %add3A_1904 = vector.broadcast %mul3A_1903 : f32 to vector<32x128xf32>
    %add3A_1905 = arith.addf %mul3A_28, %add3A_1904 : vector<32x128xf32>
    %sub3A_1906 = arith.subf %add3A_1905, %mul3A_1900 : vector<32x128xf32>
    %max3A_1907 = arith.constant 9.99999993E-9 : f32
    %max3A_1908 = vector.broadcast %max3A_1907 : f32 to vector<32x128xf32>
    %max3A_1909 = arith.maximumf %sub3A_1906, %max3A_1908 : vector<32x128xf32>
    %div3A_1910 = arith.divf %mul3A_1900, %max3A_1909 : vector<32x128xf32>
    %gt3A_1911 = arith.cmpf ogt, %div3A_1910, %select_n3A_1853 : vector<32x128xf32>
    %select_n3A_1912 = arith.select %gt3A_1911, %div3A_1910, %select_n3A_1853 : vector<32x128xi1>, vector<32x128xf32>
    %broadcast_in_dim3A_1913 = vector.broadcast %get3A_1867 : f32 to vector<32x128xf32>
    %select_n3A_1914 = arith.select %gt3A_1911, %broadcast_in_dim3A_1913, %select_n3A_1855 : vector<32x128xi1>, vector<32x128xf32>
    %broadcast_in_dim3A_1915 = vector.broadcast %get3A_1871 : f32 to vector<32x128xf32>
    %select_n3A_1916 = arith.select %gt3A_1911, %broadcast_in_dim3A_1915, %select_n3A_1857 : vector<32x128xi1>, vector<32x128xf32>
    %broadcast_in_dim3A_1917 = vector.broadcast %get3A_1875 : f32 to vector<32x128xf32>
    %select_n3A_1918 = arith.select %gt3A_1911, %broadcast_in_dim3A_1917, %select_n3A_1859 : vector<32x128xi1>, vector<32x128xf32>
    %broadcast_in_dim3A_1919 = vector.broadcast %get3A_1879 : f32 to vector<32x128xf32>
    %select_n3A_1920 = arith.select %gt3A_1911, %broadcast_in_dim3A_1919, %select_n3A_1861 : vector<32x128xi1>, vector<32x128xf32>
    %broadcast_in_dim3A_1921 = vector.broadcast %get3A_1883 : f32 to vector<32x128xf32>
    %select_n3A_1922 = arith.select %gt3A_1911, %broadcast_in_dim3A_1921, %select_n3A_1863 : vector<32x128xi1>, vector<32x128xf32>
    %ge3A = arith.constant 5.000000e-01 : f32
    %ge3A_1923 = vector.broadcast %ge3A : f32 to vector<32x128xf32>
    %ge3A_1924 = arith.cmpf oge, %select_n3A_1912, %ge3A_1923 : vector<32x128xf32>
    %lt3A = arith.constant 4.000000e-01 : f32
    %lt3A_1925 = vector.broadcast %lt3A : f32 to vector<32x128xf32>
    %lt3A_1926 = arith.cmpf olt, %select_n3A_1912, %lt3A_1925 : vector<32x128xf32>
    %or3A = arith.ori %ge3A_1924, %lt3A_1926 : vector<32x128xi1>
    %convert_element_type3A_1927 = arith.extui %ge3A_1924 : vector<32x128xi1> to vector<32x128xi32>
    %convert_element_type3A_1928 = arith.sitofp %convert_element_type3A_1927 : vector<32x128xi32> to vector<32x128xf32>
    %convert_element_type3A_1929 = arith.extui %or3A : vector<32x128xi1> to vector<32x128xi32>
    %convert_element_type3A_1930 = arith.sitofp %convert_element_type3A_1929 : vector<32x128xi32> to vector<32x128xf32>
    %convert_element_type3A_1931 = arith.fptosi %select_n3A_1922 : vector<32x128xf32> to vector<32x128xi32>
    %broadcast_in_dim3A_1932 = arith.constant 0.000000e+00 : f32
    %broadcast_in_dim3A_1933 = vector.broadcast %broadcast_in_dim3A_1932 : f32 to vector<32x128xf32>
    %broadcast_in_dim3A_1934 = arith.constant 0.000000e+00 : f32
    %broadcast_in_dim3A_1935 = vector.broadcast %broadcast_in_dim3A_1934 : f32 to vector<32x128xf32>
    %broadcast_in_dim3A_1936 = arith.constant 0.000000e+00 : f32
    %broadcast_in_dim3A_1937 = vector.broadcast %broadcast_in_dim3A_1936 : f32 to vector<32x128xf32>
    %broadcast_in_dim3A_1938 = arith.constant 0.000000e+00 : f32
    %broadcast_in_dim3A_1939 = vector.broadcast %broadcast_in_dim3A_1938 : f32 to vector<32x128xf32>
    %broadcast_in_dim3A_1940 = arith.constant 0.000000e+00 : f32
    %broadcast_in_dim3A_1941 = vector.broadcast %broadcast_in_dim3A_1940 : f32 to vector<32x128xf32>
    %get3A_1942 = arith.constant 0 : index
    %get3A_1943 = arith.constant 0 : index
    %get3A_1944 = arith.constant 0 : index
    %get3A_1945 = arith.constant 0 : index
    %get3A_1946 = vector.load %arg2[%get3A_1942, %get3A_1943, %get3A_1944, %get3A_1945] : memref<1x80x32x128xf32, #tpu.memory_space<vmem>>, vector<1x1x32x128xf32>
    %get3A_1947 = vector.shape_cast %get3A_1946 : vector<1x1x32x128xf32> to vector<32x128xf32>
    %jit3A = arith.constant 9.99999974E-5 : f32
    %jit3A_1948 = arith.constant 0.999899983 : f32
    %max3A_1949 = vector.broadcast %jit3A : f32 to vector<32x128xf32>
    %max3A_1950 = arith.maximumf %max3A_1949, %get3A_1947 : vector<32x128xf32>
    %min3A_1951 = vector.broadcast %jit3A_1948 : f32 to vector<32x128xf32>
    %min3A_1952 = arith.minimumf %min3A_1951, %max3A_1950 : vector<32x128xf32>
    %sqrt3A = math.sqrt %min3A_1952 : vector<32x128xf32>
    %mul3A_1953 = arith.mulf %min3A_1952, %sqrt3A : vector<32x128xf32>
    %sub3A_1954 = arith.constant 1.000000e+00 : f32
    %sub3A_1955 = vector.broadcast %sub3A_1954 : f32 to vector<32x128xf32>
    %sub3A_1956 = arith.subf %sub3A_1955, %min3A_1952 : vector<32x128xf32>
    %log3A = math.log %sub3A_1956 : vector<32x128xf32>
    %neg3A = arith.constant 0.000000e+00 : f32
    %neg3A_1957 = vector.broadcast %neg3A : f32 to vector<32x128xf32>
    %neg3A_1958 = arith.subf %neg3A_1957, %log3A : vector<32x128xf32>
    %mul3A_1959 = arith.mulf %mul3A_1953, %neg3A_1958 : vector<32x128xf32>
    %add3A_1960 = arith.addf %broadcast_in_dim3A_1933, %mul3A_1959 : vector<32x128xf32>
    %eq3A_1961 = arith.constant 0 : i32
    %eq3A_1962 = vector.broadcast %eq3A_1961 : i32 to vector<32x128xi32>
    %eq3A_1963 = arith.cmpi eq, %convert_element_type3A_1931, %eq3A_1962 : vector<32x128xi32>
    %select_n3A_1964 = arith.select %eq3A_1963, %min3A_1952, %broadcast_in_dim3A_1941 : vector<32x128xi1>, vector<32x128xf32>
    %get3A_1965 = arith.constant 0 : index
    %get3A_1966 = arith.constant 1 : index
    %get3A_1967 = arith.constant 0 : index
    %get3A_1968 = arith.constant 0 : index
    %get3A_1969 = vector.load %arg2[%get3A_1965, %get3A_1966, %get3A_1967, %get3A_1968] : memref<1x80x32x128xf32, #tpu.memory_space<vmem>>, vector<1x1x32x128xf32>
    %get3A_1970 = vector.shape_cast %get3A_1969 : vector<1x1x32x128xf32> to vector<32x128xf32>
    %jit3A_1971 = arith.constant 9.99999974E-5 : f32
    %jit3A_1972 = arith.constant 0.999899983 : f32
    %max3A_1973 = vector.broadcast %jit3A_1971 : f32 to vector<32x128xf32>
    %max3A_1974 = arith.maximumf %max3A_1973, %get3A_1970 : vector<32x128xf32>
    %min3A_1975 = vector.broadcast %jit3A_1972 : f32 to vector<32x128xf32>
    %min3A_1976 = arith.minimumf %min3A_1975, %max3A_1974 : vector<32x128xf32>
    %sqrt3A_1977 = math.sqrt %min3A_1976 : vector<32x128xf32>
    %mul3A_1978 = arith.mulf %min3A_1976, %sqrt3A_1977 : vector<32x128xf32>
    %sub3A_1979 = arith.constant 1.000000e+00 : f32
    %sub3A_1980 = vector.broadcast %sub3A_1979 : f32 to vector<32x128xf32>
    %sub3A_1981 = arith.subf %sub3A_1980, %min3A_1976 : vector<32x128xf32>
    %log3A_1982 = math.log %sub3A_1981 : vector<32x128xf32>
    %neg3A_1983 = arith.constant 0.000000e+00 : f32
    %neg3A_1984 = vector.broadcast %neg3A_1983 : f32 to vector<32x128xf32>
    %neg3A_1985 = arith.subf %neg3A_1984, %log3A_1982 : vector<32x128xf32>
    %mul3A_1986 = arith.mulf %mul3A_1978, %neg3A_1985 : vector<32x128xf32>
    %add3A_1987 = arith.addf %broadcast_in_dim3A_1935, %mul3A_1986 : vector<32x128xf32>
    %eq3A_1988 = arith.constant 1 : i32
    %eq3A_1989 = vector.broadcast %eq3A_1988 : i32 to vector<32x128xi32>
    %eq3A_1990 = arith.cmpi eq, %convert_element_type3A_1931, %eq3A_1989 : vector<32x128xi32>
    %select_n3A_1991 = arith.select %eq3A_1990, %min3A_1976, %select_n3A_1964 : vector<32x128xi1>, vector<32x128xf32>
    %get3A_1992 = arith.constant 0 : index
    %get3A_1993 = arith.constant 2 : index
    %get3A_1994 = arith.constant 0 : index
    %get3A_1995 = arith.constant 0 : index
    %get3A_1996 = vector.load %arg2[%get3A_1992, %get3A_1993, %get3A_1994, %get3A_1995] : memref<1x80x32x128xf32, #tpu.memory_space<vmem>>, vector<1x1x32x128xf32>
    %get3A_1997 = vector.shape_cast %get3A_1996 : vector<1x1x32x128xf32> to vector<32x128xf32>
    %jit3A_1998 = arith.constant 9.99999974E-5 : f32
    %jit3A_1999 = arith.constant 0.999899983 : f32
    %max3A_2000 = vector.broadcast %jit3A_1998 : f32 to vector<32x128xf32>
    %max3A_2001 = arith.maximumf %max3A_2000, %get3A_1997 : vector<32x128xf32>
    %min3A_2002 = vector.broadcast %jit3A_1999 : f32 to vector<32x128xf32>
    %min3A_2003 = arith.minimumf %min3A_2002, %max3A_2001 : vector<32x128xf32>
    %sqrt3A_2004 = math.sqrt %min3A_2003 : vector<32x128xf32>
    %mul3A_2005 = arith.mulf %min3A_2003, %sqrt3A_2004 : vector<32x128xf32>
    %sub3A_2006 = arith.constant 1.000000e+00 : f32
    %sub3A_2007 = vector.broadcast %sub3A_2006 : f32 to vector<32x128xf32>
    %sub3A_2008 = arith.subf %sub3A_2007, %min3A_2003 : vector<32x128xf32>
    %log3A_2009 = math.log %sub3A_2008 : vector<32x128xf32>
    %neg3A_2010 = arith.constant 0.000000e+00 : f32
    %neg3A_2011 = vector.broadcast %neg3A_2010 : f32 to vector<32x128xf32>
    %neg3A_2012 = arith.subf %neg3A_2011, %log3A_2009 : vector<32x128xf32>
    %mul3A_2013 = arith.mulf %mul3A_2005, %neg3A_2012 : vector<32x128xf32>
    %add3A_2014 = arith.addf %broadcast_in_dim3A_1937, %mul3A_2013 : vector<32x128xf32>
    %eq3A_2015 = arith.constant 2 : i32
    %eq3A_2016 = vector.broadcast %eq3A_2015 : i32 to vector<32x128xi32>
    %eq3A_2017 = arith.cmpi eq, %convert_element_type3A_1931, %eq3A_2016 : vector<32x128xi32>
    %select_n3A_2018 = arith.select %eq3A_2017, %min3A_2003, %select_n3A_1991 : vector<32x128xi1>, vector<32x128xf32>
    %get3A_2019 = arith.constant 0 : index
    %get3A_2020 = arith.constant 3 : index
    %get3A_2021 = arith.constant 0 : index
    %get3A_2022 = arith.constant 0 : index
    %get3A_2023 = vector.load %arg2[%get3A_2019, %get3A_2020, %get3A_2021, %get3A_2022] : memref<1x80x32x128xf32, #tpu.memory_space<vmem>>, vector<1x1x32x128xf32>
    %get3A_2024 = vector.shape_cast %get3A_2023 : vector<1x1x32x128xf32> to vector<32x128xf32>
    %jit3A_2025 = arith.constant 9.99999974E-5 : f32
    %jit3A_2026 = arith.constant 0.999899983 : f32
    %max3A_2027 = vector.broadcast %jit3A_2025 : f32 to vector<32x128xf32>
    %max3A_2028 = arith.maximumf %max3A_2027, %get3A_2024 : vector<32x128xf32>
    %min3A_2029 = vector.broadcast %jit3A_2026 : f32 to vector<32x128xf32>
    %min3A_2030 = arith.minimumf %min3A_2029, %max3A_2028 : vector<32x128xf32>
    %sqrt3A_2031 = math.sqrt %min3A_2030 : vector<32x128xf32>
    %mul3A_2032 = arith.mulf %min3A_2030, %sqrt3A_2031 : vector<32x128xf32>
    %sub3A_2033 = arith.constant 1.000000e+00 : f32
    %sub3A_2034 = vector.broadcast %sub3A_2033 : f32 to vector<32x128xf32>
    %sub3A_2035 = arith.subf %sub3A_2034, %min3A_2030 : vector<32x128xf32>
    %log3A_2036 = math.log %sub3A_2035 : vector<32x128xf32>
    %neg3A_2037 = arith.constant 0.000000e+00 : f32
    %neg3A_2038 = vector.broadcast %neg3A_2037 : f32 to vector<32x128xf32>
    %neg3A_2039 = arith.subf %neg3A_2038, %log3A_2036 : vector<32x128xf32>
    %mul3A_2040 = arith.mulf %mul3A_2032, %neg3A_2039 : vector<32x128xf32>
    %add3A_2041 = arith.addf %broadcast_in_dim3A_1939, %mul3A_2040 : vector<32x128xf32>
    %eq3A_2042 = arith.constant 3 : i32
    %eq3A_2043 = vector.broadcast %eq3A_2042 : i32 to vector<32x128xi32>
    %eq3A_2044 = arith.cmpi eq, %convert_element_type3A_1931, %eq3A_2043 : vector<32x128xi32>
    %select_n3A_2045 = arith.select %eq3A_2044, %min3A_2030, %select_n3A_2018 : vector<32x128xi1>, vector<32x128xf32>
    %get3A_2046 = arith.constant 0 : index
    %get3A_2047 = arith.constant 4 : index
    %get3A_2048 = arith.constant 0 : index
    %get3A_2049 = arith.constant 0 : index
    %get3A_2050 = vector.load %arg2[%get3A_2046, %get3A_2047, %get3A_2048, %get3A_2049] : memref<1x80x32x128xf32, #tpu.memory_space<vmem>>, vector<1x1x32x128xf32>
    %get3A_2051 = vector.shape_cast %get3A_2050 : vector<1x1x32x128xf32> to vector<32x128xf32>
    %jit3A_2052 = arith.constant 9.99999974E-5 : f32
    %jit3A_2053 = arith.constant 0.999899983 : f32
    %max3A_2054 = vector.broadcast %jit3A_2052 : f32 to vector<32x128xf32>
    %max3A_2055 = arith.maximumf %max3A_2054, %get3A_2051 : vector<32x128xf32>
    %min3A_2056 = vector.broadcast %jit3A_2053 : f32 to vector<32x128xf32>
    %min3A_2057 = arith.minimumf %min3A_2056, %max3A_2055 : vector<32x128xf32>
    %sqrt3A_2058 = math.sqrt %min3A_2057 : vector<32x128xf32>
    %mul3A_2059 = arith.mulf %min3A_2057, %sqrt3A_2058 : vector<32x128xf32>
    %sub3A_2060 = arith.constant 1.000000e+00 : f32
    %sub3A_2061 = vector.broadcast %sub3A_2060 : f32 to vector<32x128xf32>
    %sub3A_2062 = arith.subf %sub3A_2061, %min3A_2057 : vector<32x128xf32>
    %log3A_2063 = math.log %sub3A_2062 : vector<32x128xf32>
    %neg3A_2064 = arith.constant 0.000000e+00 : f32
    %neg3A_2065 = vector.broadcast %neg3A_2064 : f32 to vector<32x128xf32>
    %neg3A_2066 = arith.subf %neg3A_2065, %log3A_2063 : vector<32x128xf32>
    %mul3A_2067 = arith.mulf %mul3A_2059, %neg3A_2066 : vector<32x128xf32>
    %add3A_2068 = arith.addf %add3A_1960, %mul3A_2067 : vector<32x128xf32>
    %eq3A_2069 = arith.constant 4 : i32
    %eq3A_2070 = vector.broadcast %eq3A_2069 : i32 to vector<32x128xi32>
    %eq3A_2071 = arith.cmpi eq, %convert_element_type3A_1931, %eq3A_2070 : vector<32x128xi32>
    %select_n3A_2072 = arith.select %eq3A_2071, %min3A_2057, %select_n3A_2045 : vector<32x128xi1>, vector<32x128xf32>
    %get3A_2073 = arith.constant 0 : index
    %get3A_2074 = arith.constant 5 : index
    %get3A_2075 = arith.constant 0 : index
    %get3A_2076 = arith.constant 0 : index
    %get3A_2077 = vector.load %arg2[%get3A_2073, %get3A_2074, %get3A_2075, %get3A_2076] : memref<1x80x32x128xf32, #tpu.memory_space<vmem>>, vector<1x1x32x128xf32>
    %get3A_2078 = vector.shape_cast %get3A_2077 : vector<1x1x32x128xf32> to vector<32x128xf32>
    %jit3A_2079 = arith.constant 9.99999974E-5 : f32
    %jit3A_2080 = arith.constant 0.999899983 : f32
    %max3A_2081 = vector.broadcast %jit3A_2079 : f32 to vector<32x128xf32>
    %max3A_2082 = arith.maximumf %max3A_2081, %get3A_2078 : vector<32x128xf32>
    %min3A_2083 = vector.broadcast %jit3A_2080 : f32 to vector<32x128xf32>
    %min3A_2084 = arith.minimumf %min3A_2083, %max3A_2082 : vector<32x128xf32>
    %sqrt3A_2085 = math.sqrt %min3A_2084 : vector<32x128xf32>
    %mul3A_2086 = arith.mulf %min3A_2084, %sqrt3A_2085 : vector<32x128xf32>
    %sub3A_2087 = arith.constant 1.000000e+00 : f32
    %sub3A_2088 = vector.broadcast %sub3A_2087 : f32 to vector<32x128xf32>
    %sub3A_2089 = arith.subf %sub3A_2088, %min3A_2084 : vector<32x128xf32>
    %log3A_2090 = math.log %sub3A_2089 : vector<32x128xf32>
    %neg3A_2091 = arith.constant 0.000000e+00 : f32
    %neg3A_2092 = vector.broadcast %neg3A_2091 : f32 to vector<32x128xf32>
    %neg3A_2093 = arith.subf %neg3A_2092, %log3A_2090 : vector<32x128xf32>
    %mul3A_2094 = arith.mulf %mul3A_2086, %neg3A_2093 : vector<32x128xf32>
    %add3A_2095 = arith.addf %add3A_1987, %mul3A_2094 : vector<32x128xf32>
    %eq3A_2096 = arith.constant 5 : i32
    %eq3A_2097 = vector.broadcast %eq3A_2096 : i32 to vector<32x128xi32>
    %eq3A_2098 = arith.cmpi eq, %convert_element_type3A_1931, %eq3A_2097 : vector<32x128xi32>
    %select_n3A_2099 = arith.select %eq3A_2098, %min3A_2084, %select_n3A_2072 : vector<32x128xi1>, vector<32x128xf32>
    %get3A_2100 = arith.constant 0 : index
    %get3A_2101 = arith.constant 6 : index
    %get3A_2102 = arith.constant 0 : index
    %get3A_2103 = arith.constant 0 : index
    %get3A_2104 = vector.load %arg2[%get3A_2100, %get3A_2101, %get3A_2102, %get3A_2103] : memref<1x80x32x128xf32, #tpu.memory_space<vmem>>, vector<1x1x32x128xf32>
    %get3A_2105 = vector.shape_cast %get3A_2104 : vector<1x1x32x128xf32> to vector<32x128xf32>
    %jit3A_2106 = arith.constant 9.99999974E-5 : f32
    %jit3A_2107 = arith.constant 0.999899983 : f32
    %max3A_2108 = vector.broadcast %jit3A_2106 : f32 to vector<32x128xf32>
    %max3A_2109 = arith.maximumf %max3A_2108, %get3A_2105 : vector<32x128xf32>
    %min3A_2110 = vector.broadcast %jit3A_2107 : f32 to vector<32x128xf32>
    %min3A_2111 = arith.minimumf %min3A_2110, %max3A_2109 : vector<32x128xf32>
    %sqrt3A_2112 = math.sqrt %min3A_2111 : vector<32x128xf32>
    %mul3A_2113 = arith.mulf %min3A_2111, %sqrt3A_2112 : vector<32x128xf32>
    %sub3A_2114 = arith.constant 1.000000e+00 : f32
    %sub3A_2115 = vector.broadcast %sub3A_2114 : f32 to vector<32x128xf32>
    %sub3A_2116 = arith.subf %sub3A_2115, %min3A_2111 : vector<32x128xf32>
    %log3A_2117 = math.log %sub3A_2116 : vector<32x128xf32>
    %neg3A_2118 = arith.constant 0.000000e+00 : f32
    %neg3A_2119 = vector.broadcast %neg3A_2118 : f32 to vector<32x128xf32>
    %neg3A_2120 = arith.subf %neg3A_2119, %log3A_2117 : vector<32x128xf32>
    %mul3A_2121 = arith.mulf %mul3A_2113, %neg3A_2120 : vector<32x128xf32>
    %add3A_2122 = arith.addf %add3A_2014, %mul3A_2121 : vector<32x128xf32>
    %eq3A_2123 = arith.constant 6 : i32
    %eq3A_2124 = vector.broadcast %eq3A_2123 : i32 to vector<32x128xi32>
    %eq3A_2125 = arith.cmpi eq, %convert_element_type3A_1931, %eq3A_2124 : vector<32x128xi32>
    %select_n3A_2126 = arith.select %eq3A_2125, %min3A_2111, %select_n3A_2099 : vector<32x128xi1>, vector<32x128xf32>
    %get3A_2127 = arith.constant 0 : index
    %get3A_2128 = arith.constant 7 : index
    %get3A_2129 = arith.constant 0 : index
    %get3A_2130 = arith.constant 0 : index
    %get3A_2131 = vector.load %arg2[%get3A_2127, %get3A_2128, %get3A_2129, %get3A_2130] : memref<1x80x32x128xf32, #tpu.memory_space<vmem>>, vector<1x1x32x128xf32>
    %get3A_2132 = vector.shape_cast %get3A_2131 : vector<1x1x32x128xf32> to vector<32x128xf32>
    %jit3A_2133 = arith.constant 9.99999974E-5 : f32
    %jit3A_2134 = arith.constant 0.999899983 : f32
    %max3A_2135 = vector.broadcast %jit3A_2133 : f32 to vector<32x128xf32>
    %max3A_2136 = arith.maximumf %max3A_2135, %get3A_2132 : vector<32x128xf32>
    %min3A_2137 = vector.broadcast %jit3A_2134 : f32 to vector<32x128xf32>
    %min3A_2138 = arith.minimumf %min3A_2137, %max3A_2136 : vector<32x128xf32>
    %sqrt3A_2139 = math.sqrt %min3A_2138 : vector<32x128xf32>
    %mul3A_2140 = arith.mulf %min3A_2138, %sqrt3A_2139 : vector<32x128xf32>
    %sub3A_2141 = arith.constant 1.000000e+00 : f32
    %sub3A_2142 = vector.broadcast %sub3A_2141 : f32 to vector<32x128xf32>
    %sub3A_2143 = arith.subf %sub3A_2142, %min3A_2138 : vector<32x128xf32>
    %log3A_2144 = math.log %sub3A_2143 : vector<32x128xf32>
    %neg3A_2145 = arith.constant 0.000000e+00 : f32
    %neg3A_2146 = vector.broadcast %neg3A_2145 : f32 to vector<32x128xf32>
    %neg3A_2147 = arith.subf %neg3A_2146, %log3A_2144 : vector<32x128xf32>
    %mul3A_2148 = arith.mulf %mul3A_2140, %neg3A_2147 : vector<32x128xf32>
    %add3A_2149 = arith.addf %add3A_2041, %mul3A_2148 : vector<32x128xf32>
    %eq3A_2150 = arith.constant 7 : i32
    %eq3A_2151 = vector.broadcast %eq3A_2150 : i32 to vector<32x128xi32>
    %eq3A_2152 = arith.cmpi eq, %convert_element_type3A_1931, %eq3A_2151 : vector<32x128xi32>
    %select_n3A_2153 = arith.select %eq3A_2152, %min3A_2138, %select_n3A_2126 : vector<32x128xi1>, vector<32x128xf32>
    %get3A_2154 = arith.constant 0 : index
    %get3A_2155 = arith.constant 8 : index
    %get3A_2156 = arith.constant 0 : index
    %get3A_2157 = arith.constant 0 : index
    %get3A_2158 = vector.load %arg2[%get3A_2154, %get3A_2155, %get3A_2156, %get3A_2157] : memref<1x80x32x128xf32, #tpu.memory_space<vmem>>, vector<1x1x32x128xf32>
    %get3A_2159 = vector.shape_cast %get3A_2158 : vector<1x1x32x128xf32> to vector<32x128xf32>
    %jit3A_2160 = arith.constant 9.99999974E-5 : f32
    %jit3A_2161 = arith.constant 0.999899983 : f32
    %max3A_2162 = vector.broadcast %jit3A_2160 : f32 to vector<32x128xf32>
    %max3A_2163 = arith.maximumf %max3A_2162, %get3A_2159 : vector<32x128xf32>
    %min3A_2164 = vector.broadcast %jit3A_2161 : f32 to vector<32x128xf32>
    %min3A_2165 = arith.minimumf %min3A_2164, %max3A_2163 : vector<32x128xf32>
    %sqrt3A_2166 = math.sqrt %min3A_2165 : vector<32x128xf32>
    %mul3A_2167 = arith.mulf %min3A_2165, %sqrt3A_2166 : vector<32x128xf32>
    %sub3A_2168 = arith.constant 1.000000e+00 : f32
    %sub3A_2169 = vector.broadcast %sub3A_2168 : f32 to vector<32x128xf32>
    %sub3A_2170 = arith.subf %sub3A_2169, %min3A_2165 : vector<32x128xf32>
    %log3A_2171 = math.log %sub3A_2170 : vector<32x128xf32>
    %neg3A_2172 = arith.constant 0.000000e+00 : f32
    %neg3A_2173 = vector.broadcast %neg3A_2172 : f32 to vector<32x128xf32>
    %neg3A_2174 = arith.subf %neg3A_2173, %log3A_2171 : vector<32x128xf32>
    %mul3A_2175 = arith.mulf %mul3A_2167, %neg3A_2174 : vector<32x128xf32>
    %add3A_2176 = arith.addf %add3A_2068, %mul3A_2175 : vector<32x128xf32>
    %eq3A_2177 = arith.constant 8 : i32
    %eq3A_2178 = vector.broadcast %eq3A_2177 : i32 to vector<32x128xi32>
    %eq3A_2179 = arith.cmpi eq, %convert_element_type3A_1931, %eq3A_2178 : vector<32x128xi32>
    %select_n3A_2180 = arith.select %eq3A_2179, %min3A_2165, %select_n3A_2153 : vector<32x128xi1>, vector<32x128xf32>
    %get3A_2181 = arith.constant 0 : index
    %get3A_2182 = arith.constant 9 : index
    %get3A_2183 = arith.constant 0 : index
    %get3A_2184 = arith.constant 0 : index
    %get3A_2185 = vector.load %arg2[%get3A_2181, %get3A_2182, %get3A_2183, %get3A_2184] : memref<1x80x32x128xf32, #tpu.memory_space<vmem>>, vector<1x1x32x128xf32>
    %get3A_2186 = vector.shape_cast %get3A_2185 : vector<1x1x32x128xf32> to vector<32x128xf32>
    %jit3A_2187 = arith.constant 9.99999974E-5 : f32
    %jit3A_2188 = arith.constant 0.999899983 : f32
    %max3A_2189 = vector.broadcast %jit3A_2187 : f32 to vector<32x128xf32>
    %max3A_2190 = arith.maximumf %max3A_2189, %get3A_2186 : vector<32x128xf32>
    %min3A_2191 = vector.broadcast %jit3A_2188 : f32 to vector<32x128xf32>
    %min3A_2192 = arith.minimumf %min3A_2191, %max3A_2190 : vector<32x128xf32>
    %sqrt3A_2193 = math.sqrt %min3A_2192 : vector<32x128xf32>
    %mul3A_2194 = arith.mulf %min3A_2192, %sqrt3A_2193 : vector<32x128xf32>
    %sub3A_2195 = arith.constant 1.000000e+00 : f32
    %sub3A_2196 = vector.broadcast %sub3A_2195 : f32 to vector<32x128xf32>
    %sub3A_2197 = arith.subf %sub3A_2196, %min3A_2192 : vector<32x128xf32>
    %log3A_2198 = math.log %sub3A_2197 : vector<32x128xf32>
    %neg3A_2199 = arith.constant 0.000000e+00 : f32
    %neg3A_2200 = vector.broadcast %neg3A_2199 : f32 to vector<32x128xf32>
    %neg3A_2201 = arith.subf %neg3A_2200, %log3A_2198 : vector<32x128xf32>
    %mul3A_2202 = arith.mulf %mul3A_2194, %neg3A_2201 : vector<32x128xf32>
    %add3A_2203 = arith.addf %add3A_2095, %mul3A_2202 : vector<32x128xf32>
    %eq3A_2204 = arith.constant 9 : i32
    %eq3A_2205 = vector.broadcast %eq3A_2204 : i32 to vector<32x128xi32>
    %eq3A_2206 = arith.cmpi eq, %convert_element_type3A_1931, %eq3A_2205 : vector<32x128xi32>
    %select_n3A_2207 = arith.select %eq3A_2206, %min3A_2192, %select_n3A_2180 : vector<32x128xi1>, vector<32x128xf32>
    %get3A_2208 = arith.constant 0 : index
    %get3A_2209 = arith.constant 10 : index
    %get3A_2210 = arith.constant 0 : index
    %get3A_2211 = arith.constant 0 : index
    %get3A_2212 = vector.load %arg2[%get3A_2208, %get3A_2209, %get3A_2210, %get3A_2211] : memref<1x80x32x128xf32, #tpu.memory_space<vmem>>, vector<1x1x32x128xf32>
    %get3A_2213 = vector.shape_cast %get3A_2212 : vector<1x1x32x128xf32> to vector<32x128xf32>
    %jit3A_2214 = arith.constant 9.99999974E-5 : f32
    %jit3A_2215 = arith.constant 0.999899983 : f32
    %max3A_2216 = vector.broadcast %jit3A_2214 : f32 to vector<32x128xf32>
    %max3A_2217 = arith.maximumf %max3A_2216, %get3A_2213 : vector<32x128xf32>
    %min3A_2218 = vector.broadcast %jit3A_2215 : f32 to vector<32x128xf32>
    %min3A_2219 = arith.minimumf %min3A_2218, %max3A_2217 : vector<32x128xf32>
    %sqrt3A_2220 = math.sqrt %min3A_2219 : vector<32x128xf32>
    %mul3A_2221 = arith.mulf %min3A_2219, %sqrt3A_2220 : vector<32x128xf32>
    %sub3A_2222 = arith.constant 1.000000e+00 : f32
    %sub3A_2223 = vector.broadcast %sub3A_2222 : f32 to vector<32x128xf32>
    %sub3A_2224 = arith.subf %sub3A_2223, %min3A_2219 : vector<32x128xf32>
    %log3A_2225 = math.log %sub3A_2224 : vector<32x128xf32>
    %neg3A_2226 = arith.constant 0.000000e+00 : f32
    %neg3A_2227 = vector.broadcast %neg3A_2226 : f32 to vector<32x128xf32>
    %neg3A_2228 = arith.subf %neg3A_2227, %log3A_2225 : vector<32x128xf32>
    %mul3A_2229 = arith.mulf %mul3A_2221, %neg3A_2228 : vector<32x128xf32>
    %add3A_2230 = arith.addf %add3A_2122, %mul3A_2229 : vector<32x128xf32>
    %eq3A_2231 = arith.constant 10 : i32
    %eq3A_2232 = vector.broadcast %eq3A_2231 : i32 to vector<32x128xi32>
    %eq3A_2233 = arith.cmpi eq, %convert_element_type3A_1931, %eq3A_2232 : vector<32x128xi32>
    %select_n3A_2234 = arith.select %eq3A_2233, %min3A_2219, %select_n3A_2207 : vector<32x128xi1>, vector<32x128xf32>
    %get3A_2235 = arith.constant 0 : index
    %get3A_2236 = arith.constant 11 : index
    %get3A_2237 = arith.constant 0 : index
    %get3A_2238 = arith.constant 0 : index
    %get3A_2239 = vector.load %arg2[%get3A_2235, %get3A_2236, %get3A_2237, %get3A_2238] : memref<1x80x32x128xf32, #tpu.memory_space<vmem>>, vector<1x1x32x128xf32>
    %get3A_2240 = vector.shape_cast %get3A_2239 : vector<1x1x32x128xf32> to vector<32x128xf32>
    %jit3A_2241 = arith.constant 9.99999974E-5 : f32
    %jit3A_2242 = arith.constant 0.999899983 : f32
    %max3A_2243 = vector.broadcast %jit3A_2241 : f32 to vector<32x128xf32>
    %max3A_2244 = arith.maximumf %max3A_2243, %get3A_2240 : vector<32x128xf32>
    %min3A_2245 = vector.broadcast %jit3A_2242 : f32 to vector<32x128xf32>
    %min3A_2246 = arith.minimumf %min3A_2245, %max3A_2244 : vector<32x128xf32>
    %sqrt3A_2247 = math.sqrt %min3A_2246 : vector<32x128xf32>
    %mul3A_2248 = arith.mulf %min3A_2246, %sqrt3A_2247 : vector<32x128xf32>
    %sub3A_2249 = arith.constant 1.000000e+00 : f32
    %sub3A_2250 = vector.broadcast %sub3A_2249 : f32 to vector<32x128xf32>
    %sub3A_2251 = arith.subf %sub3A_2250, %min3A_2246 : vector<32x128xf32>
    %log3A_2252 = math.log %sub3A_2251 : vector<32x128xf32>
    %neg3A_2253 = arith.constant 0.000000e+00 : f32
    %neg3A_2254 = vector.broadcast %neg3A_2253 : f32 to vector<32x128xf32>
    %neg3A_2255 = arith.subf %neg3A_2254, %log3A_2252 : vector<32x128xf32>
    %mul3A_2256 = arith.mulf %mul3A_2248, %neg3A_2255 : vector<32x128xf32>
    %add3A_2257 = arith.addf %add3A_2149, %mul3A_2256 : vector<32x128xf32>
    %eq3A_2258 = arith.constant 11 : i32
    %eq3A_2259 = vector.broadcast %eq3A_2258 : i32 to vector<32x128xi32>
    %eq3A_2260 = arith.cmpi eq, %convert_element_type3A_1931, %eq3A_2259 : vector<32x128xi32>
    %select_n3A_2261 = arith.select %eq3A_2260, %min3A_2246, %select_n3A_2234 : vector<32x128xi1>, vector<32x128xf32>
    %get3A_2262 = arith.constant 0 : index
    %get3A_2263 = arith.constant 12 : index
    %get3A_2264 = arith.constant 0 : index
    %get3A_2265 = arith.constant 0 : index
    %get3A_2266 = vector.load %arg2[%get3A_2262, %get3A_2263, %get3A_2264, %get3A_2265] : memref<1x80x32x128xf32, #tpu.memory_space<vmem>>, vector<1x1x32x128xf32>
    %get3A_2267 = vector.shape_cast %get3A_2266 : vector<1x1x32x128xf32> to vector<32x128xf32>
    %jit3A_2268 = arith.constant 9.99999974E-5 : f32
    %jit3A_2269 = arith.constant 0.999899983 : f32
    %max3A_2270 = vector.broadcast %jit3A_2268 : f32 to vector<32x128xf32>
    %max3A_2271 = arith.maximumf %max3A_2270, %get3A_2267 : vector<32x128xf32>
    %min3A_2272 = vector.broadcast %jit3A_2269 : f32 to vector<32x128xf32>
    %min3A_2273 = arith.minimumf %min3A_2272, %max3A_2271 : vector<32x128xf32>
    %sqrt3A_2274 = math.sqrt %min3A_2273 : vector<32x128xf32>
    %mul3A_2275 = arith.mulf %min3A_2273, %sqrt3A_2274 : vector<32x128xf32>
    %sub3A_2276 = arith.constant 1.000000e+00 : f32
    %sub3A_2277 = vector.broadcast %sub3A_2276 : f32 to vector<32x128xf32>
    %sub3A_2278 = arith.subf %sub3A_2277, %min3A_2273 : vector<32x128xf32>
    %log3A_2279 = math.log %sub3A_2278 : vector<32x128xf32>
    %neg3A_2280 = arith.constant 0.000000e+00 : f32
    %neg3A_2281 = vector.broadcast %neg3A_2280 : f32 to vector<32x128xf32>
    %neg3A_2282 = arith.subf %neg3A_2281, %log3A_2279 : vector<32x128xf32>
    %mul3A_2283 = arith.mulf %mul3A_2275, %neg3A_2282 : vector<32x128xf32>
    %add3A_2284 = arith.addf %add3A_2176, %mul3A_2283 : vector<32x128xf32>
    %eq3A_2285 = arith.constant 12 : i32
    %eq3A_2286 = vector.broadcast %eq3A_2285 : i32 to vector<32x128xi32>
    %eq3A_2287 = arith.cmpi eq, %convert_element_type3A_1931, %eq3A_2286 : vector<32x128xi32>
    %select_n3A_2288 = arith.select %eq3A_2287, %min3A_2273, %select_n3A_2261 : vector<32x128xi1>, vector<32x128xf32>
    %get3A_2289 = arith.constant 0 : index
    %get3A_2290 = arith.constant 13 : index
    %get3A_2291 = arith.constant 0 : index
    %get3A_2292 = arith.constant 0 : index
    %get3A_2293 = vector.load %arg2[%get3A_2289, %get3A_2290, %get3A_2291, %get3A_2292] : memref<1x80x32x128xf32, #tpu.memory_space<vmem>>, vector<1x1x32x128xf32>
    %get3A_2294 = vector.shape_cast %get3A_2293 : vector<1x1x32x128xf32> to vector<32x128xf32>
    %jit3A_2295 = arith.constant 9.99999974E-5 : f32
    %jit3A_2296 = arith.constant 0.999899983 : f32
    %max3A_2297 = vector.broadcast %jit3A_2295 : f32 to vector<32x128xf32>
    %max3A_2298 = arith.maximumf %max3A_2297, %get3A_2294 : vector<32x128xf32>
    %min3A_2299 = vector.broadcast %jit3A_2296 : f32 to vector<32x128xf32>
    %min3A_2300 = arith.minimumf %min3A_2299, %max3A_2298 : vector<32x128xf32>
    %sqrt3A_2301 = math.sqrt %min3A_2300 : vector<32x128xf32>
    %mul3A_2302 = arith.mulf %min3A_2300, %sqrt3A_2301 : vector<32x128xf32>
    %sub3A_2303 = arith.constant 1.000000e+00 : f32
    %sub3A_2304 = vector.broadcast %sub3A_2303 : f32 to vector<32x128xf32>
    %sub3A_2305 = arith.subf %sub3A_2304, %min3A_2300 : vector<32x128xf32>
    %log3A_2306 = math.log %sub3A_2305 : vector<32x128xf32>
    %neg3A_2307 = arith.constant 0.000000e+00 : f32
    %neg3A_2308 = vector.broadcast %neg3A_2307 : f32 to vector<32x128xf32>
    %neg3A_2309 = arith.subf %neg3A_2308, %log3A_2306 : vector<32x128xf32>
    %mul3A_2310 = arith.mulf %mul3A_2302, %neg3A_2309 : vector<32x128xf32>
    %add3A_2311 = arith.addf %add3A_2203, %mul3A_2310 : vector<32x128xf32>
    %eq3A_2312 = arith.constant 13 : i32
    %eq3A_2313 = vector.broadcast %eq3A_2312 : i32 to vector<32x128xi32>
    %eq3A_2314 = arith.cmpi eq, %convert_element_type3A_1931, %eq3A_2313 : vector<32x128xi32>
    %select_n3A_2315 = arith.select %eq3A_2314, %min3A_2300, %select_n3A_2288 : vector<32x128xi1>, vector<32x128xf32>
    %get3A_2316 = arith.constant 0 : index
    %get3A_2317 = arith.constant 14 : index
    %get3A_2318 = arith.constant 0 : index
    %get3A_2319 = arith.constant 0 : index
    %get3A_2320 = vector.load %arg2[%get3A_2316, %get3A_2317, %get3A_2318, %get3A_2319] : memref<1x80x32x128xf32, #tpu.memory_space<vmem>>, vector<1x1x32x128xf32>
    %get3A_2321 = vector.shape_cast %get3A_2320 : vector<1x1x32x128xf32> to vector<32x128xf32>
    %jit3A_2322 = arith.constant 9.99999974E-5 : f32
    %jit3A_2323 = arith.constant 0.999899983 : f32
    %max3A_2324 = vector.broadcast %jit3A_2322 : f32 to vector<32x128xf32>
    %max3A_2325 = arith.maximumf %max3A_2324, %get3A_2321 : vector<32x128xf32>
    %min3A_2326 = vector.broadcast %jit3A_2323 : f32 to vector<32x128xf32>
    %min3A_2327 = arith.minimumf %min3A_2326, %max3A_2325 : vector<32x128xf32>
    %sqrt3A_2328 = math.sqrt %min3A_2327 : vector<32x128xf32>
    %mul3A_2329 = arith.mulf %min3A_2327, %sqrt3A_2328 : vector<32x128xf32>
    %sub3A_2330 = arith.constant 1.000000e+00 : f32
    %sub3A_2331 = vector.broadcast %sub3A_2330 : f32 to vector<32x128xf32>
    %sub3A_2332 = arith.subf %sub3A_2331, %min3A_2327 : vector<32x128xf32>
    %log3A_2333 = math.log %sub3A_2332 : vector<32x128xf32>
    %neg3A_2334 = arith.constant 0.000000e+00 : f32
    %neg3A_2335 = vector.broadcast %neg3A_2334 : f32 to vector<32x128xf32>
    %neg3A_2336 = arith.subf %neg3A_2335, %log3A_2333 : vector<32x128xf32>
    %mul3A_2337 = arith.mulf %mul3A_2329, %neg3A_2336 : vector<32x128xf32>
    %add3A_2338 = arith.addf %add3A_2230, %mul3A_2337 : vector<32x128xf32>
    %eq3A_2339 = arith.constant 14 : i32
    %eq3A_2340 = vector.broadcast %eq3A_2339 : i32 to vector<32x128xi32>
    %eq3A_2341 = arith.cmpi eq, %convert_element_type3A_1931, %eq3A_2340 : vector<32x128xi32>
    %select_n3A_2342 = arith.select %eq3A_2341, %min3A_2327, %select_n3A_2315 : vector<32x128xi1>, vector<32x128xf32>
    %get3A_2343 = arith.constant 0 : index
    %get3A_2344 = arith.constant 15 : index
    %get3A_2345 = arith.constant 0 : index
    %get3A_2346 = arith.constant 0 : index
    %get3A_2347 = vector.load %arg2[%get3A_2343, %get3A_2344, %get3A_2345, %get3A_2346] : memref<1x80x32x128xf32, #tpu.memory_space<vmem>>, vector<1x1x32x128xf32>
    %get3A_2348 = vector.shape_cast %get3A_2347 : vector<1x1x32x128xf32> to vector<32x128xf32>
    %jit3A_2349 = arith.constant 9.99999974E-5 : f32
    %jit3A_2350 = arith.constant 0.999899983 : f32
    %max3A_2351 = vector.broadcast %jit3A_2349 : f32 to vector<32x128xf32>
    %max3A_2352 = arith.maximumf %max3A_2351, %get3A_2348 : vector<32x128xf32>
    %min3A_2353 = vector.broadcast %jit3A_2350 : f32 to vector<32x128xf32>
    %min3A_2354 = arith.minimumf %min3A_2353, %max3A_2352 : vector<32x128xf32>
    %sqrt3A_2355 = math.sqrt %min3A_2354 : vector<32x128xf32>
    %mul3A_2356 = arith.mulf %min3A_2354, %sqrt3A_2355 : vector<32x128xf32>
    %sub3A_2357 = arith.constant 1.000000e+00 : f32
    %sub3A_2358 = vector.broadcast %sub3A_2357 : f32 to vector<32x128xf32>
    %sub3A_2359 = arith.subf %sub3A_2358, %min3A_2354 : vector<32x128xf32>
    %log3A_2360 = math.log %sub3A_2359 : vector<32x128xf32>
    %neg3A_2361 = arith.constant 0.000000e+00 : f32
    %neg3A_2362 = vector.broadcast %neg3A_2361 : f32 to vector<32x128xf32>
    %neg3A_2363 = arith.subf %neg3A_2362, %log3A_2360 : vector<32x128xf32>
    %mul3A_2364 = arith.mulf %mul3A_2356, %neg3A_2363 : vector<32x128xf32>
    %add3A_2365 = arith.addf %add3A_2257, %mul3A_2364 : vector<32x128xf32>
    %eq3A_2366 = arith.constant 15 : i32
    %eq3A_2367 = vector.broadcast %eq3A_2366 : i32 to vector<32x128xi32>
    %eq3A_2368 = arith.cmpi eq, %convert_element_type3A_1931, %eq3A_2367 : vector<32x128xi32>
    %select_n3A_2369 = arith.select %eq3A_2368, %min3A_2354, %select_n3A_2342 : vector<32x128xi1>, vector<32x128xf32>
    %get3A_2370 = arith.constant 0 : index
    %get3A_2371 = arith.constant 16 : index
    %get3A_2372 = arith.constant 0 : index
    %get3A_2373 = arith.constant 0 : index
    %get3A_2374 = vector.load %arg2[%get3A_2370, %get3A_2371, %get3A_2372, %get3A_2373] : memref<1x80x32x128xf32, #tpu.memory_space<vmem>>, vector<1x1x32x128xf32>
    %get3A_2375 = vector.shape_cast %get3A_2374 : vector<1x1x32x128xf32> to vector<32x128xf32>
    %jit3A_2376 = arith.constant 9.99999974E-5 : f32
    %jit3A_2377 = arith.constant 0.999899983 : f32
    %max3A_2378 = vector.broadcast %jit3A_2376 : f32 to vector<32x128xf32>
    %max3A_2379 = arith.maximumf %max3A_2378, %get3A_2375 : vector<32x128xf32>
    %min3A_2380 = vector.broadcast %jit3A_2377 : f32 to vector<32x128xf32>
    %min3A_2381 = arith.minimumf %min3A_2380, %max3A_2379 : vector<32x128xf32>
    %sqrt3A_2382 = math.sqrt %min3A_2381 : vector<32x128xf32>
    %mul3A_2383 = arith.mulf %min3A_2381, %sqrt3A_2382 : vector<32x128xf32>
    %sub3A_2384 = arith.constant 1.000000e+00 : f32
    %sub3A_2385 = vector.broadcast %sub3A_2384 : f32 to vector<32x128xf32>
    %sub3A_2386 = arith.subf %sub3A_2385, %min3A_2381 : vector<32x128xf32>
    %log3A_2387 = math.log %sub3A_2386 : vector<32x128xf32>
    %neg3A_2388 = arith.constant 0.000000e+00 : f32
    %neg3A_2389 = vector.broadcast %neg3A_2388 : f32 to vector<32x128xf32>
    %neg3A_2390 = arith.subf %neg3A_2389, %log3A_2387 : vector<32x128xf32>
    %mul3A_2391 = arith.mulf %mul3A_2383, %neg3A_2390 : vector<32x128xf32>
    %add3A_2392 = arith.addf %add3A_2284, %mul3A_2391 : vector<32x128xf32>
    %eq3A_2393 = arith.constant 16 : i32
    %eq3A_2394 = vector.broadcast %eq3A_2393 : i32 to vector<32x128xi32>
    %eq3A_2395 = arith.cmpi eq, %convert_element_type3A_1931, %eq3A_2394 : vector<32x128xi32>
    %select_n3A_2396 = arith.select %eq3A_2395, %min3A_2381, %select_n3A_2369 : vector<32x128xi1>, vector<32x128xf32>
    %get3A_2397 = arith.constant 0 : index
    %get3A_2398 = arith.constant 17 : index
    %get3A_2399 = arith.constant 0 : index
    %get3A_2400 = arith.constant 0 : index
    %get3A_2401 = vector.load %arg2[%get3A_2397, %get3A_2398, %get3A_2399, %get3A_2400] : memref<1x80x32x128xf32, #tpu.memory_space<vmem>>, vector<1x1x32x128xf32>
    %get3A_2402 = vector.shape_cast %get3A_2401 : vector<1x1x32x128xf32> to vector<32x128xf32>
    %jit3A_2403 = arith.constant 9.99999974E-5 : f32
    %jit3A_2404 = arith.constant 0.999899983 : f32
    %max3A_2405 = vector.broadcast %jit3A_2403 : f32 to vector<32x128xf32>
    %max3A_2406 = arith.maximumf %max3A_2405, %get3A_2402 : vector<32x128xf32>
    %min3A_2407 = vector.broadcast %jit3A_2404 : f32 to vector<32x128xf32>
    %min3A_2408 = arith.minimumf %min3A_2407, %max3A_2406 : vector<32x128xf32>
    %sqrt3A_2409 = math.sqrt %min3A_2408 : vector<32x128xf32>
    %mul3A_2410 = arith.mulf %min3A_2408, %sqrt3A_2409 : vector<32x128xf32>
    %sub3A_2411 = arith.constant 1.000000e+00 : f32
    %sub3A_2412 = vector.broadcast %sub3A_2411 : f32 to vector<32x128xf32>
    %sub3A_2413 = arith.subf %sub3A_2412, %min3A_2408 : vector<32x128xf32>
    %log3A_2414 = math.log %sub3A_2413 : vector<32x128xf32>
    %neg3A_2415 = arith.constant 0.000000e+00 : f32
    %neg3A_2416 = vector.broadcast %neg3A_2415 : f32 to vector<32x128xf32>
    %neg3A_2417 = arith.subf %neg3A_2416, %log3A_2414 : vector<32x128xf32>
    %mul3A_2418 = arith.mulf %mul3A_2410, %neg3A_2417 : vector<32x128xf32>
    %add3A_2419 = arith.addf %add3A_2311, %mul3A_2418 : vector<32x128xf32>
    %eq3A_2420 = arith.constant 17 : i32
    %eq3A_2421 = vector.broadcast %eq3A_2420 : i32 to vector<32x128xi32>
    %eq3A_2422 = arith.cmpi eq, %convert_element_type3A_1931, %eq3A_2421 : vector<32x128xi32>
    %select_n3A_2423 = arith.select %eq3A_2422, %min3A_2408, %select_n3A_2396 : vector<32x128xi1>, vector<32x128xf32>
    %get3A_2424 = arith.constant 0 : index
    %get3A_2425 = arith.constant 18 : index
    %get3A_2426 = arith.constant 0 : index
    %get3A_2427 = arith.constant 0 : index
    %get3A_2428 = vector.load %arg2[%get3A_2424, %get3A_2425, %get3A_2426, %get3A_2427] : memref<1x80x32x128xf32, #tpu.memory_space<vmem>>, vector<1x1x32x128xf32>
    %get3A_2429 = vector.shape_cast %get3A_2428 : vector<1x1x32x128xf32> to vector<32x128xf32>
    %jit3A_2430 = arith.constant 9.99999974E-5 : f32
    %jit3A_2431 = arith.constant 0.999899983 : f32
    %max3A_2432 = vector.broadcast %jit3A_2430 : f32 to vector<32x128xf32>
    %max3A_2433 = arith.maximumf %max3A_2432, %get3A_2429 : vector<32x128xf32>
    %min3A_2434 = vector.broadcast %jit3A_2431 : f32 to vector<32x128xf32>
    %min3A_2435 = arith.minimumf %min3A_2434, %max3A_2433 : vector<32x128xf32>
    %sqrt3A_2436 = math.sqrt %min3A_2435 : vector<32x128xf32>
    %mul3A_2437 = arith.mulf %min3A_2435, %sqrt3A_2436 : vector<32x128xf32>
    %sub3A_2438 = arith.constant 1.000000e+00 : f32
    %sub3A_2439 = vector.broadcast %sub3A_2438 : f32 to vector<32x128xf32>
    %sub3A_2440 = arith.subf %sub3A_2439, %min3A_2435 : vector<32x128xf32>
    %log3A_2441 = math.log %sub3A_2440 : vector<32x128xf32>
    %neg3A_2442 = arith.constant 0.000000e+00 : f32
    %neg3A_2443 = vector.broadcast %neg3A_2442 : f32 to vector<32x128xf32>
    %neg3A_2444 = arith.subf %neg3A_2443, %log3A_2441 : vector<32x128xf32>
    %mul3A_2445 = arith.mulf %mul3A_2437, %neg3A_2444 : vector<32x128xf32>
    %add3A_2446 = arith.addf %add3A_2338, %mul3A_2445 : vector<32x128xf32>
    %eq3A_2447 = arith.constant 18 : i32
    %eq3A_2448 = vector.broadcast %eq3A_2447 : i32 to vector<32x128xi32>
    %eq3A_2449 = arith.cmpi eq, %convert_element_type3A_1931, %eq3A_2448 : vector<32x128xi32>
    %select_n3A_2450 = arith.select %eq3A_2449, %min3A_2435, %select_n3A_2423 : vector<32x128xi1>, vector<32x128xf32>
    %get3A_2451 = arith.constant 0 : index
    %get3A_2452 = arith.constant 19 : index
    %get3A_2453 = arith.constant 0 : index
    %get3A_2454 = arith.constant 0 : index
    %get3A_2455 = vector.load %arg2[%get3A_2451, %get3A_2452, %get3A_2453, %get3A_2454] : memref<1x80x32x128xf32, #tpu.memory_space<vmem>>, vector<1x1x32x128xf32>
    %get3A_2456 = vector.shape_cast %get3A_2455 : vector<1x1x32x128xf32> to vector<32x128xf32>
    %jit3A_2457 = arith.constant 9.99999974E-5 : f32
    %jit3A_2458 = arith.constant 0.999899983 : f32
    %max3A_2459 = vector.broadcast %jit3A_2457 : f32 to vector<32x128xf32>
    %max3A_2460 = arith.maximumf %max3A_2459, %get3A_2456 : vector<32x128xf32>
    %min3A_2461 = vector.broadcast %jit3A_2458 : f32 to vector<32x128xf32>
    %min3A_2462 = arith.minimumf %min3A_2461, %max3A_2460 : vector<32x128xf32>
    %sqrt3A_2463 = math.sqrt %min3A_2462 : vector<32x128xf32>
    %mul3A_2464 = arith.mulf %min3A_2462, %sqrt3A_2463 : vector<32x128xf32>
    %sub3A_2465 = arith.constant 1.000000e+00 : f32
    %sub3A_2466 = vector.broadcast %sub3A_2465 : f32 to vector<32x128xf32>
    %sub3A_2467 = arith.subf %sub3A_2466, %min3A_2462 : vector<32x128xf32>
    %log3A_2468 = math.log %sub3A_2467 : vector<32x128xf32>
    %neg3A_2469 = arith.constant 0.000000e+00 : f32
    %neg3A_2470 = vector.broadcast %neg3A_2469 : f32 to vector<32x128xf32>
    %neg3A_2471 = arith.subf %neg3A_2470, %log3A_2468 : vector<32x128xf32>
    %mul3A_2472 = arith.mulf %mul3A_2464, %neg3A_2471 : vector<32x128xf32>
    %add3A_2473 = arith.addf %add3A_2365, %mul3A_2472 : vector<32x128xf32>
    %eq3A_2474 = arith.constant 19 : i32
    %eq3A_2475 = vector.broadcast %eq3A_2474 : i32 to vector<32x128xi32>
    %eq3A_2476 = arith.cmpi eq, %convert_element_type3A_1931, %eq3A_2475 : vector<32x128xi32>
    %select_n3A_2477 = arith.select %eq3A_2476, %min3A_2462, %select_n3A_2450 : vector<32x128xi1>, vector<32x128xf32>
    %get3A_2478 = arith.constant 0 : index
    %get3A_2479 = arith.constant 20 : index
    %get3A_2480 = arith.constant 0 : index
    %get3A_2481 = arith.constant 0 : index
    %get3A_2482 = vector.load %arg2[%get3A_2478, %get3A_2479, %get3A_2480, %get3A_2481] : memref<1x80x32x128xf32, #tpu.memory_space<vmem>>, vector<1x1x32x128xf32>
    %get3A_2483 = vector.shape_cast %get3A_2482 : vector<1x1x32x128xf32> to vector<32x128xf32>
    %jit3A_2484 = arith.constant 9.99999974E-5 : f32
    %jit3A_2485 = arith.constant 0.999899983 : f32
    %max3A_2486 = vector.broadcast %jit3A_2484 : f32 to vector<32x128xf32>
    %max3A_2487 = arith.maximumf %max3A_2486, %get3A_2483 : vector<32x128xf32>
    %min3A_2488 = vector.broadcast %jit3A_2485 : f32 to vector<32x128xf32>
    %min3A_2489 = arith.minimumf %min3A_2488, %max3A_2487 : vector<32x128xf32>
    %sqrt3A_2490 = math.sqrt %min3A_2489 : vector<32x128xf32>
    %mul3A_2491 = arith.mulf %min3A_2489, %sqrt3A_2490 : vector<32x128xf32>
    %sub3A_2492 = arith.constant 1.000000e+00 : f32
    %sub3A_2493 = vector.broadcast %sub3A_2492 : f32 to vector<32x128xf32>
    %sub3A_2494 = arith.subf %sub3A_2493, %min3A_2489 : vector<32x128xf32>
    %log3A_2495 = math.log %sub3A_2494 : vector<32x128xf32>
    %neg3A_2496 = arith.constant 0.000000e+00 : f32
    %neg3A_2497 = vector.broadcast %neg3A_2496 : f32 to vector<32x128xf32>
    %neg3A_2498 = arith.subf %neg3A_2497, %log3A_2495 : vector<32x128xf32>
    %mul3A_2499 = arith.mulf %mul3A_2491, %neg3A_2498 : vector<32x128xf32>
    %add3A_2500 = arith.addf %add3A_2392, %mul3A_2499 : vector<32x128xf32>
    %eq3A_2501 = arith.constant 20 : i32
    %eq3A_2502 = vector.broadcast %eq3A_2501 : i32 to vector<32x128xi32>
    %eq3A_2503 = arith.cmpi eq, %convert_element_type3A_1931, %eq3A_2502 : vector<32x128xi32>
    %select_n3A_2504 = arith.select %eq3A_2503, %min3A_2489, %select_n3A_2477 : vector<32x128xi1>, vector<32x128xf32>
    %get3A_2505 = arith.constant 0 : index
    %get3A_2506 = arith.constant 21 : index
    %get3A_2507 = arith.constant 0 : index
    %get3A_2508 = arith.constant 0 : index
    %get3A_2509 = vector.load %arg2[%get3A_2505, %get3A_2506, %get3A_2507, %get3A_2508] : memref<1x80x32x128xf32, #tpu.memory_space<vmem>>, vector<1x1x32x128xf32>
    %get3A_2510 = vector.shape_cast %get3A_2509 : vector<1x1x32x128xf32> to vector<32x128xf32>
    %jit3A_2511 = arith.constant 9.99999974E-5 : f32
    %jit3A_2512 = arith.constant 0.999899983 : f32
    %max3A_2513 = vector.broadcast %jit3A_2511 : f32 to vector<32x128xf32>
    %max3A_2514 = arith.maximumf %max3A_2513, %get3A_2510 : vector<32x128xf32>
    %min3A_2515 = vector.broadcast %jit3A_2512 : f32 to vector<32x128xf32>
    %min3A_2516 = arith.minimumf %min3A_2515, %max3A_2514 : vector<32x128xf32>
    %sqrt3A_2517 = math.sqrt %min3A_2516 : vector<32x128xf32>
    %mul3A_2518 = arith.mulf %min3A_2516, %sqrt3A_2517 : vector<32x128xf32>
    %sub3A_2519 = arith.constant 1.000000e+00 : f32
    %sub3A_2520 = vector.broadcast %sub3A_2519 : f32 to vector<32x128xf32>
    %sub3A_2521 = arith.subf %sub3A_2520, %min3A_2516 : vector<32x128xf32>
    %log3A_2522 = math.log %sub3A_2521 : vector<32x128xf32>
    %neg3A_2523 = arith.constant 0.000000e+00 : f32
    %neg3A_2524 = vector.broadcast %neg3A_2523 : f32 to vector<32x128xf32>
    %neg3A_2525 = arith.subf %neg3A_2524, %log3A_2522 : vector<32x128xf32>
    %mul3A_2526 = arith.mulf %mul3A_2518, %neg3A_2525 : vector<32x128xf32>
    %add3A_2527 = arith.addf %add3A_2419, %mul3A_2526 : vector<32x128xf32>
    %eq3A_2528 = arith.constant 21 : i32
    %eq3A_2529 = vector.broadcast %eq3A_2528 : i32 to vector<32x128xi32>
    %eq3A_2530 = arith.cmpi eq, %convert_element_type3A_1931, %eq3A_2529 : vector<32x128xi32>
    %select_n3A_2531 = arith.select %eq3A_2530, %min3A_2516, %select_n3A_2504 : vector<32x128xi1>, vector<32x128xf32>
    %get3A_2532 = arith.constant 0 : index
    %get3A_2533 = arith.constant 22 : index
    %get3A_2534 = arith.constant 0 : index
    %get3A_2535 = arith.constant 0 : index
    %get3A_2536 = vector.load %arg2[%get3A_2532, %get3A_2533, %get3A_2534, %get3A_2535] : memref<1x80x32x128xf32, #tpu.memory_space<vmem>>, vector<1x1x32x128xf32>
    %get3A_2537 = vector.shape_cast %get3A_2536 : vector<1x1x32x128xf32> to vector<32x128xf32>
    %jit3A_2538 = arith.constant 9.99999974E-5 : f32
    %jit3A_2539 = arith.constant 0.999899983 : f32
    %max3A_2540 = vector.broadcast %jit3A_2538 : f32 to vector<32x128xf32>
    %max3A_2541 = arith.maximumf %max3A_2540, %get3A_2537 : vector<32x128xf32>
    %min3A_2542 = vector.broadcast %jit3A_2539 : f32 to vector<32x128xf32>
    %min3A_2543 = arith.minimumf %min3A_2542, %max3A_2541 : vector<32x128xf32>
    %sqrt3A_2544 = math.sqrt %min3A_2543 : vector<32x128xf32>
    %mul3A_2545 = arith.mulf %min3A_2543, %sqrt3A_2544 : vector<32x128xf32>
    %sub3A_2546 = arith.constant 1.000000e+00 : f32
    %sub3A_2547 = vector.broadcast %sub3A_2546 : f32 to vector<32x128xf32>
    %sub3A_2548 = arith.subf %sub3A_2547, %min3A_2543 : vector<32x128xf32>
    %log3A_2549 = math.log %sub3A_2548 : vector<32x128xf32>
    %neg3A_2550 = arith.constant 0.000000e+00 : f32
    %neg3A_2551 = vector.broadcast %neg3A_2550 : f32 to vector<32x128xf32>
    %neg3A_2552 = arith.subf %neg3A_2551, %log3A_2549 : vector<32x128xf32>
    %mul3A_2553 = arith.mulf %mul3A_2545, %neg3A_2552 : vector<32x128xf32>
    %add3A_2554 = arith.addf %add3A_2446, %mul3A_2553 : vector<32x128xf32>
    %eq3A_2555 = arith.constant 22 : i32
    %eq3A_2556 = vector.broadcast %eq3A_2555 : i32 to vector<32x128xi32>
    %eq3A_2557 = arith.cmpi eq, %convert_element_type3A_1931, %eq3A_2556 : vector<32x128xi32>
    %select_n3A_2558 = arith.select %eq3A_2557, %min3A_2543, %select_n3A_2531 : vector<32x128xi1>, vector<32x128xf32>
    %get3A_2559 = arith.constant 0 : index
    %get3A_2560 = arith.constant 23 : index
    %get3A_2561 = arith.constant 0 : index
    %get3A_2562 = arith.constant 0 : index
    %get3A_2563 = vector.load %arg2[%get3A_2559, %get3A_2560, %get3A_2561, %get3A_2562] : memref<1x80x32x128xf32, #tpu.memory_space<vmem>>, vector<1x1x32x128xf32>
    %get3A_2564 = vector.shape_cast %get3A_2563 : vector<1x1x32x128xf32> to vector<32x128xf32>
    %jit3A_2565 = arith.constant 9.99999974E-5 : f32
    %jit3A_2566 = arith.constant 0.999899983 : f32
    %max3A_2567 = vector.broadcast %jit3A_2565 : f32 to vector<32x128xf32>
    %max3A_2568 = arith.maximumf %max3A_2567, %get3A_2564 : vector<32x128xf32>
    %min3A_2569 = vector.broadcast %jit3A_2566 : f32 to vector<32x128xf32>
    %min3A_2570 = arith.minimumf %min3A_2569, %max3A_2568 : vector<32x128xf32>
    %sqrt3A_2571 = math.sqrt %min3A_2570 : vector<32x128xf32>
    %mul3A_2572 = arith.mulf %min3A_2570, %sqrt3A_2571 : vector<32x128xf32>
    %sub3A_2573 = arith.constant 1.000000e+00 : f32
    %sub3A_2574 = vector.broadcast %sub3A_2573 : f32 to vector<32x128xf32>
    %sub3A_2575 = arith.subf %sub3A_2574, %min3A_2570 : vector<32x128xf32>
    %log3A_2576 = math.log %sub3A_2575 : vector<32x128xf32>
    %neg3A_2577 = arith.constant 0.000000e+00 : f32
    %neg3A_2578 = vector.broadcast %neg3A_2577 : f32 to vector<32x128xf32>
    %neg3A_2579 = arith.subf %neg3A_2578, %log3A_2576 : vector<32x128xf32>
    %mul3A_2580 = arith.mulf %mul3A_2572, %neg3A_2579 : vector<32x128xf32>
    %add3A_2581 = arith.addf %add3A_2473, %mul3A_2580 : vector<32x128xf32>
    %eq3A_2582 = arith.constant 23 : i32
    %eq3A_2583 = vector.broadcast %eq3A_2582 : i32 to vector<32x128xi32>
    %eq3A_2584 = arith.cmpi eq, %convert_element_type3A_1931, %eq3A_2583 : vector<32x128xi32>
    %select_n3A_2585 = arith.select %eq3A_2584, %min3A_2570, %select_n3A_2558 : vector<32x128xi1>, vector<32x128xf32>
    %get3A_2586 = arith.constant 0 : index
    %get3A_2587 = arith.constant 24 : index
    %get3A_2588 = arith.constant 0 : index
    %get3A_2589 = arith.constant 0 : index
    %get3A_2590 = vector.load %arg2[%get3A_2586, %get3A_2587, %get3A_2588, %get3A_2589] : memref<1x80x32x128xf32, #tpu.memory_space<vmem>>, vector<1x1x32x128xf32>
    %get3A_2591 = vector.shape_cast %get3A_2590 : vector<1x1x32x128xf32> to vector<32x128xf32>
    %jit3A_2592 = arith.constant 9.99999974E-5 : f32
    %jit3A_2593 = arith.constant 0.999899983 : f32
    %max3A_2594 = vector.broadcast %jit3A_2592 : f32 to vector<32x128xf32>
    %max3A_2595 = arith.maximumf %max3A_2594, %get3A_2591 : vector<32x128xf32>
    %min3A_2596 = vector.broadcast %jit3A_2593 : f32 to vector<32x128xf32>
    %min3A_2597 = arith.minimumf %min3A_2596, %max3A_2595 : vector<32x128xf32>
    %sqrt3A_2598 = math.sqrt %min3A_2597 : vector<32x128xf32>
    %mul3A_2599 = arith.mulf %min3A_2597, %sqrt3A_2598 : vector<32x128xf32>
    %sub3A_2600 = arith.constant 1.000000e+00 : f32
    %sub3A_2601 = vector.broadcast %sub3A_2600 : f32 to vector<32x128xf32>
    %sub3A_2602 = arith.subf %sub3A_2601, %min3A_2597 : vector<32x128xf32>
    %log3A_2603 = math.log %sub3A_2602 : vector<32x128xf32>
    %neg3A_2604 = arith.constant 0.000000e+00 : f32
    %neg3A_2605 = vector.broadcast %neg3A_2604 : f32 to vector<32x128xf32>
    %neg3A_2606 = arith.subf %neg3A_2605, %log3A_2603 : vector<32x128xf32>
    %mul3A_2607 = arith.mulf %mul3A_2599, %neg3A_2606 : vector<32x128xf32>
    %add3A_2608 = arith.addf %add3A_2500, %mul3A_2607 : vector<32x128xf32>
    %eq3A_2609 = arith.constant 24 : i32
    %eq3A_2610 = vector.broadcast %eq3A_2609 : i32 to vector<32x128xi32>
    %eq3A_2611 = arith.cmpi eq, %convert_element_type3A_1931, %eq3A_2610 : vector<32x128xi32>
    %select_n3A_2612 = arith.select %eq3A_2611, %min3A_2597, %select_n3A_2585 : vector<32x128xi1>, vector<32x128xf32>
    %get3A_2613 = arith.constant 0 : index
    %get3A_2614 = arith.constant 25 : index
    %get3A_2615 = arith.constant 0 : index
    %get3A_2616 = arith.constant 0 : index
    %get3A_2617 = vector.load %arg2[%get3A_2613, %get3A_2614, %get3A_2615, %get3A_2616] : memref<1x80x32x128xf32, #tpu.memory_space<vmem>>, vector<1x1x32x128xf32>
    %get3A_2618 = vector.shape_cast %get3A_2617 : vector<1x1x32x128xf32> to vector<32x128xf32>
    %jit3A_2619 = arith.constant 9.99999974E-5 : f32
    %jit3A_2620 = arith.constant 0.999899983 : f32
    %max3A_2621 = vector.broadcast %jit3A_2619 : f32 to vector<32x128xf32>
    %max3A_2622 = arith.maximumf %max3A_2621, %get3A_2618 : vector<32x128xf32>
    %min3A_2623 = vector.broadcast %jit3A_2620 : f32 to vector<32x128xf32>
    %min3A_2624 = arith.minimumf %min3A_2623, %max3A_2622 : vector<32x128xf32>
    %sqrt3A_2625 = math.sqrt %min3A_2624 : vector<32x128xf32>
    %mul3A_2626 = arith.mulf %min3A_2624, %sqrt3A_2625 : vector<32x128xf32>
    %sub3A_2627 = arith.constant 1.000000e+00 : f32
    %sub3A_2628 = vector.broadcast %sub3A_2627 : f32 to vector<32x128xf32>
    %sub3A_2629 = arith.subf %sub3A_2628, %min3A_2624 : vector<32x128xf32>
    %log3A_2630 = math.log %sub3A_2629 : vector<32x128xf32>
    %neg3A_2631 = arith.constant 0.000000e+00 : f32
    %neg3A_2632 = vector.broadcast %neg3A_2631 : f32 to vector<32x128xf32>
    %neg3A_2633 = arith.subf %neg3A_2632, %log3A_2630 : vector<32x128xf32>
    %mul3A_2634 = arith.mulf %mul3A_2626, %neg3A_2633 : vector<32x128xf32>
    %add3A_2635 = arith.addf %add3A_2527, %mul3A_2634 : vector<32x128xf32>
    %eq3A_2636 = arith.constant 25 : i32
    %eq3A_2637 = vector.broadcast %eq3A_2636 : i32 to vector<32x128xi32>
    %eq3A_2638 = arith.cmpi eq, %convert_element_type3A_1931, %eq3A_2637 : vector<32x128xi32>
    %select_n3A_2639 = arith.select %eq3A_2638, %min3A_2624, %select_n3A_2612 : vector<32x128xi1>, vector<32x128xf32>
    %get3A_2640 = arith.constant 0 : index
    %get3A_2641 = arith.constant 26 : index
    %get3A_2642 = arith.constant 0 : index
    %get3A_2643 = arith.constant 0 : index
    %get3A_2644 = vector.load %arg2[%get3A_2640, %get3A_2641, %get3A_2642, %get3A_2643] : memref<1x80x32x128xf32, #tpu.memory_space<vmem>>, vector<1x1x32x128xf32>
    %get3A_2645 = vector.shape_cast %get3A_2644 : vector<1x1x32x128xf32> to vector<32x128xf32>
    %jit3A_2646 = arith.constant 9.99999974E-5 : f32
    %jit3A_2647 = arith.constant 0.999899983 : f32
    %max3A_2648 = vector.broadcast %jit3A_2646 : f32 to vector<32x128xf32>
    %max3A_2649 = arith.maximumf %max3A_2648, %get3A_2645 : vector<32x128xf32>
    %min3A_2650 = vector.broadcast %jit3A_2647 : f32 to vector<32x128xf32>
    %min3A_2651 = arith.minimumf %min3A_2650, %max3A_2649 : vector<32x128xf32>
    %sqrt3A_2652 = math.sqrt %min3A_2651 : vector<32x128xf32>
    %mul3A_2653 = arith.mulf %min3A_2651, %sqrt3A_2652 : vector<32x128xf32>
    %sub3A_2654 = arith.constant 1.000000e+00 : f32
    %sub3A_2655 = vector.broadcast %sub3A_2654 : f32 to vector<32x128xf32>
    %sub3A_2656 = arith.subf %sub3A_2655, %min3A_2651 : vector<32x128xf32>
    %log3A_2657 = math.log %sub3A_2656 : vector<32x128xf32>
    %neg3A_2658 = arith.constant 0.000000e+00 : f32
    %neg3A_2659 = vector.broadcast %neg3A_2658 : f32 to vector<32x128xf32>
    %neg3A_2660 = arith.subf %neg3A_2659, %log3A_2657 : vector<32x128xf32>
    %mul3A_2661 = arith.mulf %mul3A_2653, %neg3A_2660 : vector<32x128xf32>
    %add3A_2662 = arith.addf %add3A_2554, %mul3A_2661 : vector<32x128xf32>
    %eq3A_2663 = arith.constant 26 : i32
    %eq3A_2664 = vector.broadcast %eq3A_2663 : i32 to vector<32x128xi32>
    %eq3A_2665 = arith.cmpi eq, %convert_element_type3A_1931, %eq3A_2664 : vector<32x128xi32>
    %select_n3A_2666 = arith.select %eq3A_2665, %min3A_2651, %select_n3A_2639 : vector<32x128xi1>, vector<32x128xf32>
    %get3A_2667 = arith.constant 0 : index
    %get3A_2668 = arith.constant 27 : index
    %get3A_2669 = arith.constant 0 : index
    %get3A_2670 = arith.constant 0 : index
    %get3A_2671 = vector.load %arg2[%get3A_2667, %get3A_2668, %get3A_2669, %get3A_2670] : memref<1x80x32x128xf32, #tpu.memory_space<vmem>>, vector<1x1x32x128xf32>
    %get3A_2672 = vector.shape_cast %get3A_2671 : vector<1x1x32x128xf32> to vector<32x128xf32>
    %jit3A_2673 = arith.constant 9.99999974E-5 : f32
    %jit3A_2674 = arith.constant 0.999899983 : f32
    %max3A_2675 = vector.broadcast %jit3A_2673 : f32 to vector<32x128xf32>
    %max3A_2676 = arith.maximumf %max3A_2675, %get3A_2672 : vector<32x128xf32>
    %min3A_2677 = vector.broadcast %jit3A_2674 : f32 to vector<32x128xf32>
    %min3A_2678 = arith.minimumf %min3A_2677, %max3A_2676 : vector<32x128xf32>
    %sqrt3A_2679 = math.sqrt %min3A_2678 : vector<32x128xf32>
    %mul3A_2680 = arith.mulf %min3A_2678, %sqrt3A_2679 : vector<32x128xf32>
    %sub3A_2681 = arith.constant 1.000000e+00 : f32
    %sub3A_2682 = vector.broadcast %sub3A_2681 : f32 to vector<32x128xf32>
    %sub3A_2683 = arith.subf %sub3A_2682, %min3A_2678 : vector<32x128xf32>
    %log3A_2684 = math.log %sub3A_2683 : vector<32x128xf32>
    %neg3A_2685 = arith.constant 0.000000e+00 : f32
    %neg3A_2686 = vector.broadcast %neg3A_2685 : f32 to vector<32x128xf32>
    %neg3A_2687 = arith.subf %neg3A_2686, %log3A_2684 : vector<32x128xf32>
    %mul3A_2688 = arith.mulf %mul3A_2680, %neg3A_2687 : vector<32x128xf32>
    %add3A_2689 = arith.addf %add3A_2581, %mul3A_2688 : vector<32x128xf32>
    %eq3A_2690 = arith.constant 27 : i32
    %eq3A_2691 = vector.broadcast %eq3A_2690 : i32 to vector<32x128xi32>
    %eq3A_2692 = arith.cmpi eq, %convert_element_type3A_1931, %eq3A_2691 : vector<32x128xi32>
    %select_n3A_2693 = arith.select %eq3A_2692, %min3A_2678, %select_n3A_2666 : vector<32x128xi1>, vector<32x128xf32>
    %get3A_2694 = arith.constant 0 : index
    %get3A_2695 = arith.constant 28 : index
    %get3A_2696 = arith.constant 0 : index
    %get3A_2697 = arith.constant 0 : index
    %get3A_2698 = vector.load %arg2[%get3A_2694, %get3A_2695, %get3A_2696, %get3A_2697] : memref<1x80x32x128xf32, #tpu.memory_space<vmem>>, vector<1x1x32x128xf32>
    %get3A_2699 = vector.shape_cast %get3A_2698 : vector<1x1x32x128xf32> to vector<32x128xf32>
    %jit3A_2700 = arith.constant 9.99999974E-5 : f32
    %jit3A_2701 = arith.constant 0.999899983 : f32
    %max3A_2702 = vector.broadcast %jit3A_2700 : f32 to vector<32x128xf32>
    %max3A_2703 = arith.maximumf %max3A_2702, %get3A_2699 : vector<32x128xf32>
    %min3A_2704 = vector.broadcast %jit3A_2701 : f32 to vector<32x128xf32>
    %min3A_2705 = arith.minimumf %min3A_2704, %max3A_2703 : vector<32x128xf32>
    %sqrt3A_2706 = math.sqrt %min3A_2705 : vector<32x128xf32>
    %mul3A_2707 = arith.mulf %min3A_2705, %sqrt3A_2706 : vector<32x128xf32>
    %sub3A_2708 = arith.constant 1.000000e+00 : f32
    %sub3A_2709 = vector.broadcast %sub3A_2708 : f32 to vector<32x128xf32>
    %sub3A_2710 = arith.subf %sub3A_2709, %min3A_2705 : vector<32x128xf32>
    %log3A_2711 = math.log %sub3A_2710 : vector<32x128xf32>
    %neg3A_2712 = arith.constant 0.000000e+00 : f32
    %neg3A_2713 = vector.broadcast %neg3A_2712 : f32 to vector<32x128xf32>
    %neg3A_2714 = arith.subf %neg3A_2713, %log3A_2711 : vector<32x128xf32>
    %mul3A_2715 = arith.mulf %mul3A_2707, %neg3A_2714 : vector<32x128xf32>
    %add3A_2716 = arith.addf %add3A_2608, %mul3A_2715 : vector<32x128xf32>
    %eq3A_2717 = arith.constant 28 : i32
    %eq3A_2718 = vector.broadcast %eq3A_2717 : i32 to vector<32x128xi32>
    %eq3A_2719 = arith.cmpi eq, %convert_element_type3A_1931, %eq3A_2718 : vector<32x128xi32>
    %select_n3A_2720 = arith.select %eq3A_2719, %min3A_2705, %select_n3A_2693 : vector<32x128xi1>, vector<32x128xf32>
    %get3A_2721 = arith.constant 0 : index
    %get3A_2722 = arith.constant 29 : index
    %get3A_2723 = arith.constant 0 : index
    %get3A_2724 = arith.constant 0 : index
    %get3A_2725 = vector.load %arg2[%get3A_2721, %get3A_2722, %get3A_2723, %get3A_2724] : memref<1x80x32x128xf32, #tpu.memory_space<vmem>>, vector<1x1x32x128xf32>
    %get3A_2726 = vector.shape_cast %get3A_2725 : vector<1x1x32x128xf32> to vector<32x128xf32>
    %jit3A_2727 = arith.constant 9.99999974E-5 : f32
    %jit3A_2728 = arith.constant 0.999899983 : f32
    %max3A_2729 = vector.broadcast %jit3A_2727 : f32 to vector<32x128xf32>
    %max3A_2730 = arith.maximumf %max3A_2729, %get3A_2726 : vector<32x128xf32>
    %min3A_2731 = vector.broadcast %jit3A_2728 : f32 to vector<32x128xf32>
    %min3A_2732 = arith.minimumf %min3A_2731, %max3A_2730 : vector<32x128xf32>
    %sqrt3A_2733 = math.sqrt %min3A_2732 : vector<32x128xf32>
    %mul3A_2734 = arith.mulf %min3A_2732, %sqrt3A_2733 : vector<32x128xf32>
    %sub3A_2735 = arith.constant 1.000000e+00 : f32
    %sub3A_2736 = vector.broadcast %sub3A_2735 : f32 to vector<32x128xf32>
    %sub3A_2737 = arith.subf %sub3A_2736, %min3A_2732 : vector<32x128xf32>
    %log3A_2738 = math.log %sub3A_2737 : vector<32x128xf32>
    %neg3A_2739 = arith.constant 0.000000e+00 : f32
    %neg3A_2740 = vector.broadcast %neg3A_2739 : f32 to vector<32x128xf32>
    %neg3A_2741 = arith.subf %neg3A_2740, %log3A_2738 : vector<32x128xf32>
    %mul3A_2742 = arith.mulf %mul3A_2734, %neg3A_2741 : vector<32x128xf32>
    %add3A_2743 = arith.addf %add3A_2635, %mul3A_2742 : vector<32x128xf32>
    %eq3A_2744 = arith.constant 29 : i32
    %eq3A_2745 = vector.broadcast %eq3A_2744 : i32 to vector<32x128xi32>
    %eq3A_2746 = arith.cmpi eq, %convert_element_type3A_1931, %eq3A_2745 : vector<32x128xi32>
    %select_n3A_2747 = arith.select %eq3A_2746, %min3A_2732, %select_n3A_2720 : vector<32x128xi1>, vector<32x128xf32>
    %get3A_2748 = arith.constant 0 : index
    %get3A_2749 = arith.constant 30 : index
    %get3A_2750 = arith.constant 0 : index
    %get3A_2751 = arith.constant 0 : index
    %get3A_2752 = vector.load %arg2[%get3A_2748, %get3A_2749, %get3A_2750, %get3A_2751] : memref<1x80x32x128xf32, #tpu.memory_space<vmem>>, vector<1x1x32x128xf32>
    %get3A_2753 = vector.shape_cast %get3A_2752 : vector<1x1x32x128xf32> to vector<32x128xf32>
    %jit3A_2754 = arith.constant 9.99999974E-5 : f32
    %jit3A_2755 = arith.constant 0.999899983 : f32
    %max3A_2756 = vector.broadcast %jit3A_2754 : f32 to vector<32x128xf32>
    %max3A_2757 = arith.maximumf %max3A_2756, %get3A_2753 : vector<32x128xf32>
    %min3A_2758 = vector.broadcast %jit3A_2755 : f32 to vector<32x128xf32>
    %min3A_2759 = arith.minimumf %min3A_2758, %max3A_2757 : vector<32x128xf32>
    %sqrt3A_2760 = math.sqrt %min3A_2759 : vector<32x128xf32>
    %mul3A_2761 = arith.mulf %min3A_2759, %sqrt3A_2760 : vector<32x128xf32>
    %sub3A_2762 = arith.constant 1.000000e+00 : f32
    %sub3A_2763 = vector.broadcast %sub3A_2762 : f32 to vector<32x128xf32>
    %sub3A_2764 = arith.subf %sub3A_2763, %min3A_2759 : vector<32x128xf32>
    %log3A_2765 = math.log %sub3A_2764 : vector<32x128xf32>
    %neg3A_2766 = arith.constant 0.000000e+00 : f32
    %neg3A_2767 = vector.broadcast %neg3A_2766 : f32 to vector<32x128xf32>
    %neg3A_2768 = arith.subf %neg3A_2767, %log3A_2765 : vector<32x128xf32>
    %mul3A_2769 = arith.mulf %mul3A_2761, %neg3A_2768 : vector<32x128xf32>
    %add3A_2770 = arith.addf %add3A_2662, %mul3A_2769 : vector<32x128xf32>
    %eq3A_2771 = arith.constant 30 : i32
    %eq3A_2772 = vector.broadcast %eq3A_2771 : i32 to vector<32x128xi32>
    %eq3A_2773 = arith.cmpi eq, %convert_element_type3A_1931, %eq3A_2772 : vector<32x128xi32>
    %select_n3A_2774 = arith.select %eq3A_2773, %min3A_2759, %select_n3A_2747 : vector<32x128xi1>, vector<32x128xf32>
    %get3A_2775 = arith.constant 0 : index
    %get3A_2776 = arith.constant 31 : index
    %get3A_2777 = arith.constant 0 : index
    %get3A_2778 = arith.constant 0 : index
    %get3A_2779 = vector.load %arg2[%get3A_2775, %get3A_2776, %get3A_2777, %get3A_2778] : memref<1x80x32x128xf32, #tpu.memory_space<vmem>>, vector<1x1x32x128xf32>
    %get3A_2780 = vector.shape_cast %get3A_2779 : vector<1x1x32x128xf32> to vector<32x128xf32>
    %jit3A_2781 = arith.constant 9.99999974E-5 : f32
    %jit3A_2782 = arith.constant 0.999899983 : f32
    %max3A_2783 = vector.broadcast %jit3A_2781 : f32 to vector<32x128xf32>
    %max3A_2784 = arith.maximumf %max3A_2783, %get3A_2780 : vector<32x128xf32>
    %min3A_2785 = vector.broadcast %jit3A_2782 : f32 to vector<32x128xf32>
    %min3A_2786 = arith.minimumf %min3A_2785, %max3A_2784 : vector<32x128xf32>
    %sqrt3A_2787 = math.sqrt %min3A_2786 : vector<32x128xf32>
    %mul3A_2788 = arith.mulf %min3A_2786, %sqrt3A_2787 : vector<32x128xf32>
    %sub3A_2789 = arith.constant 1.000000e+00 : f32
    %sub3A_2790 = vector.broadcast %sub3A_2789 : f32 to vector<32x128xf32>
    %sub3A_2791 = arith.subf %sub3A_2790, %min3A_2786 : vector<32x128xf32>
    %log3A_2792 = math.log %sub3A_2791 : vector<32x128xf32>
    %neg3A_2793 = arith.constant 0.000000e+00 : f32
    %neg3A_2794 = vector.broadcast %neg3A_2793 : f32 to vector<32x128xf32>
    %neg3A_2795 = arith.subf %neg3A_2794, %log3A_2792 : vector<32x128xf32>
    %mul3A_2796 = arith.mulf %mul3A_2788, %neg3A_2795 : vector<32x128xf32>
    %add3A_2797 = arith.addf %add3A_2689, %mul3A_2796 : vector<32x128xf32>
    %eq3A_2798 = arith.constant 31 : i32
    %eq3A_2799 = vector.broadcast %eq3A_2798 : i32 to vector<32x128xi32>
    %eq3A_2800 = arith.cmpi eq, %convert_element_type3A_1931, %eq3A_2799 : vector<32x128xi32>
    %select_n3A_2801 = arith.select %eq3A_2800, %min3A_2786, %select_n3A_2774 : vector<32x128xi1>, vector<32x128xf32>
    %get3A_2802 = arith.constant 0 : index
    %get3A_2803 = arith.constant 32 : index
    %get3A_2804 = arith.constant 0 : index
    %get3A_2805 = arith.constant 0 : index
    %get3A_2806 = vector.load %arg2[%get3A_2802, %get3A_2803, %get3A_2804, %get3A_2805] : memref<1x80x32x128xf32, #tpu.memory_space<vmem>>, vector<1x1x32x128xf32>
    %get3A_2807 = vector.shape_cast %get3A_2806 : vector<1x1x32x128xf32> to vector<32x128xf32>
    %jit3A_2808 = arith.constant 9.99999974E-5 : f32
    %jit3A_2809 = arith.constant 0.999899983 : f32
    %max3A_2810 = vector.broadcast %jit3A_2808 : f32 to vector<32x128xf32>
    %max3A_2811 = arith.maximumf %max3A_2810, %get3A_2807 : vector<32x128xf32>
    %min3A_2812 = vector.broadcast %jit3A_2809 : f32 to vector<32x128xf32>
    %min3A_2813 = arith.minimumf %min3A_2812, %max3A_2811 : vector<32x128xf32>
    %sqrt3A_2814 = math.sqrt %min3A_2813 : vector<32x128xf32>
    %mul3A_2815 = arith.mulf %min3A_2813, %sqrt3A_2814 : vector<32x128xf32>
    %sub3A_2816 = arith.constant 1.000000e+00 : f32
    %sub3A_2817 = vector.broadcast %sub3A_2816 : f32 to vector<32x128xf32>
    %sub3A_2818 = arith.subf %sub3A_2817, %min3A_2813 : vector<32x128xf32>
    %log3A_2819 = math.log %sub3A_2818 : vector<32x128xf32>
    %neg3A_2820 = arith.constant 0.000000e+00 : f32
    %neg3A_2821 = vector.broadcast %neg3A_2820 : f32 to vector<32x128xf32>
    %neg3A_2822 = arith.subf %neg3A_2821, %log3A_2819 : vector<32x128xf32>
    %mul3A_2823 = arith.mulf %mul3A_2815, %neg3A_2822 : vector<32x128xf32>
    %add3A_2824 = arith.addf %add3A_2716, %mul3A_2823 : vector<32x128xf32>
    %eq3A_2825 = arith.constant 32 : i32
    %eq3A_2826 = vector.broadcast %eq3A_2825 : i32 to vector<32x128xi32>
    %eq3A_2827 = arith.cmpi eq, %convert_element_type3A_1931, %eq3A_2826 : vector<32x128xi32>
    %select_n3A_2828 = arith.select %eq3A_2827, %min3A_2813, %select_n3A_2801 : vector<32x128xi1>, vector<32x128xf32>
    %get3A_2829 = arith.constant 0 : index
    %get3A_2830 = arith.constant 33 : index
    %get3A_2831 = arith.constant 0 : index
    %get3A_2832 = arith.constant 0 : index
    %get3A_2833 = vector.load %arg2[%get3A_2829, %get3A_2830, %get3A_2831, %get3A_2832] : memref<1x80x32x128xf32, #tpu.memory_space<vmem>>, vector<1x1x32x128xf32>
    %get3A_2834 = vector.shape_cast %get3A_2833 : vector<1x1x32x128xf32> to vector<32x128xf32>
    %jit3A_2835 = arith.constant 9.99999974E-5 : f32
    %jit3A_2836 = arith.constant 0.999899983 : f32
    %max3A_2837 = vector.broadcast %jit3A_2835 : f32 to vector<32x128xf32>
    %max3A_2838 = arith.maximumf %max3A_2837, %get3A_2834 : vector<32x128xf32>
    %min3A_2839 = vector.broadcast %jit3A_2836 : f32 to vector<32x128xf32>
    %min3A_2840 = arith.minimumf %min3A_2839, %max3A_2838 : vector<32x128xf32>
    %sqrt3A_2841 = math.sqrt %min3A_2840 : vector<32x128xf32>
    %mul3A_2842 = arith.mulf %min3A_2840, %sqrt3A_2841 : vector<32x128xf32>
    %sub3A_2843 = arith.constant 1.000000e+00 : f32
    %sub3A_2844 = vector.broadcast %sub3A_2843 : f32 to vector<32x128xf32>
    %sub3A_2845 = arith.subf %sub3A_2844, %min3A_2840 : vector<32x128xf32>
    %log3A_2846 = math.log %sub3A_2845 : vector<32x128xf32>
    %neg3A_2847 = arith.constant 0.000000e+00 : f32
    %neg3A_2848 = vector.broadcast %neg3A_2847 : f32 to vector<32x128xf32>
    %neg3A_2849 = arith.subf %neg3A_2848, %log3A_2846 : vector<32x128xf32>
    %mul3A_2850 = arith.mulf %mul3A_2842, %neg3A_2849 : vector<32x128xf32>
    %add3A_2851 = arith.addf %add3A_2743, %mul3A_2850 : vector<32x128xf32>
    %eq3A_2852 = arith.constant 33 : i32
    %eq3A_2853 = vector.broadcast %eq3A_2852 : i32 to vector<32x128xi32>
    %eq3A_2854 = arith.cmpi eq, %convert_element_type3A_1931, %eq3A_2853 : vector<32x128xi32>
    %select_n3A_2855 = arith.select %eq3A_2854, %min3A_2840, %select_n3A_2828 : vector<32x128xi1>, vector<32x128xf32>
    %get3A_2856 = arith.constant 0 : index
    %get3A_2857 = arith.constant 34 : index
    %get3A_2858 = arith.constant 0 : index
    %get3A_2859 = arith.constant 0 : index
    %get3A_2860 = vector.load %arg2[%get3A_2856, %get3A_2857, %get3A_2858, %get3A_2859] : memref<1x80x32x128xf32, #tpu.memory_space<vmem>>, vector<1x1x32x128xf32>
    %get3A_2861 = vector.shape_cast %get3A_2860 : vector<1x1x32x128xf32> to vector<32x128xf32>
    %jit3A_2862 = arith.constant 9.99999974E-5 : f32
    %jit3A_2863 = arith.constant 0.999899983 : f32
    %max3A_2864 = vector.broadcast %jit3A_2862 : f32 to vector<32x128xf32>
    %max3A_2865 = arith.maximumf %max3A_2864, %get3A_2861 : vector<32x128xf32>
    %min3A_2866 = vector.broadcast %jit3A_2863 : f32 to vector<32x128xf32>
    %min3A_2867 = arith.minimumf %min3A_2866, %max3A_2865 : vector<32x128xf32>
    %sqrt3A_2868 = math.sqrt %min3A_2867 : vector<32x128xf32>
    %mul3A_2869 = arith.mulf %min3A_2867, %sqrt3A_2868 : vector<32x128xf32>
    %sub3A_2870 = arith.constant 1.000000e+00 : f32
    %sub3A_2871 = vector.broadcast %sub3A_2870 : f32 to vector<32x128xf32>
    %sub3A_2872 = arith.subf %sub3A_2871, %min3A_2867 : vector<32x128xf32>
    %log3A_2873 = math.log %sub3A_2872 : vector<32x128xf32>
    %neg3A_2874 = arith.constant 0.000000e+00 : f32
    %neg3A_2875 = vector.broadcast %neg3A_2874 : f32 to vector<32x128xf32>
    %neg3A_2876 = arith.subf %neg3A_2875, %log3A_2873 : vector<32x128xf32>
    %mul3A_2877 = arith.mulf %mul3A_2869, %neg3A_2876 : vector<32x128xf32>
    %add3A_2878 = arith.addf %add3A_2770, %mul3A_2877 : vector<32x128xf32>
    %eq3A_2879 = arith.constant 34 : i32
    %eq3A_2880 = vector.broadcast %eq3A_2879 : i32 to vector<32x128xi32>
    %eq3A_2881 = arith.cmpi eq, %convert_element_type3A_1931, %eq3A_2880 : vector<32x128xi32>
    %select_n3A_2882 = arith.select %eq3A_2881, %min3A_2867, %select_n3A_2855 : vector<32x128xi1>, vector<32x128xf32>
    %get3A_2883 = arith.constant 0 : index
    %get3A_2884 = arith.constant 35 : index
    %get3A_2885 = arith.constant 0 : index
    %get3A_2886 = arith.constant 0 : index
    %get3A_2887 = vector.load %arg2[%get3A_2883, %get3A_2884, %get3A_2885, %get3A_2886] : memref<1x80x32x128xf32, #tpu.memory_space<vmem>>, vector<1x1x32x128xf32>
    %get3A_2888 = vector.shape_cast %get3A_2887 : vector<1x1x32x128xf32> to vector<32x128xf32>
    %jit3A_2889 = arith.constant 9.99999974E-5 : f32
    %jit3A_2890 = arith.constant 0.999899983 : f32
    %max3A_2891 = vector.broadcast %jit3A_2889 : f32 to vector<32x128xf32>
    %max3A_2892 = arith.maximumf %max3A_2891, %get3A_2888 : vector<32x128xf32>
    %min3A_2893 = vector.broadcast %jit3A_2890 : f32 to vector<32x128xf32>
    %min3A_2894 = arith.minimumf %min3A_2893, %max3A_2892 : vector<32x128xf32>
    %sqrt3A_2895 = math.sqrt %min3A_2894 : vector<32x128xf32>
    %mul3A_2896 = arith.mulf %min3A_2894, %sqrt3A_2895 : vector<32x128xf32>
    %sub3A_2897 = arith.constant 1.000000e+00 : f32
    %sub3A_2898 = vector.broadcast %sub3A_2897 : f32 to vector<32x128xf32>
    %sub3A_2899 = arith.subf %sub3A_2898, %min3A_2894 : vector<32x128xf32>
    %log3A_2900 = math.log %sub3A_2899 : vector<32x128xf32>
    %neg3A_2901 = arith.constant 0.000000e+00 : f32
    %neg3A_2902 = vector.broadcast %neg3A_2901 : f32 to vector<32x128xf32>
    %neg3A_2903 = arith.subf %neg3A_2902, %log3A_2900 : vector<32x128xf32>
    %mul3A_2904 = arith.mulf %mul3A_2896, %neg3A_2903 : vector<32x128xf32>
    %add3A_2905 = arith.addf %add3A_2797, %mul3A_2904 : vector<32x128xf32>
    %eq3A_2906 = arith.constant 35 : i32
    %eq3A_2907 = vector.broadcast %eq3A_2906 : i32 to vector<32x128xi32>
    %eq3A_2908 = arith.cmpi eq, %convert_element_type3A_1931, %eq3A_2907 : vector<32x128xi32>
    %select_n3A_2909 = arith.select %eq3A_2908, %min3A_2894, %select_n3A_2882 : vector<32x128xi1>, vector<32x128xf32>
    %get3A_2910 = arith.constant 0 : index
    %get3A_2911 = arith.constant 36 : index
    %get3A_2912 = arith.constant 0 : index
    %get3A_2913 = arith.constant 0 : index
    %get3A_2914 = vector.load %arg2[%get3A_2910, %get3A_2911, %get3A_2912, %get3A_2913] : memref<1x80x32x128xf32, #tpu.memory_space<vmem>>, vector<1x1x32x128xf32>
    %get3A_2915 = vector.shape_cast %get3A_2914 : vector<1x1x32x128xf32> to vector<32x128xf32>
    %jit3A_2916 = arith.constant 9.99999974E-5 : f32
    %jit3A_2917 = arith.constant 0.999899983 : f32
    %max3A_2918 = vector.broadcast %jit3A_2916 : f32 to vector<32x128xf32>
    %max3A_2919 = arith.maximumf %max3A_2918, %get3A_2915 : vector<32x128xf32>
    %min3A_2920 = vector.broadcast %jit3A_2917 : f32 to vector<32x128xf32>
    %min3A_2921 = arith.minimumf %min3A_2920, %max3A_2919 : vector<32x128xf32>
    %sqrt3A_2922 = math.sqrt %min3A_2921 : vector<32x128xf32>
    %mul3A_2923 = arith.mulf %min3A_2921, %sqrt3A_2922 : vector<32x128xf32>
    %sub3A_2924 = arith.constant 1.000000e+00 : f32
    %sub3A_2925 = vector.broadcast %sub3A_2924 : f32 to vector<32x128xf32>
    %sub3A_2926 = arith.subf %sub3A_2925, %min3A_2921 : vector<32x128xf32>
    %log3A_2927 = math.log %sub3A_2926 : vector<32x128xf32>
    %neg3A_2928 = arith.constant 0.000000e+00 : f32
    %neg3A_2929 = vector.broadcast %neg3A_2928 : f32 to vector<32x128xf32>
    %neg3A_2930 = arith.subf %neg3A_2929, %log3A_2927 : vector<32x128xf32>
    %mul3A_2931 = arith.mulf %mul3A_2923, %neg3A_2930 : vector<32x128xf32>
    %add3A_2932 = arith.addf %add3A_2824, %mul3A_2931 : vector<32x128xf32>
    %eq3A_2933 = arith.constant 36 : i32
    %eq3A_2934 = vector.broadcast %eq3A_2933 : i32 to vector<32x128xi32>
    %eq3A_2935 = arith.cmpi eq, %convert_element_type3A_1931, %eq3A_2934 : vector<32x128xi32>
    %select_n3A_2936 = arith.select %eq3A_2935, %min3A_2921, %select_n3A_2909 : vector<32x128xi1>, vector<32x128xf32>
    %get3A_2937 = arith.constant 0 : index
    %get3A_2938 = arith.constant 37 : index
    %get3A_2939 = arith.constant 0 : index
    %get3A_2940 = arith.constant 0 : index
    %get3A_2941 = vector.load %arg2[%get3A_2937, %get3A_2938, %get3A_2939, %get3A_2940] : memref<1x80x32x128xf32, #tpu.memory_space<vmem>>, vector<1x1x32x128xf32>
    %get3A_2942 = vector.shape_cast %get3A_2941 : vector<1x1x32x128xf32> to vector<32x128xf32>
    %jit3A_2943 = arith.constant 9.99999974E-5 : f32
    %jit3A_2944 = arith.constant 0.999899983 : f32
    %max3A_2945 = vector.broadcast %jit3A_2943 : f32 to vector<32x128xf32>
    %max3A_2946 = arith.maximumf %max3A_2945, %get3A_2942 : vector<32x128xf32>
    %min3A_2947 = vector.broadcast %jit3A_2944 : f32 to vector<32x128xf32>
    %min3A_2948 = arith.minimumf %min3A_2947, %max3A_2946 : vector<32x128xf32>
    %sqrt3A_2949 = math.sqrt %min3A_2948 : vector<32x128xf32>
    %mul3A_2950 = arith.mulf %min3A_2948, %sqrt3A_2949 : vector<32x128xf32>
    %sub3A_2951 = arith.constant 1.000000e+00 : f32
    %sub3A_2952 = vector.broadcast %sub3A_2951 : f32 to vector<32x128xf32>
    %sub3A_2953 = arith.subf %sub3A_2952, %min3A_2948 : vector<32x128xf32>
    %log3A_2954 = math.log %sub3A_2953 : vector<32x128xf32>
    %neg3A_2955 = arith.constant 0.000000e+00 : f32
    %neg3A_2956 = vector.broadcast %neg3A_2955 : f32 to vector<32x128xf32>
    %neg3A_2957 = arith.subf %neg3A_2956, %log3A_2954 : vector<32x128xf32>
    %mul3A_2958 = arith.mulf %mul3A_2950, %neg3A_2957 : vector<32x128xf32>
    %add3A_2959 = arith.addf %add3A_2851, %mul3A_2958 : vector<32x128xf32>
    %eq3A_2960 = arith.constant 37 : i32
    %eq3A_2961 = vector.broadcast %eq3A_2960 : i32 to vector<32x128xi32>
    %eq3A_2962 = arith.cmpi eq, %convert_element_type3A_1931, %eq3A_2961 : vector<32x128xi32>
    %select_n3A_2963 = arith.select %eq3A_2962, %min3A_2948, %select_n3A_2936 : vector<32x128xi1>, vector<32x128xf32>
    %get3A_2964 = arith.constant 0 : index
    %get3A_2965 = arith.constant 38 : index
    %get3A_2966 = arith.constant 0 : index
    %get3A_2967 = arith.constant 0 : index
    %get3A_2968 = vector.load %arg2[%get3A_2964, %get3A_2965, %get3A_2966, %get3A_2967] : memref<1x80x32x128xf32, #tpu.memory_space<vmem>>, vector<1x1x32x128xf32>
    %get3A_2969 = vector.shape_cast %get3A_2968 : vector<1x1x32x128xf32> to vector<32x128xf32>
    %jit3A_2970 = arith.constant 9.99999974E-5 : f32
    %jit3A_2971 = arith.constant 0.999899983 : f32
    %max3A_2972 = vector.broadcast %jit3A_2970 : f32 to vector<32x128xf32>
    %max3A_2973 = arith.maximumf %max3A_2972, %get3A_2969 : vector<32x128xf32>
    %min3A_2974 = vector.broadcast %jit3A_2971 : f32 to vector<32x128xf32>
    %min3A_2975 = arith.minimumf %min3A_2974, %max3A_2973 : vector<32x128xf32>
    %sqrt3A_2976 = math.sqrt %min3A_2975 : vector<32x128xf32>
    %mul3A_2977 = arith.mulf %min3A_2975, %sqrt3A_2976 : vector<32x128xf32>
    %sub3A_2978 = arith.constant 1.000000e+00 : f32
    %sub3A_2979 = vector.broadcast %sub3A_2978 : f32 to vector<32x128xf32>
    %sub3A_2980 = arith.subf %sub3A_2979, %min3A_2975 : vector<32x128xf32>
    %log3A_2981 = math.log %sub3A_2980 : vector<32x128xf32>
    %neg3A_2982 = arith.constant 0.000000e+00 : f32
    %neg3A_2983 = vector.broadcast %neg3A_2982 : f32 to vector<32x128xf32>
    %neg3A_2984 = arith.subf %neg3A_2983, %log3A_2981 : vector<32x128xf32>
    %mul3A_2985 = arith.mulf %mul3A_2977, %neg3A_2984 : vector<32x128xf32>
    %add3A_2986 = arith.addf %add3A_2878, %mul3A_2985 : vector<32x128xf32>
    %eq3A_2987 = arith.constant 38 : i32
    %eq3A_2988 = vector.broadcast %eq3A_2987 : i32 to vector<32x128xi32>
    %eq3A_2989 = arith.cmpi eq, %convert_element_type3A_1931, %eq3A_2988 : vector<32x128xi32>
    %select_n3A_2990 = arith.select %eq3A_2989, %min3A_2975, %select_n3A_2963 : vector<32x128xi1>, vector<32x128xf32>
    %get3A_2991 = arith.constant 0 : index
    %get3A_2992 = arith.constant 39 : index
    %get3A_2993 = arith.constant 0 : index
    %get3A_2994 = arith.constant 0 : index
    %get3A_2995 = vector.load %arg2[%get3A_2991, %get3A_2992, %get3A_2993, %get3A_2994] : memref<1x80x32x128xf32, #tpu.memory_space<vmem>>, vector<1x1x32x128xf32>
    %get3A_2996 = vector.shape_cast %get3A_2995 : vector<1x1x32x128xf32> to vector<32x128xf32>
    %jit3A_2997 = arith.constant 9.99999974E-5 : f32
    %jit3A_2998 = arith.constant 0.999899983 : f32
    %max3A_2999 = vector.broadcast %jit3A_2997 : f32 to vector<32x128xf32>
    %max3A_3000 = arith.maximumf %max3A_2999, %get3A_2996 : vector<32x128xf32>
    %min3A_3001 = vector.broadcast %jit3A_2998 : f32 to vector<32x128xf32>
    %min3A_3002 = arith.minimumf %min3A_3001, %max3A_3000 : vector<32x128xf32>
    %sqrt3A_3003 = math.sqrt %min3A_3002 : vector<32x128xf32>
    %mul3A_3004 = arith.mulf %min3A_3002, %sqrt3A_3003 : vector<32x128xf32>
    %sub3A_3005 = arith.constant 1.000000e+00 : f32
    %sub3A_3006 = vector.broadcast %sub3A_3005 : f32 to vector<32x128xf32>
    %sub3A_3007 = arith.subf %sub3A_3006, %min3A_3002 : vector<32x128xf32>
    %log3A_3008 = math.log %sub3A_3007 : vector<32x128xf32>
    %neg3A_3009 = arith.constant 0.000000e+00 : f32
    %neg3A_3010 = vector.broadcast %neg3A_3009 : f32 to vector<32x128xf32>
    %neg3A_3011 = arith.subf %neg3A_3010, %log3A_3008 : vector<32x128xf32>
    %mul3A_3012 = arith.mulf %mul3A_3004, %neg3A_3011 : vector<32x128xf32>
    %add3A_3013 = arith.addf %add3A_2905, %mul3A_3012 : vector<32x128xf32>
    %eq3A_3014 = arith.constant 39 : i32
    %eq3A_3015 = vector.broadcast %eq3A_3014 : i32 to vector<32x128xi32>
    %eq3A_3016 = arith.cmpi eq, %convert_element_type3A_1931, %eq3A_3015 : vector<32x128xi32>
    %select_n3A_3017 = arith.select %eq3A_3016, %min3A_3002, %select_n3A_2990 : vector<32x128xi1>, vector<32x128xf32>
    %get3A_3018 = arith.constant 0 : index
    %get3A_3019 = arith.constant 40 : index
    %get3A_3020 = arith.constant 0 : index
    %get3A_3021 = arith.constant 0 : index
    %get3A_3022 = vector.load %arg2[%get3A_3018, %get3A_3019, %get3A_3020, %get3A_3021] : memref<1x80x32x128xf32, #tpu.memory_space<vmem>>, vector<1x1x32x128xf32>
    %get3A_3023 = vector.shape_cast %get3A_3022 : vector<1x1x32x128xf32> to vector<32x128xf32>
    %jit3A_3024 = arith.constant 9.99999974E-5 : f32
    %jit3A_3025 = arith.constant 0.999899983 : f32
    %max3A_3026 = vector.broadcast %jit3A_3024 : f32 to vector<32x128xf32>
    %max3A_3027 = arith.maximumf %max3A_3026, %get3A_3023 : vector<32x128xf32>
    %min3A_3028 = vector.broadcast %jit3A_3025 : f32 to vector<32x128xf32>
    %min3A_3029 = arith.minimumf %min3A_3028, %max3A_3027 : vector<32x128xf32>
    %sqrt3A_3030 = math.sqrt %min3A_3029 : vector<32x128xf32>
    %mul3A_3031 = arith.mulf %min3A_3029, %sqrt3A_3030 : vector<32x128xf32>
    %sub3A_3032 = arith.constant 1.000000e+00 : f32
    %sub3A_3033 = vector.broadcast %sub3A_3032 : f32 to vector<32x128xf32>
    %sub3A_3034 = arith.subf %sub3A_3033, %min3A_3029 : vector<32x128xf32>
    %log3A_3035 = math.log %sub3A_3034 : vector<32x128xf32>
    %neg3A_3036 = arith.constant 0.000000e+00 : f32
    %neg3A_3037 = vector.broadcast %neg3A_3036 : f32 to vector<32x128xf32>
    %neg3A_3038 = arith.subf %neg3A_3037, %log3A_3035 : vector<32x128xf32>
    %mul3A_3039 = arith.mulf %mul3A_3031, %neg3A_3038 : vector<32x128xf32>
    %add3A_3040 = arith.addf %add3A_2932, %mul3A_3039 : vector<32x128xf32>
    %eq3A_3041 = arith.constant 40 : i32
    %eq3A_3042 = vector.broadcast %eq3A_3041 : i32 to vector<32x128xi32>
    %eq3A_3043 = arith.cmpi eq, %convert_element_type3A_1931, %eq3A_3042 : vector<32x128xi32>
    %select_n3A_3044 = arith.select %eq3A_3043, %min3A_3029, %select_n3A_3017 : vector<32x128xi1>, vector<32x128xf32>
    %get3A_3045 = arith.constant 0 : index
    %get3A_3046 = arith.constant 41 : index
    %get3A_3047 = arith.constant 0 : index
    %get3A_3048 = arith.constant 0 : index
    %get3A_3049 = vector.load %arg2[%get3A_3045, %get3A_3046, %get3A_3047, %get3A_3048] : memref<1x80x32x128xf32, #tpu.memory_space<vmem>>, vector<1x1x32x128xf32>
    %get3A_3050 = vector.shape_cast %get3A_3049 : vector<1x1x32x128xf32> to vector<32x128xf32>
    %jit3A_3051 = arith.constant 9.99999974E-5 : f32
    %jit3A_3052 = arith.constant 0.999899983 : f32
    %max3A_3053 = vector.broadcast %jit3A_3051 : f32 to vector<32x128xf32>
    %max3A_3054 = arith.maximumf %max3A_3053, %get3A_3050 : vector<32x128xf32>
    %min3A_3055 = vector.broadcast %jit3A_3052 : f32 to vector<32x128xf32>
    %min3A_3056 = arith.minimumf %min3A_3055, %max3A_3054 : vector<32x128xf32>
    %sqrt3A_3057 = math.sqrt %min3A_3056 : vector<32x128xf32>
    %mul3A_3058 = arith.mulf %min3A_3056, %sqrt3A_3057 : vector<32x128xf32>
    %sub3A_3059 = arith.constant 1.000000e+00 : f32
    %sub3A_3060 = vector.broadcast %sub3A_3059 : f32 to vector<32x128xf32>
    %sub3A_3061 = arith.subf %sub3A_3060, %min3A_3056 : vector<32x128xf32>
    %log3A_3062 = math.log %sub3A_3061 : vector<32x128xf32>
    %neg3A_3063 = arith.constant 0.000000e+00 : f32
    %neg3A_3064 = vector.broadcast %neg3A_3063 : f32 to vector<32x128xf32>
    %neg3A_3065 = arith.subf %neg3A_3064, %log3A_3062 : vector<32x128xf32>
    %mul3A_3066 = arith.mulf %mul3A_3058, %neg3A_3065 : vector<32x128xf32>
    %add3A_3067 = arith.addf %add3A_2959, %mul3A_3066 : vector<32x128xf32>
    %eq3A_3068 = arith.constant 41 : i32
    %eq3A_3069 = vector.broadcast %eq3A_3068 : i32 to vector<32x128xi32>
    %eq3A_3070 = arith.cmpi eq, %convert_element_type3A_1931, %eq3A_3069 : vector<32x128xi32>
    %select_n3A_3071 = arith.select %eq3A_3070, %min3A_3056, %select_n3A_3044 : vector<32x128xi1>, vector<32x128xf32>
    %get3A_3072 = arith.constant 0 : index
    %get3A_3073 = arith.constant 42 : index
    %get3A_3074 = arith.constant 0 : index
    %get3A_3075 = arith.constant 0 : index
    %get3A_3076 = vector.load %arg2[%get3A_3072, %get3A_3073, %get3A_3074, %get3A_3075] : memref<1x80x32x128xf32, #tpu.memory_space<vmem>>, vector<1x1x32x128xf32>
    %get3A_3077 = vector.shape_cast %get3A_3076 : vector<1x1x32x128xf32> to vector<32x128xf32>
    %jit3A_3078 = arith.constant 9.99999974E-5 : f32
    %jit3A_3079 = arith.constant 0.999899983 : f32
    %max3A_3080 = vector.broadcast %jit3A_3078 : f32 to vector<32x128xf32>
    %max3A_3081 = arith.maximumf %max3A_3080, %get3A_3077 : vector<32x128xf32>
    %min3A_3082 = vector.broadcast %jit3A_3079 : f32 to vector<32x128xf32>
    %min3A_3083 = arith.minimumf %min3A_3082, %max3A_3081 : vector<32x128xf32>
    %sqrt3A_3084 = math.sqrt %min3A_3083 : vector<32x128xf32>
    %mul3A_3085 = arith.mulf %min3A_3083, %sqrt3A_3084 : vector<32x128xf32>
    %sub3A_3086 = arith.constant 1.000000e+00 : f32
    %sub3A_3087 = vector.broadcast %sub3A_3086 : f32 to vector<32x128xf32>
    %sub3A_3088 = arith.subf %sub3A_3087, %min3A_3083 : vector<32x128xf32>
    %log3A_3089 = math.log %sub3A_3088 : vector<32x128xf32>
    %neg3A_3090 = arith.constant 0.000000e+00 : f32
    %neg3A_3091 = vector.broadcast %neg3A_3090 : f32 to vector<32x128xf32>
    %neg3A_3092 = arith.subf %neg3A_3091, %log3A_3089 : vector<32x128xf32>
    %mul3A_3093 = arith.mulf %mul3A_3085, %neg3A_3092 : vector<32x128xf32>
    %add3A_3094 = arith.addf %add3A_2986, %mul3A_3093 : vector<32x128xf32>
    %eq3A_3095 = arith.constant 42 : i32
    %eq3A_3096 = vector.broadcast %eq3A_3095 : i32 to vector<32x128xi32>
    %eq3A_3097 = arith.cmpi eq, %convert_element_type3A_1931, %eq3A_3096 : vector<32x128xi32>
    %select_n3A_3098 = arith.select %eq3A_3097, %min3A_3083, %select_n3A_3071 : vector<32x128xi1>, vector<32x128xf32>
    %get3A_3099 = arith.constant 0 : index
    %get3A_3100 = arith.constant 43 : index
    %get3A_3101 = arith.constant 0 : index
    %get3A_3102 = arith.constant 0 : index
    %get3A_3103 = vector.load %arg2[%get3A_3099, %get3A_3100, %get3A_3101, %get3A_3102] : memref<1x80x32x128xf32, #tpu.memory_space<vmem>>, vector<1x1x32x128xf32>
    %get3A_3104 = vector.shape_cast %get3A_3103 : vector<1x1x32x128xf32> to vector<32x128xf32>
    %jit3A_3105 = arith.constant 9.99999974E-5 : f32
    %jit3A_3106 = arith.constant 0.999899983 : f32
    %max3A_3107 = vector.broadcast %jit3A_3105 : f32 to vector<32x128xf32>
    %max3A_3108 = arith.maximumf %max3A_3107, %get3A_3104 : vector<32x128xf32>
    %min3A_3109 = vector.broadcast %jit3A_3106 : f32 to vector<32x128xf32>
    %min3A_3110 = arith.minimumf %min3A_3109, %max3A_3108 : vector<32x128xf32>
    %sqrt3A_3111 = math.sqrt %min3A_3110 : vector<32x128xf32>
    %mul3A_3112 = arith.mulf %min3A_3110, %sqrt3A_3111 : vector<32x128xf32>
    %sub3A_3113 = arith.constant 1.000000e+00 : f32
    %sub3A_3114 = vector.broadcast %sub3A_3113 : f32 to vector<32x128xf32>
    %sub3A_3115 = arith.subf %sub3A_3114, %min3A_3110 : vector<32x128xf32>
    %log3A_3116 = math.log %sub3A_3115 : vector<32x128xf32>
    %neg3A_3117 = arith.constant 0.000000e+00 : f32
    %neg3A_3118 = vector.broadcast %neg3A_3117 : f32 to vector<32x128xf32>
    %neg3A_3119 = arith.subf %neg3A_3118, %log3A_3116 : vector<32x128xf32>
    %mul3A_3120 = arith.mulf %mul3A_3112, %neg3A_3119 : vector<32x128xf32>
    %add3A_3121 = arith.addf %add3A_3013, %mul3A_3120 : vector<32x128xf32>
    %eq3A_3122 = arith.constant 43 : i32
    %eq3A_3123 = vector.broadcast %eq3A_3122 : i32 to vector<32x128xi32>
    %eq3A_3124 = arith.cmpi eq, %convert_element_type3A_1931, %eq3A_3123 : vector<32x128xi32>
    %select_n3A_3125 = arith.select %eq3A_3124, %min3A_3110, %select_n3A_3098 : vector<32x128xi1>, vector<32x128xf32>
    %get3A_3126 = arith.constant 0 : index
    %get3A_3127 = arith.constant 44 : index
    %get3A_3128 = arith.constant 0 : index
    %get3A_3129 = arith.constant 0 : index
    %get3A_3130 = vector.load %arg2[%get3A_3126, %get3A_3127, %get3A_3128, %get3A_3129] : memref<1x80x32x128xf32, #tpu.memory_space<vmem>>, vector<1x1x32x128xf32>
    %get3A_3131 = vector.shape_cast %get3A_3130 : vector<1x1x32x128xf32> to vector<32x128xf32>
    %jit3A_3132 = arith.constant 9.99999974E-5 : f32
    %jit3A_3133 = arith.constant 0.999899983 : f32
    %max3A_3134 = vector.broadcast %jit3A_3132 : f32 to vector<32x128xf32>
    %max3A_3135 = arith.maximumf %max3A_3134, %get3A_3131 : vector<32x128xf32>
    %min3A_3136 = vector.broadcast %jit3A_3133 : f32 to vector<32x128xf32>
    %min3A_3137 = arith.minimumf %min3A_3136, %max3A_3135 : vector<32x128xf32>
    %sqrt3A_3138 = math.sqrt %min3A_3137 : vector<32x128xf32>
    %mul3A_3139 = arith.mulf %min3A_3137, %sqrt3A_3138 : vector<32x128xf32>
    %sub3A_3140 = arith.constant 1.000000e+00 : f32
    %sub3A_3141 = vector.broadcast %sub3A_3140 : f32 to vector<32x128xf32>
    %sub3A_3142 = arith.subf %sub3A_3141, %min3A_3137 : vector<32x128xf32>
    %log3A_3143 = math.log %sub3A_3142 : vector<32x128xf32>
    %neg3A_3144 = arith.constant 0.000000e+00 : f32
    %neg3A_3145 = vector.broadcast %neg3A_3144 : f32 to vector<32x128xf32>
    %neg3A_3146 = arith.subf %neg3A_3145, %log3A_3143 : vector<32x128xf32>
    %mul3A_3147 = arith.mulf %mul3A_3139, %neg3A_3146 : vector<32x128xf32>
    %add3A_3148 = arith.addf %add3A_3040, %mul3A_3147 : vector<32x128xf32>
    %eq3A_3149 = arith.constant 44 : i32
    %eq3A_3150 = vector.broadcast %eq3A_3149 : i32 to vector<32x128xi32>
    %eq3A_3151 = arith.cmpi eq, %convert_element_type3A_1931, %eq3A_3150 : vector<32x128xi32>
    %select_n3A_3152 = arith.select %eq3A_3151, %min3A_3137, %select_n3A_3125 : vector<32x128xi1>, vector<32x128xf32>
    %get3A_3153 = arith.constant 0 : index
    %get3A_3154 = arith.constant 45 : index
    %get3A_3155 = arith.constant 0 : index
    %get3A_3156 = arith.constant 0 : index
    %get3A_3157 = vector.load %arg2[%get3A_3153, %get3A_3154, %get3A_3155, %get3A_3156] : memref<1x80x32x128xf32, #tpu.memory_space<vmem>>, vector<1x1x32x128xf32>
    %get3A_3158 = vector.shape_cast %get3A_3157 : vector<1x1x32x128xf32> to vector<32x128xf32>
    %jit3A_3159 = arith.constant 9.99999974E-5 : f32
    %jit3A_3160 = arith.constant 0.999899983 : f32
    %max3A_3161 = vector.broadcast %jit3A_3159 : f32 to vector<32x128xf32>
    %max3A_3162 = arith.maximumf %max3A_3161, %get3A_3158 : vector<32x128xf32>
    %min3A_3163 = vector.broadcast %jit3A_3160 : f32 to vector<32x128xf32>
    %min3A_3164 = arith.minimumf %min3A_3163, %max3A_3162 : vector<32x128xf32>
    %sqrt3A_3165 = math.sqrt %min3A_3164 : vector<32x128xf32>
    %mul3A_3166 = arith.mulf %min3A_3164, %sqrt3A_3165 : vector<32x128xf32>
    %sub3A_3167 = arith.constant 1.000000e+00 : f32
    %sub3A_3168 = vector.broadcast %sub3A_3167 : f32 to vector<32x128xf32>
    %sub3A_3169 = arith.subf %sub3A_3168, %min3A_3164 : vector<32x128xf32>
    %log3A_3170 = math.log %sub3A_3169 : vector<32x128xf32>
    %neg3A_3171 = arith.constant 0.000000e+00 : f32
    %neg3A_3172 = vector.broadcast %neg3A_3171 : f32 to vector<32x128xf32>
    %neg3A_3173 = arith.subf %neg3A_3172, %log3A_3170 : vector<32x128xf32>
    %mul3A_3174 = arith.mulf %mul3A_3166, %neg3A_3173 : vector<32x128xf32>
    %add3A_3175 = arith.addf %add3A_3067, %mul3A_3174 : vector<32x128xf32>
    %eq3A_3176 = arith.constant 45 : i32
    %eq3A_3177 = vector.broadcast %eq3A_3176 : i32 to vector<32x128xi32>
    %eq3A_3178 = arith.cmpi eq, %convert_element_type3A_1931, %eq3A_3177 : vector<32x128xi32>
    %select_n3A_3179 = arith.select %eq3A_3178, %min3A_3164, %select_n3A_3152 : vector<32x128xi1>, vector<32x128xf32>
    %get3A_3180 = arith.constant 0 : index
    %get3A_3181 = arith.constant 46 : index
    %get3A_3182 = arith.constant 0 : index
    %get3A_3183 = arith.constant 0 : index
    %get3A_3184 = vector.load %arg2[%get3A_3180, %get3A_3181, %get3A_3182, %get3A_3183] : memref<1x80x32x128xf32, #tpu.memory_space<vmem>>, vector<1x1x32x128xf32>
    %get3A_3185 = vector.shape_cast %get3A_3184 : vector<1x1x32x128xf32> to vector<32x128xf32>
    %jit3A_3186 = arith.constant 9.99999974E-5 : f32
    %jit3A_3187 = arith.constant 0.999899983 : f32
    %max3A_3188 = vector.broadcast %jit3A_3186 : f32 to vector<32x128xf32>
    %max3A_3189 = arith.maximumf %max3A_3188, %get3A_3185 : vector<32x128xf32>
    %min3A_3190 = vector.broadcast %jit3A_3187 : f32 to vector<32x128xf32>
    %min3A_3191 = arith.minimumf %min3A_3190, %max3A_3189 : vector<32x128xf32>
    %sqrt3A_3192 = math.sqrt %min3A_3191 : vector<32x128xf32>
    %mul3A_3193 = arith.mulf %min3A_3191, %sqrt3A_3192 : vector<32x128xf32>
    %sub3A_3194 = arith.constant 1.000000e+00 : f32
    %sub3A_3195 = vector.broadcast %sub3A_3194 : f32 to vector<32x128xf32>
    %sub3A_3196 = arith.subf %sub3A_3195, %min3A_3191 : vector<32x128xf32>
    %log3A_3197 = math.log %sub3A_3196 : vector<32x128xf32>
    %neg3A_3198 = arith.constant 0.000000e+00 : f32
    %neg3A_3199 = vector.broadcast %neg3A_3198 : f32 to vector<32x128xf32>
    %neg3A_3200 = arith.subf %neg3A_3199, %log3A_3197 : vector<32x128xf32>
    %mul3A_3201 = arith.mulf %mul3A_3193, %neg3A_3200 : vector<32x128xf32>
    %add3A_3202 = arith.addf %add3A_3094, %mul3A_3201 : vector<32x128xf32>
    %eq3A_3203 = arith.constant 46 : i32
    %eq3A_3204 = vector.broadcast %eq3A_3203 : i32 to vector<32x128xi32>
    %eq3A_3205 = arith.cmpi eq, %convert_element_type3A_1931, %eq3A_3204 : vector<32x128xi32>
    %select_n3A_3206 = arith.select %eq3A_3205, %min3A_3191, %select_n3A_3179 : vector<32x128xi1>, vector<32x128xf32>
    %get3A_3207 = arith.constant 0 : index
    %get3A_3208 = arith.constant 47 : index
    %get3A_3209 = arith.constant 0 : index
    %get3A_3210 = arith.constant 0 : index
    %get3A_3211 = vector.load %arg2[%get3A_3207, %get3A_3208, %get3A_3209, %get3A_3210] : memref<1x80x32x128xf32, #tpu.memory_space<vmem>>, vector<1x1x32x128xf32>
    %get3A_3212 = vector.shape_cast %get3A_3211 : vector<1x1x32x128xf32> to vector<32x128xf32>
    %jit3A_3213 = arith.constant 9.99999974E-5 : f32
    %jit3A_3214 = arith.constant 0.999899983 : f32
    %max3A_3215 = vector.broadcast %jit3A_3213 : f32 to vector<32x128xf32>
    %max3A_3216 = arith.maximumf %max3A_3215, %get3A_3212 : vector<32x128xf32>
    %min3A_3217 = vector.broadcast %jit3A_3214 : f32 to vector<32x128xf32>
    %min3A_3218 = arith.minimumf %min3A_3217, %max3A_3216 : vector<32x128xf32>
    %sqrt3A_3219 = math.sqrt %min3A_3218 : vector<32x128xf32>
    %mul3A_3220 = arith.mulf %min3A_3218, %sqrt3A_3219 : vector<32x128xf32>
    %sub3A_3221 = arith.constant 1.000000e+00 : f32
    %sub3A_3222 = vector.broadcast %sub3A_3221 : f32 to vector<32x128xf32>
    %sub3A_3223 = arith.subf %sub3A_3222, %min3A_3218 : vector<32x128xf32>
    %log3A_3224 = math.log %sub3A_3223 : vector<32x128xf32>
    %neg3A_3225 = arith.constant 0.000000e+00 : f32
    %neg3A_3226 = vector.broadcast %neg3A_3225 : f32 to vector<32x128xf32>
    %neg3A_3227 = arith.subf %neg3A_3226, %log3A_3224 : vector<32x128xf32>
    %mul3A_3228 = arith.mulf %mul3A_3220, %neg3A_3227 : vector<32x128xf32>
    %add3A_3229 = arith.addf %add3A_3121, %mul3A_3228 : vector<32x128xf32>
    %eq3A_3230 = arith.constant 47 : i32
    %eq3A_3231 = vector.broadcast %eq3A_3230 : i32 to vector<32x128xi32>
    %eq3A_3232 = arith.cmpi eq, %convert_element_type3A_1931, %eq3A_3231 : vector<32x128xi32>
    %select_n3A_3233 = arith.select %eq3A_3232, %min3A_3218, %select_n3A_3206 : vector<32x128xi1>, vector<32x128xf32>
    %get3A_3234 = arith.constant 0 : index
    %get3A_3235 = arith.constant 48 : index
    %get3A_3236 = arith.constant 0 : index
    %get3A_3237 = arith.constant 0 : index
    %get3A_3238 = vector.load %arg2[%get3A_3234, %get3A_3235, %get3A_3236, %get3A_3237] : memref<1x80x32x128xf32, #tpu.memory_space<vmem>>, vector<1x1x32x128xf32>
    %get3A_3239 = vector.shape_cast %get3A_3238 : vector<1x1x32x128xf32> to vector<32x128xf32>
    %jit3A_3240 = arith.constant 9.99999974E-5 : f32
    %jit3A_3241 = arith.constant 0.999899983 : f32
    %max3A_3242 = vector.broadcast %jit3A_3240 : f32 to vector<32x128xf32>
    %max3A_3243 = arith.maximumf %max3A_3242, %get3A_3239 : vector<32x128xf32>
    %min3A_3244 = vector.broadcast %jit3A_3241 : f32 to vector<32x128xf32>
    %min3A_3245 = arith.minimumf %min3A_3244, %max3A_3243 : vector<32x128xf32>
    %sqrt3A_3246 = math.sqrt %min3A_3245 : vector<32x128xf32>
    %mul3A_3247 = arith.mulf %min3A_3245, %sqrt3A_3246 : vector<32x128xf32>
    %sub3A_3248 = arith.constant 1.000000e+00 : f32
    %sub3A_3249 = vector.broadcast %sub3A_3248 : f32 to vector<32x128xf32>
    %sub3A_3250 = arith.subf %sub3A_3249, %min3A_3245 : vector<32x128xf32>
    %log3A_3251 = math.log %sub3A_3250 : vector<32x128xf32>
    %neg3A_3252 = arith.constant 0.000000e+00 : f32
    %neg3A_3253 = vector.broadcast %neg3A_3252 : f32 to vector<32x128xf32>
    %neg3A_3254 = arith.subf %neg3A_3253, %log3A_3251 : vector<32x128xf32>
    %mul3A_3255 = arith.mulf %mul3A_3247, %neg3A_3254 : vector<32x128xf32>
    %add3A_3256 = arith.addf %add3A_3148, %mul3A_3255 : vector<32x128xf32>
    %eq3A_3257 = arith.constant 48 : i32
    %eq3A_3258 = vector.broadcast %eq3A_3257 : i32 to vector<32x128xi32>
    %eq3A_3259 = arith.cmpi eq, %convert_element_type3A_1931, %eq3A_3258 : vector<32x128xi32>
    %select_n3A_3260 = arith.select %eq3A_3259, %min3A_3245, %select_n3A_3233 : vector<32x128xi1>, vector<32x128xf32>
    %get3A_3261 = arith.constant 0 : index
    %get3A_3262 = arith.constant 49 : index
    %get3A_3263 = arith.constant 0 : index
    %get3A_3264 = arith.constant 0 : index
    %get3A_3265 = vector.load %arg2[%get3A_3261, %get3A_3262, %get3A_3263, %get3A_3264] : memref<1x80x32x128xf32, #tpu.memory_space<vmem>>, vector<1x1x32x128xf32>
    %get3A_3266 = vector.shape_cast %get3A_3265 : vector<1x1x32x128xf32> to vector<32x128xf32>
    %jit3A_3267 = arith.constant 9.99999974E-5 : f32
    %jit3A_3268 = arith.constant 0.999899983 : f32
    %max3A_3269 = vector.broadcast %jit3A_3267 : f32 to vector<32x128xf32>
    %max3A_3270 = arith.maximumf %max3A_3269, %get3A_3266 : vector<32x128xf32>
    %min3A_3271 = vector.broadcast %jit3A_3268 : f32 to vector<32x128xf32>
    %min3A_3272 = arith.minimumf %min3A_3271, %max3A_3270 : vector<32x128xf32>
    %sqrt3A_3273 = math.sqrt %min3A_3272 : vector<32x128xf32>
    %mul3A_3274 = arith.mulf %min3A_3272, %sqrt3A_3273 : vector<32x128xf32>
    %sub3A_3275 = arith.constant 1.000000e+00 : f32
    %sub3A_3276 = vector.broadcast %sub3A_3275 : f32 to vector<32x128xf32>
    %sub3A_3277 = arith.subf %sub3A_3276, %min3A_3272 : vector<32x128xf32>
    %log3A_3278 = math.log %sub3A_3277 : vector<32x128xf32>
    %neg3A_3279 = arith.constant 0.000000e+00 : f32
    %neg3A_3280 = vector.broadcast %neg3A_3279 : f32 to vector<32x128xf32>
    %neg3A_3281 = arith.subf %neg3A_3280, %log3A_3278 : vector<32x128xf32>
    %mul3A_3282 = arith.mulf %mul3A_3274, %neg3A_3281 : vector<32x128xf32>
    %add3A_3283 = arith.addf %add3A_3175, %mul3A_3282 : vector<32x128xf32>
    %eq3A_3284 = arith.constant 49 : i32
    %eq3A_3285 = vector.broadcast %eq3A_3284 : i32 to vector<32x128xi32>
    %eq3A_3286 = arith.cmpi eq, %convert_element_type3A_1931, %eq3A_3285 : vector<32x128xi32>
    %select_n3A_3287 = arith.select %eq3A_3286, %min3A_3272, %select_n3A_3260 : vector<32x128xi1>, vector<32x128xf32>
    %get3A_3288 = arith.constant 0 : index
    %get3A_3289 = arith.constant 50 : index
    %get3A_3290 = arith.constant 0 : index
    %get3A_3291 = arith.constant 0 : index
    %get3A_3292 = vector.load %arg2[%get3A_3288, %get3A_3289, %get3A_3290, %get3A_3291] : memref<1x80x32x128xf32, #tpu.memory_space<vmem>>, vector<1x1x32x128xf32>
    %get3A_3293 = vector.shape_cast %get3A_3292 : vector<1x1x32x128xf32> to vector<32x128xf32>
    %jit3A_3294 = arith.constant 9.99999974E-5 : f32
    %jit3A_3295 = arith.constant 0.999899983 : f32
    %max3A_3296 = vector.broadcast %jit3A_3294 : f32 to vector<32x128xf32>
    %max3A_3297 = arith.maximumf %max3A_3296, %get3A_3293 : vector<32x128xf32>
    %min3A_3298 = vector.broadcast %jit3A_3295 : f32 to vector<32x128xf32>
    %min3A_3299 = arith.minimumf %min3A_3298, %max3A_3297 : vector<32x128xf32>
    %sqrt3A_3300 = math.sqrt %min3A_3299 : vector<32x128xf32>
    %mul3A_3301 = arith.mulf %min3A_3299, %sqrt3A_3300 : vector<32x128xf32>
    %sub3A_3302 = arith.constant 1.000000e+00 : f32
    %sub3A_3303 = vector.broadcast %sub3A_3302 : f32 to vector<32x128xf32>
    %sub3A_3304 = arith.subf %sub3A_3303, %min3A_3299 : vector<32x128xf32>
    %log3A_3305 = math.log %sub3A_3304 : vector<32x128xf32>
    %neg3A_3306 = arith.constant 0.000000e+00 : f32
    %neg3A_3307 = vector.broadcast %neg3A_3306 : f32 to vector<32x128xf32>
    %neg3A_3308 = arith.subf %neg3A_3307, %log3A_3305 : vector<32x128xf32>
    %mul3A_3309 = arith.mulf %mul3A_3301, %neg3A_3308 : vector<32x128xf32>
    %add3A_3310 = arith.addf %add3A_3202, %mul3A_3309 : vector<32x128xf32>
    %eq3A_3311 = arith.constant 50 : i32
    %eq3A_3312 = vector.broadcast %eq3A_3311 : i32 to vector<32x128xi32>
    %eq3A_3313 = arith.cmpi eq, %convert_element_type3A_1931, %eq3A_3312 : vector<32x128xi32>
    %select_n3A_3314 = arith.select %eq3A_3313, %min3A_3299, %select_n3A_3287 : vector<32x128xi1>, vector<32x128xf32>
    %get3A_3315 = arith.constant 0 : index
    %get3A_3316 = arith.constant 51 : index
    %get3A_3317 = arith.constant 0 : index
    %get3A_3318 = arith.constant 0 : index
    %get3A_3319 = vector.load %arg2[%get3A_3315, %get3A_3316, %get3A_3317, %get3A_3318] : memref<1x80x32x128xf32, #tpu.memory_space<vmem>>, vector<1x1x32x128xf32>
    %get3A_3320 = vector.shape_cast %get3A_3319 : vector<1x1x32x128xf32> to vector<32x128xf32>
    %jit3A_3321 = arith.constant 9.99999974E-5 : f32
    %jit3A_3322 = arith.constant 0.999899983 : f32
    %max3A_3323 = vector.broadcast %jit3A_3321 : f32 to vector<32x128xf32>
    %max3A_3324 = arith.maximumf %max3A_3323, %get3A_3320 : vector<32x128xf32>
    %min3A_3325 = vector.broadcast %jit3A_3322 : f32 to vector<32x128xf32>
    %min3A_3326 = arith.minimumf %min3A_3325, %max3A_3324 : vector<32x128xf32>
    %sqrt3A_3327 = math.sqrt %min3A_3326 : vector<32x128xf32>
    %mul3A_3328 = arith.mulf %min3A_3326, %sqrt3A_3327 : vector<32x128xf32>
    %sub3A_3329 = arith.constant 1.000000e+00 : f32
    %sub3A_3330 = vector.broadcast %sub3A_3329 : f32 to vector<32x128xf32>
    %sub3A_3331 = arith.subf %sub3A_3330, %min3A_3326 : vector<32x128xf32>
    %log3A_3332 = math.log %sub3A_3331 : vector<32x128xf32>
    %neg3A_3333 = arith.constant 0.000000e+00 : f32
    %neg3A_3334 = vector.broadcast %neg3A_3333 : f32 to vector<32x128xf32>
    %neg3A_3335 = arith.subf %neg3A_3334, %log3A_3332 : vector<32x128xf32>
    %mul3A_3336 = arith.mulf %mul3A_3328, %neg3A_3335 : vector<32x128xf32>
    %add3A_3337 = arith.addf %add3A_3229, %mul3A_3336 : vector<32x128xf32>
    %eq3A_3338 = arith.constant 51 : i32
    %eq3A_3339 = vector.broadcast %eq3A_3338 : i32 to vector<32x128xi32>
    %eq3A_3340 = arith.cmpi eq, %convert_element_type3A_1931, %eq3A_3339 : vector<32x128xi32>
    %select_n3A_3341 = arith.select %eq3A_3340, %min3A_3326, %select_n3A_3314 : vector<32x128xi1>, vector<32x128xf32>
    %get3A_3342 = arith.constant 0 : index
    %get3A_3343 = arith.constant 52 : index
    %get3A_3344 = arith.constant 0 : index
    %get3A_3345 = arith.constant 0 : index
    %get3A_3346 = vector.load %arg2[%get3A_3342, %get3A_3343, %get3A_3344, %get3A_3345] : memref<1x80x32x128xf32, #tpu.memory_space<vmem>>, vector<1x1x32x128xf32>
    %get3A_3347 = vector.shape_cast %get3A_3346 : vector<1x1x32x128xf32> to vector<32x128xf32>
    %jit3A_3348 = arith.constant 9.99999974E-5 : f32
    %jit3A_3349 = arith.constant 0.999899983 : f32
    %max3A_3350 = vector.broadcast %jit3A_3348 : f32 to vector<32x128xf32>
    %max3A_3351 = arith.maximumf %max3A_3350, %get3A_3347 : vector<32x128xf32>
    %min3A_3352 = vector.broadcast %jit3A_3349 : f32 to vector<32x128xf32>
    %min3A_3353 = arith.minimumf %min3A_3352, %max3A_3351 : vector<32x128xf32>
    %sqrt3A_3354 = math.sqrt %min3A_3353 : vector<32x128xf32>
    %mul3A_3355 = arith.mulf %min3A_3353, %sqrt3A_3354 : vector<32x128xf32>
    %sub3A_3356 = arith.constant 1.000000e+00 : f32
    %sub3A_3357 = vector.broadcast %sub3A_3356 : f32 to vector<32x128xf32>
    %sub3A_3358 = arith.subf %sub3A_3357, %min3A_3353 : vector<32x128xf32>
    %log3A_3359 = math.log %sub3A_3358 : vector<32x128xf32>
    %neg3A_3360 = arith.constant 0.000000e+00 : f32
    %neg3A_3361 = vector.broadcast %neg3A_3360 : f32 to vector<32x128xf32>
    %neg3A_3362 = arith.subf %neg3A_3361, %log3A_3359 : vector<32x128xf32>
    %mul3A_3363 = arith.mulf %mul3A_3355, %neg3A_3362 : vector<32x128xf32>
    %add3A_3364 = arith.addf %add3A_3256, %mul3A_3363 : vector<32x128xf32>
    %eq3A_3365 = arith.constant 52 : i32
    %eq3A_3366 = vector.broadcast %eq3A_3365 : i32 to vector<32x128xi32>
    %eq3A_3367 = arith.cmpi eq, %convert_element_type3A_1931, %eq3A_3366 : vector<32x128xi32>
    %select_n3A_3368 = arith.select %eq3A_3367, %min3A_3353, %select_n3A_3341 : vector<32x128xi1>, vector<32x128xf32>
    %get3A_3369 = arith.constant 0 : index
    %get3A_3370 = arith.constant 53 : index
    %get3A_3371 = arith.constant 0 : index
    %get3A_3372 = arith.constant 0 : index
    %get3A_3373 = vector.load %arg2[%get3A_3369, %get3A_3370, %get3A_3371, %get3A_3372] : memref<1x80x32x128xf32, #tpu.memory_space<vmem>>, vector<1x1x32x128xf32>
    %get3A_3374 = vector.shape_cast %get3A_3373 : vector<1x1x32x128xf32> to vector<32x128xf32>
    %jit3A_3375 = arith.constant 9.99999974E-5 : f32
    %jit3A_3376 = arith.constant 0.999899983 : f32
    %max3A_3377 = vector.broadcast %jit3A_3375 : f32 to vector<32x128xf32>
    %max3A_3378 = arith.maximumf %max3A_3377, %get3A_3374 : vector<32x128xf32>
    %min3A_3379 = vector.broadcast %jit3A_3376 : f32 to vector<32x128xf32>
    %min3A_3380 = arith.minimumf %min3A_3379, %max3A_3378 : vector<32x128xf32>
    %sqrt3A_3381 = math.sqrt %min3A_3380 : vector<32x128xf32>
    %mul3A_3382 = arith.mulf %min3A_3380, %sqrt3A_3381 : vector<32x128xf32>
    %sub3A_3383 = arith.constant 1.000000e+00 : f32
    %sub3A_3384 = vector.broadcast %sub3A_3383 : f32 to vector<32x128xf32>
    %sub3A_3385 = arith.subf %sub3A_3384, %min3A_3380 : vector<32x128xf32>
    %log3A_3386 = math.log %sub3A_3385 : vector<32x128xf32>
    %neg3A_3387 = arith.constant 0.000000e+00 : f32
    %neg3A_3388 = vector.broadcast %neg3A_3387 : f32 to vector<32x128xf32>
    %neg3A_3389 = arith.subf %neg3A_3388, %log3A_3386 : vector<32x128xf32>
    %mul3A_3390 = arith.mulf %mul3A_3382, %neg3A_3389 : vector<32x128xf32>
    %add3A_3391 = arith.addf %add3A_3283, %mul3A_3390 : vector<32x128xf32>
    %eq3A_3392 = arith.constant 53 : i32
    %eq3A_3393 = vector.broadcast %eq3A_3392 : i32 to vector<32x128xi32>
    %eq3A_3394 = arith.cmpi eq, %convert_element_type3A_1931, %eq3A_3393 : vector<32x128xi32>
    %select_n3A_3395 = arith.select %eq3A_3394, %min3A_3380, %select_n3A_3368 : vector<32x128xi1>, vector<32x128xf32>
    %get3A_3396 = arith.constant 0 : index
    %get3A_3397 = arith.constant 54 : index
    %get3A_3398 = arith.constant 0 : index
    %get3A_3399 = arith.constant 0 : index
    %get3A_3400 = vector.load %arg2[%get3A_3396, %get3A_3397, %get3A_3398, %get3A_3399] : memref<1x80x32x128xf32, #tpu.memory_space<vmem>>, vector<1x1x32x128xf32>
    %get3A_3401 = vector.shape_cast %get3A_3400 : vector<1x1x32x128xf32> to vector<32x128xf32>
    %jit3A_3402 = arith.constant 9.99999974E-5 : f32
    %jit3A_3403 = arith.constant 0.999899983 : f32
    %max3A_3404 = vector.broadcast %jit3A_3402 : f32 to vector<32x128xf32>
    %max3A_3405 = arith.maximumf %max3A_3404, %get3A_3401 : vector<32x128xf32>
    %min3A_3406 = vector.broadcast %jit3A_3403 : f32 to vector<32x128xf32>
    %min3A_3407 = arith.minimumf %min3A_3406, %max3A_3405 : vector<32x128xf32>
    %sqrt3A_3408 = math.sqrt %min3A_3407 : vector<32x128xf32>
    %mul3A_3409 = arith.mulf %min3A_3407, %sqrt3A_3408 : vector<32x128xf32>
    %sub3A_3410 = arith.constant 1.000000e+00 : f32
    %sub3A_3411 = vector.broadcast %sub3A_3410 : f32 to vector<32x128xf32>
    %sub3A_3412 = arith.subf %sub3A_3411, %min3A_3407 : vector<32x128xf32>
    %log3A_3413 = math.log %sub3A_3412 : vector<32x128xf32>
    %neg3A_3414 = arith.constant 0.000000e+00 : f32
    %neg3A_3415 = vector.broadcast %neg3A_3414 : f32 to vector<32x128xf32>
    %neg3A_3416 = arith.subf %neg3A_3415, %log3A_3413 : vector<32x128xf32>
    %mul3A_3417 = arith.mulf %mul3A_3409, %neg3A_3416 : vector<32x128xf32>
    %add3A_3418 = arith.addf %add3A_3310, %mul3A_3417 : vector<32x128xf32>
    %eq3A_3419 = arith.constant 54 : i32
    %eq3A_3420 = vector.broadcast %eq3A_3419 : i32 to vector<32x128xi32>
    %eq3A_3421 = arith.cmpi eq, %convert_element_type3A_1931, %eq3A_3420 : vector<32x128xi32>
    %select_n3A_3422 = arith.select %eq3A_3421, %min3A_3407, %select_n3A_3395 : vector<32x128xi1>, vector<32x128xf32>
    %get3A_3423 = arith.constant 0 : index
    %get3A_3424 = arith.constant 55 : index
    %get3A_3425 = arith.constant 0 : index
    %get3A_3426 = arith.constant 0 : index
    %get3A_3427 = vector.load %arg2[%get3A_3423, %get3A_3424, %get3A_3425, %get3A_3426] : memref<1x80x32x128xf32, #tpu.memory_space<vmem>>, vector<1x1x32x128xf32>
    %get3A_3428 = vector.shape_cast %get3A_3427 : vector<1x1x32x128xf32> to vector<32x128xf32>
    %jit3A_3429 = arith.constant 9.99999974E-5 : f32
    %jit3A_3430 = arith.constant 0.999899983 : f32
    %max3A_3431 = vector.broadcast %jit3A_3429 : f32 to vector<32x128xf32>
    %max3A_3432 = arith.maximumf %max3A_3431, %get3A_3428 : vector<32x128xf32>
    %min3A_3433 = vector.broadcast %jit3A_3430 : f32 to vector<32x128xf32>
    %min3A_3434 = arith.minimumf %min3A_3433, %max3A_3432 : vector<32x128xf32>
    %sqrt3A_3435 = math.sqrt %min3A_3434 : vector<32x128xf32>
    %mul3A_3436 = arith.mulf %min3A_3434, %sqrt3A_3435 : vector<32x128xf32>
    %sub3A_3437 = arith.constant 1.000000e+00 : f32
    %sub3A_3438 = vector.broadcast %sub3A_3437 : f32 to vector<32x128xf32>
    %sub3A_3439 = arith.subf %sub3A_3438, %min3A_3434 : vector<32x128xf32>
    %log3A_3440 = math.log %sub3A_3439 : vector<32x128xf32>
    %neg3A_3441 = arith.constant 0.000000e+00 : f32
    %neg3A_3442 = vector.broadcast %neg3A_3441 : f32 to vector<32x128xf32>
    %neg3A_3443 = arith.subf %neg3A_3442, %log3A_3440 : vector<32x128xf32>
    %mul3A_3444 = arith.mulf %mul3A_3436, %neg3A_3443 : vector<32x128xf32>
    %add3A_3445 = arith.addf %add3A_3337, %mul3A_3444 : vector<32x128xf32>
    %eq3A_3446 = arith.constant 55 : i32
    %eq3A_3447 = vector.broadcast %eq3A_3446 : i32 to vector<32x128xi32>
    %eq3A_3448 = arith.cmpi eq, %convert_element_type3A_1931, %eq3A_3447 : vector<32x128xi32>
    %select_n3A_3449 = arith.select %eq3A_3448, %min3A_3434, %select_n3A_3422 : vector<32x128xi1>, vector<32x128xf32>
    %get3A_3450 = arith.constant 0 : index
    %get3A_3451 = arith.constant 56 : index
    %get3A_3452 = arith.constant 0 : index
    %get3A_3453 = arith.constant 0 : index
    %get3A_3454 = vector.load %arg2[%get3A_3450, %get3A_3451, %get3A_3452, %get3A_3453] : memref<1x80x32x128xf32, #tpu.memory_space<vmem>>, vector<1x1x32x128xf32>
    %get3A_3455 = vector.shape_cast %get3A_3454 : vector<1x1x32x128xf32> to vector<32x128xf32>
    %jit3A_3456 = arith.constant 9.99999974E-5 : f32
    %jit3A_3457 = arith.constant 0.999899983 : f32
    %max3A_3458 = vector.broadcast %jit3A_3456 : f32 to vector<32x128xf32>
    %max3A_3459 = arith.maximumf %max3A_3458, %get3A_3455 : vector<32x128xf32>
    %min3A_3460 = vector.broadcast %jit3A_3457 : f32 to vector<32x128xf32>
    %min3A_3461 = arith.minimumf %min3A_3460, %max3A_3459 : vector<32x128xf32>
    %sqrt3A_3462 = math.sqrt %min3A_3461 : vector<32x128xf32>
    %mul3A_3463 = arith.mulf %min3A_3461, %sqrt3A_3462 : vector<32x128xf32>
    %sub3A_3464 = arith.constant 1.000000e+00 : f32
    %sub3A_3465 = vector.broadcast %sub3A_3464 : f32 to vector<32x128xf32>
    %sub3A_3466 = arith.subf %sub3A_3465, %min3A_3461 : vector<32x128xf32>
    %log3A_3467 = math.log %sub3A_3466 : vector<32x128xf32>
    %neg3A_3468 = arith.constant 0.000000e+00 : f32
    %neg3A_3469 = vector.broadcast %neg3A_3468 : f32 to vector<32x128xf32>
    %neg3A_3470 = arith.subf %neg3A_3469, %log3A_3467 : vector<32x128xf32>
    %mul3A_3471 = arith.mulf %mul3A_3463, %neg3A_3470 : vector<32x128xf32>
    %add3A_3472 = arith.addf %add3A_3364, %mul3A_3471 : vector<32x128xf32>
    %eq3A_3473 = arith.constant 56 : i32
    %eq3A_3474 = vector.broadcast %eq3A_3473 : i32 to vector<32x128xi32>
    %eq3A_3475 = arith.cmpi eq, %convert_element_type3A_1931, %eq3A_3474 : vector<32x128xi32>
    %select_n3A_3476 = arith.select %eq3A_3475, %min3A_3461, %select_n3A_3449 : vector<32x128xi1>, vector<32x128xf32>
    %get3A_3477 = arith.constant 0 : index
    %get3A_3478 = arith.constant 57 : index
    %get3A_3479 = arith.constant 0 : index
    %get3A_3480 = arith.constant 0 : index
    %get3A_3481 = vector.load %arg2[%get3A_3477, %get3A_3478, %get3A_3479, %get3A_3480] : memref<1x80x32x128xf32, #tpu.memory_space<vmem>>, vector<1x1x32x128xf32>
    %get3A_3482 = vector.shape_cast %get3A_3481 : vector<1x1x32x128xf32> to vector<32x128xf32>
    %jit3A_3483 = arith.constant 9.99999974E-5 : f32
    %jit3A_3484 = arith.constant 0.999899983 : f32
    %max3A_3485 = vector.broadcast %jit3A_3483 : f32 to vector<32x128xf32>
    %max3A_3486 = arith.maximumf %max3A_3485, %get3A_3482 : vector<32x128xf32>
    %min3A_3487 = vector.broadcast %jit3A_3484 : f32 to vector<32x128xf32>
    %min3A_3488 = arith.minimumf %min3A_3487, %max3A_3486 : vector<32x128xf32>
    %sqrt3A_3489 = math.sqrt %min3A_3488 : vector<32x128xf32>
    %mul3A_3490 = arith.mulf %min3A_3488, %sqrt3A_3489 : vector<32x128xf32>
    %sub3A_3491 = arith.constant 1.000000e+00 : f32
    %sub3A_3492 = vector.broadcast %sub3A_3491 : f32 to vector<32x128xf32>
    %sub3A_3493 = arith.subf %sub3A_3492, %min3A_3488 : vector<32x128xf32>
    %log3A_3494 = math.log %sub3A_3493 : vector<32x128xf32>
    %neg3A_3495 = arith.constant 0.000000e+00 : f32
    %neg3A_3496 = vector.broadcast %neg3A_3495 : f32 to vector<32x128xf32>
    %neg3A_3497 = arith.subf %neg3A_3496, %log3A_3494 : vector<32x128xf32>
    %mul3A_3498 = arith.mulf %mul3A_3490, %neg3A_3497 : vector<32x128xf32>
    %add3A_3499 = arith.addf %add3A_3391, %mul3A_3498 : vector<32x128xf32>
    %eq3A_3500 = arith.constant 57 : i32
    %eq3A_3501 = vector.broadcast %eq3A_3500 : i32 to vector<32x128xi32>
    %eq3A_3502 = arith.cmpi eq, %convert_element_type3A_1931, %eq3A_3501 : vector<32x128xi32>
    %select_n3A_3503 = arith.select %eq3A_3502, %min3A_3488, %select_n3A_3476 : vector<32x128xi1>, vector<32x128xf32>
    %get3A_3504 = arith.constant 0 : index
    %get3A_3505 = arith.constant 58 : index
    %get3A_3506 = arith.constant 0 : index
    %get3A_3507 = arith.constant 0 : index
    %get3A_3508 = vector.load %arg2[%get3A_3504, %get3A_3505, %get3A_3506, %get3A_3507] : memref<1x80x32x128xf32, #tpu.memory_space<vmem>>, vector<1x1x32x128xf32>
    %get3A_3509 = vector.shape_cast %get3A_3508 : vector<1x1x32x128xf32> to vector<32x128xf32>
    %jit3A_3510 = arith.constant 9.99999974E-5 : f32
    %jit3A_3511 = arith.constant 0.999899983 : f32
    %max3A_3512 = vector.broadcast %jit3A_3510 : f32 to vector<32x128xf32>
    %max3A_3513 = arith.maximumf %max3A_3512, %get3A_3509 : vector<32x128xf32>
    %min3A_3514 = vector.broadcast %jit3A_3511 : f32 to vector<32x128xf32>
    %min3A_3515 = arith.minimumf %min3A_3514, %max3A_3513 : vector<32x128xf32>
    %sqrt3A_3516 = math.sqrt %min3A_3515 : vector<32x128xf32>
    %mul3A_3517 = arith.mulf %min3A_3515, %sqrt3A_3516 : vector<32x128xf32>
    %sub3A_3518 = arith.constant 1.000000e+00 : f32
    %sub3A_3519 = vector.broadcast %sub3A_3518 : f32 to vector<32x128xf32>
    %sub3A_3520 = arith.subf %sub3A_3519, %min3A_3515 : vector<32x128xf32>
    %log3A_3521 = math.log %sub3A_3520 : vector<32x128xf32>
    %neg3A_3522 = arith.constant 0.000000e+00 : f32
    %neg3A_3523 = vector.broadcast %neg3A_3522 : f32 to vector<32x128xf32>
    %neg3A_3524 = arith.subf %neg3A_3523, %log3A_3521 : vector<32x128xf32>
    %mul3A_3525 = arith.mulf %mul3A_3517, %neg3A_3524 : vector<32x128xf32>
    %add3A_3526 = arith.addf %add3A_3418, %mul3A_3525 : vector<32x128xf32>
    %eq3A_3527 = arith.constant 58 : i32
    %eq3A_3528 = vector.broadcast %eq3A_3527 : i32 to vector<32x128xi32>
    %eq3A_3529 = arith.cmpi eq, %convert_element_type3A_1931, %eq3A_3528 : vector<32x128xi32>
    %select_n3A_3530 = arith.select %eq3A_3529, %min3A_3515, %select_n3A_3503 : vector<32x128xi1>, vector<32x128xf32>
    %get3A_3531 = arith.constant 0 : index
    %get3A_3532 = arith.constant 59 : index
    %get3A_3533 = arith.constant 0 : index
    %get3A_3534 = arith.constant 0 : index
    %get3A_3535 = vector.load %arg2[%get3A_3531, %get3A_3532, %get3A_3533, %get3A_3534] : memref<1x80x32x128xf32, #tpu.memory_space<vmem>>, vector<1x1x32x128xf32>
    %get3A_3536 = vector.shape_cast %get3A_3535 : vector<1x1x32x128xf32> to vector<32x128xf32>
    %jit3A_3537 = arith.constant 9.99999974E-5 : f32
    %jit3A_3538 = arith.constant 0.999899983 : f32
    %max3A_3539 = vector.broadcast %jit3A_3537 : f32 to vector<32x128xf32>
    %max3A_3540 = arith.maximumf %max3A_3539, %get3A_3536 : vector<32x128xf32>
    %min3A_3541 = vector.broadcast %jit3A_3538 : f32 to vector<32x128xf32>
    %min3A_3542 = arith.minimumf %min3A_3541, %max3A_3540 : vector<32x128xf32>
    %sqrt3A_3543 = math.sqrt %min3A_3542 : vector<32x128xf32>
    %mul3A_3544 = arith.mulf %min3A_3542, %sqrt3A_3543 : vector<32x128xf32>
    %sub3A_3545 = arith.constant 1.000000e+00 : f32
    %sub3A_3546 = vector.broadcast %sub3A_3545 : f32 to vector<32x128xf32>
    %sub3A_3547 = arith.subf %sub3A_3546, %min3A_3542 : vector<32x128xf32>
    %log3A_3548 = math.log %sub3A_3547 : vector<32x128xf32>
    %neg3A_3549 = arith.constant 0.000000e+00 : f32
    %neg3A_3550 = vector.broadcast %neg3A_3549 : f32 to vector<32x128xf32>
    %neg3A_3551 = arith.subf %neg3A_3550, %log3A_3548 : vector<32x128xf32>
    %mul3A_3552 = arith.mulf %mul3A_3544, %neg3A_3551 : vector<32x128xf32>
    %add3A_3553 = arith.addf %add3A_3445, %mul3A_3552 : vector<32x128xf32>
    %eq3A_3554 = arith.constant 59 : i32
    %eq3A_3555 = vector.broadcast %eq3A_3554 : i32 to vector<32x128xi32>
    %eq3A_3556 = arith.cmpi eq, %convert_element_type3A_1931, %eq3A_3555 : vector<32x128xi32>
    %select_n3A_3557 = arith.select %eq3A_3556, %min3A_3542, %select_n3A_3530 : vector<32x128xi1>, vector<32x128xf32>
    %get3A_3558 = arith.constant 0 : index
    %get3A_3559 = arith.constant 60 : index
    %get3A_3560 = arith.constant 0 : index
    %get3A_3561 = arith.constant 0 : index
    %get3A_3562 = vector.load %arg2[%get3A_3558, %get3A_3559, %get3A_3560, %get3A_3561] : memref<1x80x32x128xf32, #tpu.memory_space<vmem>>, vector<1x1x32x128xf32>
    %get3A_3563 = vector.shape_cast %get3A_3562 : vector<1x1x32x128xf32> to vector<32x128xf32>
    %jit3A_3564 = arith.constant 9.99999974E-5 : f32
    %jit3A_3565 = arith.constant 0.999899983 : f32
    %max3A_3566 = vector.broadcast %jit3A_3564 : f32 to vector<32x128xf32>
    %max3A_3567 = arith.maximumf %max3A_3566, %get3A_3563 : vector<32x128xf32>
    %min3A_3568 = vector.broadcast %jit3A_3565 : f32 to vector<32x128xf32>
    %min3A_3569 = arith.minimumf %min3A_3568, %max3A_3567 : vector<32x128xf32>
    %sqrt3A_3570 = math.sqrt %min3A_3569 : vector<32x128xf32>
    %mul3A_3571 = arith.mulf %min3A_3569, %sqrt3A_3570 : vector<32x128xf32>
    %sub3A_3572 = arith.constant 1.000000e+00 : f32
    %sub3A_3573 = vector.broadcast %sub3A_3572 : f32 to vector<32x128xf32>
    %sub3A_3574 = arith.subf %sub3A_3573, %min3A_3569 : vector<32x128xf32>
    %log3A_3575 = math.log %sub3A_3574 : vector<32x128xf32>
    %neg3A_3576 = arith.constant 0.000000e+00 : f32
    %neg3A_3577 = vector.broadcast %neg3A_3576 : f32 to vector<32x128xf32>
    %neg3A_3578 = arith.subf %neg3A_3577, %log3A_3575 : vector<32x128xf32>
    %mul3A_3579 = arith.mulf %mul3A_3571, %neg3A_3578 : vector<32x128xf32>
    %add3A_3580 = arith.addf %add3A_3472, %mul3A_3579 : vector<32x128xf32>
    %eq3A_3581 = arith.constant 60 : i32
    %eq3A_3582 = vector.broadcast %eq3A_3581 : i32 to vector<32x128xi32>
    %eq3A_3583 = arith.cmpi eq, %convert_element_type3A_1931, %eq3A_3582 : vector<32x128xi32>
    %select_n3A_3584 = arith.select %eq3A_3583, %min3A_3569, %select_n3A_3557 : vector<32x128xi1>, vector<32x128xf32>
    %get3A_3585 = arith.constant 0 : index
    %get3A_3586 = arith.constant 61 : index
    %get3A_3587 = arith.constant 0 : index
    %get3A_3588 = arith.constant 0 : index
    %get3A_3589 = vector.load %arg2[%get3A_3585, %get3A_3586, %get3A_3587, %get3A_3588] : memref<1x80x32x128xf32, #tpu.memory_space<vmem>>, vector<1x1x32x128xf32>
    %get3A_3590 = vector.shape_cast %get3A_3589 : vector<1x1x32x128xf32> to vector<32x128xf32>
    %jit3A_3591 = arith.constant 9.99999974E-5 : f32
    %jit3A_3592 = arith.constant 0.999899983 : f32
    %max3A_3593 = vector.broadcast %jit3A_3591 : f32 to vector<32x128xf32>
    %max3A_3594 = arith.maximumf %max3A_3593, %get3A_3590 : vector<32x128xf32>
    %min3A_3595 = vector.broadcast %jit3A_3592 : f32 to vector<32x128xf32>
    %min3A_3596 = arith.minimumf %min3A_3595, %max3A_3594 : vector<32x128xf32>
    %sqrt3A_3597 = math.sqrt %min3A_3596 : vector<32x128xf32>
    %mul3A_3598 = arith.mulf %min3A_3596, %sqrt3A_3597 : vector<32x128xf32>
    %sub3A_3599 = arith.constant 1.000000e+00 : f32
    %sub3A_3600 = vector.broadcast %sub3A_3599 : f32 to vector<32x128xf32>
    %sub3A_3601 = arith.subf %sub3A_3600, %min3A_3596 : vector<32x128xf32>
    %log3A_3602 = math.log %sub3A_3601 : vector<32x128xf32>
    %neg3A_3603 = arith.constant 0.000000e+00 : f32
    %neg3A_3604 = vector.broadcast %neg3A_3603 : f32 to vector<32x128xf32>
    %neg3A_3605 = arith.subf %neg3A_3604, %log3A_3602 : vector<32x128xf32>
    %mul3A_3606 = arith.mulf %mul3A_3598, %neg3A_3605 : vector<32x128xf32>
    %add3A_3607 = arith.addf %add3A_3499, %mul3A_3606 : vector<32x128xf32>
    %eq3A_3608 = arith.constant 61 : i32
    %eq3A_3609 = vector.broadcast %eq3A_3608 : i32 to vector<32x128xi32>
    %eq3A_3610 = arith.cmpi eq, %convert_element_type3A_1931, %eq3A_3609 : vector<32x128xi32>
    %select_n3A_3611 = arith.select %eq3A_3610, %min3A_3596, %select_n3A_3584 : vector<32x128xi1>, vector<32x128xf32>
    %get3A_3612 = arith.constant 0 : index
    %get3A_3613 = arith.constant 62 : index
    %get3A_3614 = arith.constant 0 : index
    %get3A_3615 = arith.constant 0 : index
    %get3A_3616 = vector.load %arg2[%get3A_3612, %get3A_3613, %get3A_3614, %get3A_3615] : memref<1x80x32x128xf32, #tpu.memory_space<vmem>>, vector<1x1x32x128xf32>
    %get3A_3617 = vector.shape_cast %get3A_3616 : vector<1x1x32x128xf32> to vector<32x128xf32>
    %jit3A_3618 = arith.constant 9.99999974E-5 : f32
    %jit3A_3619 = arith.constant 0.999899983 : f32
    %max3A_3620 = vector.broadcast %jit3A_3618 : f32 to vector<32x128xf32>
    %max3A_3621 = arith.maximumf %max3A_3620, %get3A_3617 : vector<32x128xf32>
    %min3A_3622 = vector.broadcast %jit3A_3619 : f32 to vector<32x128xf32>
    %min3A_3623 = arith.minimumf %min3A_3622, %max3A_3621 : vector<32x128xf32>
    %sqrt3A_3624 = math.sqrt %min3A_3623 : vector<32x128xf32>
    %mul3A_3625 = arith.mulf %min3A_3623, %sqrt3A_3624 : vector<32x128xf32>
    %sub3A_3626 = arith.constant 1.000000e+00 : f32
    %sub3A_3627 = vector.broadcast %sub3A_3626 : f32 to vector<32x128xf32>
    %sub3A_3628 = arith.subf %sub3A_3627, %min3A_3623 : vector<32x128xf32>
    %log3A_3629 = math.log %sub3A_3628 : vector<32x128xf32>
    %neg3A_3630 = arith.constant 0.000000e+00 : f32
    %neg3A_3631 = vector.broadcast %neg3A_3630 : f32 to vector<32x128xf32>
    %neg3A_3632 = arith.subf %neg3A_3631, %log3A_3629 : vector<32x128xf32>
    %mul3A_3633 = arith.mulf %mul3A_3625, %neg3A_3632 : vector<32x128xf32>
    %add3A_3634 = arith.addf %add3A_3526, %mul3A_3633 : vector<32x128xf32>
    %eq3A_3635 = arith.constant 62 : i32
    %eq3A_3636 = vector.broadcast %eq3A_3635 : i32 to vector<32x128xi32>
    %eq3A_3637 = arith.cmpi eq, %convert_element_type3A_1931, %eq3A_3636 : vector<32x128xi32>
    %select_n3A_3638 = arith.select %eq3A_3637, %min3A_3623, %select_n3A_3611 : vector<32x128xi1>, vector<32x128xf32>
    %get3A_3639 = arith.constant 0 : index
    %get3A_3640 = arith.constant 63 : index
    %get3A_3641 = arith.constant 0 : index
    %get3A_3642 = arith.constant 0 : index
    %get3A_3643 = vector.load %arg2[%get3A_3639, %get3A_3640, %get3A_3641, %get3A_3642] : memref<1x80x32x128xf32, #tpu.memory_space<vmem>>, vector<1x1x32x128xf32>
    %get3A_3644 = vector.shape_cast %get3A_3643 : vector<1x1x32x128xf32> to vector<32x128xf32>
    %jit3A_3645 = arith.constant 9.99999974E-5 : f32
    %jit3A_3646 = arith.constant 0.999899983 : f32
    %max3A_3647 = vector.broadcast %jit3A_3645 : f32 to vector<32x128xf32>
    %max3A_3648 = arith.maximumf %max3A_3647, %get3A_3644 : vector<32x128xf32>
    %min3A_3649 = vector.broadcast %jit3A_3646 : f32 to vector<32x128xf32>
    %min3A_3650 = arith.minimumf %min3A_3649, %max3A_3648 : vector<32x128xf32>
    %sqrt3A_3651 = math.sqrt %min3A_3650 : vector<32x128xf32>
    %mul3A_3652 = arith.mulf %min3A_3650, %sqrt3A_3651 : vector<32x128xf32>
    %sub3A_3653 = arith.constant 1.000000e+00 : f32
    %sub3A_3654 = vector.broadcast %sub3A_3653 : f32 to vector<32x128xf32>
    %sub3A_3655 = arith.subf %sub3A_3654, %min3A_3650 : vector<32x128xf32>
    %log3A_3656 = math.log %sub3A_3655 : vector<32x128xf32>
    %neg3A_3657 = arith.constant 0.000000e+00 : f32
    %neg3A_3658 = vector.broadcast %neg3A_3657 : f32 to vector<32x128xf32>
    %neg3A_3659 = arith.subf %neg3A_3658, %log3A_3656 : vector<32x128xf32>
    %mul3A_3660 = arith.mulf %mul3A_3652, %neg3A_3659 : vector<32x128xf32>
    %add3A_3661 = arith.addf %add3A_3553, %mul3A_3660 : vector<32x128xf32>
    %eq3A_3662 = arith.constant 63 : i32
    %eq3A_3663 = vector.broadcast %eq3A_3662 : i32 to vector<32x128xi32>
    %eq3A_3664 = arith.cmpi eq, %convert_element_type3A_1931, %eq3A_3663 : vector<32x128xi32>
    %select_n3A_3665 = arith.select %eq3A_3664, %min3A_3650, %select_n3A_3638 : vector<32x128xi1>, vector<32x128xf32>
    %get3A_3666 = arith.constant 0 : index
    %get3A_3667 = arith.constant 64 : index
    %get3A_3668 = arith.constant 0 : index
    %get3A_3669 = arith.constant 0 : index
    %get3A_3670 = vector.load %arg2[%get3A_3666, %get3A_3667, %get3A_3668, %get3A_3669] : memref<1x80x32x128xf32, #tpu.memory_space<vmem>>, vector<1x1x32x128xf32>
    %get3A_3671 = vector.shape_cast %get3A_3670 : vector<1x1x32x128xf32> to vector<32x128xf32>
    %jit3A_3672 = arith.constant 9.99999974E-5 : f32
    %jit3A_3673 = arith.constant 0.999899983 : f32
    %max3A_3674 = vector.broadcast %jit3A_3672 : f32 to vector<32x128xf32>
    %max3A_3675 = arith.maximumf %max3A_3674, %get3A_3671 : vector<32x128xf32>
    %min3A_3676 = vector.broadcast %jit3A_3673 : f32 to vector<32x128xf32>
    %min3A_3677 = arith.minimumf %min3A_3676, %max3A_3675 : vector<32x128xf32>
    %sqrt3A_3678 = math.sqrt %min3A_3677 : vector<32x128xf32>
    %mul3A_3679 = arith.mulf %min3A_3677, %sqrt3A_3678 : vector<32x128xf32>
    %sub3A_3680 = arith.constant 1.000000e+00 : f32
    %sub3A_3681 = vector.broadcast %sub3A_3680 : f32 to vector<32x128xf32>
    %sub3A_3682 = arith.subf %sub3A_3681, %min3A_3677 : vector<32x128xf32>
    %log3A_3683 = math.log %sub3A_3682 : vector<32x128xf32>
    %neg3A_3684 = arith.constant 0.000000e+00 : f32
    %neg3A_3685 = vector.broadcast %neg3A_3684 : f32 to vector<32x128xf32>
    %neg3A_3686 = arith.subf %neg3A_3685, %log3A_3683 : vector<32x128xf32>
    %mul3A_3687 = arith.mulf %mul3A_3679, %neg3A_3686 : vector<32x128xf32>
    %add3A_3688 = arith.addf %add3A_3580, %mul3A_3687 : vector<32x128xf32>
    %eq3A_3689 = arith.constant 64 : i32
    %eq3A_3690 = vector.broadcast %eq3A_3689 : i32 to vector<32x128xi32>
    %eq3A_3691 = arith.cmpi eq, %convert_element_type3A_1931, %eq3A_3690 : vector<32x128xi32>
    %select_n3A_3692 = arith.select %eq3A_3691, %min3A_3677, %select_n3A_3665 : vector<32x128xi1>, vector<32x128xf32>
    %get3A_3693 = arith.constant 0 : index
    %get3A_3694 = arith.constant 65 : index
    %get3A_3695 = arith.constant 0 : index
    %get3A_3696 = arith.constant 0 : index
    %get3A_3697 = vector.load %arg2[%get3A_3693, %get3A_3694, %get3A_3695, %get3A_3696] : memref<1x80x32x128xf32, #tpu.memory_space<vmem>>, vector<1x1x32x128xf32>
    %get3A_3698 = vector.shape_cast %get3A_3697 : vector<1x1x32x128xf32> to vector<32x128xf32>
    %jit3A_3699 = arith.constant 9.99999974E-5 : f32
    %jit3A_3700 = arith.constant 0.999899983 : f32
    %max3A_3701 = vector.broadcast %jit3A_3699 : f32 to vector<32x128xf32>
    %max3A_3702 = arith.maximumf %max3A_3701, %get3A_3698 : vector<32x128xf32>
    %min3A_3703 = vector.broadcast %jit3A_3700 : f32 to vector<32x128xf32>
    %min3A_3704 = arith.minimumf %min3A_3703, %max3A_3702 : vector<32x128xf32>
    %sqrt3A_3705 = math.sqrt %min3A_3704 : vector<32x128xf32>
    %mul3A_3706 = arith.mulf %min3A_3704, %sqrt3A_3705 : vector<32x128xf32>
    %sub3A_3707 = arith.constant 1.000000e+00 : f32
    %sub3A_3708 = vector.broadcast %sub3A_3707 : f32 to vector<32x128xf32>
    %sub3A_3709 = arith.subf %sub3A_3708, %min3A_3704 : vector<32x128xf32>
    %log3A_3710 = math.log %sub3A_3709 : vector<32x128xf32>
    %neg3A_3711 = arith.constant 0.000000e+00 : f32
    %neg3A_3712 = vector.broadcast %neg3A_3711 : f32 to vector<32x128xf32>
    %neg3A_3713 = arith.subf %neg3A_3712, %log3A_3710 : vector<32x128xf32>
    %mul3A_3714 = arith.mulf %mul3A_3706, %neg3A_3713 : vector<32x128xf32>
    %add3A_3715 = arith.addf %add3A_3607, %mul3A_3714 : vector<32x128xf32>
    %eq3A_3716 = arith.constant 65 : i32
    %eq3A_3717 = vector.broadcast %eq3A_3716 : i32 to vector<32x128xi32>
    %eq3A_3718 = arith.cmpi eq, %convert_element_type3A_1931, %eq3A_3717 : vector<32x128xi32>
    %select_n3A_3719 = arith.select %eq3A_3718, %min3A_3704, %select_n3A_3692 : vector<32x128xi1>, vector<32x128xf32>
    %get3A_3720 = arith.constant 0 : index
    %get3A_3721 = arith.constant 66 : index
    %get3A_3722 = arith.constant 0 : index
    %get3A_3723 = arith.constant 0 : index
    %get3A_3724 = vector.load %arg2[%get3A_3720, %get3A_3721, %get3A_3722, %get3A_3723] : memref<1x80x32x128xf32, #tpu.memory_space<vmem>>, vector<1x1x32x128xf32>
    %get3A_3725 = vector.shape_cast %get3A_3724 : vector<1x1x32x128xf32> to vector<32x128xf32>
    %jit3A_3726 = arith.constant 9.99999974E-5 : f32
    %jit3A_3727 = arith.constant 0.999899983 : f32
    %max3A_3728 = vector.broadcast %jit3A_3726 : f32 to vector<32x128xf32>
    %max3A_3729 = arith.maximumf %max3A_3728, %get3A_3725 : vector<32x128xf32>
    %min3A_3730 = vector.broadcast %jit3A_3727 : f32 to vector<32x128xf32>
    %min3A_3731 = arith.minimumf %min3A_3730, %max3A_3729 : vector<32x128xf32>
    %sqrt3A_3732 = math.sqrt %min3A_3731 : vector<32x128xf32>
    %mul3A_3733 = arith.mulf %min3A_3731, %sqrt3A_3732 : vector<32x128xf32>
    %sub3A_3734 = arith.constant 1.000000e+00 : f32
    %sub3A_3735 = vector.broadcast %sub3A_3734 : f32 to vector<32x128xf32>
    %sub3A_3736 = arith.subf %sub3A_3735, %min3A_3731 : vector<32x128xf32>
    %log3A_3737 = math.log %sub3A_3736 : vector<32x128xf32>
    %neg3A_3738 = arith.constant 0.000000e+00 : f32
    %neg3A_3739 = vector.broadcast %neg3A_3738 : f32 to vector<32x128xf32>
    %neg3A_3740 = arith.subf %neg3A_3739, %log3A_3737 : vector<32x128xf32>
    %mul3A_3741 = arith.mulf %mul3A_3733, %neg3A_3740 : vector<32x128xf32>
    %add3A_3742 = arith.addf %add3A_3634, %mul3A_3741 : vector<32x128xf32>
    %eq3A_3743 = arith.constant 66 : i32
    %eq3A_3744 = vector.broadcast %eq3A_3743 : i32 to vector<32x128xi32>
    %eq3A_3745 = arith.cmpi eq, %convert_element_type3A_1931, %eq3A_3744 : vector<32x128xi32>
    %select_n3A_3746 = arith.select %eq3A_3745, %min3A_3731, %select_n3A_3719 : vector<32x128xi1>, vector<32x128xf32>
    %get3A_3747 = arith.constant 0 : index
    %get3A_3748 = arith.constant 67 : index
    %get3A_3749 = arith.constant 0 : index
    %get3A_3750 = arith.constant 0 : index
    %get3A_3751 = vector.load %arg2[%get3A_3747, %get3A_3748, %get3A_3749, %get3A_3750] : memref<1x80x32x128xf32, #tpu.memory_space<vmem>>, vector<1x1x32x128xf32>
    %get3A_3752 = vector.shape_cast %get3A_3751 : vector<1x1x32x128xf32> to vector<32x128xf32>
    %jit3A_3753 = arith.constant 9.99999974E-5 : f32
    %jit3A_3754 = arith.constant 0.999899983 : f32
    %max3A_3755 = vector.broadcast %jit3A_3753 : f32 to vector<32x128xf32>
    %max3A_3756 = arith.maximumf %max3A_3755, %get3A_3752 : vector<32x128xf32>
    %min3A_3757 = vector.broadcast %jit3A_3754 : f32 to vector<32x128xf32>
    %min3A_3758 = arith.minimumf %min3A_3757, %max3A_3756 : vector<32x128xf32>
    %sqrt3A_3759 = math.sqrt %min3A_3758 : vector<32x128xf32>
    %mul3A_3760 = arith.mulf %min3A_3758, %sqrt3A_3759 : vector<32x128xf32>
    %sub3A_3761 = arith.constant 1.000000e+00 : f32
    %sub3A_3762 = vector.broadcast %sub3A_3761 : f32 to vector<32x128xf32>
    %sub3A_3763 = arith.subf %sub3A_3762, %min3A_3758 : vector<32x128xf32>
    %log3A_3764 = math.log %sub3A_3763 : vector<32x128xf32>
    %neg3A_3765 = arith.constant 0.000000e+00 : f32
    %neg3A_3766 = vector.broadcast %neg3A_3765 : f32 to vector<32x128xf32>
    %neg3A_3767 = arith.subf %neg3A_3766, %log3A_3764 : vector<32x128xf32>
    %mul3A_3768 = arith.mulf %mul3A_3760, %neg3A_3767 : vector<32x128xf32>
    %add3A_3769 = arith.addf %add3A_3661, %mul3A_3768 : vector<32x128xf32>
    %eq3A_3770 = arith.constant 67 : i32
    %eq3A_3771 = vector.broadcast %eq3A_3770 : i32 to vector<32x128xi32>
    %eq3A_3772 = arith.cmpi eq, %convert_element_type3A_1931, %eq3A_3771 : vector<32x128xi32>
    %select_n3A_3773 = arith.select %eq3A_3772, %min3A_3758, %select_n3A_3746 : vector<32x128xi1>, vector<32x128xf32>
    %get3A_3774 = arith.constant 0 : index
    %get3A_3775 = arith.constant 68 : index
    %get3A_3776 = arith.constant 0 : index
    %get3A_3777 = arith.constant 0 : index
    %get3A_3778 = vector.load %arg2[%get3A_3774, %get3A_3775, %get3A_3776, %get3A_3777] : memref<1x80x32x128xf32, #tpu.memory_space<vmem>>, vector<1x1x32x128xf32>
    %get3A_3779 = vector.shape_cast %get3A_3778 : vector<1x1x32x128xf32> to vector<32x128xf32>
    %jit3A_3780 = arith.constant 9.99999974E-5 : f32
    %jit3A_3781 = arith.constant 0.999899983 : f32
    %max3A_3782 = vector.broadcast %jit3A_3780 : f32 to vector<32x128xf32>
    %max3A_3783 = arith.maximumf %max3A_3782, %get3A_3779 : vector<32x128xf32>
    %min3A_3784 = vector.broadcast %jit3A_3781 : f32 to vector<32x128xf32>
    %min3A_3785 = arith.minimumf %min3A_3784, %max3A_3783 : vector<32x128xf32>
    %sqrt3A_3786 = math.sqrt %min3A_3785 : vector<32x128xf32>
    %mul3A_3787 = arith.mulf %min3A_3785, %sqrt3A_3786 : vector<32x128xf32>
    %sub3A_3788 = arith.constant 1.000000e+00 : f32
    %sub3A_3789 = vector.broadcast %sub3A_3788 : f32 to vector<32x128xf32>
    %sub3A_3790 = arith.subf %sub3A_3789, %min3A_3785 : vector<32x128xf32>
    %log3A_3791 = math.log %sub3A_3790 : vector<32x128xf32>
    %neg3A_3792 = arith.constant 0.000000e+00 : f32
    %neg3A_3793 = vector.broadcast %neg3A_3792 : f32 to vector<32x128xf32>
    %neg3A_3794 = arith.subf %neg3A_3793, %log3A_3791 : vector<32x128xf32>
    %mul3A_3795 = arith.mulf %mul3A_3787, %neg3A_3794 : vector<32x128xf32>
    %add3A_3796 = arith.addf %add3A_3688, %mul3A_3795 : vector<32x128xf32>
    %eq3A_3797 = arith.constant 68 : i32
    %eq3A_3798 = vector.broadcast %eq3A_3797 : i32 to vector<32x128xi32>
    %eq3A_3799 = arith.cmpi eq, %convert_element_type3A_1931, %eq3A_3798 : vector<32x128xi32>
    %select_n3A_3800 = arith.select %eq3A_3799, %min3A_3785, %select_n3A_3773 : vector<32x128xi1>, vector<32x128xf32>
    %get3A_3801 = arith.constant 0 : index
    %get3A_3802 = arith.constant 69 : index
    %get3A_3803 = arith.constant 0 : index
    %get3A_3804 = arith.constant 0 : index
    %get3A_3805 = vector.load %arg2[%get3A_3801, %get3A_3802, %get3A_3803, %get3A_3804] : memref<1x80x32x128xf32, #tpu.memory_space<vmem>>, vector<1x1x32x128xf32>
    %get3A_3806 = vector.shape_cast %get3A_3805 : vector<1x1x32x128xf32> to vector<32x128xf32>
    %jit3A_3807 = arith.constant 9.99999974E-5 : f32
    %jit3A_3808 = arith.constant 0.999899983 : f32
    %max3A_3809 = vector.broadcast %jit3A_3807 : f32 to vector<32x128xf32>
    %max3A_3810 = arith.maximumf %max3A_3809, %get3A_3806 : vector<32x128xf32>
    %min3A_3811 = vector.broadcast %jit3A_3808 : f32 to vector<32x128xf32>
    %min3A_3812 = arith.minimumf %min3A_3811, %max3A_3810 : vector<32x128xf32>
    %sqrt3A_3813 = math.sqrt %min3A_3812 : vector<32x128xf32>
    %mul3A_3814 = arith.mulf %min3A_3812, %sqrt3A_3813 : vector<32x128xf32>
    %sub3A_3815 = arith.constant 1.000000e+00 : f32
    %sub3A_3816 = vector.broadcast %sub3A_3815 : f32 to vector<32x128xf32>
    %sub3A_3817 = arith.subf %sub3A_3816, %min3A_3812 : vector<32x128xf32>
    %log3A_3818 = math.log %sub3A_3817 : vector<32x128xf32>
    %neg3A_3819 = arith.constant 0.000000e+00 : f32
    %neg3A_3820 = vector.broadcast %neg3A_3819 : f32 to vector<32x128xf32>
    %neg3A_3821 = arith.subf %neg3A_3820, %log3A_3818 : vector<32x128xf32>
    %mul3A_3822 = arith.mulf %mul3A_3814, %neg3A_3821 : vector<32x128xf32>
    %add3A_3823 = arith.addf %add3A_3715, %mul3A_3822 : vector<32x128xf32>
    %eq3A_3824 = arith.constant 69 : i32
    %eq3A_3825 = vector.broadcast %eq3A_3824 : i32 to vector<32x128xi32>
    %eq3A_3826 = arith.cmpi eq, %convert_element_type3A_1931, %eq3A_3825 : vector<32x128xi32>
    %select_n3A_3827 = arith.select %eq3A_3826, %min3A_3812, %select_n3A_3800 : vector<32x128xi1>, vector<32x128xf32>
    %get3A_3828 = arith.constant 0 : index
    %get3A_3829 = arith.constant 70 : index
    %get3A_3830 = arith.constant 0 : index
    %get3A_3831 = arith.constant 0 : index
    %get3A_3832 = vector.load %arg2[%get3A_3828, %get3A_3829, %get3A_3830, %get3A_3831] : memref<1x80x32x128xf32, #tpu.memory_space<vmem>>, vector<1x1x32x128xf32>
    %get3A_3833 = vector.shape_cast %get3A_3832 : vector<1x1x32x128xf32> to vector<32x128xf32>
    %jit3A_3834 = arith.constant 9.99999974E-5 : f32
    %jit3A_3835 = arith.constant 0.999899983 : f32
    %max3A_3836 = vector.broadcast %jit3A_3834 : f32 to vector<32x128xf32>
    %max3A_3837 = arith.maximumf %max3A_3836, %get3A_3833 : vector<32x128xf32>
    %min3A_3838 = vector.broadcast %jit3A_3835 : f32 to vector<32x128xf32>
    %min3A_3839 = arith.minimumf %min3A_3838, %max3A_3837 : vector<32x128xf32>
    %sqrt3A_3840 = math.sqrt %min3A_3839 : vector<32x128xf32>
    %mul3A_3841 = arith.mulf %min3A_3839, %sqrt3A_3840 : vector<32x128xf32>
    %sub3A_3842 = arith.constant 1.000000e+00 : f32
    %sub3A_3843 = vector.broadcast %sub3A_3842 : f32 to vector<32x128xf32>
    %sub3A_3844 = arith.subf %sub3A_3843, %min3A_3839 : vector<32x128xf32>
    %log3A_3845 = math.log %sub3A_3844 : vector<32x128xf32>
    %neg3A_3846 = arith.constant 0.000000e+00 : f32
    %neg3A_3847 = vector.broadcast %neg3A_3846 : f32 to vector<32x128xf32>
    %neg3A_3848 = arith.subf %neg3A_3847, %log3A_3845 : vector<32x128xf32>
    %mul3A_3849 = arith.mulf %mul3A_3841, %neg3A_3848 : vector<32x128xf32>
    %add3A_3850 = arith.addf %add3A_3742, %mul3A_3849 : vector<32x128xf32>
    %eq3A_3851 = arith.constant 70 : i32
    %eq3A_3852 = vector.broadcast %eq3A_3851 : i32 to vector<32x128xi32>
    %eq3A_3853 = arith.cmpi eq, %convert_element_type3A_1931, %eq3A_3852 : vector<32x128xi32>
    %select_n3A_3854 = arith.select %eq3A_3853, %min3A_3839, %select_n3A_3827 : vector<32x128xi1>, vector<32x128xf32>
    %get3A_3855 = arith.constant 0 : index
    %get3A_3856 = arith.constant 71 : index
    %get3A_3857 = arith.constant 0 : index
    %get3A_3858 = arith.constant 0 : index
    %get3A_3859 = vector.load %arg2[%get3A_3855, %get3A_3856, %get3A_3857, %get3A_3858] : memref<1x80x32x128xf32, #tpu.memory_space<vmem>>, vector<1x1x32x128xf32>
    %get3A_3860 = vector.shape_cast %get3A_3859 : vector<1x1x32x128xf32> to vector<32x128xf32>
    %jit3A_3861 = arith.constant 9.99999974E-5 : f32
    %jit3A_3862 = arith.constant 0.999899983 : f32
    %max3A_3863 = vector.broadcast %jit3A_3861 : f32 to vector<32x128xf32>
    %max3A_3864 = arith.maximumf %max3A_3863, %get3A_3860 : vector<32x128xf32>
    %min3A_3865 = vector.broadcast %jit3A_3862 : f32 to vector<32x128xf32>
    %min3A_3866 = arith.minimumf %min3A_3865, %max3A_3864 : vector<32x128xf32>
    %sqrt3A_3867 = math.sqrt %min3A_3866 : vector<32x128xf32>
    %mul3A_3868 = arith.mulf %min3A_3866, %sqrt3A_3867 : vector<32x128xf32>
    %sub3A_3869 = arith.constant 1.000000e+00 : f32
    %sub3A_3870 = vector.broadcast %sub3A_3869 : f32 to vector<32x128xf32>
    %sub3A_3871 = arith.subf %sub3A_3870, %min3A_3866 : vector<32x128xf32>
    %log3A_3872 = math.log %sub3A_3871 : vector<32x128xf32>
    %neg3A_3873 = arith.constant 0.000000e+00 : f32
    %neg3A_3874 = vector.broadcast %neg3A_3873 : f32 to vector<32x128xf32>
    %neg3A_3875 = arith.subf %neg3A_3874, %log3A_3872 : vector<32x128xf32>
    %mul3A_3876 = arith.mulf %mul3A_3868, %neg3A_3875 : vector<32x128xf32>
    %add3A_3877 = arith.addf %add3A_3769, %mul3A_3876 : vector<32x128xf32>
    %eq3A_3878 = arith.constant 71 : i32
    %eq3A_3879 = vector.broadcast %eq3A_3878 : i32 to vector<32x128xi32>
    %eq3A_3880 = arith.cmpi eq, %convert_element_type3A_1931, %eq3A_3879 : vector<32x128xi32>
    %select_n3A_3881 = arith.select %eq3A_3880, %min3A_3866, %select_n3A_3854 : vector<32x128xi1>, vector<32x128xf32>
    %get3A_3882 = arith.constant 0 : index
    %get3A_3883 = arith.constant 72 : index
    %get3A_3884 = arith.constant 0 : index
    %get3A_3885 = arith.constant 0 : index
    %get3A_3886 = vector.load %arg2[%get3A_3882, %get3A_3883, %get3A_3884, %get3A_3885] : memref<1x80x32x128xf32, #tpu.memory_space<vmem>>, vector<1x1x32x128xf32>
    %get3A_3887 = vector.shape_cast %get3A_3886 : vector<1x1x32x128xf32> to vector<32x128xf32>
    %jit3A_3888 = arith.constant 9.99999974E-5 : f32
    %jit3A_3889 = arith.constant 0.999899983 : f32
    %max3A_3890 = vector.broadcast %jit3A_3888 : f32 to vector<32x128xf32>
    %max3A_3891 = arith.maximumf %max3A_3890, %get3A_3887 : vector<32x128xf32>
    %min3A_3892 = vector.broadcast %jit3A_3889 : f32 to vector<32x128xf32>
    %min3A_3893 = arith.minimumf %min3A_3892, %max3A_3891 : vector<32x128xf32>
    %sqrt3A_3894 = math.sqrt %min3A_3893 : vector<32x128xf32>
    %mul3A_3895 = arith.mulf %min3A_3893, %sqrt3A_3894 : vector<32x128xf32>
    %sub3A_3896 = arith.constant 1.000000e+00 : f32
    %sub3A_3897 = vector.broadcast %sub3A_3896 : f32 to vector<32x128xf32>
    %sub3A_3898 = arith.subf %sub3A_3897, %min3A_3893 : vector<32x128xf32>
    %log3A_3899 = math.log %sub3A_3898 : vector<32x128xf32>
    %neg3A_3900 = arith.constant 0.000000e+00 : f32
    %neg3A_3901 = vector.broadcast %neg3A_3900 : f32 to vector<32x128xf32>
    %neg3A_3902 = arith.subf %neg3A_3901, %log3A_3899 : vector<32x128xf32>
    %mul3A_3903 = arith.mulf %mul3A_3895, %neg3A_3902 : vector<32x128xf32>
    %add3A_3904 = arith.addf %add3A_3796, %mul3A_3903 : vector<32x128xf32>
    %eq3A_3905 = arith.constant 72 : i32
    %eq3A_3906 = vector.broadcast %eq3A_3905 : i32 to vector<32x128xi32>
    %eq3A_3907 = arith.cmpi eq, %convert_element_type3A_1931, %eq3A_3906 : vector<32x128xi32>
    %select_n3A_3908 = arith.select %eq3A_3907, %min3A_3893, %select_n3A_3881 : vector<32x128xi1>, vector<32x128xf32>
    %get3A_3909 = arith.constant 0 : index
    %get3A_3910 = arith.constant 73 : index
    %get3A_3911 = arith.constant 0 : index
    %get3A_3912 = arith.constant 0 : index
    %get3A_3913 = vector.load %arg2[%get3A_3909, %get3A_3910, %get3A_3911, %get3A_3912] : memref<1x80x32x128xf32, #tpu.memory_space<vmem>>, vector<1x1x32x128xf32>
    %get3A_3914 = vector.shape_cast %get3A_3913 : vector<1x1x32x128xf32> to vector<32x128xf32>
    %jit3A_3915 = arith.constant 9.99999974E-5 : f32
    %jit3A_3916 = arith.constant 0.999899983 : f32
    %max3A_3917 = vector.broadcast %jit3A_3915 : f32 to vector<32x128xf32>
    %max3A_3918 = arith.maximumf %max3A_3917, %get3A_3914 : vector<32x128xf32>
    %min3A_3919 = vector.broadcast %jit3A_3916 : f32 to vector<32x128xf32>
    %min3A_3920 = arith.minimumf %min3A_3919, %max3A_3918 : vector<32x128xf32>
    %sqrt3A_3921 = math.sqrt %min3A_3920 : vector<32x128xf32>
    %mul3A_3922 = arith.mulf %min3A_3920, %sqrt3A_3921 : vector<32x128xf32>
    %sub3A_3923 = arith.constant 1.000000e+00 : f32
    %sub3A_3924 = vector.broadcast %sub3A_3923 : f32 to vector<32x128xf32>
    %sub3A_3925 = arith.subf %sub3A_3924, %min3A_3920 : vector<32x128xf32>
    %log3A_3926 = math.log %sub3A_3925 : vector<32x128xf32>
    %neg3A_3927 = arith.constant 0.000000e+00 : f32
    %neg3A_3928 = vector.broadcast %neg3A_3927 : f32 to vector<32x128xf32>
    %neg3A_3929 = arith.subf %neg3A_3928, %log3A_3926 : vector<32x128xf32>
    %mul3A_3930 = arith.mulf %mul3A_3922, %neg3A_3929 : vector<32x128xf32>
    %add3A_3931 = arith.addf %add3A_3823, %mul3A_3930 : vector<32x128xf32>
    %eq3A_3932 = arith.constant 73 : i32
    %eq3A_3933 = vector.broadcast %eq3A_3932 : i32 to vector<32x128xi32>
    %eq3A_3934 = arith.cmpi eq, %convert_element_type3A_1931, %eq3A_3933 : vector<32x128xi32>
    %select_n3A_3935 = arith.select %eq3A_3934, %min3A_3920, %select_n3A_3908 : vector<32x128xi1>, vector<32x128xf32>
    %get3A_3936 = arith.constant 0 : index
    %get3A_3937 = arith.constant 74 : index
    %get3A_3938 = arith.constant 0 : index
    %get3A_3939 = arith.constant 0 : index
    %get3A_3940 = vector.load %arg2[%get3A_3936, %get3A_3937, %get3A_3938, %get3A_3939] : memref<1x80x32x128xf32, #tpu.memory_space<vmem>>, vector<1x1x32x128xf32>
    %get3A_3941 = vector.shape_cast %get3A_3940 : vector<1x1x32x128xf32> to vector<32x128xf32>
    %jit3A_3942 = arith.constant 9.99999974E-5 : f32
    %jit3A_3943 = arith.constant 0.999899983 : f32
    %max3A_3944 = vector.broadcast %jit3A_3942 : f32 to vector<32x128xf32>
    %max3A_3945 = arith.maximumf %max3A_3944, %get3A_3941 : vector<32x128xf32>
    %min3A_3946 = vector.broadcast %jit3A_3943 : f32 to vector<32x128xf32>
    %min3A_3947 = arith.minimumf %min3A_3946, %max3A_3945 : vector<32x128xf32>
    %sqrt3A_3948 = math.sqrt %min3A_3947 : vector<32x128xf32>
    %mul3A_3949 = arith.mulf %min3A_3947, %sqrt3A_3948 : vector<32x128xf32>
    %sub3A_3950 = arith.constant 1.000000e+00 : f32
    %sub3A_3951 = vector.broadcast %sub3A_3950 : f32 to vector<32x128xf32>
    %sub3A_3952 = arith.subf %sub3A_3951, %min3A_3947 : vector<32x128xf32>
    %log3A_3953 = math.log %sub3A_3952 : vector<32x128xf32>
    %neg3A_3954 = arith.constant 0.000000e+00 : f32
    %neg3A_3955 = vector.broadcast %neg3A_3954 : f32 to vector<32x128xf32>
    %neg3A_3956 = arith.subf %neg3A_3955, %log3A_3953 : vector<32x128xf32>
    %mul3A_3957 = arith.mulf %mul3A_3949, %neg3A_3956 : vector<32x128xf32>
    %add3A_3958 = arith.addf %add3A_3850, %mul3A_3957 : vector<32x128xf32>
    %eq3A_3959 = arith.constant 74 : i32
    %eq3A_3960 = vector.broadcast %eq3A_3959 : i32 to vector<32x128xi32>
    %eq3A_3961 = arith.cmpi eq, %convert_element_type3A_1931, %eq3A_3960 : vector<32x128xi32>
    %select_n3A_3962 = arith.select %eq3A_3961, %min3A_3947, %select_n3A_3935 : vector<32x128xi1>, vector<32x128xf32>
    %get3A_3963 = arith.constant 0 : index
    %get3A_3964 = arith.constant 75 : index
    %get3A_3965 = arith.constant 0 : index
    %get3A_3966 = arith.constant 0 : index
    %get3A_3967 = vector.load %arg2[%get3A_3963, %get3A_3964, %get3A_3965, %get3A_3966] : memref<1x80x32x128xf32, #tpu.memory_space<vmem>>, vector<1x1x32x128xf32>
    %get3A_3968 = vector.shape_cast %get3A_3967 : vector<1x1x32x128xf32> to vector<32x128xf32>
    %jit3A_3969 = arith.constant 9.99999974E-5 : f32
    %jit3A_3970 = arith.constant 0.999899983 : f32
    %max3A_3971 = vector.broadcast %jit3A_3969 : f32 to vector<32x128xf32>
    %max3A_3972 = arith.maximumf %max3A_3971, %get3A_3968 : vector<32x128xf32>
    %min3A_3973 = vector.broadcast %jit3A_3970 : f32 to vector<32x128xf32>
    %min3A_3974 = arith.minimumf %min3A_3973, %max3A_3972 : vector<32x128xf32>
    %sqrt3A_3975 = math.sqrt %min3A_3974 : vector<32x128xf32>
    %mul3A_3976 = arith.mulf %min3A_3974, %sqrt3A_3975 : vector<32x128xf32>
    %sub3A_3977 = arith.constant 1.000000e+00 : f32
    %sub3A_3978 = vector.broadcast %sub3A_3977 : f32 to vector<32x128xf32>
    %sub3A_3979 = arith.subf %sub3A_3978, %min3A_3974 : vector<32x128xf32>
    %log3A_3980 = math.log %sub3A_3979 : vector<32x128xf32>
    %neg3A_3981 = arith.constant 0.000000e+00 : f32
    %neg3A_3982 = vector.broadcast %neg3A_3981 : f32 to vector<32x128xf32>
    %neg3A_3983 = arith.subf %neg3A_3982, %log3A_3980 : vector<32x128xf32>
    %mul3A_3984 = arith.mulf %mul3A_3976, %neg3A_3983 : vector<32x128xf32>
    %add3A_3985 = arith.addf %add3A_3877, %mul3A_3984 : vector<32x128xf32>
    %eq3A_3986 = arith.constant 75 : i32
    %eq3A_3987 = vector.broadcast %eq3A_3986 : i32 to vector<32x128xi32>
    %eq3A_3988 = arith.cmpi eq, %convert_element_type3A_1931, %eq3A_3987 : vector<32x128xi32>
    %select_n3A_3989 = arith.select %eq3A_3988, %min3A_3974, %select_n3A_3962 : vector<32x128xi1>, vector<32x128xf32>
    %get3A_3990 = arith.constant 0 : index
    %get3A_3991 = arith.constant 76 : index
    %get3A_3992 = arith.constant 0 : index
    %get3A_3993 = arith.constant 0 : index
    %get3A_3994 = vector.load %arg2[%get3A_3990, %get3A_3991, %get3A_3992, %get3A_3993] : memref<1x80x32x128xf32, #tpu.memory_space<vmem>>, vector<1x1x32x128xf32>
    %get3A_3995 = vector.shape_cast %get3A_3994 : vector<1x1x32x128xf32> to vector<32x128xf32>
    %jit3A_3996 = arith.constant 9.99999974E-5 : f32
    %jit3A_3997 = arith.constant 0.999899983 : f32
    %max3A_3998 = vector.broadcast %jit3A_3996 : f32 to vector<32x128xf32>
    %max3A_3999 = arith.maximumf %max3A_3998, %get3A_3995 : vector<32x128xf32>
    %min3A_4000 = vector.broadcast %jit3A_3997 : f32 to vector<32x128xf32>
    %min3A_4001 = arith.minimumf %min3A_4000, %max3A_3999 : vector<32x128xf32>
    %sqrt3A_4002 = math.sqrt %min3A_4001 : vector<32x128xf32>
    %mul3A_4003 = arith.mulf %min3A_4001, %sqrt3A_4002 : vector<32x128xf32>
    %sub3A_4004 = arith.constant 1.000000e+00 : f32
    %sub3A_4005 = vector.broadcast %sub3A_4004 : f32 to vector<32x128xf32>
    %sub3A_4006 = arith.subf %sub3A_4005, %min3A_4001 : vector<32x128xf32>
    %log3A_4007 = math.log %sub3A_4006 : vector<32x128xf32>
    %neg3A_4008 = arith.constant 0.000000e+00 : f32
    %neg3A_4009 = vector.broadcast %neg3A_4008 : f32 to vector<32x128xf32>
    %neg3A_4010 = arith.subf %neg3A_4009, %log3A_4007 : vector<32x128xf32>
    %mul3A_4011 = arith.mulf %mul3A_4003, %neg3A_4010 : vector<32x128xf32>
    %add3A_4012 = arith.addf %add3A_3904, %mul3A_4011 : vector<32x128xf32>
    %eq3A_4013 = arith.constant 76 : i32
    %eq3A_4014 = vector.broadcast %eq3A_4013 : i32 to vector<32x128xi32>
    %eq3A_4015 = arith.cmpi eq, %convert_element_type3A_1931, %eq3A_4014 : vector<32x128xi32>
    %select_n3A_4016 = arith.select %eq3A_4015, %min3A_4001, %select_n3A_3989 : vector<32x128xi1>, vector<32x128xf32>
    %get3A_4017 = arith.constant 0 : index
    %get3A_4018 = arith.constant 77 : index
    %get3A_4019 = arith.constant 0 : index
    %get3A_4020 = arith.constant 0 : index
    %get3A_4021 = vector.load %arg2[%get3A_4017, %get3A_4018, %get3A_4019, %get3A_4020] : memref<1x80x32x128xf32, #tpu.memory_space<vmem>>, vector<1x1x32x128xf32>
    %get3A_4022 = vector.shape_cast %get3A_4021 : vector<1x1x32x128xf32> to vector<32x128xf32>
    %jit3A_4023 = arith.constant 9.99999974E-5 : f32
    %jit3A_4024 = arith.constant 0.999899983 : f32
    %max3A_4025 = vector.broadcast %jit3A_4023 : f32 to vector<32x128xf32>
    %max3A_4026 = arith.maximumf %max3A_4025, %get3A_4022 : vector<32x128xf32>
    %min3A_4027 = vector.broadcast %jit3A_4024 : f32 to vector<32x128xf32>
    %min3A_4028 = arith.minimumf %min3A_4027, %max3A_4026 : vector<32x128xf32>
    %sqrt3A_4029 = math.sqrt %min3A_4028 : vector<32x128xf32>
    %mul3A_4030 = arith.mulf %min3A_4028, %sqrt3A_4029 : vector<32x128xf32>
    %sub3A_4031 = arith.constant 1.000000e+00 : f32
    %sub3A_4032 = vector.broadcast %sub3A_4031 : f32 to vector<32x128xf32>
    %sub3A_4033 = arith.subf %sub3A_4032, %min3A_4028 : vector<32x128xf32>
    %log3A_4034 = math.log %sub3A_4033 : vector<32x128xf32>
    %neg3A_4035 = arith.constant 0.000000e+00 : f32
    %neg3A_4036 = vector.broadcast %neg3A_4035 : f32 to vector<32x128xf32>
    %neg3A_4037 = arith.subf %neg3A_4036, %log3A_4034 : vector<32x128xf32>
    %mul3A_4038 = arith.mulf %mul3A_4030, %neg3A_4037 : vector<32x128xf32>
    %add3A_4039 = arith.addf %add3A_3931, %mul3A_4038 : vector<32x128xf32>
    %eq3A_4040 = arith.constant 77 : i32
    %eq3A_4041 = vector.broadcast %eq3A_4040 : i32 to vector<32x128xi32>
    %eq3A_4042 = arith.cmpi eq, %convert_element_type3A_1931, %eq3A_4041 : vector<32x128xi32>
    %select_n3A_4043 = arith.select %eq3A_4042, %min3A_4028, %select_n3A_4016 : vector<32x128xi1>, vector<32x128xf32>
    %get3A_4044 = arith.constant 0 : index
    %get3A_4045 = arith.constant 78 : index
    %get3A_4046 = arith.constant 0 : index
    %get3A_4047 = arith.constant 0 : index
    %get3A_4048 = vector.load %arg2[%get3A_4044, %get3A_4045, %get3A_4046, %get3A_4047] : memref<1x80x32x128xf32, #tpu.memory_space<vmem>>, vector<1x1x32x128xf32>
    %get3A_4049 = vector.shape_cast %get3A_4048 : vector<1x1x32x128xf32> to vector<32x128xf32>
    %jit3A_4050 = arith.constant 9.99999974E-5 : f32
    %jit3A_4051 = arith.constant 0.999899983 : f32
    %max3A_4052 = vector.broadcast %jit3A_4050 : f32 to vector<32x128xf32>
    %max3A_4053 = arith.maximumf %max3A_4052, %get3A_4049 : vector<32x128xf32>
    %min3A_4054 = vector.broadcast %jit3A_4051 : f32 to vector<32x128xf32>
    %min3A_4055 = arith.minimumf %min3A_4054, %max3A_4053 : vector<32x128xf32>
    %sqrt3A_4056 = math.sqrt %min3A_4055 : vector<32x128xf32>
    %mul3A_4057 = arith.mulf %min3A_4055, %sqrt3A_4056 : vector<32x128xf32>
    %sub3A_4058 = arith.constant 1.000000e+00 : f32
    %sub3A_4059 = vector.broadcast %sub3A_4058 : f32 to vector<32x128xf32>
    %sub3A_4060 = arith.subf %sub3A_4059, %min3A_4055 : vector<32x128xf32>
    %log3A_4061 = math.log %sub3A_4060 : vector<32x128xf32>
    %neg3A_4062 = arith.constant 0.000000e+00 : f32
    %neg3A_4063 = vector.broadcast %neg3A_4062 : f32 to vector<32x128xf32>
    %neg3A_4064 = arith.subf %neg3A_4063, %log3A_4061 : vector<32x128xf32>
    %mul3A_4065 = arith.mulf %mul3A_4057, %neg3A_4064 : vector<32x128xf32>
    %add3A_4066 = arith.addf %add3A_3958, %mul3A_4065 : vector<32x128xf32>
    %eq3A_4067 = arith.constant 78 : i32
    %eq3A_4068 = vector.broadcast %eq3A_4067 : i32 to vector<32x128xi32>
    %eq3A_4069 = arith.cmpi eq, %convert_element_type3A_1931, %eq3A_4068 : vector<32x128xi32>
    %select_n3A_4070 = arith.select %eq3A_4069, %min3A_4055, %select_n3A_4043 : vector<32x128xi1>, vector<32x128xf32>
    %get3A_4071 = arith.constant 0 : index
    %get3A_4072 = arith.constant 79 : index
    %get3A_4073 = arith.constant 0 : index
    %get3A_4074 = arith.constant 0 : index
    %get3A_4075 = vector.load %arg2[%get3A_4071, %get3A_4072, %get3A_4073, %get3A_4074] : memref<1x80x32x128xf32, #tpu.memory_space<vmem>>, vector<1x1x32x128xf32>
    %get3A_4076 = vector.shape_cast %get3A_4075 : vector<1x1x32x128xf32> to vector<32x128xf32>
    %jit3A_4077 = arith.constant 9.99999974E-5 : f32
    %jit3A_4078 = arith.constant 0.999899983 : f32
    %max3A_4079 = vector.broadcast %jit3A_4077 : f32 to vector<32x128xf32>
    %max3A_4080 = arith.maximumf %max3A_4079, %get3A_4076 : vector<32x128xf32>
    %min3A_4081 = vector.broadcast %jit3A_4078 : f32 to vector<32x128xf32>
    %min3A_4082 = arith.minimumf %min3A_4081, %max3A_4080 : vector<32x128xf32>
    %sqrt3A_4083 = math.sqrt %min3A_4082 : vector<32x128xf32>
    %mul3A_4084 = arith.mulf %min3A_4082, %sqrt3A_4083 : vector<32x128xf32>
    %sub3A_4085 = arith.constant 1.000000e+00 : f32
    %sub3A_4086 = vector.broadcast %sub3A_4085 : f32 to vector<32x128xf32>
    %sub3A_4087 = arith.subf %sub3A_4086, %min3A_4082 : vector<32x128xf32>
    %log3A_4088 = math.log %sub3A_4087 : vector<32x128xf32>
    %neg3A_4089 = arith.constant 0.000000e+00 : f32
    %neg3A_4090 = vector.broadcast %neg3A_4089 : f32 to vector<32x128xf32>
    %neg3A_4091 = arith.subf %neg3A_4090, %log3A_4088 : vector<32x128xf32>
    %mul3A_4092 = arith.mulf %mul3A_4084, %neg3A_4091 : vector<32x128xf32>
    %add3A_4093 = arith.addf %add3A_3985, %mul3A_4092 : vector<32x128xf32>
    %eq3A_4094 = arith.constant 79 : i32
    %eq3A_4095 = vector.broadcast %eq3A_4094 : i32 to vector<32x128xi32>
    %eq3A_4096 = arith.cmpi eq, %convert_element_type3A_1931, %eq3A_4095 : vector<32x128xi32>
    %select_n3A_4097 = arith.select %eq3A_4096, %min3A_4082, %select_n3A_4070 : vector<32x128xi1>, vector<32x128xf32>
    %add3A_4098 = arith.addf %add3A_4012, %add3A_4039 : vector<32x128xf32>
    %add3A_4099 = arith.addf %add3A_4066, %add3A_4093 : vector<32x128xf32>
    %add3A_4100 = arith.addf %add3A_4098, %add3A_4099 : vector<32x128xf32>
    %mul3A_4101 = arith.constant 7.500000e-01 : f32
    %mul3A_4102 = vector.broadcast %mul3A_4101 : f32 to vector<32x128xf32>
    %mul3A_4103 = arith.mulf %add3A_4100, %mul3A_4102 : vector<32x128xf32>
    %sub3A_4104 = arith.constant 1.000000e+00 : f32
    %sub3A_4105 = vector.broadcast %sub3A_4104 : f32 to vector<32x128xf32>
    %sub3A_4106 = arith.subf %sub3A_4105, %select_n3A_4097 : vector<32x128xf32>
    %sqrt3A_4107 = math.sqrt %sub3A_4106 : vector<32x128xf32>
    %mul3A_4108 = arith.mulf %sub3A_4106, %sqrt3A_4107 : vector<32x128xf32>
    %mul3A_4109 = arith.constant 2.500000e-01 : f32
    %mul3A_4110 = vector.broadcast %mul3A_4109 : f32 to vector<32x128xf32>
    %mul3A_4111 = arith.mulf %mul3A_4110, %mul3A_4108 : vector<32x128xf32>
    %log3A_4112 = math.log %select_n3A_4097 : vector<32x128xf32>
    %neg3A_4113 = arith.constant 0.000000e+00 : f32
    %neg3A_4114 = vector.broadcast %neg3A_4113 : f32 to vector<32x128xf32>
    %neg3A_4115 = arith.subf %neg3A_4114, %log3A_4112 : vector<32x128xf32>
    %mul3A_4116 = arith.mulf %mul3A_4111, %neg3A_4115 : vector<32x128xf32>
    %sqrt3A_4117 = math.sqrt %select_n3A_4097 : vector<32x128xf32>
    %mul3A_4118 = arith.mulf %select_n3A_4097, %sqrt3A_4117 : vector<32x128xf32>
    %mul3A_4119 = arith.constant 7.500000e-01 : f32
    %mul3A_4120 = vector.broadcast %mul3A_4119 : f32 to vector<32x128xf32>
    %mul3A_4121 = arith.mulf %mul3A_4120, %mul3A_4118 : vector<32x128xf32>
    %log3A_4122 = math.log %sub3A_4106 : vector<32x128xf32>
    %neg3A_4123 = arith.constant 0.000000e+00 : f32
    %neg3A_4124 = vector.broadcast %neg3A_4123 : f32 to vector<32x128xf32>
    %neg3A_4125 = arith.subf %neg3A_4124, %log3A_4122 : vector<32x128xf32>
    %mul3A_4126 = arith.mulf %mul3A_4121, %neg3A_4125 : vector<32x128xf32>
    %mul3A_4127 = arith.mulf %mul3A_4103, %convert_element_type3A_1930 : vector<32x128xf32>
    %sub3A_4128 = arith.subf %mul3A_4116, %mul3A_4126 : vector<32x128xf32>
    %mul3A_4129 = arith.mulf %convert_element_type3A_1928, %sub3A_4128 : vector<32x128xf32>
    %add3A_4130 = arith.addf %mul3A_4127, %mul3A_4129 : vector<32x128xf32>
    %reduce_sum3A = vector.shape_cast %add3A_4130 : vector<32x128xf32> to vector<1x32x128xf32>
    %reduce_sum3A_4131 = arith.constant dense<0.000000e+00> : vector<1xf32>
    %reduce_sum3A_4132 = vector.multi_reduction <add>, %reduce_sum3A, %reduce_sum3A_4131 [1, 2] : vector<1x32x128xf32> to vector<1xf32>
    %reduce_sum3A_4133 = vector.shape_cast %reduce_sum3A_4132 : vector<1xf32> to vector<1x1x1xf32>
    %reduce_sum3A_4134 = vector.extract %reduce_sum3A_4133[0, 0, 0] : f32 from vector<1x1x1xf32>
    %reduce_sum3A_4135 = vector.shape_cast %convert_element_type3A_1928 : vector<32x128xf32> to vector<1x32x128xf32>
    %reduce_sum3A_4136 = arith.constant dense<0.000000e+00> : vector<1xf32>
    %reduce_sum3A_4137 = vector.multi_reduction <add>, %reduce_sum3A_4135, %reduce_sum3A_4136 [1, 2] : vector<1x32x128xf32> to vector<1xf32>
    %reduce_sum3A_4138 = vector.shape_cast %reduce_sum3A_4137 : vector<1xf32> to vector<1x1x1xf32>
    %reduce_sum3A_4139 = vector.extract %reduce_sum3A_4138[0, 0, 0] : f32 from vector<1x1x1xf32>
    %get3A_4140 = arith.constant 0 : index
    %get3A_4141 = arith.constant 0 : index
    %get3A_4142 = arith.constant 0 : index
    %get3A_4143 = arith.constant 0 : index
    %get3A_4144 = vector.load %arg3[%get3A_4140, %get3A_4141, %get3A_4142, %get3A_4143] : memref<1x4x32x128xf32, #tpu.memory_space<vmem>>, vector<1x1x32x128xf32>
    %get3A_4145 = vector.shape_cast %get3A_4144 : vector<1x1x32x128xf32> to vector<32x128xf32>
    %get3A_4146 = arith.constant 0 : index
    %get3A_4147 = arith.constant 1 : index
    %get3A_4148 = arith.constant 0 : index
    %get3A_4149 = arith.constant 0 : index
    %get3A_4150 = vector.load %arg3[%get3A_4146, %get3A_4147, %get3A_4148, %get3A_4149] : memref<1x4x32x128xf32, #tpu.memory_space<vmem>>, vector<1x1x32x128xf32>
    %get3A_4151 = vector.shape_cast %get3A_4150 : vector<1x1x32x128xf32> to vector<32x128xf32>
    %get3A_4152 = arith.constant 0 : index
    %get3A_4153 = arith.constant 2 : index
    %get3A_4154 = arith.constant 0 : index
    %get3A_4155 = arith.constant 0 : index
    %get3A_4156 = vector.load %arg3[%get3A_4152, %get3A_4153, %get3A_4154, %get3A_4155] : memref<1x4x32x128xf32, #tpu.memory_space<vmem>>, vector<1x1x32x128xf32>
    %get3A_4157 = vector.shape_cast %get3A_4156 : vector<1x1x32x128xf32> to vector<32x128xf32>
    %get3A_4158 = arith.constant 0 : index
    %get3A_4159 = arith.constant 3 : index
    %get3A_4160 = arith.constant 0 : index
    %get3A_4161 = arith.constant 0 : index
    %get3A_4162 = vector.load %arg3[%get3A_4158, %get3A_4159, %get3A_4160, %get3A_4161] : memref<1x4x32x128xf32, #tpu.memory_space<vmem>>, vector<1x1x32x128xf32>
    %get3A_4163 = vector.shape_cast %get3A_4162 : vector<1x1x32x128xf32> to vector<32x128xf32>
    %sub3A_4164 = arith.subf %select_n3A_1918, %select_n3A_1914 : vector<32x128xf32>
    %sub3A_4165 = arith.subf %select_n3A_1920, %select_n3A_1916 : vector<32x128xf32>
    %mul3A_4166 = arith.constant 5.000000e-01 : f32
    %mul3A_4167 = vector.broadcast %mul3A_4166 : f32 to vector<32x128xf32>
    %mul3A_4168 = arith.mulf %mul3A_4167, %sub3A_4164 : vector<32x128xf32>
    %add3A_4169 = arith.addf %select_n3A_1914, %mul3A_4168 : vector<32x128xf32>
    %mul3A_4170 = arith.constant 5.000000e-01 : f32
    %mul3A_4171 = vector.broadcast %mul3A_4170 : f32 to vector<32x128xf32>
    %mul3A_4172 = arith.mulf %mul3A_4171, %sub3A_4165 : vector<32x128xf32>
    %add3A_4173 = arith.addf %select_n3A_1916, %mul3A_4172 : vector<32x128xf32>
    %max3A_4174 = arith.constant 1.000000e+00 : f32
    %max3A_4175 = vector.broadcast %max3A_4174 : f32 to vector<32x128xf32>
    %max3A_4176 = arith.maximumf %sub3A_4164, %max3A_4175 : vector<32x128xf32>
    %max3A_4177 = arith.constant 1.000000e+00 : f32
    %max3A_4178 = vector.broadcast %max3A_4177 : f32 to vector<32x128xf32>
    %max3A_4179 = arith.maximumf %sub3A_4165, %max3A_4178 : vector<32x128xf32>
    %sub3A_4180 = arith.subf %add3A_4169, %add3A : vector<32x128xf32>
    %div3A_4181 = arith.divf %sub3A_4180, %sub3A : vector<32x128xf32>
    %div3A_4182 = arith.constant 1.000000e-01 : f32
    %div3A_4183 = vector.broadcast %div3A_4182 : f32 to vector<32x128xf32>
    %div3A_4184 = arith.divf %div3A_4181, %div3A_4183 : vector<32x128xf32>
    %sub3A_4185 = arith.subf %add3A_4173, %add3A_27 : vector<32x128xf32>
    %div3A_4186 = arith.divf %sub3A_4185, %sub3A_21 : vector<32x128xf32>
    %div3A_4187 = arith.constant 1.000000e-01 : f32
    %div3A_4188 = vector.broadcast %div3A_4187 : f32 to vector<32x128xf32>
    %div3A_4189 = arith.divf %div3A_4186, %div3A_4188 : vector<32x128xf32>
    %div3A_4190 = arith.divf %max3A_4176, %sub3A : vector<32x128xf32>
    %log3A_4191 = math.log %div3A_4190 : vector<32x128xf32>
    %div3A_4192 = arith.constant 2.000000e-01 : f32
    %div3A_4193 = vector.broadcast %div3A_4192 : f32 to vector<32x128xf32>
    %div3A_4194 = arith.divf %log3A_4191, %div3A_4193 : vector<32x128xf32>
    %div3A_4195 = arith.divf %max3A_4179, %sub3A_21 : vector<32x128xf32>
    %log3A_4196 = math.log %div3A_4195 : vector<32x128xf32>
    %div3A_4197 = arith.constant 2.000000e-01 : f32
    %div3A_4198 = vector.broadcast %div3A_4197 : f32 to vector<32x128xf32>
    %div3A_4199 = arith.divf %log3A_4196, %div3A_4198 : vector<32x128xf32>
    %sub3A_4200 = arith.subf %div3A_4184, %get3A_4145 : vector<32x128xf32>
    %abs3A = math.absf %sub3A_4200 : vector<32x128xf32>
    %le3A = arith.constant 0.111111112 : f32
    %le3A_4201 = vector.broadcast %le3A : f32 to vector<32x128xf32>
    %le3A_4202 = arith.cmpf ole, %abs3A, %le3A_4201 : vector<32x128xf32>
    %mul3A_4203 = arith.constant 4.500000e+00 : f32
    %mul3A_4204 = vector.broadcast %mul3A_4203 : f32 to vector<32x128xf32>
    %mul3A_4205 = arith.mulf %mul3A_4204, %abs3A : vector<32x128xf32>
    %mul3A_4206 = arith.mulf %mul3A_4205, %abs3A : vector<32x128xf32>
    %sub3A_4207 = arith.constant 0.055555556 : f32
    %sub3A_4208 = vector.broadcast %sub3A_4207 : f32 to vector<32x128xf32>
    %sub3A_4209 = arith.subf %abs3A, %sub3A_4208 : vector<32x128xf32>
    %select_n3A_4210 = arith.select %le3A_4202, %mul3A_4206, %sub3A_4209 : vector<32x128xi1>, vector<32x128xf32>
    %sub3A_4211 = arith.subf %div3A_4189, %get3A_4151 : vector<32x128xf32>
    %abs3A_4212 = math.absf %sub3A_4211 : vector<32x128xf32>
    %le3A_4213 = arith.constant 0.111111112 : f32
    %le3A_4214 = vector.broadcast %le3A_4213 : f32 to vector<32x128xf32>
    %le3A_4215 = arith.cmpf ole, %abs3A_4212, %le3A_4214 : vector<32x128xf32>
    %mul3A_4216 = arith.constant 4.500000e+00 : f32
    %mul3A_4217 = vector.broadcast %mul3A_4216 : f32 to vector<32x128xf32>
    %mul3A_4218 = arith.mulf %mul3A_4217, %abs3A_4212 : vector<32x128xf32>
    %mul3A_4219 = arith.mulf %mul3A_4218, %abs3A_4212 : vector<32x128xf32>
    %sub3A_4220 = arith.constant 0.055555556 : f32
    %sub3A_4221 = vector.broadcast %sub3A_4220 : f32 to vector<32x128xf32>
    %sub3A_4222 = arith.subf %abs3A_4212, %sub3A_4221 : vector<32x128xf32>
    %select_n3A_4223 = arith.select %le3A_4215, %mul3A_4219, %sub3A_4222 : vector<32x128xi1>, vector<32x128xf32>
    %add3A_4224 = arith.addf %select_n3A_4210, %select_n3A_4223 : vector<32x128xf32>
    %sub3A_4225 = arith.subf %div3A_4194, %get3A_4157 : vector<32x128xf32>
    %abs3A_4226 = math.absf %sub3A_4225 : vector<32x128xf32>
    %le3A_4227 = arith.constant 0.111111112 : f32
    %le3A_4228 = vector.broadcast %le3A_4227 : f32 to vector<32x128xf32>
    %le3A_4229 = arith.cmpf ole, %abs3A_4226, %le3A_4228 : vector<32x128xf32>
    %mul3A_4230 = arith.constant 4.500000e+00 : f32
    %mul3A_4231 = vector.broadcast %mul3A_4230 : f32 to vector<32x128xf32>
    %mul3A_4232 = arith.mulf %mul3A_4231, %abs3A_4226 : vector<32x128xf32>
    %mul3A_4233 = arith.mulf %mul3A_4232, %abs3A_4226 : vector<32x128xf32>
    %sub3A_4234 = arith.constant 0.055555556 : f32
    %sub3A_4235 = vector.broadcast %sub3A_4234 : f32 to vector<32x128xf32>
    %sub3A_4236 = arith.subf %abs3A_4226, %sub3A_4235 : vector<32x128xf32>
    %select_n3A_4237 = arith.select %le3A_4229, %mul3A_4233, %sub3A_4236 : vector<32x128xi1>, vector<32x128xf32>
    %add3A_4238 = arith.addf %add3A_4224, %select_n3A_4237 : vector<32x128xf32>
    %sub3A_4239 = arith.subf %div3A_4199, %get3A_4163 : vector<32x128xf32>
    %abs3A_4240 = math.absf %sub3A_4239 : vector<32x128xf32>
    %le3A_4241 = arith.constant 0.111111112 : f32
    %le3A_4242 = vector.broadcast %le3A_4241 : f32 to vector<32x128xf32>
    %le3A_4243 = arith.cmpf ole, %abs3A_4240, %le3A_4242 : vector<32x128xf32>
    %mul3A_4244 = arith.constant 4.500000e+00 : f32
    %mul3A_4245 = vector.broadcast %mul3A_4244 : f32 to vector<32x128xf32>
    %mul3A_4246 = arith.mulf %mul3A_4245, %abs3A_4240 : vector<32x128xf32>
    %mul3A_4247 = arith.mulf %mul3A_4246, %abs3A_4240 : vector<32x128xf32>
    %sub3A_4248 = arith.constant 0.055555556 : f32
    %sub3A_4249 = vector.broadcast %sub3A_4248 : f32 to vector<32x128xf32>
    %sub3A_4250 = arith.subf %abs3A_4240, %sub3A_4249 : vector<32x128xf32>
    %select_n3A_4251 = arith.select %le3A_4243, %mul3A_4247, %sub3A_4250 : vector<32x128xi1>, vector<32x128xf32>
    %add3A_4252 = arith.addf %add3A_4238, %select_n3A_4251 : vector<32x128xf32>
    %mul3A_4253 = arith.mulf %add3A_4252, %convert_element_type3A_1928 : vector<32x128xf32>
    %reduce_sum3A_4254 = vector.shape_cast %mul3A_4253 : vector<32x128xf32> to vector<1x32x128xf32>
    %reduce_sum3A_4255 = arith.constant dense<0.000000e+00> : vector<1xf32>
    %reduce_sum3A_4256 = vector.multi_reduction <add>, %reduce_sum3A_4254, %reduce_sum3A_4255 [1, 2] : vector<1x32x128xf32> to vector<1xf32>
    %reduce_sum3A_4257 = vector.shape_cast %reduce_sum3A_4256 : vector<1xf32> to vector<1x1x1xf32>
    %reduce_sum3A_4258 = vector.extract %reduce_sum3A_4257[0, 0, 0] : f32 from vector<1x1x1xf32>
    %get3A_4259 = arith.index_cast %arg1 : i32 to index
    %get3A_4260 = arith.constant 0 : index
    %get3A_4261 = memref.load %arg8[%get3A_4259, %get3A_4260] : memref<8x4xf32, #tpu.memory_space<smem>>
    %add3A_4262 = arith.addf %get3A_4261, %reduce_sum3A_4134 : f32
    %swap3A = arith.index_cast %arg1 : i32 to index
    %swap3A_4263 = arith.constant 0 : index
    %swap3A_4264 = memref.load %arg8[%swap3A, %swap3A_4263] : memref<8x4xf32, #tpu.memory_space<smem>>
    memref.store %add3A_4262, %arg8[%swap3A, %swap3A_4263] : memref<8x4xf32, #tpu.memory_space<smem>>
    %get3A_4265 = arith.index_cast %arg1 : i32 to index
    %get3A_4266 = arith.constant 1 : index
    %get3A_4267 = memref.load %arg8[%get3A_4265, %get3A_4266] : memref<8x4xf32, #tpu.memory_space<smem>>
    %add3A_4268 = arith.addf %get3A_4267, %reduce_sum3A_4258 : f32
    %swap3A_4269 = arith.index_cast %arg1 : i32 to index
    %swap3A_4270 = arith.constant 1 : index
    %swap3A_4271 = memref.load %arg8[%swap3A_4269, %swap3A_4270] : memref<8x4xf32, #tpu.memory_space<smem>>
    memref.store %add3A_4268, %arg8[%swap3A_4269, %swap3A_4270] : memref<8x4xf32, #tpu.memory_space<smem>>
    %get3A_4272 = arith.index_cast %arg1 : i32 to index
    %get3A_4273 = arith.constant 2 : index
    %get3A_4274 = memref.load %arg8[%get3A_4272, %get3A_4273] : memref<8x4xf32, #tpu.memory_space<smem>>
    %add3A_4275 = arith.addf %get3A_4274, %reduce_sum3A_4139 : f32
    %swap3A_4276 = arith.index_cast %arg1 : i32 to index
    %swap3A_4277 = arith.constant 2 : index
    %swap3A_4278 = memref.load %arg8[%swap3A_4276, %swap3A_4277] : memref<8x4xf32, #tpu.memory_space<smem>>
    memref.store %add3A_4275, %arg8[%swap3A_4276, %swap3A_4277] : memref<8x4xf32, #tpu.memory_space<smem>>
    %eq3A_4279 = arith.constant 23 : i32
    %eq3A_4280 = arith.cmpi eq, %arg0, %eq3A_4279 : i32
    %eq3A_4281 = arith.constant 7 : i32
    %eq3A_4282 = arith.cmpi eq, %arg1, %eq3A_4281 : i32
    %and3A = arith.andi %eq3A_4280, %eq3A_4282 : i1
    %convert_element_type3A_4283 = arith.extui %and3A : i1 to i32
    %cond3A_4284 = arith.constant 0 : i32
    %cond3A_4285 = arith.cmpi ne, %convert_element_type3A_4283, %cond3A_4284 : i32
    scf.if %cond3A_4285 {
      %get3A_4286 = arith.constant 0 : index
      %get3A_4287 = arith.constant 2 : index
      %get3A_4288 = memref.load %arg8[%get3A_4286, %get3A_4287] : memref<8x4xf32, #tpu.memory_space<smem>>
      %max3A_4289 = arith.constant 1.000000e+00 : f32
      %max3A_4290 = arith.maximumf %get3A_4288, %max3A_4289 : f32
      %get3A_4291 = arith.constant 0 : index
      %get3A_4292 = arith.constant 0 : index
      %get3A_4293 = memref.load %arg8[%get3A_4291, %get3A_4292] : memref<8x4xf32, #tpu.memory_space<smem>>
      %div3A_4294 = arith.divf %get3A_4293, %max3A_4290 : f32
      %add3A_4295 = arith.constant 0.000000e+00 : f32
      %add3A_4296 = arith.addf %add3A_4295, %div3A_4294 : f32
      %gt3A_4297 = arith.constant 0.000000e+00 : f32
      %gt3A_4298 = arith.cmpf ogt, %get3A_4288, %gt3A_4297 : f32
      %get3A_4299 = arith.constant 0 : index
      %get3A_4300 = arith.constant 1 : index
      %get3A_4301 = memref.load %arg8[%get3A_4299, %get3A_4300] : memref<8x4xf32, #tpu.memory_space<smem>>
      %mul3A_4302 = arith.constant 4.000000e+00 : f32
      %mul3A_4303 = arith.mulf %mul3A_4302, %max3A_4290 : f32
      %div3A_4304 = arith.divf %get3A_4301, %mul3A_4303 : f32
      %jit3A_4305 = arith.constant 0.000000e+00 : f32
      %select_n3A_4306 = arith.select %gt3A_4298, %div3A_4304, %jit3A_4305 : f32
      %add3A_4307 = arith.constant 0.000000e+00 : f32
      %add3A_4308 = arith.addf %add3A_4307, %select_n3A_4306 : f32
      %get3A_4309 = arith.constant 1 : index
      %get3A_4310 = arith.constant 2 : index
      %get3A_4311 = memref.load %arg8[%get3A_4309, %get3A_4310] : memref<8x4xf32, #tpu.memory_space<smem>>
      %max3A_4312 = arith.constant 1.000000e+00 : f32
      %max3A_4313 = arith.maximumf %get3A_4311, %max3A_4312 : f32
      %get3A_4314 = arith.constant 1 : index
      %get3A_4315 = arith.constant 0 : index
      %get3A_4316 = memref.load %arg8[%get3A_4314, %get3A_4315] : memref<8x4xf32, #tpu.memory_space<smem>>
      %div3A_4317 = arith.divf %get3A_4316, %max3A_4313 : f32
      %add3A_4318 = arith.addf %add3A_4296, %div3A_4317 : f32
      %gt3A_4319 = arith.constant 0.000000e+00 : f32
      %gt3A_4320 = arith.cmpf ogt, %get3A_4311, %gt3A_4319 : f32
      %get3A_4321 = arith.constant 1 : index
      %get3A_4322 = arith.constant 1 : index
      %get3A_4323 = memref.load %arg8[%get3A_4321, %get3A_4322] : memref<8x4xf32, #tpu.memory_space<smem>>
      %mul3A_4324 = arith.constant 4.000000e+00 : f32
      %mul3A_4325 = arith.mulf %mul3A_4324, %max3A_4313 : f32
      %div3A_4326 = arith.divf %get3A_4323, %mul3A_4325 : f32
      %jit3A_4327 = arith.constant 0.000000e+00 : f32
      %select_n3A_4328 = arith.select %gt3A_4320, %div3A_4326, %jit3A_4327 : f32
      %add3A_4329 = arith.addf %add3A_4308, %select_n3A_4328 : f32
      %get3A_4330 = arith.constant 2 : index
      %get3A_4331 = arith.constant 2 : index
      %get3A_4332 = memref.load %arg8[%get3A_4330, %get3A_4331] : memref<8x4xf32, #tpu.memory_space<smem>>
      %max3A_4333 = arith.constant 1.000000e+00 : f32
      %max3A_4334 = arith.maximumf %get3A_4332, %max3A_4333 : f32
      %get3A_4335 = arith.constant 2 : index
      %get3A_4336 = arith.constant 0 : index
      %get3A_4337 = memref.load %arg8[%get3A_4335, %get3A_4336] : memref<8x4xf32, #tpu.memory_space<smem>>
      %div3A_4338 = arith.divf %get3A_4337, %max3A_4334 : f32
      %add3A_4339 = arith.addf %add3A_4318, %div3A_4338 : f32
      %gt3A_4340 = arith.constant 0.000000e+00 : f32
      %gt3A_4341 = arith.cmpf ogt, %get3A_4332, %gt3A_4340 : f32
      %get3A_4342 = arith.constant 2 : index
      %get3A_4343 = arith.constant 1 : index
      %get3A_4344 = memref.load %arg8[%get3A_4342, %get3A_4343] : memref<8x4xf32, #tpu.memory_space<smem>>
      %mul3A_4345 = arith.constant 4.000000e+00 : f32
      %mul3A_4346 = arith.mulf %mul3A_4345, %max3A_4334 : f32
      %div3A_4347 = arith.divf %get3A_4344, %mul3A_4346 : f32
      %jit3A_4348 = arith.constant 0.000000e+00 : f32
      %select_n3A_4349 = arith.select %gt3A_4341, %div3A_4347, %jit3A_4348 : f32
      %add3A_4350 = arith.addf %add3A_4329, %select_n3A_4349 : f32
      %get3A_4351 = arith.constant 3 : index
      %get3A_4352 = arith.constant 2 : index
      %get3A_4353 = memref.load %arg8[%get3A_4351, %get3A_4352] : memref<8x4xf32, #tpu.memory_space<smem>>
      %max3A_4354 = arith.constant 1.000000e+00 : f32
      %max3A_4355 = arith.maximumf %get3A_4353, %max3A_4354 : f32
      %get3A_4356 = arith.constant 3 : index
      %get3A_4357 = arith.constant 0 : index
      %get3A_4358 = memref.load %arg8[%get3A_4356, %get3A_4357] : memref<8x4xf32, #tpu.memory_space<smem>>
      %div3A_4359 = arith.divf %get3A_4358, %max3A_4355 : f32
      %add3A_4360 = arith.addf %add3A_4339, %div3A_4359 : f32
      %gt3A_4361 = arith.constant 0.000000e+00 : f32
      %gt3A_4362 = arith.cmpf ogt, %get3A_4353, %gt3A_4361 : f32
      %get3A_4363 = arith.constant 3 : index
      %get3A_4364 = arith.constant 1 : index
      %get3A_4365 = memref.load %arg8[%get3A_4363, %get3A_4364] : memref<8x4xf32, #tpu.memory_space<smem>>
      %mul3A_4366 = arith.constant 4.000000e+00 : f32
      %mul3A_4367 = arith.mulf %mul3A_4366, %max3A_4355 : f32
      %div3A_4368 = arith.divf %get3A_4365, %mul3A_4367 : f32
      %jit3A_4369 = arith.constant 0.000000e+00 : f32
      %select_n3A_4370 = arith.select %gt3A_4362, %div3A_4368, %jit3A_4369 : f32
      %add3A_4371 = arith.addf %add3A_4350, %select_n3A_4370 : f32
      %get3A_4372 = arith.constant 4 : index
      %get3A_4373 = arith.constant 2 : index
      %get3A_4374 = memref.load %arg8[%get3A_4372, %get3A_4373] : memref<8x4xf32, #tpu.memory_space<smem>>
      %max3A_4375 = arith.constant 1.000000e+00 : f32
      %max3A_4376 = arith.maximumf %get3A_4374, %max3A_4375 : f32
      %get3A_4377 = arith.constant 4 : index
      %get3A_4378 = arith.constant 0 : index
      %get3A_4379 = memref.load %arg8[%get3A_4377, %get3A_4378] : memref<8x4xf32, #tpu.memory_space<smem>>
      %div3A_4380 = arith.divf %get3A_4379, %max3A_4376 : f32
      %add3A_4381 = arith.addf %add3A_4360, %div3A_4380 : f32
      %gt3A_4382 = arith.constant 0.000000e+00 : f32
      %gt3A_4383 = arith.cmpf ogt, %get3A_4374, %gt3A_4382 : f32
      %get3A_4384 = arith.constant 4 : index
      %get3A_4385 = arith.constant 1 : index
      %get3A_4386 = memref.load %arg8[%get3A_4384, %get3A_4385] : memref<8x4xf32, #tpu.memory_space<smem>>
      %mul3A_4387 = arith.constant 4.000000e+00 : f32
      %mul3A_4388 = arith.mulf %mul3A_4387, %max3A_4376 : f32
      %div3A_4389 = arith.divf %get3A_4386, %mul3A_4388 : f32
      %jit3A_4390 = arith.constant 0.000000e+00 : f32
      %select_n3A_4391 = arith.select %gt3A_4383, %div3A_4389, %jit3A_4390 : f32
      %add3A_4392 = arith.addf %add3A_4371, %select_n3A_4391 : f32
      %get3A_4393 = arith.constant 5 : index
      %get3A_4394 = arith.constant 2 : index
      %get3A_4395 = memref.load %arg8[%get3A_4393, %get3A_4394] : memref<8x4xf32, #tpu.memory_space<smem>>
      %max3A_4396 = arith.constant 1.000000e+00 : f32
      %max3A_4397 = arith.maximumf %get3A_4395, %max3A_4396 : f32
      %get3A_4398 = arith.constant 5 : index
      %get3A_4399 = arith.constant 0 : index
      %get3A_4400 = memref.load %arg8[%get3A_4398, %get3A_4399] : memref<8x4xf32, #tpu.memory_space<smem>>
      %div3A_4401 = arith.divf %get3A_4400, %max3A_4397 : f32
      %add3A_4402 = arith.addf %add3A_4381, %div3A_4401 : f32
      %gt3A_4403 = arith.constant 0.000000e+00 : f32
      %gt3A_4404 = arith.cmpf ogt, %get3A_4395, %gt3A_4403 : f32
      %get3A_4405 = arith.constant 5 : index
      %get3A_4406 = arith.constant 1 : index
      %get3A_4407 = memref.load %arg8[%get3A_4405, %get3A_4406] : memref<8x4xf32, #tpu.memory_space<smem>>
      %mul3A_4408 = arith.constant 4.000000e+00 : f32
      %mul3A_4409 = arith.mulf %mul3A_4408, %max3A_4397 : f32
      %div3A_4410 = arith.divf %get3A_4407, %mul3A_4409 : f32
      %jit3A_4411 = arith.constant 0.000000e+00 : f32
      %select_n3A_4412 = arith.select %gt3A_4404, %div3A_4410, %jit3A_4411 : f32
      %add3A_4413 = arith.addf %add3A_4392, %select_n3A_4412 : f32
      %get3A_4414 = arith.constant 6 : index
      %get3A_4415 = arith.constant 2 : index
      %get3A_4416 = memref.load %arg8[%get3A_4414, %get3A_4415] : memref<8x4xf32, #tpu.memory_space<smem>>
      %max3A_4417 = arith.constant 1.000000e+00 : f32
      %max3A_4418 = arith.maximumf %get3A_4416, %max3A_4417 : f32
      %get3A_4419 = arith.constant 6 : index
      %get3A_4420 = arith.constant 0 : index
      %get3A_4421 = memref.load %arg8[%get3A_4419, %get3A_4420] : memref<8x4xf32, #tpu.memory_space<smem>>
      %div3A_4422 = arith.divf %get3A_4421, %max3A_4418 : f32
      %add3A_4423 = arith.addf %add3A_4402, %div3A_4422 : f32
      %gt3A_4424 = arith.constant 0.000000e+00 : f32
      %gt3A_4425 = arith.cmpf ogt, %get3A_4416, %gt3A_4424 : f32
      %get3A_4426 = arith.constant 6 : index
      %get3A_4427 = arith.constant 1 : index
      %get3A_4428 = memref.load %arg8[%get3A_4426, %get3A_4427] : memref<8x4xf32, #tpu.memory_space<smem>>
      %mul3A_4429 = arith.constant 4.000000e+00 : f32
      %mul3A_4430 = arith.mulf %mul3A_4429, %max3A_4418 : f32
      %div3A_4431 = arith.divf %get3A_4428, %mul3A_4430 : f32
      %jit3A_4432 = arith.constant 0.000000e+00 : f32
      %select_n3A_4433 = arith.select %gt3A_4425, %div3A_4431, %jit3A_4432 : f32
      %add3A_4434 = arith.addf %add3A_4413, %select_n3A_4433 : f32
      %get3A_4435 = arith.constant 7 : index
      %get3A_4436 = arith.constant 2 : index
      %get3A_4437 = memref.load %arg8[%get3A_4435, %get3A_4436] : memref<8x4xf32, #tpu.memory_space<smem>>
      %max3A_4438 = arith.constant 1.000000e+00 : f32
      %max3A_4439 = arith.maximumf %get3A_4437, %max3A_4438 : f32
      %get3A_4440 = arith.constant 7 : index
      %get3A_4441 = arith.constant 0 : index
      %get3A_4442 = memref.load %arg8[%get3A_4440, %get3A_4441] : memref<8x4xf32, #tpu.memory_space<smem>>
      %div3A_4443 = arith.divf %get3A_4442, %max3A_4439 : f32
      %add3A_4444 = arith.addf %add3A_4423, %div3A_4443 : f32
      %gt3A_4445 = arith.constant 0.000000e+00 : f32
      %gt3A_4446 = arith.cmpf ogt, %get3A_4437, %gt3A_4445 : f32
      %get3A_4447 = arith.constant 7 : index
      %get3A_4448 = arith.constant 1 : index
      %get3A_4449 = memref.load %arg8[%get3A_4447, %get3A_4448] : memref<8x4xf32, #tpu.memory_space<smem>>
      %mul3A_4450 = arith.constant 4.000000e+00 : f32
      %mul3A_4451 = arith.mulf %mul3A_4450, %max3A_4439 : f32
      %div3A_4452 = arith.divf %get3A_4449, %mul3A_4451 : f32
      %jit3A_4453 = arith.constant 0.000000e+00 : f32
      %select_n3A_4454 = arith.select %gt3A_4446, %div3A_4452, %jit3A_4453 : f32
      %add3A_4455 = arith.addf %add3A_4434, %select_n3A_4454 : f32
      %div3A_4456 = arith.constant 8.000000e+00 : f32
      %div3A_4457 = arith.divf %add3A_4444, %div3A_4456 : f32
      %swap3A_4458 = arith.constant 0 : index
      %swap3A_4459 = arith.constant 0 : index
      %swap3A_4460 = memref.load %arg6[%swap3A_4458, %swap3A_4459] : memref<1x1xf32, #tpu.memory_space<smem>>
      memref.store %div3A_4457, %arg6[%swap3A_4458, %swap3A_4459] : memref<1x1xf32, #tpu.memory_space<smem>>
      %div3A_4461 = arith.constant 8.000000e+00 : f32
      %div3A_4462 = arith.divf %add3A_4455, %div3A_4461 : f32
      %swap3A_4463 = arith.constant 0 : index
      %swap3A_4464 = arith.constant 0 : index
      %swap3A_4465 = memref.load %arg7[%swap3A_4463, %swap3A_4464] : memref<1x1xf32, #tpu.memory_space<smem>>
      memref.store %div3A_4462, %arg7[%swap3A_4463, %swap3A_4464] : memref<1x1xf32, #tpu.memory_space<smem>>
    } else {
    }
    return
  }
  func.func @transform_0(%arg0: i32, %arg1: i32) -> (i32, i32, i32, i32) {
    %c0_i32 = arith.constant 0 : i32
    %c0_i32_0 = arith.constant 0 : i32
    %c0_i32_1 = arith.constant 0 : i32
    return %arg1, %c0_i32, %arg0, %c0_i32_0 : i32, i32, i32, i32
  }
  func.func @transform_1(%arg0: i32, %arg1: i32) -> (i32, i32, i32, i32) {
    %c0_i32 = arith.constant 0 : i32
    %c0_i32_0 = arith.constant 0 : i32
    %c0_i32_1 = arith.constant 0 : i32
    return %arg1, %c0_i32, %arg0, %c0_i32_0 : i32, i32, i32, i32
  }
  func.func @transform_2(%arg0: i32, %arg1: i32) -> (i32, i32, i32) {
    %c0_i32 = arith.constant 0 : i32
    %c0_i32_0 = arith.constant 0 : i32
    %c0_i32_1 = arith.constant 0 : i32
    return %c0_i32, %arg0, %c0_i32_0 : i32, i32, i32
  }
  func.func @transform_3(%arg0: i32, %arg1: i32) -> (i32, i32, i32) {
    %c0_i32 = arith.constant 0 : i32
    %c0_i32_0 = arith.constant 0 : i32
    %c0_i32_1 = arith.constant 0 : i32
    return %arg1, %c0_i32, %c0_i32_0 : i32, i32, i32
  }
  func.func @transform_4(%arg0: i32, %arg1: i32) -> (i32, i32) {
    %c0_i32 = arith.constant 0 : i32
    %c0_i32_0 = arith.constant 0 : i32
    %c0_i32_1 = arith.constant 0 : i32
    return %c0_i32, %c0_i32_0 : i32, i32
  }
  func.func @transform_5(%arg0: i32, %arg1: i32) -> (i32, i32) {
    %c0_i32 = arith.constant 0 : i32
    %c0_i32_0 = arith.constant 0 : i32
    %c0_i32_1 = arith.constant 0 : i32
    return %c0_i32, %c0_i32_0 : i32, i32
  }
}

</mosaic_0001>

<sc_bundles>
// kernel: sparse-core-data-format-call.cloned.1.call-start
scs
called_computation_lowered:
.L_overlay_start_0:
0x0: {  	s2 =	sld [smem:$0x3FD9]  }
0x1: {  	s3 =	sld [smem:$0x3FFE];
	_ =	sdelay $0x1  }
0x2: {  	s1 =	srdreg.scid  }
0x3: {  	s0 =	sand.u32 $0x1, s1  }
0x4: {  	s18 =	sshll.u32 s0, $0xA;
	s2 =	sadd.s32 s3, s2  }
0x5: {  	s2 =	sadd.s32 s2, s18  }
0x6: {  	[smem:$0x3FC4] =	sst s2  }
0x7: {  	_ = 	snop  }
0x8: {  	s2 =	sld [smem:$0x3FC9];
	(tm) =	ssettm $0x1  }
0x9: {  	s19 =	sld [smem:$0x3FFB];
	_ =	sdelay $0x3  }
0xa: {  	_ =	strace s19  }
0xb: {  	s3 =	sld [smem:$0x3FFC];
	_ =	sdelay $0x3  }
0xc: {  	_ =	strace s3  }
0xd: {  	s3 =	sld [smem:$0x3FFD];
	_ =	sdelay $0x3  }
0xe: {  	_ =	strace s3  }
0xf: {  	_ =	strace $0x8FFFFFFF  }
0x10: {  	s20 =	sld [smem:$0x3FDB];
	_ =	sdelay $0x1  }
0x11: {  	s4 =	simm.s32 $_scs_section_size  }
0x12: {  	s5 =	simm.s32 $_size__tile_overlayer_lowered;
	s6 =	simm.s32 $_tile_overlayer_lowered  }
0x13: {  	s23 =	simm.s32 $0x1BFF;
	s22 =	sshll.u32 s6, $0x1;
	s3 =	sadd.s32 s4, s20  }
0x14: {  	s7 =	simm.s32 $0x0;
	s21 =	sshll.u32 s5, $0x1;
	s5 =	sadd.s32 s22, s3  }
0x15: {  	[timem:s7], [sflag:s23] =	dma.local [hbm:s5], s21  }
0x16: {  	_ =	swait.ge [sflag:s23], s21  }
0x17: {  	s4 =	ssub.s32 $0x0, s21;
	[sflag:s23] =	ssyncset.done $0x0  }
0x18: {  	[sflag:s23] =	ssyncadd.s32 s4;
	_ =	sdelay $0x1  }
0x19: {  	s24 =	simm.s32 $0x1B8B  }
0x1a: {  	_ =	swait.ge [sflag:s24], $0x1  }
0x1b: {  	[sflag:s24] =	ssyncset.done $0x0  }
0x1c: {  	s26 =	simm.s32 $0x1B8E;
	s25 =	sld [smem:$0x3FFE];
	[sflag:s24] =	ssyncadd.s32 $0xFFFFFFFF  }
0x1d: {  	s27 =	simm.s32 $execute0_lowered;
	[smem:$0x3FD2] =	sst s26  }
0x1e: {  	s5 =	sshll.u32 s27, $0x1;
	_ =	strace $0x80000046;
	[dreg:$0x1] =	wrdreg $0xFFFFFFFF  }
0x1f: {  	s28 =	simm.s32 $_size_execute0_lowered;
	s3 =	sadd.s32 s3, s5;
	[dreg:$0x0] =	wrdreg $0x0  }
0x20: {  	s5 =	sshll.u32 s28, $0x1;
	[dreg:$0x2] =	wrdreg s3  }
0x21: {  	[dreg:$0x3] =	wrdreg s5  }
0x22: {  	[dreg:$0x4] =	wrdreg $0xC0  }
0x23: {  	_ =	task [dreg:s7], $0x5FFFF  }
0x24: {  	[dreg:$0x1] =	wrdreg $0xFFFFFFFF  }
0x25: {  	[dreg:$0x0] =	wrdreg $0x60  }
0x26: {  	[dreg:$0x2] =	wrdreg s2  }
0x27: {  	[dreg:$0x3] =	wrdreg s25  }
0x28: {  	[dreg:$0x4] =	wrdreg $0x9  }
0x29: {  	_ =	task.clear_ibuf [dreg:s7], $0x5FFFF;
	_ =	strace $0x90000046  }
0x2a: {  	s29 =	simm.s32 $0x9;
	_ =	strace $0x80000048  }
0x2b: {  	_ =	swait.ge [sflag:s29], $0x1  }
0x2c: {  	[sflag:s29] =	ssyncadd.s32 $0xFFFFFFFF  }
0x2d: {  	_ =	strace $0x90000048  }
0x2e: {  	_ =	sfence  }
0x2f: {  	s30 =	sld [smem:$0x0];
	_ =	sdelay $0x2  }
0x30: {  	s31 =	sshll.u32 s1, $0xD;
	s1 =	sshrl.u32 s1, $0x2  }
0x31: {  	s3 =	sand.u32 $0x4000, s31;
	s1 =	sadd.s32 s1, s30  }
0x32: {  	s0 =	sor.u32 s3, s0;
	s1 =	sshll.u32 s1, $0x11  }
0x33: {  	s0 =	sor.u32 s1, s0  }
0x34: {  	s0 =	sadd.s32 $0x8F2B, s0  }
0x35: {  	[sflag:s0] =	ssyncadd.remote.s32 $0x1  }
0x36: {  	_ =	sfence.sel $0xFFFF  }
0x37: {  	[dreg:$0x0] =	wrdreg $0xFFFFFFFF;
	(pc) =	sbr.abs _section_cstart, $3  }
0x38: {  	[dreg:$0x1] =	wrdreg $0xFFFFFFFF  }
0x39: {  	_ =	task.clear_ibuf [dreg:s7], $0x2FFFF;
	_ =	strace $0x9FFFFFFF  }
0x3a: {  	(tm) =	ssettm $0x7FFFFFFF  }
0x3b: {  	_ =	shalt  }
tec
execute0_lowered:
.L_overlay_start_1:
0x0: {  	(tag) =	ssettag $0x1  }
0x1: {  	s2 =	rddreg [dreg:$0x0]  }
0x2: {  	s0 =	srdreg.scid;
	s6 =	rddreg [dreg:$0x1]  }
0x3: {  	s7 =	simm.s32 $0x2;
	s14 =	simm.s32 $0x0;
	s1 =	sshll.u32 s0, $0x4  }
0x4: {  	s8 =	simm.s32 $0x800;
	s0 =	stileid.u32;
	s1 =	sand.u32 $0x10, s1  }
0x5: {  	s9 =	simm.s32 $0x18000;
	s10 =	simm.s32 $0x0;
	s3 =	sor.u32 s0, s1  }
.Ltmp0:
0x6: {  	s15 =	simm.s32 $0x0;
	s4 =	ssub.s32 $0x6F, s3;
	(pc) =	sbr.rel .LBB1_1-.Ltmp0, $4  }
0x7: {  	s11 =	simm.s32 $0x0;
	s1 =	rddreg [dreg:$0x2];
	s5 =	sshrl.u32 s4, $0x5  }
0x8: {  	_ =	strace $0x80000047;
	s4 =	simm.s32 $0x1;
	s5 =	smul.u32 $0x30, s5  }
0x9: {  	s13 =	simm.s32 $0x0;
	s6 =	sadd.s32 $0x800, s6;
	[sflag:s4] =	ssyncpa.u1 $0x0  }
0xa: {  	s12 =	smov.u32 s3;
	[sflag:s7] =	ssyncpa.u1 $0x0;
	s7 =	sor.u32 $0x1, s5  }
.LBB1_7:
0xb: {  	s16 =	sadd.s32 $0x10, s11  }
0xc: {  	s14 =	sadd.s32 $0x20, s12;
	s18 =	smov.u32 s12;
	p1 =	sgt.s32 s16, $0x2FF  }
0xd: {  	s18 =	smov.u32 @p1 s14  }
0xe: {  	s16 =	simm.s32 @p1 $0x0;
	p1 =	sgt.s32 s18, $0x4F  }
0xf: {  	s18 =	smov.u32 @p1 s3;
	p1 =	sne.s32 s13, s7  }
.Ltmp1:
0x10: {  	p0 =	slt.u32 s13, $0x2;
	(pc) =	sbr.rel @!p1 .LBB1_8-.Ltmp1, $4  }
0x11: {  	s17 =	simm.s32 @!p0 $0x2  }
0x12: {  	s15 =	smov.u32 s12;
	s10 =	sadd.s32 $0x4000, s10;
	_ =	swait.ge @!p0 [sflag:s17], $0x4000  }
0x13: {  	s14 =	smov.u32 s11;
	[sflag:s17] =	ssyncset.done @!p0 $0x0;
	s11 =	smov.u32 s16  }
0x14: {  	s13 =	sadd.s32 $0x1, s13;
	[sflag:s17] =	ssyncadd.s32 @!p0 $0xFFFFC000;
	s12 =	smov.u32 s18  }
.LBB1_1:
0x15: {  	p0 =	sge.u32 s13, s5  }
0x16: {  	s16 =	smul.u32 @!p0 $0x18000, s12  }
0x17: {  	s31 =	sadd.s32 $0xFFFFFFFF, s13;
	s17 =	sxor.u32 @!p0 $0xFFFFFFFF, s13  }
0x18: {  	s18 =	sshll.u32 @!p0 s11, $0x7;
	s17 =	sshll.u32 @!p0 s17, $0xE;
	s16 =	sadd.s32 @!p0 s2, s16  }
0x19: {  	s17 =	sand.u32 @!p0 $0x4000, s17;
	s16 =	sadd.s32 @!p0 s18, s16;
	s18 =	simm.s32 @!p0 $0x0  }
0x1a: {  	[tilespmem:s17], [sflag:$0x1] =	stream.linear.gather @!p0 [hbm4b:s16+s18], $0x4000, $0x38;
	[tilespmem:$0x10000] =	vst v63  }
0x1b: {  	p0 =	sge.u32 s31, s5  }
.Ltmp2:
0x1c: {  	_ = 	snop;
	(pc) =	sbr.rel @p0 .LBB1_7-.Ltmp2, $1  }
0x1d: {  	_ =	sdelay $0x3  }
0x1e: {  	s16 =	sand.u32 $0x4000, s10  }
0x1f: {  	_ =	swait.ge [sflag:s4], $0x4000;
	s19 =	sshll.u32 s13, $0xE;
	s17 =	sor.u32 $0x8040, s16  }
0x20: {  	s18 =	sor.u32 $0x40, s16;
	[sflag:s4] =	ssyncset.done $0x0;
	s31 =	sand.u32 $0x4000, s19  }
0x21: {  	s19 =	simm.s32 $0x0;
	[sflag:s4] =	ssyncadd.s32 $0xFFFFC000;
	s16 =	sor.u32 $0x8000, s31  }
.LBB1_3:
0x22: {  	v0 =	vmov s18;
	_ =	sdelay $0x3  }
0x23: {  	s21 =	simm.s32 $0x0  }
0x24: {  	v6 =	vld.idx.msk [tilespmem:v0+s21+$0x30 ss:$0x1], $0xffff  }
0x25: {  	v7 =	vld.idx.msk [tilespmem:v0+s21+$0xFFFFFFC0 ss:$0x1], $0xffff  }
0x26: {  	v5 =	vld.idx.msk [tilespmem:v0+s21+$0xFFFFFFD0 ss:$0x1], $0xffff  }
0x27: {  	v4 =	vld.idx.msk [tilespmem:v0+s21+$0xFFFFFFE0 ss:$0x1], $0xffff  }
0x28: {  	v3 =	vld.idx.msk [tilespmem:v0+s21+$0xFFFFFFF0 ss:$0x1], $0xffff  }
0x29: {  	v1 =	vld.idx.msk [tilespmem:v0+s21+$0x0 ss:$0x1], $0xffff  }
0x2a: {  	v2 =	vld.idx.msk [tilespmem:v0+s21+$0x10 ss:$0x1], $0xffff;
	[tilespmem:s17+$0x30] =	vst v6  }
0x2b: {  	s20 =	simm.s32 $0x80;
	s22 =	simm.s32 $0x400;
	[tilespmem:s17+$0xFFFFFFC0] =	vst v7;
	v6 =	vld.idx.msk [tilespmem:v0+s21+$0x20 ss:$0x1], $0xffff;
	s21 =	smov.u32 s17  }
.LBB1_4:
0x2c: {  	p0 =	sne.s32 s22, $0xE00;
	v7 =	vld.idx.msk [tilespmem:v0+s20+$0x30 ss:$0x1], $0xffff;
	[tilespmem:s21+$0xFFFFFFD0] =	vst v5  }
0x2d: {  	v8 =	vld.idx.msk [tilespmem:v0+s20+$0xFFFFFFC0 ss:$0x1], $0xffff;
	[tilespmem:s21+$0xFFFFFFE0] =	vst v4  }
0x2e: {  	v5 =	vld.idx.msk [tilespmem:v0+s20+$0xFFFFFFD0 ss:$0x1], $0xffff;
	[tilespmem:s21+$0xFFFFFFF0] =	vst v3  }
.Ltmp3:
0x2f: {  	v4 =	vld.idx.msk [tilespmem:v0+s20+$0xFFFFFFE0 ss:$0x1], $0xffff;
	[tilespmem:s21+$0x0] =	vst v1;
	(pc) =	sbr.rel @p0 .LBB1_4-.Ltmp3, $4  }
0x30: {  	v3 =	vld.idx.msk [tilespmem:v0+s20+$0xFFFFFFF0 ss:$0x1], $0xffff;
	[tilespmem:s21+$0x10] =	vst v2  }
0x31: {  	v1 =	vld.idx.msk [tilespmem:v0+s20+$0x0 ss:$0x1], $0xffff;
	[tilespmem:s21+$0x20] =	vst v6;
	s21 =	sadd.s32 $0x800, s21  }
0x32: {  	v2 =	vld.idx.msk [tilespmem:v0+s20+$0x10 ss:$0x1], $0xffff;
	[tilespmem:s21+$0x30] =	vst v7  }
0x33: {  	[tilespmem:s21+$0xFFFFFFC0] =	vst v8;
	v6 =	vld.idx.msk [tilespmem:v0+s20+$0x20 ss:$0x1], $0xffff;
	s20 =	sshra.s32 s22, $0x2;
	s22 =	sadd.s32 $0x200, s22  }
0x34: {  	_ =	sdelay $0x2  }
0x35: {  	[tilespmem:s21+$0xFFFFFFD0] =	vst v5  }
0x36: {  	v56 =	vld.idx.msk [tilespmem:v0+s20+$0x30 ss:$0x1], $0xffff;
	[tilespmem:s21+$0xFFFFFFE0] =	vst v4  }
0x37: {  	v57 =	vld.idx.msk [tilespmem:v0+s20+$0xFFFFFFC0 ss:$0x1], $0xffff;
	[tilespmem:s21+$0xFFFFFFF0] =	vst v3  }
0x38: {  	v58 =	vld.idx.msk [tilespmem:v0+s20+$0xFFFFFFD0 ss:$0x1], $0xffff;
	[tilespmem:s21+$0x0] =	vst v1  }
0x39: {  	v59 =	vld.idx.msk [tilespmem:v0+s20+$0xFFFFFFE0 ss:$0x1], $0xffff;
	[tilespmem:s21+$0x10] =	vst v2  }
0x3a: {  	v60 =	vld.idx.msk [tilespmem:v0+s20+$0xFFFFFFF0 ss:$0x1], $0xffff;
	s31 =	sadd.s32 $0x800, s21;
	[tilespmem:s21+$0x20] =	vst v6  }
0x3b: {  	v61 =	vld.idx.msk [tilespmem:v0+s20+$0x0 ss:$0x1], $0xffff;
	[tilespmem:s31+$0x30] =	vst v56  }
0x3c: {  	v62 =	vld.idx.msk [tilespmem:v0+s20+$0x10 ss:$0x1], $0xffff;
	s19 =	sadd.s32 $0x1, s19;
	[tilespmem:s31+$0xFFFFFFC0] =	vst v57  }
0x3d: {  	v63 =	vld.idx.msk [tilespmem:v0+s20+$0x20 ss:$0x1], $0xffff;
	p0 =	sne.s32 s19, $0x10;
	[tilespmem:s31+$0xFFFFFFD0] =	vst v58  }
.Ltmp4:
0x3e: {  	[tilespmem:s31+$0xFFFFFFE0] =	vst v59;
	(pc) =	sbr.rel @p0 .LBB1_3-.Ltmp4, $4  }
0x3f: {  	[tilespmem:s31+$0xFFFFFFF0] =	vst v60  }
0x40: {  	[tilespmem:s31+$0x0] =	vst v61  }
0x41: {  	[tilespmem:s31+$0x10] =	vst v62  }
0x42: {  	s17 =	sadd.s32 $0x80, s17;
	s18 =	sadd.s32 $0x400, s18;
	[tilespmem:s31+$0x20] =	vst v63  }
0x43: {  	s14 =	sand.u32 $0x1FFFFFF, s14  }
0x44: {  	s17 =	smulhi.u32 $0xAAAAAB, s14;
	_ =	sdelay $0x1  }
0x45: {  	s15 =	smul.u32 $0x18000, s15;
	s17 =	sshrl.u32 s17, $0x1  }
0x46: {  	s17 =	smul.u32 $0x300, s17  }
.Ltmp5:
0x47: {  	_ = 	snop;
	(pc) =	sbr.rel .LBB1_7-.Ltmp5, $4  }
0x48: {  	s14 =	ssub.s32 s14, s17  }
0x49: {  	s15 =	sadd.s32 s6, s15;
	s14 =	sshll.u32 s14, $0x4  }
0x4a: {  	s14 =	sadd.s32 s14, s15  }
0x4b: {  	[hbm4b:s14+s8] =	stream.strided.scatter [tilespmem:s16], [sflag:$0x2], $0x4000, s9, s8, $0x38;
	[tilespmem:$0x10000] =	vst v63  }
.LBB1_8:
0x4c: {  	_ =	sfence.sel $0x180000  }
0x4d: {  	s2 =	simm.s32 $0x1;
	[bflag:$0x0] =	sbarrier.arrive $0xFFFF  }
0x4e: {  	s31 =	simm.s32 $0x2;
	[sflag:s2] =	ssyncpa.u1 $0x1  }
0x4f: {  	[sflag:s31] =	ssyncpa.u1 $0x1  }
0x50: {  	p0 =	sne.s32 s0, $0x0;
	_ =	strace $0x90000047  }
0x51: {  	s0 =	sadd.s32 @!p0 $0x100000, s1;
	[bflag:$0x2] =	sbarrier.arrive $0xFFFF  }
0x52: {  	[sflag:s0] =	ssyncadd.tile.s32 @!p0 $0x1;
	_ =	shalt  }
.Lfunc_end1:
_tile_overlayer_lowered:
.L_overlay_start_2:
0x53: {  	(tag) =	ssettag $0x2  }
0x54: {  	s0 =	rddreg [dreg:$0x0];
	s2 =	stileid.u32  }
0x55: {  	s1 =	rddreg [dreg:$0x1];
	p0 =	sne.s32 s2, $0x0  }
0x56: {  	s3 =	rddreg [dreg:$0x2];
	[bflag:$0x3] =	sbarrier.arrive $0xFFFF;
	s2 =	simm.s32 @!p0 $0x1C01  }
0x57: {  	[timem:s3], [sflag:s2] =	dma.local @!p0 [hbm:s0], s1  }
0x58: {  	s0 =	simm.s32 @!p0 $0x1  }
0x59: {  	_ =	swait.ge @!p0 [sflag:s0], s1  }
0x5a: {  	s1 =	ssub.s32 @!p0 $0x0, s1;
	[sflag:s0] =	ssyncset.done @!p0 $0x0  }
0x5b: {  	[sflag:s0] =	ssyncadd.s32 @!p0 s1  }
0x5c: {  	[bflag:$0x3] =	sbarrier.arrive $0xFFFF  }
0x5d: {  	_ =	shalt  }

</sc_bundles>
